<compile_context>
chip_gen: v7x
topology: tpu7x:2x2x1
jax: 0.10.2.dev20260603
libtpu: 0.0.44.dev20260713+nightly
codegen_flags: <defaults>
</compile_context>

<pallas_src>
import functools

import jax
from jax import lax
import jax.numpy as jnp
from jax.experimental import pallas as pl
from jax.experimental.pallas import tpu as pltpu
from jax.experimental.pallas import tpu_sc as plsc

N = 50000
E = 800000
B = 64
ELEM = 2
D = 32
EMB = 16
NB = 8
LAYERS = 3
RMAX = 4.0
P = 6
AVG_NEI = 20.0
NEUR = 64
SH_DIM = 4

NBLK_N = 2000
NBLK_E = 4096

NC = 2
NS = 16
NW = NC * NS
CH = 512
RW = CH // 128
CPW = 50
E_PAD = NW * CH * CPW
ROWS_PW = CPW * RW
ZR = N // NS


def _silu(z):
    return z * jax.nn.sigmoid(z)


def _k1_body(at_ref, img_ref, pos_ref, cell9_ref, win_ref, a_ref, x0_ref):
    at = at_ref[0, 0, :]
    img = img_ref[0, 0, :]
    pos = pos_ref[...]
    blk = at.shape[0]
    oh = (jax.lax.broadcasted_iota(jnp.int32, (blk, B), 1) == img[:, None]).astype(jnp.float32)
    cellrow = jnp.dot(oh, cell9_ref[...], preferred_element_type=jnp.float32, precision=jax.lax.Precision.HIGHEST)
    a_ref[...] = jnp.concatenate(
        [pos, cellrow, jnp.zeros((blk, 4), jnp.float32)], axis=1)
    oh2 = (jax.lax.broadcasted_iota(jnp.int32, (blk, ELEM), 1) == at[:, None]).astype(jnp.float32)
    x0_ref[...] = jnp.dot(oh2, win_ref[...], preferred_element_type=jnp.float32)


def _build_tables(atom_type, image_index, atom_pos, cell9, W_in):
    nblk = N // NBLK_N
    at3 = atom_type.reshape(nblk, 1, NBLK_N).astype(jnp.int32)
    img3 = image_index.reshape(nblk, 1, NBLK_N).astype(jnp.int32)
    return pl.pallas_call(
        _k1_body,
        grid=(nblk,),
        in_specs=[
            pl.BlockSpec((1, 1, NBLK_N), lambda i: (i, 0, 0)),
            pl.BlockSpec((1, 1, NBLK_N), lambda i: (i, 0, 0)),
            pl.BlockSpec((NBLK_N, 3), lambda i: (i, 0)),
            pl.BlockSpec((B, 9), lambda i: (0, 0)),
            pl.BlockSpec((ELEM, D), lambda i: (0, 0)),
        ],
        out_specs=[
            pl.BlockSpec((NBLK_N, 16), lambda i: (i, 0)),
            pl.BlockSpec((NBLK_N, D), lambda i: (i, 0)),
        ],
        out_shape=[
            jax.ShapeDtypeStruct((N, 16), jnp.float32),
            jax.ShapeDtypeStruct((N, D), jnp.float32),
        ],
    )(at3, img3, atom_pos, cell9, W_in)


def _k3_body(srcg_ref, dstg_ref, ecs_ref, wr1_ref, wr2_ref, wsh_ref, w_ref):
    srcg = jnp.concatenate(
        [srcg_ref[:, 16 * g:16 * (g + 1)] for g in range(8)], axis=0)
    dstg = jnp.concatenate(
        [dstg_ref[:, 16 * g:16 * (g + 1)] for g in range(8)], axis=0)
    ecs = ecs_ref[...]
    be = ecs.shape[0]
    vs = []
    for j in range(3):
        shift = (ecs[:, 0:1] * srcg[:, 3 + j:4 + j]
                 + ecs[:, 1:2] * srcg[:, 6 + j:7 + j]
                 + ecs[:, 2:3] * srcg[:, 9 + j:10 + j])
        vs.append(dstg[:, j:j + 1] - srcg[:, j:j + 1] + shift)
    r2 = vs[0] * vs[0] + vs[1] * vs[1] + vs[2] * vs[2]
    r = jnp.sqrt(r2)
    rinv = 1.0 / (r + 1e-12)
    sh = jnp.concatenate(
        [jnp.ones((be, 1), jnp.float32),
         jnp.sqrt(3.0) * vs[0] * rinv,
         jnp.sqrt(3.0) * vs[1] * rinv,
         jnp.sqrt(3.0) * vs[2] * rinv], axis=1)
    u_full = r * (1.0 / RMAX)
    a = jnp.float32(jnp.pi) * jnp.minimum(u_full, 1.0)
    bb = jnp.minimum(a, jnp.float32(jnp.pi) - a)
    b2 = bb * bb
    sb = bb * (1.0 + b2 * (-1.0 / 6.0 + b2 * (1.0 / 120.0 + b2 * (-1.0 / 5040.0
         + b2 * (1.0 / 362880.0 - b2 * (1.0 / 39916800.0))))))
    cb = 1.0 + b2 * (-0.5 + b2 * (1.0 / 24.0 + b2 * (-1.0 / 720.0
         + b2 * (1.0 / 40320.0 + b2 * (-1.0 / 3628800.0 + b2 * (1.0 / 479001600.0))))))
    s1 = sb
    c1 = jnp.where(a > jnp.float32(jnp.pi / 2), -cb, cb)
    sn, cn = s1, c1
    sins = [s1]
    for _ in range(NB - 1):
        sn, cn = sn * c1 + cn * s1, cn * c1 - sn * s1
        sins.append(sn)
    sin_mat = jnp.concatenate(sins, axis=1)
    bes = jnp.sqrt(2.0 / RMAX) * sin_mat * rinv
    u = r / RMAX
    u2 = u * u
    u3 = u2 * u
    u6 = u3 * u3
    f_cut = (1.0 - ((P + 1.0) * (P + 2.0) / 2.0) * u6
             + P * (P + 2.0) * u6 * u - (P * (P + 1.0) / 2.0) * u6 * u2)
    f_cut = jnp.where(u < 1.0, f_cut, 0.0)
    radial = bes * f_cut
    row0 = pl.program_id(0) * be
    valid = ((jax.lax.broadcasted_iota(jnp.int32, (be, 1), 0) + row0) < E
             ).astype(jnp.float32)
    for l in range(LAYERS):
        h = _silu(jnp.dot(radial, wr1_ref[l], preferred_element_type=jnp.float32))
        rw = jnp.dot(h, wr2_ref[l], preferred_element_type=jnp.float32)
        eg = jnp.dot(sh, wsh_ref[l], preferred_element_type=jnp.float32)
        wl = rw * eg * ((1.0 / AVG_NEI) * valid)
        q = be // 4
        w_ref[l, :, :] = jnp.concatenate(
            [wl[0:q], wl[q:2 * q], wl[2 * q:3 * q], wl[3 * q:4 * q]], axis=1)


def _edge_weights(srcg, dstg, ecs4, W_r1, W_r2, W_sh):
    nblk = E_PAD // NBLK_E
    return pl.pallas_call(
        _k3_body,
        grid=(nblk,),
        in_specs=[
            pl.BlockSpec((NBLK_E // 8, 128), lambda i: (i, 0)),
            pl.BlockSpec((NBLK_E // 8, 128), lambda i: (i, 0)),
            pl.BlockSpec((NBLK_E, 4), lambda i: (i, 0)),
            pl.BlockSpec((LAYERS, NB, NEUR), lambda i: (0, 0, 0)),
            pl.BlockSpec((LAYERS, NEUR, D), lambda i: (0, 0, 0)),
            pl.BlockSpec((LAYERS, SH_DIM, D), lambda i: (0, 0, 0)),
        ],
        out_specs=pl.BlockSpec((LAYERS, NBLK_E // 4, 4 * D), lambda i: (0, i, 0)),
        out_shape=jax.ShapeDtypeStruct((LAYERS, E_PAD // 4, 4 * D), jnp.float32),
    )(srcg, dstg, ecs4, W_r1, W_r2, W_sh)


def _sc_gather_geom(a_tab, src2d, dst2d):
    mesh = plsc.VectorSubcoreMesh(core_axis_name="c", subcore_axis_name="s")

    @functools.partial(
        pl.kernel,
        out_type=[jax.ShapeDtypeStruct((E_PAD // 8, 128), jnp.float32),
                  jax.ShapeDtypeStruct((E_PAD // 8, 128), jnp.float32)],
        mesh=mesh,
        compiler_params=pltpu.CompilerParams(use_tc_tiling_on_sc=False),
        scratch_types=[
            pltpu.VMEM((RW, 128), jnp.int32),
            pltpu.VMEM((RW, 128), jnp.int32),
            pltpu.VMEM((CH, 16), jnp.float32),
            pltpu.VMEM((CH, 16), jnp.float32),
            pltpu.SemaphoreType.DMA,
            pltpu.SemaphoreType.DMA,
        ])
    def k(a_hbm, src_hbm, dst_hbm, srcg_hbm, dstg_hbm,
          idxs, idxd, bs, bd, sem_s, sem_d):
        wid = lax.axis_index("s") * NC + lax.axis_index("c")
        gq = NBLK_E // 8

        def body(c, _):
            row0 = wid * ROWS_PW + c * RW
            e0 = row0 * 128
            pltpu.sync_copy(src_hbm.at[pl.ds(row0, RW)], idxs)
            pltpu.sync_copy(dst_hbm.at[pl.ds(row0, RW)], idxd)
            cps = [pltpu.async_copy(a_hbm.at[idxs.at[j]],
                                    bs.at[pl.ds(j * 128, 128)], sem_s)
                   for j in range(RW)]
            cpd = [pltpu.async_copy(a_hbm.at[idxd.at[j]],
                                    bd.at[pl.ds(j * 128, 128)], sem_d)
                   for j in range(RW)]
            for cp in cps + cpd:
                cp.wait()
            g = (e0 % NBLK_E) // gq
            rb = (e0 // NBLK_E) * gq
            pltpu.sync_copy(bs, srcg_hbm.at[pl.ds(rb, CH), pl.ds(g * 16, 16)])
            pltpu.sync_copy(bd, dstg_hbm.at[pl.ds(rb, CH), pl.ds(g * 16, 16)])
            return 0

        lax.fori_loop(0, CPW, body, 0)

    return k(a_tab, src2d, dst2d)


CHL = 256
CRW = CHL // 128
CPWL = E_PAD // (NW * CHL)


def _sc_layer(x, w_all, l, src2d, dst2d):
    mesh = plsc.VectorSubcoreMesh(core_axis_name="c", subcore_axis_name="s")

    @functools.partial(
        pl.kernel,
        out_type=jax.ShapeDtypeStruct((2 * N, D), jnp.float32),
        mesh=mesh,
        compiler_params=pltpu.CompilerParams(use_tc_tiling_on_sc=False),
        scratch_types=[
            pltpu.VMEM((CRW, 128), jnp.int32),
            pltpu.VMEM((CRW, 128), jnp.int32),
            pltpu.VMEM((CHL, D), jnp.float32),
            pltpu.VMEM((CHL, D), jnp.float32),
            pltpu.VMEM((128, D), jnp.float32),
            pltpu.VMEM_SHARED((N, D), jnp.float32),
            pltpu.SemaphoreType.DMA,
        ])
    def k(x_hbm, w_hbm, src_hbm, dst_hbm, out_hbm,
          idxs, idxd, xr, wr, zb, acc, sem):
        cid = lax.axis_index("c")
        sid = lax.axis_index("s")
        wid = sid * NC + cid

        def zvec(i, _):
            zb[i, pl.ds(0, 16)] = jnp.zeros((16,), jnp.float32)
            zb[i, pl.ds(16, 16)] = jnp.zeros((16,), jnp.float32)
            return 0
        lax.fori_loop(0, 128, zvec, 0, unroll=8)
        base = sid * ZR
        nfull = ZR // 128
        rem = ZR - nfull * 128
        def zcopy(i, _):
            pltpu.sync_copy(zb, acc.at[pl.ds(base + i * 128, 128)])
            return 0
        lax.fori_loop(0, nfull, zcopy, 0)
        if rem:
            pltpu.sync_copy(zb.at[pl.ds(0, rem)],
                            acc.at[pl.ds(base + nfull * 128, rem)])
        plsc.subcore_barrier()

        def body(c, _):
            row0 = wid * ROWS_PW + c * CRW
            e0 = row0 * 128
            pltpu.sync_copy(src_hbm.at[pl.ds(row0, CRW)], idxs)
            pltpu.sync_copy(dst_hbm.at[pl.ds(row0, CRW)], idxd)
            cps = [pltpu.async_copy(x_hbm.at[idxs.at[j]],
                                    xr.at[pl.ds(j * 128, 128)], sem)
                   for j in range(CRW)]
            blk = e0 // NBLK_E
            rbase = (e0 % NBLK_E) % (NBLK_E // 4)
            qb = (e0 % NBLK_E) // (NBLK_E // 4)
            pltpu.sync_copy(
                w_hbm.at[l,
                         pl.ds(blk * (NBLK_E // 4) + rbase, CHL),
                         pl.ds(qb * D, D)], wr)
            for cp in cps:
                cp.wait()
            def mul(i, _):
                xr[i, pl.ds(0, 16)] = xr[i, pl.ds(0, 16)] * wr[i, pl.ds(0, 16)]
                xr[i, pl.ds(16, 16)] = xr[i, pl.ds(16, 16)] * wr[i, pl.ds(16, 16)]
                return 0
            lax.fori_loop(0, CHL, mul, 0, unroll=8)
            for j in range(CRW):
                pltpu.sync_copy(xr.at[pl.ds(j * 128, 128)],
                                acc.at[idxd.at[j]], add=True)
            return 0

        lax.fori_loop(0, CPWL, body, 0)
        plsc.subcore_barrier()
        pltpu.sync_copy(acc.at[pl.ds(base, ZR)],
                        out_hbm.at[pl.ds(cid * N + base, ZR)])

    return k(x, w_all, src2d, dst2d)


def _k5_body(x_ref, p0_ref, p1_ref, wsc_ref, wnode_ref, out_ref):
    x = x_ref[...]
    agg = p0_ref[...] + p1_ref[...]
    sc = jnp.dot(x, wsc_ref[...], preferred_element_type=jnp.float32)
    new = _silu(jnp.dot(agg + sc, wnode_ref[...], preferred_element_type=jnp.float32))
    out_ref[...] = x + new


def _node_update(x, partial, wsc, wnode):
    nblk = N // NBLK_N
    return pl.pallas_call(
        _k5_body,
        grid=(nblk,),
        in_specs=[
            pl.BlockSpec((NBLK_N, D), lambda i: (i, 0)),
            pl.BlockSpec((NBLK_N, D), lambda i: (i, 0)),
            pl.BlockSpec((NBLK_N, D), lambda i: (i + nblk, 0)),
            pl.BlockSpec((D, D), lambda i: (0, 0)),
            pl.BlockSpec((D, D), lambda i: (0, 0)),
        ],
        out_specs=pl.BlockSpec((NBLK_N, D), lambda i: (i, 0)),
        out_shape=jax.ShapeDtypeStruct((N, D), jnp.float32),
    )(x, partial, partial, wsc, wnode)


def _k6_body(img_ref, x_ref, wv1_ref, wv2_ref, wf1_ref, wf2_ref,
             fermi_ref, vac_ref, s_ref, s2_ref, c_ref):
    i = pl.program_id(0)
    nsteps = pl.num_programs(0)

    @pl.when(i == 0)
    def _():
        s_ref[...] = jnp.zeros_like(s_ref)
        s2_ref[...] = jnp.zeros_like(s2_ref)
        c_ref[...] = jnp.zeros_like(c_ref)

    img = img_ref[0, 0, :]
    x = x_ref[...][:, :D]
    blk = x.shape[0]
    oh = (jax.lax.broadcasted_iota(jnp.int32, (B, blk), 0) == img[None, :]).astype(jnp.float32)
    s_ref[...] += jnp.dot(oh, x, preferred_element_type=jnp.float32, precision=jax.lax.Precision.HIGHEST)
    s2_ref[...] += jnp.dot(oh, x * x, preferred_element_type=jnp.float32, precision=jax.lax.Precision.HIGHEST)
    c_ref[...] += jnp.sum(oh, axis=1, keepdims=True)

    @pl.when(i == nsteps - 1)
    def _():
        cnt = jnp.maximum(c_ref[...], 1.0)
        mean = s_ref[...] / cnt
        mean2 = s2_ref[...] / cnt
        std = jnp.sqrt(jnp.maximum(mean2 - mean * mean, 0.0) + 1e-12)
        fermi_ref[...] = jnp.dot(
            jnp.dot(std, wf1_ref[...], preferred_element_type=jnp.float32),
            wf2_ref[...], preferred_element_type=jnp.float32)
        vac_ref[...] = jnp.dot(
            jnp.dot(mean, wv1_ref[...], preferred_element_type=jnp.float32),
            wv2_ref[...], preferred_element_type=jnp.float32)


def _readout(image_index, x, W_v1, W_v2, W_f1, W_f2):
    nblk = N // NBLK_N
    img3 = image_index.reshape(nblk, 1, NBLK_N).astype(jnp.int32)
    return pl.pallas_call(
        _k6_body,
        grid=(nblk,),
        in_specs=[
            pl.BlockSpec((1, 1, NBLK_N), lambda i: (i, 0, 0)),
            pl.BlockSpec((NBLK_N, D), lambda i: (i, 0)),
            pl.BlockSpec((D, EMB), lambda i: (0, 0)),
            pl.BlockSpec((EMB, 1), lambda i: (0, 0)),
            pl.BlockSpec((D, EMB), lambda i: (0, 0)),
            pl.BlockSpec((EMB, 1), lambda i: (0, 0)),
        ],
        out_specs=[
            pl.BlockSpec((B, 1), lambda i: (0, 0)),
            pl.BlockSpec((B, 1), lambda i: (0, 0)),
        ],
        out_shape=[
            jax.ShapeDtypeStruct((B, 1), jnp.float32),
            jax.ShapeDtypeStruct((B, 1), jnp.float32),
        ],
        scratch_shapes=[
            pltpu.VMEM((B, D), jnp.float32),
            pltpu.VMEM((B, D), jnp.float32),
            pltpu.VMEM((B, 1), jnp.float32),
        ],
    )(img3, x, W_v1, W_v2, W_f1, W_f2)


def kernel(atom_type, atom_pos, edge_src, edge_dst, edge_cell_shift, cell,
           image_index, W_in, W_r1, W_r2, W_sh, W_sc, W_node, W_v1, W_v2,
           W_f1, W_f2):
    atom_type = atom_type.astype(jnp.int32)
    image_index = image_index.astype(jnp.int32)
    cell9 = cell.reshape(B, 9).astype(jnp.float32)
    pad = E_PAD - E
    src2d = jnp.concatenate(
        [edge_src.astype(jnp.int32), jnp.zeros((pad,), jnp.int32)]
    ).reshape(E_PAD // 128, 128)
    dst2d = jnp.concatenate(
        [edge_dst.astype(jnp.int32), jnp.zeros((pad,), jnp.int32)]
    ).reshape(E_PAD // 128, 128)
    ecs4 = jnp.concatenate(
        [jnp.concatenate([edge_cell_shift,
                          jnp.zeros((E, 1), jnp.float32)], axis=1),
         jnp.zeros((pad, 4), jnp.float32)], axis=0)

    a_tab, x = _build_tables(atom_type, image_index, atom_pos, cell9, W_in)

    srcg, dstg = _sc_gather_geom(a_tab, src2d, dst2d)
    w_all = _edge_weights(srcg, dstg, ecs4, W_r1, W_r2, W_sh)

    for l in range(LAYERS):
        partial = _sc_layer(x, w_all, l, src2d, dst2d)
        x = _node_update(x, partial, W_sc[l], W_node[l])

    fermi, vac = _readout(image_index, x, W_v1, W_v2, W_f1, W_f2)
    return fermi, vac

# --- scband reference (transcript-rebuilt; emitter-appended) ---
"""Pipeline reference for scband-ele-potential-net-61383672594919 (READ-ONLY COPY).

The authoritative reference and input builder live on the scoring server;
editing this copy changes nothing except your own understanding.
"""

import jax, jax.numpy as jnp
import numpy as np

N = 50000
E = 800000
B = 64
ELEM = 2
D = 32          # 32x0e conv channels
EMB = 16        # 16x0e embedding channels
NB = 8          # num radial basis
LAYERS = 3
RMAX = 4.0
P = 6           # polynomial cutoff power
AVG_NEI = 20.0  # avg_num_neighbors from convolution_kwargs
NEUR = 64       # invariant_neurons
SH_DIM = 4      # lmax=1 -> 1 + 3 components


def setup_inputs(seed: int = 0) -> dict:
    key = jax.random.key(seed)
    ks = jax.random.split(key, 24)
    inp = {}
    inp["atom_type"] = jax.random.randint(ks[0], (N,), 0, ELEM)
    inp["atom_pos"] = jax.random.normal(ks[1], (N, 3), dtype=jnp.float32)
    inp["edge_src"] = jax.random.randint(ks[2], (E,), 0, N)
    inp["edge_dst"] = jax.random.randint(ks[3], (E,), 0, N)
    inp["edge_cell_shift"] = jax.random.normal(ks[4], (E, 3), dtype=jnp.float32) * 0.1
    inp["cell"] = (jnp.tile(jnp.eye(3, dtype=jnp.float32)[None], (B, 1, 1)) * 4.0
                   + jax.random.normal(ks[5], (B, 3, 3), dtype=jnp.float32) * 0.01)
    inp["image_index"] = jnp.sort(jax.random.randint(ks[6], (N,), 0, B))
    # learned parameters
    inp["W_in"] = jax.random.normal(ks[7], (ELEM, D), dtype=jnp.float32) * 0.5
    inp["W_r1"] = jax.random.normal(ks[8], (LAYERS, NB, NEUR), dtype=jnp.float32) * (1.0 / np.sqrt(NB))
    inp["W_r2"] = jax.random.normal(ks[9], (LAYERS, NEUR, D), dtype=jnp.float32) * (1.0 / np.sqrt(NEUR))
    inp["W_sh"] = jax.random.normal(ks[10], (LAYERS, SH_DIM, D), dtype=jnp.float32) * 0.5
    inp["W_sc"] = jax.random.normal(ks[11], (LAYERS, D, D), dtype=jnp.float32) * (1.0 / np.sqrt(D))
    inp["W_node"] = jax.random.normal(ks[12], (LAYERS, D, D), dtype=jnp.float32) * (1.0 / np.sqrt(D))
    inp["W_v1"] = jax.random.normal(ks[13], (D, EMB), dtype=jnp.float32) * (1.0 / np.sqrt(D))
    inp["W_v2"] = jax.random.normal(ks[14], (EMB, 1), dtype=jnp.float32) * (1.0 / np.sqrt(EMB))
    inp["W_f1"] = jax.random.normal(ks[15], (D, EMB), dtype=jnp.float32) * (1.0 / np.sqrt(D))
    inp["W_f2"] = jax.random.normal(ks[16], (EMB, 1), dtype=jnp.float32) * (1.0 / np.sqrt(EMB))
    return inp


def _forward(atom_type, atom_pos, edge_src, edge_dst, edge_cell_shift, cell, image_index,
             W_in, W_r1, W_r2, W_sh, W_sc, W_node, W_v1, W_v2, W_f1, W_f2):
    e = edge_src.shape[0]
    # edge vectors with periodic cell shift
    edge_vec = atom_pos[edge_dst] - atom_pos[edge_src]
    cell3 = cell.reshape(-1, 3, 3)
    edge_vec = edge_vec + jnp.einsum('ni,nij->nj', edge_cell_shift, cell3[image_index[edge_src]])
    # one-hot node inputs / attrs
    node_inputs = jax.nn.one_hot(atom_type, ELEM, dtype=jnp.float32)
    # spherical harmonics lmax=1, normalize=True, component normalization
    r = jnp.linalg.norm(edge_vec, axis=1)
    unit = edge_vec / (r[:, None] + 1e-12)
    sh = jnp.concatenate([jnp.ones((e, 1), dtype=jnp.float32), jnp.sqrt(3.0) * unit], axis=1)
    # radial bessel embedding with polynomial cutoff (p=6)
    n = jnp.arange(1, NB + 1, dtype=jnp.float32)
    bes = jnp.sqrt(2.0 / RMAX) * jnp.sin(n[None, :] * jnp.pi * r[:, None] / RMAX) / (r[:, None] + 1e-12)
    u = r / RMAX
    f_cut = (1.0 - ((P + 1.0) * (P + 2.0) / 2.0) * u ** P
             + P * (P + 2.0) * u ** (P + 1) - (P * (P + 1.0) / 2.0) * u ** (P + 2))
    f_cut = jnp.where(u < 1.0, f_cut, 0.0)
    radial = bes * f_cut[:, None]
    # input atomwise linear
    x = node_inputs @ W_in
    # message passing with resnet + self-connection
    for l in range(LAYERS):
        rw = jax.nn.silu(radial @ W_r1[l]) @ W_r2[l]       # [E, D] invariant MLP on radial
        eg = sh @ W_sh[l]                                   # [E, D] edge-attr (SH) mixing
        msg = x[edge_src] * rw * eg                         # gather + elementwise tensor-product-like mix
        agg = jnp.zeros_like(x).at[edge_dst].add(msg) / AVG_NEI  # scatter-add aggregation
        sc = x @ W_sc[l]                                    # self-connection (use_sc)
        new = jax.nn.silu((agg + sc) @ W_node[l])
        x = x + new                                         # resnet
    # per-image readout
    cnt = jnp.zeros((B,), dtype=jnp.float32).at[image_index].add(1.0)
    cnt = jnp.maximum(cnt, 1.0)
    mean = jnp.zeros((B, D), dtype=jnp.float32).at[image_index].add(x) / cnt[:, None]
    mean2 = jnp.zeros((B, D), dtype=jnp.float32).at[image_index].add(x * x) / cnt[:, None]
    std = jnp.sqrt(jnp.maximum(mean2 - mean * mean, 0.0) + 1e-12)
    vaccum = (mean @ W_v1) @ W_v2
    fermi = (std @ W_f1) @ W_f2
    return fermi, vaccum


def reference(atom_type, atom_pos, edge_src, edge_dst, edge_cell_shift, cell, image_index,
              W_in, W_r1, W_r2, W_sh, W_sc, W_node, W_v1, W_v2, W_f1, W_f2):
    return _forward(atom_type, atom_pos, edge_src, edge_dst, edge_cell_shift, cell, image_index,
                    W_in, W_r1, W_r2, W_sh, W_sc, W_node, W_v1, W_v2, W_f1, W_f2)

if __name__ == "__main__":
    import jax
    _d = setup_inputs()
    print(jax.jit(kernel)(*tuple(_d.values())))

</pallas_src>

<mosaic_0001>
#map = affine_map<(d0, d1) -> (0, 0)>
module attributes {stable_mosaic.version = 14 : i64} {
  func.func @k(%arg0: i32, %arg1: i32, %arg2: memref<50000x16xf32, #tpu.memory_space<hbm>>, %arg3: memref<6400x128xi32, #tpu.memory_space<hbm>>, %arg4: memref<6400x128xi32, #tpu.memory_space<hbm>>, %arg5: memref<102400x128xf32, #tpu.memory_space<hbm>>, %arg6: memref<102400x128xf32, #tpu.memory_space<hbm>>, %arg7: memref<4x128xi32, #tpu.memory_space<vmem>>, %arg8: memref<4x128xi32, #tpu.memory_space<vmem>>, %arg9: memref<512x16xf32, #tpu.memory_space<vmem>>, %arg10: memref<512x16xf32, #tpu.memory_space<vmem>>, %arg11: memref<!tpu.dma_semaphore, #tpu.memory_space<semaphore_mem>>, %arg12: memref<!tpu.dma_semaphore, #tpu.memory_space<semaphore_mem>>) attributes {dimension_semantics = [#tpu.dimension_semantics<core_parallel>, #tpu.dimension_semantics<subcore_parallel>], iteration_bounds = array<i64: 2, 16>, scalar_prefetch = 0 : i64, scratch_operands = 6 : i64, tpu.core_type = #tpu.core_type<sc_vector_subcore>, window_params = [{transform_indices = #map}, {transform_indices = #map}, {transform_indices = #map}, {transform_indices = #map}, {transform_indices = #map}]} {
    %mul3A = arith.constant 2 : i32
    %mul3A_0 = arith.muli %arg1, %mul3A : i32
    %add3A = arith.addi %mul3A_0, %arg0 : i32
    %scan3A = arith.constant 0 : i32
    %scan3A_1 = arith.constant 0 : i32
    %scan3A_2 = arith.constant 50 : i32
    %scan3A_3 = arith.addi %scan3A_1, %scan3A_2 : i32
    %scan3A_4 = arith.constant 1 : i32
    %scan3A_5 = scf.for %scan3A_7 = %scan3A_1 to %scan3A_3 step %scan3A_4 iter_args(%scan3A_8 = %scan3A) -> (i32)  : i32 {
      %mul3A_9 = arith.constant 200 : i32
      %mul3A_10 = arith.muli %add3A, %mul3A_9 : i32
      %mul3A_11 = arith.constant 4 : i32
      %mul3A_12 = arith.muli %scan3A_7, %mul3A_11 : i32
      %add3A_13 = arith.addi %mul3A_10, %mul3A_12 : i32
      %mul3A_14 = arith.constant 128 : i32
      %mul3A_15 = arith.muli %add3A_13, %mul3A_14 : i32
      "tpu.region"() ({
        %run_scoped3A = tpu.sem_alloc : memref<!tpu.dma_semaphore, #tpu.memory_space<semaphore_mem>>
        %dma_start3A_235 = arith.constant 0 : i32
        %dma_start3A_236 = tpu.memref_slice %arg3[%add3A_13, %dma_start3A_235] : memref<6400x128xi32, #tpu.memory_space<hbm>> -> memref<4x128xi32, #tpu.memory_space<hbm>>
        %dma_start3A_237 = arith.constant 0 : i32
        %dma_start3A_238 = tpu.memref_slice %arg3[%add3A_13, %dma_start3A_237] : memref<6400x128xi32, #tpu.memory_space<hbm>> -> memref<4x128xi32, #tpu.memory_space<hbm>>
        tpu.enqueue_dma source(%dma_start3A_238 : memref<4x128xi32, #tpu.memory_space<hbm>>) target(%arg7 : memref<4x128xi32, #tpu.memory_space<vmem>>) target_semaphore(%run_scoped3A : memref<!tpu.dma_semaphore, #tpu.memory_space<semaphore_mem>>)
        %dma_wait3A_239 = arith.constant 0 : i32
        %dma_wait3A_240 = tpu.memref_slice %arg3[%add3A_13, %dma_wait3A_239] : memref<6400x128xi32, #tpu.memory_space<hbm>> -> memref<4x128xi32, #tpu.memory_space<hbm>>
        %dma_wait3A_241 = arith.constant 0 : i32
        %dma_wait3A_242 = tpu.memref_slice %arg3[%add3A_13, %dma_wait3A_241] : memref<6400x128xi32, #tpu.memory_space<hbm>> -> memref<4x128xi32, #tpu.memory_space<hbm>>
        tpu.wait_dma2 semaphore(%run_scoped3A : memref<!tpu.dma_semaphore, #tpu.memory_space<semaphore_mem>>) src(%dma_wait3A_242 : memref<4x128xi32, #tpu.memory_space<hbm>>) dst(%arg7 : memref<4x128xi32, #tpu.memory_space<vmem>>)
        tpu.yield
      }) : () -> ()
      "tpu.region"() ({
        %run_scoped3A = tpu.sem_alloc : memref<!tpu.dma_semaphore, #tpu.memory_space<semaphore_mem>>
        %dma_start3A_235 = arith.constant 0 : i32
        %dma_start3A_236 = tpu.memref_slice %arg4[%add3A_13, %dma_start3A_235] : memref<6400x128xi32, #tpu.memory_space<hbm>> -> memref<4x128xi32, #tpu.memory_space<hbm>>
        %dma_start3A_237 = arith.constant 0 : i32
        %dma_start3A_238 = tpu.memref_slice %arg4[%add3A_13, %dma_start3A_237] : memref<6400x128xi32, #tpu.memory_space<hbm>> -> memref<4x128xi32, #tpu.memory_space<hbm>>
        tpu.enqueue_dma source(%dma_start3A_238 : memref<4x128xi32, #tpu.memory_space<hbm>>) target(%arg8 : memref<4x128xi32, #tpu.memory_space<vmem>>) target_semaphore(%run_scoped3A : memref<!tpu.dma_semaphore, #tpu.memory_space<semaphore_mem>>)
        %dma_wait3A_239 = arith.constant 0 : i32
        %dma_wait3A_240 = tpu.memref_slice %arg4[%add3A_13, %dma_wait3A_239] : memref<6400x128xi32, #tpu.memory_space<hbm>> -> memref<4x128xi32, #tpu.memory_space<hbm>>
        %dma_wait3A_241 = arith.constant 0 : i32
        %dma_wait3A_242 = tpu.memref_slice %arg4[%add3A_13, %dma_wait3A_241] : memref<6400x128xi32, #tpu.memory_space<hbm>> -> memref<4x128xi32, #tpu.memory_space<hbm>>
        tpu.wait_dma2 semaphore(%run_scoped3A : memref<!tpu.dma_semaphore, #tpu.memory_space<semaphore_mem>>) src(%dma_wait3A_242 : memref<4x128xi32, #tpu.memory_space<hbm>>) dst(%arg8 : memref<4x128xi32, #tpu.memory_space<vmem>>)
        tpu.yield
      }) : () -> ()
      %dma_start3A = arith.constant 0 : i32
      %dma_start3A_16 = arith.constant 0 : i32
      %dma_start3A_17 = arith.constant 0 : i32
      %dma_start3A_18 = tpu.memref_slice %arg9[%dma_start3A_16, %dma_start3A_17] : memref<512x16xf32, #tpu.memory_space<vmem>> -> memref<128x16xf32, #tpu.memory_space<vmem>>
      %dma_start3A_19 = arith.constant 0 : i32
      %dma_start3A_20 = tpu.memref_slice %arg7[%dma_start3A, %dma_start3A_19] : memref<4x128xi32, #tpu.memory_space<vmem>> -> memref<1x128xi32, #tpu.memory_space<vmem>>
      %dma_start3A_21 = tpu.memref_squeeze %dma_start3A_20 : memref<1x128xi32, #tpu.memory_space<vmem>> -> memref<128xi32, #tpu.memory_space<vmem>>
      %dma_start3A_22 = arith.constant 0 : i32
      %dma_start3A_23 = arith.constant 0 : i32
      %dma_start3A_24 = tpu.memref_slice %arg2[%dma_start3A_22, %dma_start3A_23] : memref<50000x16xf32, #tpu.memory_space<hbm>> -> memref<50000x16xf32, #tpu.memory_space<hbm>>
      tpu.enqueue_indirect_dma source(%dma_start3A_24 : memref<50000x16xf32, #tpu.memory_space<hbm>>) target(%dma_start3A_18 : memref<128x16xf32, #tpu.memory_space<vmem>>) offsets(%dma_start3A_21 : memref<128xi32, #tpu.memory_space<vmem>>) semaphore(%arg11 : memref<!tpu.dma_semaphore, #tpu.memory_space<semaphore_mem>>)
      %dma_start3A_25 = arith.constant 1 : i32
      %dma_start3A_26 = arith.constant 128 : i32
      %dma_start3A_27 = arith.constant 0 : i32
      %dma_start3A_28 = tpu.memref_slice %arg9[%dma_start3A_26, %dma_start3A_27] : memref<512x16xf32, #tpu.memory_space<vmem>> -> memref<128x16xf32, #tpu.memory_space<vmem>>
      %dma_start3A_29 = arith.constant 0 : i32
      %dma_start3A_30 = tpu.memref_slice %arg7[%dma_start3A_25, %dma_start3A_29] : memref<4x128xi32, #tpu.memory_space<vmem>> -> memref<1x128xi32, #tpu.memory_space<vmem>>
      %dma_start3A_31 = tpu.memref_squeeze %dma_start3A_30 : memref<1x128xi32, #tpu.memory_space<vmem>> -> memref<128xi32, #tpu.memory_space<vmem>>
      %dma_start3A_32 = arith.constant 0 : i32
      %dma_start3A_33 = arith.constant 0 : i32
      %dma_start3A_34 = tpu.memref_slice %arg2[%dma_start3A_32, %dma_start3A_33] : memref<50000x16xf32, #tpu.memory_space<hbm>> -> memref<50000x16xf32, #tpu.memory_space<hbm>>
      tpu.enqueue_indirect_dma source(%dma_start3A_34 : memref<50000x16xf32, #tpu.memory_space<hbm>>) target(%dma_start3A_28 : memref<128x16xf32, #tpu.memory_space<vmem>>) offsets(%dma_start3A_31 : memref<128xi32, #tpu.memory_space<vmem>>) semaphore(%arg11 : memref<!tpu.dma_semaphore, #tpu.memory_space<semaphore_mem>>)
      %dma_start3A_35 = arith.constant 2 : i32
      %dma_start3A_36 = arith.constant 256 : i32
      %dma_start3A_37 = arith.constant 0 : i32
      %dma_start3A_38 = tpu.memref_slice %arg9[%dma_start3A_36, %dma_start3A_37] : memref<512x16xf32, #tpu.memory_space<vmem>> -> memref<128x16xf32, #tpu.memory_space<vmem>>
      %dma_start3A_39 = arith.constant 0 : i32
      %dma_start3A_40 = tpu.memref_slice %arg7[%dma_start3A_35, %dma_start3A_39] : memref<4x128xi32, #tpu.memory_space<vmem>> -> memref<1x128xi32, #tpu.memory_space<vmem>>
      %dma_start3A_41 = tpu.memref_squeeze %dma_start3A_40 : memref<1x128xi32, #tpu.memory_space<vmem>> -> memref<128xi32, #tpu.memory_space<vmem>>
      %dma_start3A_42 = arith.constant 0 : i32
      %dma_start3A_43 = arith.constant 0 : i32
      %dma_start3A_44 = tpu.memref_slice %arg2[%dma_start3A_42, %dma_start3A_43] : memref<50000x16xf32, #tpu.memory_space<hbm>> -> memref<50000x16xf32, #tpu.memory_space<hbm>>
      tpu.enqueue_indirect_dma source(%dma_start3A_44 : memref<50000x16xf32, #tpu.memory_space<hbm>>) target(%dma_start3A_38 : memref<128x16xf32, #tpu.memory_space<vmem>>) offsets(%dma_start3A_41 : memref<128xi32, #tpu.memory_space<vmem>>) semaphore(%arg11 : memref<!tpu.dma_semaphore, #tpu.memory_space<semaphore_mem>>)
      %dma_start3A_45 = arith.constant 3 : i32
      %dma_start3A_46 = arith.constant 384 : i32
      %dma_start3A_47 = arith.constant 0 : i32
      %dma_start3A_48 = tpu.memref_slice %arg9[%dma_start3A_46, %dma_start3A_47] : memref<512x16xf32, #tpu.memory_space<vmem>> -> memref<128x16xf32, #tpu.memory_space<vmem>>
      %dma_start3A_49 = arith.constant 0 : i32
      %dma_start3A_50 = tpu.memref_slice %arg7[%dma_start3A_45, %dma_start3A_49] : memref<4x128xi32, #tpu.memory_space<vmem>> -> memref<1x128xi32, #tpu.memory_space<vmem>>
      %dma_start3A_51 = tpu.memref_squeeze %dma_start3A_50 : memref<1x128xi32, #tpu.memory_space<vmem>> -> memref<128xi32, #tpu.memory_space<vmem>>
      %dma_start3A_52 = arith.constant 0 : i32
      %dma_start3A_53 = arith.constant 0 : i32
      %dma_start3A_54 = tpu.memref_slice %arg2[%dma_start3A_52, %dma_start3A_53] : memref<50000x16xf32, #tpu.memory_space<hbm>> -> memref<50000x16xf32, #tpu.memory_space<hbm>>
      tpu.enqueue_indirect_dma source(%dma_start3A_54 : memref<50000x16xf32, #tpu.memory_space<hbm>>) target(%dma_start3A_48 : memref<128x16xf32, #tpu.memory_space<vmem>>) offsets(%dma_start3A_51 : memref<128xi32, #tpu.memory_space<vmem>>) semaphore(%arg11 : memref<!tpu.dma_semaphore, #tpu.memory_space<semaphore_mem>>)
      %dma_start3A_55 = arith.constant 0 : i32
      %dma_start3A_56 = arith.constant 0 : i32
      %dma_start3A_57 = arith.constant 0 : i32
      %dma_start3A_58 = tpu.memref_slice %arg10[%dma_start3A_56, %dma_start3A_57] : memref<512x16xf32, #tpu.memory_space<vmem>> -> memref<128x16xf32, #tpu.memory_space<vmem>>
      %dma_start3A_59 = arith.constant 0 : i32
      %dma_start3A_60 = tpu.memref_slice %arg8[%dma_start3A_55, %dma_start3A_59] : memref<4x128xi32, #tpu.memory_space<vmem>> -> memref<1x128xi32, #tpu.memory_space<vmem>>
      %dma_start3A_61 = tpu.memref_squeeze %dma_start3A_60 : memref<1x128xi32, #tpu.memory_space<vmem>> -> memref<128xi32, #tpu.memory_space<vmem>>
      %dma_start3A_62 = arith.constant 0 : i32
      %dma_start3A_63 = arith.constant 0 : i32
      %dma_start3A_64 = tpu.memref_slice %arg2[%dma_start3A_62, %dma_start3A_63] : memref<50000x16xf32, #tpu.memory_space<hbm>> -> memref<50000x16xf32, #tpu.memory_space<hbm>>
      tpu.enqueue_indirect_dma source(%dma_start3A_64 : memref<50000x16xf32, #tpu.memory_space<hbm>>) target(%dma_start3A_58 : memref<128x16xf32, #tpu.memory_space<vmem>>) offsets(%dma_start3A_61 : memref<128xi32, #tpu.memory_space<vmem>>) semaphore(%arg12 : memref<!tpu.dma_semaphore, #tpu.memory_space<semaphore_mem>>)
      %dma_start3A_65 = arith.constant 1 : i32
      %dma_start3A_66 = arith.constant 128 : i32
      %dma_start3A_67 = arith.constant 0 : i32
      %dma_start3A_68 = tpu.memref_slice %arg10[%dma_start3A_66, %dma_start3A_67] : memref<512x16xf32, #tpu.memory_space<vmem>> -> memref<128x16xf32, #tpu.memory_space<vmem>>
      %dma_start3A_69 = arith.constant 0 : i32
      %dma_start3A_70 = tpu.memref_slice %arg8[%dma_start3A_65, %dma_start3A_69] : memref<4x128xi32, #tpu.memory_space<vmem>> -> memref<1x128xi32, #tpu.memory_space<vmem>>
      %dma_start3A_71 = tpu.memref_squeeze %dma_start3A_70 : memref<1x128xi32, #tpu.memory_space<vmem>> -> memref<128xi32, #tpu.memory_space<vmem>>
      %dma_start3A_72 = arith.constant 0 : i32
      %dma_start3A_73 = arith.constant 0 : i32
      %dma_start3A_74 = tpu.memref_slice %arg2[%dma_start3A_72, %dma_start3A_73] : memref<50000x16xf32, #tpu.memory_space<hbm>> -> memref<50000x16xf32, #tpu.memory_space<hbm>>
      tpu.enqueue_indirect_dma source(%dma_start3A_74 : memref<50000x16xf32, #tpu.memory_space<hbm>>) target(%dma_start3A_68 : memref<128x16xf32, #tpu.memory_space<vmem>>) offsets(%dma_start3A_71 : memref<128xi32, #tpu.memory_space<vmem>>) semaphore(%arg12 : memref<!tpu.dma_semaphore, #tpu.memory_space<semaphore_mem>>)
      %dma_start3A_75 = arith.constant 2 : i32
      %dma_start3A_76 = arith.constant 256 : i32
      %dma_start3A_77 = arith.constant 0 : i32
      %dma_start3A_78 = tpu.memref_slice %arg10[%dma_start3A_76, %dma_start3A_77] : memref<512x16xf32, #tpu.memory_space<vmem>> -> memref<128x16xf32, #tpu.memory_space<vmem>>
      %dma_start3A_79 = arith.constant 0 : i32
      %dma_start3A_80 = tpu.memref_slice %arg8[%dma_start3A_75, %dma_start3A_79] : memref<4x128xi32, #tpu.memory_space<vmem>> -> memref<1x128xi32, #tpu.memory_space<vmem>>
      %dma_start3A_81 = tpu.memref_squeeze %dma_start3A_80 : memref<1x128xi32, #tpu.memory_space<vmem>> -> memref<128xi32, #tpu.memory_space<vmem>>
      %dma_start3A_82 = arith.constant 0 : i32
      %dma_start3A_83 = arith.constant 0 : i32
      %dma_start3A_84 = tpu.memref_slice %arg2[%dma_start3A_82, %dma_start3A_83] : memref<50000x16xf32, #tpu.memory_space<hbm>> -> memref<50000x16xf32, #tpu.memory_space<hbm>>
      tpu.enqueue_indirect_dma source(%dma_start3A_84 : memref<50000x16xf32, #tpu.memory_space<hbm>>) target(%dma_start3A_78 : memref<128x16xf32, #tpu.memory_space<vmem>>) offsets(%dma_start3A_81 : memref<128xi32, #tpu.memory_space<vmem>>) semaphore(%arg12 : memref<!tpu.dma_semaphore, #tpu.memory_space<semaphore_mem>>)
      %dma_start3A_85 = arith.constant 3 : i32
      %dma_start3A_86 = arith.constant 384 : i32
      %dma_start3A_87 = arith.constant 0 : i32
      %dma_start3A_88 = tpu.memref_slice %arg10[%dma_start3A_86, %dma_start3A_87] : memref<512x16xf32, #tpu.memory_space<vmem>> -> memref<128x16xf32, #tpu.memory_space<vmem>>
      %dma_start3A_89 = arith.constant 0 : i32
      %dma_start3A_90 = tpu.memref_slice %arg8[%dma_start3A_85, %dma_start3A_89] : memref<4x128xi32, #tpu.memory_space<vmem>> -> memref<1x128xi32, #tpu.memory_space<vmem>>
      %dma_start3A_91 = tpu.memref_squeeze %dma_start3A_90 : memref<1x128xi32, #tpu.memory_space<vmem>> -> memref<128xi32, #tpu.memory_space<vmem>>
      %dma_start3A_92 = arith.constant 0 : i32
      %dma_start3A_93 = arith.constant 0 : i32
      %dma_start3A_94 = tpu.memref_slice %arg2[%dma_start3A_92, %dma_start3A_93] : memref<50000x16xf32, #tpu.memory_space<hbm>> -> memref<50000x16xf32, #tpu.memory_space<hbm>>
      tpu.enqueue_indirect_dma source(%dma_start3A_94 : memref<50000x16xf32, #tpu.memory_space<hbm>>) target(%dma_start3A_88 : memref<128x16xf32, #tpu.memory_space<vmem>>) offsets(%dma_start3A_91 : memref<128xi32, #tpu.memory_space<vmem>>) semaphore(%arg12 : memref<!tpu.dma_semaphore, #tpu.memory_space<semaphore_mem>>)
      %dma_wait3A = arith.constant 0 : i32
      %dma_wait3A_95 = arith.constant 0 : i32
      %dma_wait3A_96 = arith.constant 0 : i32
      %dma_wait3A_97 = tpu.memref_slice %arg9[%dma_wait3A_95, %dma_wait3A_96] : memref<512x16xf32, #tpu.memory_space<vmem>> -> memref<128x16xf32, #tpu.memory_space<vmem>>
      %dma_wait3A_98 = arith.constant 0 : i32
      %dma_wait3A_99 = tpu.memref_slice %arg7[%dma_wait3A, %dma_wait3A_98] : memref<4x128xi32, #tpu.memory_space<vmem>> -> memref<1x128xi32, #tpu.memory_space<vmem>>
      %dma_wait3A_100 = tpu.memref_squeeze %dma_wait3A_99 : memref<1x128xi32, #tpu.memory_space<vmem>> -> memref<128xi32, #tpu.memory_space<vmem>>
      %dma_wait3A_101 = arith.constant 0 : i32
      %dma_wait3A_102 = arith.constant 0 : i32
      %dma_wait3A_103 = tpu.memref_slice %arg2[%dma_wait3A_101, %dma_wait3A_102] : memref<50000x16xf32, #tpu.memory_space<hbm>> -> memref<50000x16xf32, #tpu.memory_space<hbm>>
      tpu.wait_indirect_dma semaphore(%arg11 : memref<!tpu.dma_semaphore, #tpu.memory_space<semaphore_mem>>) src(%dma_wait3A_103 : memref<50000x16xf32, #tpu.memory_space<hbm>>) dst(%dma_wait3A_97 : memref<128x16xf32, #tpu.memory_space<vmem>>)
      %dma_wait3A_104 = arith.constant 1 : i32
      %dma_wait3A_105 = arith.constant 128 : i32
      %dma_wait3A_106 = arith.constant 0 : i32
      %dma_wait3A_107 = tpu.memref_slice %arg9[%dma_wait3A_105, %dma_wait3A_106] : memref<512x16xf32, #tpu.memory_space<vmem>> -> memref<128x16xf32, #tpu.memory_space<vmem>>
      %dma_wait3A_108 = arith.constant 0 : i32
      %dma_wait3A_109 = tpu.memref_slice %arg7[%dma_wait3A_104, %dma_wait3A_108] : memref<4x128xi32, #tpu.memory_space<vmem>> -> memref<1x128xi32, #tpu.memory_space<vmem>>
      %dma_wait3A_110 = tpu.memref_squeeze %dma_wait3A_109 : memref<1x128xi32, #tpu.memory_space<vmem>> -> memref<128xi32, #tpu.memory_space<vmem>>
      %dma_wait3A_111 = arith.constant 0 : i32
      %dma_wait3A_112 = arith.constant 0 : i32
      %dma_wait3A_113 = tpu.memref_slice %arg2[%dma_wait3A_111, %dma_wait3A_112] : memref<50000x16xf32, #tpu.memory_space<hbm>> -> memref<50000x16xf32, #tpu.memory_space<hbm>>
      tpu.wait_indirect_dma semaphore(%arg11 : memref<!tpu.dma_semaphore, #tpu.memory_space<semaphore_mem>>) src(%dma_wait3A_113 : memref<50000x16xf32, #tpu.memory_space<hbm>>) dst(%dma_wait3A_107 : memref<128x16xf32, #tpu.memory_space<vmem>>)
      %dma_wait3A_114 = arith.constant 2 : i32
      %dma_wait3A_115 = arith.constant 256 : i32
      %dma_wait3A_116 = arith.constant 0 : i32
      %dma_wait3A_117 = tpu.memref_slice %arg9[%dma_wait3A_115, %dma_wait3A_116] : memref<512x16xf32, #tpu.memory_space<vmem>> -> memref<128x16xf32, #tpu.memory_space<vmem>>
      %dma_wait3A_118 = arith.constant 0 : i32
      %dma_wait3A_119 = tpu.memref_slice %arg7[%dma_wait3A_114, %dma_wait3A_118] : memref<4x128xi32, #tpu.memory_space<vmem>> -> memref<1x128xi32, #tpu.memory_space<vmem>>
      %dma_wait3A_120 = tpu.memref_squeeze %dma_wait3A_119 : memref<1x128xi32, #tpu.memory_space<vmem>> -> memref<128xi32, #tpu.memory_space<vmem>>
      %dma_wait3A_121 = arith.constant 0 : i32
      %dma_wait3A_122 = arith.constant 0 : i32
      %dma_wait3A_123 = tpu.memref_slice %arg2[%dma_wait3A_121, %dma_wait3A_122] : memref<50000x16xf32, #tpu.memory_space<hbm>> -> memref<50000x16xf32, #tpu.memory_space<hbm>>
      tpu.wait_indirect_dma semaphore(%arg11 : memref<!tpu.dma_semaphore, #tpu.memory_space<semaphore_mem>>) src(%dma_wait3A_123 : memref<50000x16xf32, #tpu.memory_space<hbm>>) dst(%dma_wait3A_117 : memref<128x16xf32, #tpu.memory_space<vmem>>)
      %dma_wait3A_124 = arith.constant 3 : i32
      %dma_wait3A_125 = arith.constant 384 : i32
      %dma_wait3A_126 = arith.constant 0 : i32
      %dma_wait3A_127 = tpu.memref_slice %arg9[%dma_wait3A_125, %dma_wait3A_126] : memref<512x16xf32, #tpu.memory_space<vmem>> -> memref<128x16xf32, #tpu.memory_space<vmem>>
      %dma_wait3A_128 = arith.constant 0 : i32
      %dma_wait3A_129 = tpu.memref_slice %arg7[%dma_wait3A_124, %dma_wait3A_128] : memref<4x128xi32, #tpu.memory_space<vmem>> -> memref<1x128xi32, #tpu.memory_space<vmem>>
      %dma_wait3A_130 = tpu.memref_squeeze %dma_wait3A_129 : memref<1x128xi32, #tpu.memory_space<vmem>> -> memref<128xi32, #tpu.memory_space<vmem>>
      %dma_wait3A_131 = arith.constant 0 : i32
      %dma_wait3A_132 = arith.constant 0 : i32
      %dma_wait3A_133 = tpu.memref_slice %arg2[%dma_wait3A_131, %dma_wait3A_132] : memref<50000x16xf32, #tpu.memory_space<hbm>> -> memref<50000x16xf32, #tpu.memory_space<hbm>>
      tpu.wait_indirect_dma semaphore(%arg11 : memref<!tpu.dma_semaphore, #tpu.memory_space<semaphore_mem>>) src(%dma_wait3A_133 : memref<50000x16xf32, #tpu.memory_space<hbm>>) dst(%dma_wait3A_127 : memref<128x16xf32, #tpu.memory_space<vmem>>)
      %dma_wait3A_134 = arith.constant 0 : i32
      %dma_wait3A_135 = arith.constant 0 : i32
      %dma_wait3A_136 = arith.constant 0 : i32
      %dma_wait3A_137 = tpu.memref_slice %arg10[%dma_wait3A_135, %dma_wait3A_136] : memref<512x16xf32, #tpu.memory_space<vmem>> -> memref<128x16xf32, #tpu.memory_space<vmem>>
      %dma_wait3A_138 = arith.constant 0 : i32
      %dma_wait3A_139 = tpu.memref_slice %arg8[%dma_wait3A_134, %dma_wait3A_138] : memref<4x128xi32, #tpu.memory_space<vmem>> -> memref<1x128xi32, #tpu.memory_space<vmem>>
      %dma_wait3A_140 = tpu.memref_squeeze %dma_wait3A_139 : memref<1x128xi32, #tpu.memory_space<vmem>> -> memref<128xi32, #tpu.memory_space<vmem>>
      %dma_wait3A_141 = arith.constant 0 : i32
      %dma_wait3A_142 = arith.constant 0 : i32
      %dma_wait3A_143 = tpu.memref_slice %arg2[%dma_wait3A_141, %dma_wait3A_142] : memref<50000x16xf32, #tpu.memory_space<hbm>> -> memref<50000x16xf32, #tpu.memory_space<hbm>>
      tpu.wait_indirect_dma semaphore(%arg12 : memref<!tpu.dma_semaphore, #tpu.memory_space<semaphore_mem>>) src(%dma_wait3A_143 : memref<50000x16xf32, #tpu.memory_space<hbm>>) dst(%dma_wait3A_137 : memref<128x16xf32, #tpu.memory_space<vmem>>)
      %dma_wait3A_144 = arith.constant 1 : i32
      %dma_wait3A_145 = arith.constant 128 : i32
      %dma_wait3A_146 = arith.constant 0 : i32
      %dma_wait3A_147 = tpu.memref_slice %arg10[%dma_wait3A_145, %dma_wait3A_146] : memref<512x16xf32, #tpu.memory_space<vmem>> -> memref<128x16xf32, #tpu.memory_space<vmem>>
      %dma_wait3A_148 = arith.constant 0 : i32
      %dma_wait3A_149 = tpu.memref_slice %arg8[%dma_wait3A_144, %dma_wait3A_148] : memref<4x128xi32, #tpu.memory_space<vmem>> -> memref<1x128xi32, #tpu.memory_space<vmem>>
      %dma_wait3A_150 = tpu.memref_squeeze %dma_wait3A_149 : memref<1x128xi32, #tpu.memory_space<vmem>> -> memref<128xi32, #tpu.memory_space<vmem>>
      %dma_wait3A_151 = arith.constant 0 : i32
      %dma_wait3A_152 = arith.constant 0 : i32
      %dma_wait3A_153 = tpu.memref_slice %arg2[%dma_wait3A_151, %dma_wait3A_152] : memref<50000x16xf32, #tpu.memory_space<hbm>> -> memref<50000x16xf32, #tpu.memory_space<hbm>>
      tpu.wait_indirect_dma semaphore(%arg12 : memref<!tpu.dma_semaphore, #tpu.memory_space<semaphore_mem>>) src(%dma_wait3A_153 : memref<50000x16xf32, #tpu.memory_space<hbm>>) dst(%dma_wait3A_147 : memref<128x16xf32, #tpu.memory_space<vmem>>)
      %dma_wait3A_154 = arith.constant 2 : i32
      %dma_wait3A_155 = arith.constant 256 : i32
      %dma_wait3A_156 = arith.constant 0 : i32
      %dma_wait3A_157 = tpu.memref_slice %arg10[%dma_wait3A_155, %dma_wait3A_156] : memref<512x16xf32, #tpu.memory_space<vmem>> -> memref<128x16xf32, #tpu.memory_space<vmem>>
      %dma_wait3A_158 = arith.constant 0 : i32
      %dma_wait3A_159 = tpu.memref_slice %arg8[%dma_wait3A_154, %dma_wait3A_158] : memref<4x128xi32, #tpu.memory_space<vmem>> -> memref<1x128xi32, #tpu.memory_space<vmem>>
      %dma_wait3A_160 = tpu.memref_squeeze %dma_wait3A_159 : memref<1x128xi32, #tpu.memory_space<vmem>> -> memref<128xi32, #tpu.memory_space<vmem>>
      %dma_wait3A_161 = arith.constant 0 : i32
      %dma_wait3A_162 = arith.constant 0 : i32
      %dma_wait3A_163 = tpu.memref_slice %arg2[%dma_wait3A_161, %dma_wait3A_162] : memref<50000x16xf32, #tpu.memory_space<hbm>> -> memref<50000x16xf32, #tpu.memory_space<hbm>>
      tpu.wait_indirect_dma semaphore(%arg12 : memref<!tpu.dma_semaphore, #tpu.memory_space<semaphore_mem>>) src(%dma_wait3A_163 : memref<50000x16xf32, #tpu.memory_space<hbm>>) dst(%dma_wait3A_157 : memref<128x16xf32, #tpu.memory_space<vmem>>)
      %dma_wait3A_164 = arith.constant 3 : i32
      %dma_wait3A_165 = arith.constant 384 : i32
      %dma_wait3A_166 = arith.constant 0 : i32
      %dma_wait3A_167 = tpu.memref_slice %arg10[%dma_wait3A_165, %dma_wait3A_166] : memref<512x16xf32, #tpu.memory_space<vmem>> -> memref<128x16xf32, #tpu.memory_space<vmem>>
      %dma_wait3A_168 = arith.constant 0 : i32
      %dma_wait3A_169 = tpu.memref_slice %arg8[%dma_wait3A_164, %dma_wait3A_168] : memref<4x128xi32, #tpu.memory_space<vmem>> -> memref<1x128xi32, #tpu.memory_space<vmem>>
      %dma_wait3A_170 = tpu.memref_squeeze %dma_wait3A_169 : memref<1x128xi32, #tpu.memory_space<vmem>> -> memref<128xi32, #tpu.memory_space<vmem>>
      %dma_wait3A_171 = arith.constant 0 : i32
      %dma_wait3A_172 = arith.constant 0 : i32
      %dma_wait3A_173 = tpu.memref_slice %arg2[%dma_wait3A_171, %dma_wait3A_172] : memref<50000x16xf32, #tpu.memory_space<hbm>> -> memref<50000x16xf32, #tpu.memory_space<hbm>>
      tpu.wait_indirect_dma semaphore(%arg12 : memref<!tpu.dma_semaphore, #tpu.memory_space<semaphore_mem>>) src(%dma_wait3A_173 : memref<50000x16xf32, #tpu.memory_space<hbm>>) dst(%dma_wait3A_167 : memref<128x16xf32, #tpu.memory_space<vmem>>)
      %jit3A = arith.constant 4096 : i32
      %eq3A = arith.constant 0 : i32
      %eq3A_174 = arith.cmpi eq, %jit3A, %eq3A : i32
      %jit3A_175 = arith.constant 1 : i32
      %select_n3A = arith.select %eq3A_174, %jit3A_175, %jit3A : i32
      %rem3A = arith.remsi %mul3A_15, %select_n3A : i32
      %ne3A = arith.constant 0 : i32
      %ne3A_176 = arith.cmpi ne, %rem3A, %ne3A : i32
      %lt3A = arith.constant 0 : i32
      %lt3A_177 = arith.cmpi slt, %rem3A, %lt3A : i32
      %lt3A_178 = arith.constant 0 : i32
      %lt3A_179 = arith.cmpi slt, %select_n3A, %lt3A_178 : i32
      %ne3A_180 = arith.xori %lt3A_177, %lt3A_179 : i1
      %and3A = arith.andi %ne3A_180, %ne3A_176 : i1
      %add3A_181 = arith.addi %rem3A, %select_n3A : i32
      %select_n3A_182 = arith.select %and3A, %add3A_181, %rem3A : i32
      %jit3A_183 = arith.constant 512 : i32
      %div3A = arith.divsi %select_n3A_182, %jit3A_183 : i32
      %sign3A = arith.constant 0 : i32
      %sign3A_184 = arith.cmpi sgt, %select_n3A_182, %sign3A : i32
      %sign3A_185 = arith.extui %sign3A_184 : i1 to i32
      %sign3A_186 = arith.constant 0 : i32
      %sign3A_187 = arith.cmpi slt, %select_n3A_182, %sign3A_186 : i32
      %sign3A_188 = arith.extui %sign3A_187 : i1 to i32
      %sign3A_189 = arith.subi %sign3A_185, %sign3A_188 : i32
      %sign3A_190 = arith.constant 0 : i32
      %sign3A_191 = arith.cmpi sgt, %jit3A_183, %sign3A_190 : i32
      %sign3A_192 = arith.extui %sign3A_191 : i1 to i32
      %sign3A_193 = arith.constant 0 : i32
      %sign3A_194 = arith.cmpi slt, %jit3A_183, %sign3A_193 : i32
      %sign3A_195 = arith.extui %sign3A_194 : i1 to i32
      %sign3A_196 = arith.subi %sign3A_192, %sign3A_195 : i32
      %ne3A_197 = arith.cmpi ne, %sign3A_189, %sign3A_196 : i32
      %rem3A_198 = arith.remsi %select_n3A_182, %jit3A_183 : i32
      %ne3A_199 = arith.constant 0 : i32
      %ne3A_200 = arith.cmpi ne, %rem3A_198, %ne3A_199 : i32
      %and3A_201 = arith.andi %ne3A_197, %ne3A_200 : i1
      %sub3A = arith.constant 1 : i32
      %sub3A_202 = arith.subi %div3A, %sub3A : i32
      %select_n3A_203 = arith.select %and3A_201, %sub3A_202, %div3A : i32
      %jit3A_204 = arith.constant 4096 : i32
      %div3A_205 = arith.divsi %mul3A_15, %jit3A_204 : i32
      %sign3A_206 = arith.constant 0 : i32
      %sign3A_207 = arith.cmpi sgt, %mul3A_15, %sign3A_206 : i32
      %sign3A_208 = arith.extui %sign3A_207 : i1 to i32
      %sign3A_209 = arith.constant 0 : i32
      %sign3A_210 = arith.cmpi slt, %mul3A_15, %sign3A_209 : i32
      %sign3A_211 = arith.extui %sign3A_210 : i1 to i32
      %sign3A_212 = arith.subi %sign3A_208, %sign3A_211 : i32
      %sign3A_213 = arith.constant 0 : i32
      %sign3A_214 = arith.cmpi sgt, %jit3A_204, %sign3A_213 : i32
      %sign3A_215 = arith.extui %sign3A_214 : i1 to i32
      %sign3A_216 = arith.constant 0 : i32
      %sign3A_217 = arith.cmpi slt, %jit3A_204, %sign3A_216 : i32
      %sign3A_218 = arith.extui %sign3A_217 : i1 to i32
      %sign3A_219 = arith.subi %sign3A_215, %sign3A_218 : i32
      %ne3A_220 = arith.cmpi ne, %sign3A_212, %sign3A_219 : i32
      %rem3A_221 = arith.remsi %mul3A_15, %jit3A_204 : i32
      %ne3A_222 = arith.constant 0 : i32
      %ne3A_223 = arith.cmpi ne, %rem3A_221, %ne3A_222 : i32
      %and3A_224 = arith.andi %ne3A_220, %ne3A_223 : i1
      %sub3A_225 = arith.constant 1 : i32
      %sub3A_226 = arith.subi %div3A_205, %sub3A_225 : i32
      %select_n3A_227 = arith.select %and3A_224, %sub3A_226, %div3A_205 : i32
      %mul3A_228 = arith.constant 512 : i32
      %mul3A_229 = arith.muli %select_n3A_227, %mul3A_228 : i32
      %mul3A_230 = arith.constant 16 : i32
      %mul3A_231 = arith.muli %select_n3A_203, %mul3A_230 : i32
      "tpu.region"() ({
        %run_scoped3A = tpu.sem_alloc : memref<!tpu.dma_semaphore, #tpu.memory_space<semaphore_mem>>
        %dma_start3A_235 = tpu.memref_slice %arg5[%mul3A_229, %mul3A_231] : memref<102400x128xf32, #tpu.memory_space<hbm>> -> memref<512x16xf32, #tpu.memory_space<hbm>>
        %dma_start3A_236 = tpu.memref_slice %arg5[%mul3A_229, %mul3A_231] : memref<102400x128xf32, #tpu.memory_space<hbm>> -> memref<512x16xf32, #tpu.memory_space<hbm>>
        tpu.enqueue_dma source(%arg9 : memref<512x16xf32, #tpu.memory_space<vmem>>) target(%dma_start3A_236 : memref<512x16xf32, #tpu.memory_space<hbm>>) target_semaphore(%run_scoped3A : memref<!tpu.dma_semaphore, #tpu.memory_space<semaphore_mem>>)
        %dma_wait3A_237 = tpu.memref_slice %arg5[%mul3A_229, %mul3A_231] : memref<102400x128xf32, #tpu.memory_space<hbm>> -> memref<512x16xf32, #tpu.memory_space<hbm>>
        %dma_wait3A_238 = tpu.memref_slice %arg5[%mul3A_229, %mul3A_231] : memref<102400x128xf32, #tpu.memory_space<hbm>> -> memref<512x16xf32, #tpu.memory_space<hbm>>
        tpu.wait_dma2 semaphore(%run_scoped3A : memref<!tpu.dma_semaphore, #tpu.memory_space<semaphore_mem>>) src(%arg9 : memref<512x16xf32, #tpu.memory_space<vmem>>) dst(%dma_wait3A_238 : memref<512x16xf32, #tpu.memory_space<hbm>>)
        tpu.yield
      }) : () -> ()
      %mul3A_232 = arith.constant 16 : i32
      %mul3A_233 = arith.muli %select_n3A_203, %mul3A_232 : i32
      "tpu.region"() ({
        %run_scoped3A = tpu.sem_alloc : memref<!tpu.dma_semaphore, #tpu.memory_space<semaphore_mem>>
        %dma_start3A_235 = tpu.memref_slice %arg6[%mul3A_229, %mul3A_233] : memref<102400x128xf32, #tpu.memory_space<hbm>> -> memref<512x16xf32, #tpu.memory_space<hbm>>
        %dma_start3A_236 = tpu.memref_slice %arg6[%mul3A_229, %mul3A_233] : memref<102400x128xf32, #tpu.memory_space<hbm>> -> memref<512x16xf32, #tpu.memory_space<hbm>>
        tpu.enqueue_dma source(%arg10 : memref<512x16xf32, #tpu.memory_space<vmem>>) target(%dma_start3A_236 : memref<512x16xf32, #tpu.memory_space<hbm>>) target_semaphore(%run_scoped3A : memref<!tpu.dma_semaphore, #tpu.memory_space<semaphore_mem>>)
        %dma_wait3A_237 = tpu.memref_slice %arg6[%mul3A_229, %mul3A_233] : memref<102400x128xf32, #tpu.memory_space<hbm>> -> memref<512x16xf32, #tpu.memory_space<hbm>>
        %dma_wait3A_238 = tpu.memref_slice %arg6[%mul3A_229, %mul3A_233] : memref<102400x128xf32, #tpu.memory_space<hbm>> -> memref<512x16xf32, #tpu.memory_space<hbm>>
        tpu.wait_dma2 semaphore(%run_scoped3A : memref<!tpu.dma_semaphore, #tpu.memory_space<semaphore_mem>>) src(%arg10 : memref<512x16xf32, #tpu.memory_space<vmem>>) dst(%dma_wait3A_238 : memref<512x16xf32, #tpu.memory_space<hbm>>)
        tpu.yield
      }) : () -> ()
      %scan3A_234 = arith.constant 0 : i32
      scf.yield %scan3A_234 : i32
    }
    %scan3A_6 = arith.constant 50 : i32
    return
  }
}

#map = affine_map<(d0, d1) -> (0, 0)>
#map1 = affine_map<(d0, d1) -> (0, 0, 0)>
module attributes {stable_mosaic.version = 14 : i64} {
  func.func @k(%arg0: i32, %arg1: i32, %arg2: memref<50000x32xf32, #tpu.memory_space<hbm>>, %arg3: memref<3x204800x128xf32, #tpu.memory_space<hbm>>, %arg4: memref<6400x128xi32, #tpu.memory_space<hbm>>, %arg5: memref<6400x128xi32, #tpu.memory_space<hbm>>, %arg6: memref<100000x32xf32, #tpu.memory_space<hbm>>, %arg7: memref<2x128xi32, #tpu.memory_space<vmem>>, %arg8: memref<2x128xi32, #tpu.memory_space<vmem>>, %arg9: memref<256x32xf32, #tpu.memory_space<vmem>>, %arg10: memref<256x32xf32, #tpu.memory_space<vmem>>, %arg11: memref<128x32xf32, #tpu.memory_space<vmem>>, %arg12: memref<50000x32xf32, #tpu.memory_space<vmem_shared>>, %arg13: memref<!tpu.dma_semaphore, #tpu.memory_space<semaphore_mem>>) attributes {dimension_semantics = [#tpu.dimension_semantics<core_parallel>, #tpu.dimension_semantics<subcore_parallel>], iteration_bounds = array<i64: 2, 16>, scalar_prefetch = 0 : i64, scratch_operands = 7 : i64, tpu.core_type = #tpu.core_type<sc_vector_subcore>, window_params = [{transform_indices = #map}, {transform_indices = #map1}, {transform_indices = #map}, {transform_indices = #map}, {transform_indices = #map}]} {
    %mul3A = arith.constant 2 : i32
    %mul3A_0 = arith.muli %arg1, %mul3A : i32
    %add3A = arith.addi %mul3A_0, %arg0 : i32
    %scan3A = arith.constant 0 : i32
    %scan3A_1 = arith.constant 0 : i32
    %scan3A_2 = arith.constant 128 : i32
    %scan3A_3 = arith.addi %scan3A_1, %scan3A_2 : i32
    %scan3A_4 = arith.constant 8 : i32
    %scan3A_5 = scf.for %scan3A_29 = %scan3A_1 to %scan3A_3 step %scan3A_4 iter_args(%scan3A_30 = %scan3A) -> (i32)  : i32 {
      %broadcast_in_dim3A = arith.constant 0.000000e+00 : f32
      %broadcast_in_dim3A_31 = vector.broadcast %broadcast_in_dim3A : f32 to vector<16xf32>
      %swap3A = arith.index_cast %scan3A_29 : i32 to index
      %swap3A_32 = arith.constant 0 : index
      %swap3A_33 = tpu.vector_load %arg11[%swap3A, %swap3A_32] {strides = array<i32>} : memref<128x32xf32, #tpu.memory_space<vmem>>, vector<1x16xf32>,
      %swap3A_34 = vector.shape_cast %swap3A_33 : vector<1x16xf32> to vector<16xf32>
      %swap3A_35 = vector.shape_cast %broadcast_in_dim3A_31 : vector<16xf32> to vector<1x16xf32>
      tpu.vector_store %arg11[%swap3A, %swap3A_32], %swap3A_35 {strides = array<i32>} : memref<128x32xf32, #tpu.memory_space<vmem>>, vector<1x16xf32>,
      %broadcast_in_dim3A_36 = arith.constant 0.000000e+00 : f32
      %broadcast_in_dim3A_37 = vector.broadcast %broadcast_in_dim3A_36 : f32 to vector<16xf32>
      %swap3A_38 = arith.index_cast %scan3A_29 : i32 to index
      %swap3A_39 = arith.constant 16 : index
      %swap3A_40 = tpu.vector_load %arg11[%swap3A_38, %swap3A_39] {strides = array<i32>} : memref<128x32xf32, #tpu.memory_space<vmem>>, vector<1x16xf32>,
      %swap3A_41 = vector.shape_cast %swap3A_40 : vector<1x16xf32> to vector<16xf32>
      %swap3A_42 = vector.shape_cast %broadcast_in_dim3A_37 : vector<16xf32> to vector<1x16xf32>
      tpu.vector_store %arg11[%swap3A_38, %swap3A_39], %swap3A_42 {strides = array<i32>} : memref<128x32xf32, #tpu.memory_space<vmem>>, vector<1x16xf32>,
      %scan3A_43 = arith.constant 0 : i32
      %scan3A_44 = arith.constant 1 : i32
      %scan3A_45 = arith.addi %scan3A_29, %scan3A_44 : i32
      %broadcast_in_dim3A_46 = arith.constant 0.000000e+00 : f32
      %broadcast_in_dim3A_47 = vector.broadcast %broadcast_in_dim3A_46 : f32 to vector<16xf32>
      %swap3A_48 = arith.index_cast %scan3A_45 : i32 to index
      %swap3A_49 = arith.constant 0 : index
      %swap3A_50 = tpu.vector_load %arg11[%swap3A_48, %swap3A_49] {strides = array<i32>} : memref<128x32xf32, #tpu.memory_space<vmem>>, vector<1x16xf32>,
      %swap3A_51 = vector.shape_cast %swap3A_50 : vector<1x16xf32> to vector<16xf32>
      %swap3A_52 = vector.shape_cast %broadcast_in_dim3A_47 : vector<16xf32> to vector<1x16xf32>
      tpu.vector_store %arg11[%swap3A_48, %swap3A_49], %swap3A_52 {strides = array<i32>} : memref<128x32xf32, #tpu.memory_space<vmem>>, vector<1x16xf32>,
      %broadcast_in_dim3A_53 = arith.constant 0.000000e+00 : f32
      %broadcast_in_dim3A_54 = vector.broadcast %broadcast_in_dim3A_53 : f32 to vector<16xf32>
      %swap3A_55 = arith.index_cast %scan3A_45 : i32 to index
      %swap3A_56 = arith.constant 16 : index
      %swap3A_57 = tpu.vector_load %arg11[%swap3A_55, %swap3A_56] {strides = array<i32>} : memref<128x32xf32, #tpu.memory_space<vmem>>, vector<1x16xf32>,
      %swap3A_58 = vector.shape_cast %swap3A_57 : vector<1x16xf32> to vector<16xf32>
      %swap3A_59 = vector.shape_cast %broadcast_in_dim3A_54 : vector<16xf32> to vector<1x16xf32>
      tpu.vector_store %arg11[%swap3A_55, %swap3A_56], %swap3A_59 {strides = array<i32>} : memref<128x32xf32, #tpu.memory_space<vmem>>, vector<1x16xf32>,
      %scan3A_60 = arith.constant 0 : i32
      %scan3A_61 = arith.constant 2 : i32
      %scan3A_62 = arith.addi %scan3A_29, %scan3A_61 : i32
      %broadcast_in_dim3A_63 = arith.constant 0.000000e+00 : f32
      %broadcast_in_dim3A_64 = vector.broadcast %broadcast_in_dim3A_63 : f32 to vector<16xf32>
      %swap3A_65 = arith.index_cast %scan3A_62 : i32 to index
      %swap3A_66 = arith.constant 0 : index
      %swap3A_67 = tpu.vector_load %arg11[%swap3A_65, %swap3A_66] {strides = array<i32>} : memref<128x32xf32, #tpu.memory_space<vmem>>, vector<1x16xf32>,
      %swap3A_68 = vector.shape_cast %swap3A_67 : vector<1x16xf32> to vector<16xf32>
      %swap3A_69 = vector.shape_cast %broadcast_in_dim3A_64 : vector<16xf32> to vector<1x16xf32>
      tpu.vector_store %arg11[%swap3A_65, %swap3A_66], %swap3A_69 {strides = array<i32>} : memref<128x32xf32, #tpu.memory_space<vmem>>, vector<1x16xf32>,
      %broadcast_in_dim3A_70 = arith.constant 0.000000e+00 : f32
      %broadcast_in_dim3A_71 = vector.broadcast %broadcast_in_dim3A_70 : f32 to vector<16xf32>
      %swap3A_72 = arith.index_cast %scan3A_62 : i32 to index
      %swap3A_73 = arith.constant 16 : index
      %swap3A_74 = tpu.vector_load %arg11[%swap3A_72, %swap3A_73] {strides = array<i32>} : memref<128x32xf32, #tpu.memory_space<vmem>>, vector<1x16xf32>,
      %swap3A_75 = vector.shape_cast %swap3A_74 : vector<1x16xf32> to vector<16xf32>
      %swap3A_76 = vector.shape_cast %broadcast_in_dim3A_71 : vector<16xf32> to vector<1x16xf32>
      tpu.vector_store %arg11[%swap3A_72, %swap3A_73], %swap3A_76 {strides = array<i32>} : memref<128x32xf32, #tpu.memory_space<vmem>>, vector<1x16xf32>,
      %scan3A_77 = arith.constant 0 : i32
      %scan3A_78 = arith.constant 3 : i32
      %scan3A_79 = arith.addi %scan3A_29, %scan3A_78 : i32
      %broadcast_in_dim3A_80 = arith.constant 0.000000e+00 : f32
      %broadcast_in_dim3A_81 = vector.broadcast %broadcast_in_dim3A_80 : f32 to vector<16xf32>
      %swap3A_82 = arith.index_cast %scan3A_79 : i32 to index
      %swap3A_83 = arith.constant 0 : index
      %swap3A_84 = tpu.vector_load %arg11[%swap3A_82, %swap3A_83] {strides = array<i32>} : memref<128x32xf32, #tpu.memory_space<vmem>>, vector<1x16xf32>,
      %swap3A_85 = vector.shape_cast %swap3A_84 : vector<1x16xf32> to vector<16xf32>
      %swap3A_86 = vector.shape_cast %broadcast_in_dim3A_81 : vector<16xf32> to vector<1x16xf32>
      tpu.vector_store %arg11[%swap3A_82, %swap3A_83], %swap3A_86 {strides = array<i32>} : memref<128x32xf32, #tpu.memory_space<vmem>>, vector<1x16xf32>,
      %broadcast_in_dim3A_87 = arith.constant 0.000000e+00 : f32
      %broadcast_in_dim3A_88 = vector.broadcast %broadcast_in_dim3A_87 : f32 to vector<16xf32>
      %swap3A_89 = arith.index_cast %scan3A_79 : i32 to index
      %swap3A_90 = arith.constant 16 : index
      %swap3A_91 = tpu.vector_load %arg11[%swap3A_89, %swap3A_90] {strides = array<i32>} : memref<128x32xf32, #tpu.memory_space<vmem>>, vector<1x16xf32>,
      %swap3A_92 = vector.shape_cast %swap3A_91 : vector<1x16xf32> to vector<16xf32>
      %swap3A_93 = vector.shape_cast %broadcast_in_dim3A_88 : vector<16xf32> to vector<1x16xf32>
      tpu.vector_store %arg11[%swap3A_89, %swap3A_90], %swap3A_93 {strides = array<i32>} : memref<128x32xf32, #tpu.memory_space<vmem>>, vector<1x16xf32>,
      %scan3A_94 = arith.constant 0 : i32
      %scan3A_95 = arith.constant 4 : i32
      %scan3A_96 = arith.addi %scan3A_29, %scan3A_95 : i32
      %broadcast_in_dim3A_97 = arith.constant 0.000000e+00 : f32
      %broadcast_in_dim3A_98 = vector.broadcast %broadcast_in_dim3A_97 : f32 to vector<16xf32>
      %swap3A_99 = arith.index_cast %scan3A_96 : i32 to index
      %swap3A_100 = arith.constant 0 : index
      %swap3A_101 = tpu.vector_load %arg11[%swap3A_99, %swap3A_100] {strides = array<i32>} : memref<128x32xf32, #tpu.memory_space<vmem>>, vector<1x16xf32>,
      %swap3A_102 = vector.shape_cast %swap3A_101 : vector<1x16xf32> to vector<16xf32>
      %swap3A_103 = vector.shape_cast %broadcast_in_dim3A_98 : vector<16xf32> to vector<1x16xf32>
      tpu.vector_store %arg11[%swap3A_99, %swap3A_100], %swap3A_103 {strides = array<i32>} : memref<128x32xf32, #tpu.memory_space<vmem>>, vector<1x16xf32>,
      %broadcast_in_dim3A_104 = arith.constant 0.000000e+00 : f32
      %broadcast_in_dim3A_105 = vector.broadcast %broadcast_in_dim3A_104 : f32 to vector<16xf32>
      %swap3A_106 = arith.index_cast %scan3A_96 : i32 to index
      %swap3A_107 = arith.constant 16 : index
      %swap3A_108 = tpu.vector_load %arg11[%swap3A_106, %swap3A_107] {strides = array<i32>} : memref<128x32xf32, #tpu.memory_space<vmem>>, vector<1x16xf32>,
      %swap3A_109 = vector.shape_cast %swap3A_108 : vector<1x16xf32> to vector<16xf32>
      %swap3A_110 = vector.shape_cast %broadcast_in_dim3A_105 : vector<16xf32> to vector<1x16xf32>
      tpu.vector_store %arg11[%swap3A_106, %swap3A_107], %swap3A_110 {strides = array<i32>} : memref<128x32xf32, #tpu.memory_space<vmem>>, vector<1x16xf32>,
      %scan3A_111 = arith.constant 0 : i32
      %scan3A_112 = arith.constant 5 : i32
      %scan3A_113 = arith.addi %scan3A_29, %scan3A_112 : i32
      %broadcast_in_dim3A_114 = arith.constant 0.000000e+00 : f32
      %broadcast_in_dim3A_115 = vector.broadcast %broadcast_in_dim3A_114 : f32 to vector<16xf32>
      %swap3A_116 = arith.index_cast %scan3A_113 : i32 to index
      %swap3A_117 = arith.constant 0 : index
      %swap3A_118 = tpu.vector_load %arg11[%swap3A_116, %swap3A_117] {strides = array<i32>} : memref<128x32xf32, #tpu.memory_space<vmem>>, vector<1x16xf32>,
      %swap3A_119 = vector.shape_cast %swap3A_118 : vector<1x16xf32> to vector<16xf32>
      %swap3A_120 = vector.shape_cast %broadcast_in_dim3A_115 : vector<16xf32> to vector<1x16xf32>
      tpu.vector_store %arg11[%swap3A_116, %swap3A_117], %swap3A_120 {strides = array<i32>} : memref<128x32xf32, #tpu.memory_space<vmem>>, vector<1x16xf32>,
      %broadcast_in_dim3A_121 = arith.constant 0.000000e+00 : f32
      %broadcast_in_dim3A_122 = vector.broadcast %broadcast_in_dim3A_121 : f32 to vector<16xf32>
      %swap3A_123 = arith.index_cast %scan3A_113 : i32 to index
      %swap3A_124 = arith.constant 16 : index
      %swap3A_125 = tpu.vector_load %arg11[%swap3A_123, %swap3A_124] {strides = array<i32>} : memref<128x32xf32, #tpu.memory_space<vmem>>, vector<1x16xf32>,
      %swap3A_126 = vector.shape_cast %swap3A_125 : vector<1x16xf32> to vector<16xf32>
      %swap3A_127 = vector.shape_cast %broadcast_in_dim3A_122 : vector<16xf32> to vector<1x16xf32>
      tpu.vector_store %arg11[%swap3A_123, %swap3A_124], %swap3A_127 {strides = array<i32>} : memref<128x32xf32, #tpu.memory_space<vmem>>, vector<1x16xf32>,
      %scan3A_128 = arith.constant 0 : i32
      %scan3A_129 = arith.constant 6 : i32
      %scan3A_130 = arith.addi %scan3A_29, %scan3A_129 : i32
      %broadcast_in_dim3A_131 = arith.constant 0.000000e+00 : f32
      %broadcast_in_dim3A_132 = vector.broadcast %broadcast_in_dim3A_131 : f32 to vector<16xf32>
      %swap3A_133 = arith.index_cast %scan3A_130 : i32 to index
      %swap3A_134 = arith.constant 0 : index
      %swap3A_135 = tpu.vector_load %arg11[%swap3A_133, %swap3A_134] {strides = array<i32>} : memref<128x32xf32, #tpu.memory_space<vmem>>, vector<1x16xf32>,
      %swap3A_136 = vector.shape_cast %swap3A_135 : vector<1x16xf32> to vector<16xf32>
      %swap3A_137 = vector.shape_cast %broadcast_in_dim3A_132 : vector<16xf32> to vector<1x16xf32>
      tpu.vector_store %arg11[%swap3A_133, %swap3A_134], %swap3A_137 {strides = array<i32>} : memref<128x32xf32, #tpu.memory_space<vmem>>, vector<1x16xf32>,
      %broadcast_in_dim3A_138 = arith.constant 0.000000e+00 : f32
      %broadcast_in_dim3A_139 = vector.broadcast %broadcast_in_dim3A_138 : f32 to vector<16xf32>
      %swap3A_140 = arith.index_cast %scan3A_130 : i32 to index
      %swap3A_141 = arith.constant 16 : index
      %swap3A_142 = tpu.vector_load %arg11[%swap3A_140, %swap3A_141] {strides = array<i32>} : memref<128x32xf32, #tpu.memory_space<vmem>>, vector<1x16xf32>,
      %swap3A_143 = vector.shape_cast %swap3A_142 : vector<1x16xf32> to vector<16xf32>
      %swap3A_144 = vector.shape_cast %broadcast_in_dim3A_139 : vector<16xf32> to vector<1x16xf32>
      tpu.vector_store %arg11[%swap3A_140, %swap3A_141], %swap3A_144 {strides = array<i32>} : memref<128x32xf32, #tpu.memory_space<vmem>>, vector<1x16xf32>,
      %scan3A_145 = arith.constant 0 : i32
      %scan3A_146 = arith.constant 7 : i32
      %scan3A_147 = arith.addi %scan3A_29, %scan3A_146 : i32
      %broadcast_in_dim3A_148 = arith.constant 0.000000e+00 : f32
      %broadcast_in_dim3A_149 = vector.broadcast %broadcast_in_dim3A_148 : f32 to vector<16xf32>
      %swap3A_150 = arith.index_cast %scan3A_147 : i32 to index
      %swap3A_151 = arith.constant 0 : index
      %swap3A_152 = tpu.vector_load %arg11[%swap3A_150, %swap3A_151] {strides = array<i32>} : memref<128x32xf32, #tpu.memory_space<vmem>>, vector<1x16xf32>,
      %swap3A_153 = vector.shape_cast %swap3A_152 : vector<1x16xf32> to vector<16xf32>
      %swap3A_154 = vector.shape_cast %broadcast_in_dim3A_149 : vector<16xf32> to vector<1x16xf32>
      tpu.vector_store %arg11[%swap3A_150, %swap3A_151], %swap3A_154 {strides = array<i32>} : memref<128x32xf32, #tpu.memory_space<vmem>>, vector<1x16xf32>,
      %broadcast_in_dim3A_155 = arith.constant 0.000000e+00 : f32
      %broadcast_in_dim3A_156 = vector.broadcast %broadcast_in_dim3A_155 : f32 to vector<16xf32>
      %swap3A_157 = arith.index_cast %scan3A_147 : i32 to index
      %swap3A_158 = arith.constant 16 : index
      %swap3A_159 = tpu.vector_load %arg11[%swap3A_157, %swap3A_158] {strides = array<i32>} : memref<128x32xf32, #tpu.memory_space<vmem>>, vector<1x16xf32>,
      %swap3A_160 = vector.shape_cast %swap3A_159 : vector<1x16xf32> to vector<16xf32>
      %swap3A_161 = vector.shape_cast %broadcast_in_dim3A_156 : vector<16xf32> to vector<1x16xf32>
      tpu.vector_store %arg11[%swap3A_157, %swap3A_158], %swap3A_161 {strides = array<i32>} : memref<128x32xf32, #tpu.memory_space<vmem>>, vector<1x16xf32>,
      %scan3A_162 = arith.constant 0 : i32
      scf.yield %scan3A_162 : i32
    }
    %scan3A_6 = arith.constant 128 : i32
    %mul3A_7 = arith.constant 3125 : i32
    %mul3A_8 = arith.muli %arg1, %mul3A_7 : i32
    %scan3A_9 = arith.constant 0 : i32
    %scan3A_10 = arith.constant 0 : i32
    %scan3A_11 = arith.constant 24 : i32
    %scan3A_12 = arith.addi %scan3A_10, %scan3A_11 : i32
    %scan3A_13 = arith.constant 1 : i32
    %scan3A_14 = scf.for %scan3A_29 = %scan3A_10 to %scan3A_12 step %scan3A_13 iter_args(%scan3A_30 = %scan3A_9) -> (i32)  : i32 {
      %mul3A_31 = arith.constant 128 : i32
      %mul3A_32 = arith.muli %scan3A_29, %mul3A_31 : i32
      %add3A_33 = arith.addi %mul3A_8, %mul3A_32 : i32
      "tpu.region"() ({
        %run_scoped3A = tpu.sem_alloc : memref<!tpu.dma_semaphore, #tpu.memory_space<semaphore_mem>>
        %dma_start3A = arith.constant 0 : i32
        %dma_start3A_35 = tpu.memref_slice %arg12[%add3A_33, %dma_start3A] : memref<50000x32xf32, #tpu.memory_space<vmem_shared>> -> memref<128x32xf32, #tpu.memory_space<vmem_shared>>
        %dma_start3A_36 = arith.constant 0 : i32
        %dma_start3A_37 = tpu.memref_slice %arg12[%add3A_33, %dma_start3A_36] : memref<50000x32xf32, #tpu.memory_space<vmem_shared>> -> memref<128x32xf32, #tpu.memory_space<vmem_shared>>
        tpu.enqueue_dma source(%arg11 : memref<128x32xf32, #tpu.memory_space<vmem>>) target(%dma_start3A_37 : memref<128x32xf32, #tpu.memory_space<vmem_shared>>) target_semaphore(%run_scoped3A : memref<!tpu.dma_semaphore, #tpu.memory_space<semaphore_mem>>)
        %dma_wait3A = arith.constant 0 : i32
        %dma_wait3A_38 = tpu.memref_slice %arg12[%add3A_33, %dma_wait3A] : memref<50000x32xf32, #tpu.memory_space<vmem_shared>> -> memref<128x32xf32, #tpu.memory_space<vmem_shared>>
        %dma_wait3A_39 = arith.constant 0 : i32
        %dma_wait3A_40 = tpu.memref_slice %arg12[%add3A_33, %dma_wait3A_39] : memref<50000x32xf32, #tpu.memory_space<vmem_shared>> -> memref<128x32xf32, #tpu.memory_space<vmem_shared>>
        tpu.wait_dma2 semaphore(%run_scoped3A : memref<!tpu.dma_semaphore, #tpu.memory_space<semaphore_mem>>) src(%arg11 : memref<128x32xf32, #tpu.memory_space<vmem>>) dst(%dma_wait3A_40 : memref<128x32xf32, #tpu.memory_space<vmem_shared>>)
        tpu.yield
      }) : () -> ()
      %scan3A_34 = arith.constant 0 : i32
      scf.yield %scan3A_34 : i32
    }
    %scan3A_15 = arith.constant 24 : i32
    %add3A_16 = arith.constant 3072 : i32
    %add3A_17 = arith.addi %mul3A_8, %add3A_16 : i32
    "tpu.region"() ({
      %run_scoped3A = tpu.sem_alloc : memref<!tpu.dma_semaphore, #tpu.memory_space<semaphore_mem>>
      %dma_start3A = arith.constant 0 : i32
      %dma_start3A_29 = arith.constant 0 : i32
      %dma_start3A_30 = tpu.memref_slice %arg11[%dma_start3A, %dma_start3A_29] : memref<128x32xf32, #tpu.memory_space<vmem>> -> memref<53x32xf32, #tpu.memory_space<vmem>>
      %dma_start3A_31 = arith.constant 0 : i32
      %dma_start3A_32 = tpu.memref_slice %arg12[%add3A_17, %dma_start3A_31] : memref<50000x32xf32, #tpu.memory_space<vmem_shared>> -> memref<53x32xf32, #tpu.memory_space<vmem_shared>>
      %dma_start3A_33 = arith.constant 0 : i32
      %dma_start3A_34 = tpu.memref_slice %arg12[%add3A_17, %dma_start3A_33] : memref<50000x32xf32, #tpu.memory_space<vmem_shared>> -> memref<53x32xf32, #tpu.memory_space<vmem_shared>>
      %dma_start3A_35 = arith.constant 0 : i32
      %dma_start3A_36 = arith.constant 0 : i32
      %dma_start3A_37 = tpu.memref_slice %arg11[%dma_start3A_35, %dma_start3A_36] : memref<128x32xf32, #tpu.memory_space<vmem>> -> memref<53x32xf32, #tpu.memory_space<vmem>>
      tpu.enqueue_dma source(%dma_start3A_37 : memref<53x32xf32, #tpu.memory_space<vmem>>) target(%dma_start3A_34 : memref<53x32xf32, #tpu.memory_space<vmem_shared>>) target_semaphore(%run_scoped3A : memref<!tpu.dma_semaphore, #tpu.memory_space<semaphore_mem>>)
      %dma_wait3A = arith.constant 0 : i32
      %dma_wait3A_38 = arith.constant 0 : i32
      %dma_wait3A_39 = tpu.memref_slice %arg11[%dma_wait3A, %dma_wait3A_38] : memref<128x32xf32, #tpu.memory_space<vmem>> -> memref<53x32xf32, #tpu.memory_space<vmem>>
      %dma_wait3A_40 = arith.constant 0 : i32
      %dma_wait3A_41 = tpu.memref_slice %arg12[%add3A_17, %dma_wait3A_40] : memref<50000x32xf32, #tpu.memory_space<vmem_shared>> -> memref<53x32xf32, #tpu.memory_space<vmem_shared>>
      %dma_wait3A_42 = arith.constant 0 : i32
      %dma_wait3A_43 = tpu.memref_slice %arg12[%add3A_17, %dma_wait3A_42] : memref<50000x32xf32, #tpu.memory_space<vmem_shared>> -> memref<53x32xf32, #tpu.memory_space<vmem_shared>>
      %dma_wait3A_44 = arith.constant 0 : i32
      %dma_wait3A_45 = arith.constant 0 : i32
      %dma_wait3A_46 = tpu.memref_slice %arg11[%dma_wait3A_44, %dma_wait3A_45] : memref<128x32xf32, #tpu.memory_space<vmem>> -> memref<53x32xf32, #tpu.memory_space<vmem>>
      tpu.wait_dma2 semaphore(%run_scoped3A : memref<!tpu.dma_semaphore, #tpu.memory_space<semaphore_mem>>) src(%dma_wait3A_46 : memref<53x32xf32, #tpu.memory_space<vmem>>) dst(%dma_wait3A_43 : memref<53x32xf32, #tpu.memory_space<vmem_shared>>)
      tpu.yield
    }) : () -> ()
    %barrier3A = arith.constant 0 : index
    tpu.barrier barrier_id(%barrier3A)
    %scan3A_18 = arith.constant 0 : i32
    %scan3A_19 = arith.constant 0 : i32
    %scan3A_20 = arith.constant 100 : i32
    %scan3A_21 = arith.addi %scan3A_19, %scan3A_20 : i32
    %scan3A_22 = arith.constant 1 : i32
    %scan3A_23 = scf.for %scan3A_29 = %scan3A_19 to %scan3A_21 step %scan3A_22 iter_args(%scan3A_30 = %scan3A_18) -> (i32)  : i32 {
      %mul3A_31 = arith.constant 200 : i32
      %mul3A_32 = arith.muli %add3A, %mul3A_31 : i32
      %mul3A_33 = arith.constant 2 : i32
      %mul3A_34 = arith.muli %scan3A_29, %mul3A_33 : i32
      %add3A_35 = arith.addi %mul3A_32, %mul3A_34 : i32
      %mul3A_36 = arith.constant 128 : i32
      %mul3A_37 = arith.muli %add3A_35, %mul3A_36 : i32
      "tpu.region"() ({
        %run_scoped3A_177 = tpu.sem_alloc : memref<!tpu.dma_semaphore, #tpu.memory_space<semaphore_mem>>
        %dma_start3A_178 = arith.constant 0 : i32
        %dma_start3A_179 = tpu.memref_slice %arg4[%add3A_35, %dma_start3A_178] : memref<6400x128xi32, #tpu.memory_space<hbm>> -> memref<2x128xi32, #tpu.memory_space<hbm>>
        %dma_start3A_180 = arith.constant 0 : i32
        %dma_start3A_181 = tpu.memref_slice %arg4[%add3A_35, %dma_start3A_180] : memref<6400x128xi32, #tpu.memory_space<hbm>> -> memref<2x128xi32, #tpu.memory_space<hbm>>
        tpu.enqueue_dma source(%dma_start3A_181 : memref<2x128xi32, #tpu.memory_space<hbm>>) target(%arg7 : memref<2x128xi32, #tpu.memory_space<vmem>>) target_semaphore(%run_scoped3A_177 : memref<!tpu.dma_semaphore, #tpu.memory_space<semaphore_mem>>)
        %dma_wait3A_182 = arith.constant 0 : i32
        %dma_wait3A_183 = tpu.memref_slice %arg4[%add3A_35, %dma_wait3A_182] : memref<6400x128xi32, #tpu.memory_space<hbm>> -> memref<2x128xi32, #tpu.memory_space<hbm>>
        %dma_wait3A_184 = arith.constant 0 : i32
        %dma_wait3A_185 = tpu.memref_slice %arg4[%add3A_35, %dma_wait3A_184] : memref<6400x128xi32, #tpu.memory_space<hbm>> -> memref<2x128xi32, #tpu.memory_space<hbm>>
        tpu.wait_dma2 semaphore(%run_scoped3A_177 : memref<!tpu.dma_semaphore, #tpu.memory_space<semaphore_mem>>) src(%dma_wait3A_185 : memref<2x128xi32, #tpu.memory_space<hbm>>) dst(%arg7 : memref<2x128xi32, #tpu.memory_space<vmem>>)
        tpu.yield
      }) : () -> ()
      "tpu.region"() ({
        %run_scoped3A_177 = tpu.sem_alloc : memref<!tpu.dma_semaphore, #tpu.memory_space<semaphore_mem>>
        %dma_start3A_178 = arith.constant 0 : i32
        %dma_start3A_179 = tpu.memref_slice %arg5[%add3A_35, %dma_start3A_178] : memref<6400x128xi32, #tpu.memory_space<hbm>> -> memref<2x128xi32, #tpu.memory_space<hbm>>
        %dma_start3A_180 = arith.constant 0 : i32
        %dma_start3A_181 = tpu.memref_slice %arg5[%add3A_35, %dma_start3A_180] : memref<6400x128xi32, #tpu.memory_space<hbm>> -> memref<2x128xi32, #tpu.memory_space<hbm>>
        tpu.enqueue_dma source(%dma_start3A_181 : memref<2x128xi32, #tpu.memory_space<hbm>>) target(%arg8 : memref<2x128xi32, #tpu.memory_space<vmem>>) target_semaphore(%run_scoped3A_177 : memref<!tpu.dma_semaphore, #tpu.memory_space<semaphore_mem>>)
        %dma_wait3A_182 = arith.constant 0 : i32
        %dma_wait3A_183 = tpu.memref_slice %arg5[%add3A_35, %dma_wait3A_182] : memref<6400x128xi32, #tpu.memory_space<hbm>> -> memref<2x128xi32, #tpu.memory_space<hbm>>
        %dma_wait3A_184 = arith.constant 0 : i32
        %dma_wait3A_185 = tpu.memref_slice %arg5[%add3A_35, %dma_wait3A_184] : memref<6400x128xi32, #tpu.memory_space<hbm>> -> memref<2x128xi32, #tpu.memory_space<hbm>>
        tpu.wait_dma2 semaphore(%run_scoped3A_177 : memref<!tpu.dma_semaphore, #tpu.memory_space<semaphore_mem>>) src(%dma_wait3A_185 : memref<2x128xi32, #tpu.memory_space<hbm>>) dst(%arg8 : memref<2x128xi32, #tpu.memory_space<vmem>>)
        tpu.yield
      }) : () -> ()
      %dma_start3A = arith.constant 0 : i32
      %dma_start3A_38 = arith.constant 0 : i32
      %dma_start3A_39 = arith.constant 0 : i32
      %dma_start3A_40 = tpu.memref_slice %arg9[%dma_start3A_38, %dma_start3A_39] : memref<256x32xf32, #tpu.memory_space<vmem>> -> memref<128x32xf32, #tpu.memory_space<vmem>>
      %dma_start3A_41 = arith.constant 0 : i32
      %dma_start3A_42 = tpu.memref_slice %arg7[%dma_start3A, %dma_start3A_41] : memref<2x128xi32, #tpu.memory_space<vmem>> -> memref<1x128xi32, #tpu.memory_space<vmem>>
      %dma_start3A_43 = tpu.memref_squeeze %dma_start3A_42 : memref<1x128xi32, #tpu.memory_space<vmem>> -> memref<128xi32, #tpu.memory_space<vmem>>
      %dma_start3A_44 = arith.constant 0 : i32
      %dma_start3A_45 = arith.constant 0 : i32
      %dma_start3A_46 = tpu.memref_slice %arg2[%dma_start3A_44, %dma_start3A_45] : memref<50000x32xf32, #tpu.memory_space<hbm>> -> memref<50000x32xf32, #tpu.memory_space<hbm>>
      tpu.enqueue_indirect_dma source(%dma_start3A_46 : memref<50000x32xf32, #tpu.memory_space<hbm>>) target(%dma_start3A_40 : memref<128x32xf32, #tpu.memory_space<vmem>>) offsets(%dma_start3A_43 : memref<128xi32, #tpu.memory_space<vmem>>) semaphore(%arg13 : memref<!tpu.dma_semaphore, #tpu.memory_space<semaphore_mem>>)
      %dma_start3A_47 = arith.constant 1 : i32
      %dma_start3A_48 = arith.constant 128 : i32
      %dma_start3A_49 = arith.constant 0 : i32
      %dma_start3A_50 = tpu.memref_slice %arg9[%dma_start3A_48, %dma_start3A_49] : memref<256x32xf32, #tpu.memory_space<vmem>> -> memref<128x32xf32, #tpu.memory_space<vmem>>
      %dma_start3A_51 = arith.constant 0 : i32
      %dma_start3A_52 = tpu.memref_slice %arg7[%dma_start3A_47, %dma_start3A_51] : memref<2x128xi32, #tpu.memory_space<vmem>> -> memref<1x128xi32, #tpu.memory_space<vmem>>
      %dma_start3A_53 = tpu.memref_squeeze %dma_start3A_52 : memref<1x128xi32, #tpu.memory_space<vmem>> -> memref<128xi32, #tpu.memory_space<vmem>>
      %dma_start3A_54 = arith.constant 0 : i32
      %dma_start3A_55 = arith.constant 0 : i32
      %dma_start3A_56 = tpu.memref_slice %arg2[%dma_start3A_54, %dma_start3A_55] : memref<50000x32xf32, #tpu.memory_space<hbm>> -> memref<50000x32xf32, #tpu.memory_space<hbm>>
      tpu.enqueue_indirect_dma source(%dma_start3A_56 : memref<50000x32xf32, #tpu.memory_space<hbm>>) target(%dma_start3A_50 : memref<128x32xf32, #tpu.memory_space<vmem>>) offsets(%dma_start3A_53 : memref<128xi32, #tpu.memory_space<vmem>>) semaphore(%arg13 : memref<!tpu.dma_semaphore, #tpu.memory_space<semaphore_mem>>)
      %jit3A = arith.constant 4096 : i32
      %div3A = arith.divsi %mul3A_37, %jit3A : i32
      %sign3A = arith.constant 0 : i32
      %sign3A_57 = arith.cmpi sgt, %mul3A_37, %sign3A : i32
      %sign3A_58 = arith.extui %sign3A_57 : i1 to i32
      %sign3A_59 = arith.constant 0 : i32
      %sign3A_60 = arith.cmpi slt, %mul3A_37, %sign3A_59 : i32
      %sign3A_61 = arith.extui %sign3A_60 : i1 to i32
      %sign3A_62 = arith.subi %sign3A_58, %sign3A_61 : i32
      %sign3A_63 = arith.constant 0 : i32
      %sign3A_64 = arith.cmpi sgt, %jit3A, %sign3A_63 : i32
      %sign3A_65 = arith.extui %sign3A_64 : i1 to i32
      %sign3A_66 = arith.constant 0 : i32
      %sign3A_67 = arith.cmpi slt, %jit3A, %sign3A_66 : i32
      %sign3A_68 = arith.extui %sign3A_67 : i1 to i32
      %sign3A_69 = arith.subi %sign3A_65, %sign3A_68 : i32
      %ne3A = arith.cmpi ne, %sign3A_62, %sign3A_69 : i32
      %rem3A = arith.remsi %mul3A_37, %jit3A : i32
      %ne3A_70 = arith.constant 0 : i32
      %ne3A_71 = arith.cmpi ne, %rem3A, %ne3A_70 : i32
      %and3A = arith.andi %ne3A, %ne3A_71 : i1
      %sub3A = arith.constant 1 : i32
      %sub3A_72 = arith.subi %div3A, %sub3A : i32
      %select_n3A = arith.select %and3A, %sub3A_72, %div3A : i32
      %jit3A_73 = arith.constant 4096 : i32
      %eq3A = arith.constant 0 : i32
      %eq3A_74 = arith.cmpi eq, %jit3A_73, %eq3A : i32
      %jit3A_75 = arith.constant 1 : i32
      %select_n3A_76 = arith.select %eq3A_74, %jit3A_75, %jit3A_73 : i32
      %rem3A_77 = arith.remsi %mul3A_37, %select_n3A_76 : i32
      %ne3A_78 = arith.constant 0 : i32
      %ne3A_79 = arith.cmpi ne, %rem3A_77, %ne3A_78 : i32
      %lt3A = arith.constant 0 : i32
      %lt3A_80 = arith.cmpi slt, %rem3A_77, %lt3A : i32
      %lt3A_81 = arith.constant 0 : i32
      %lt3A_82 = arith.cmpi slt, %select_n3A_76, %lt3A_81 : i32
      %ne3A_83 = arith.xori %lt3A_80, %lt3A_82 : i1
      %and3A_84 = arith.andi %ne3A_83, %ne3A_79 : i1
      %add3A_85 = arith.addi %rem3A_77, %select_n3A_76 : i32
      %select_n3A_86 = arith.select %and3A_84, %add3A_85, %rem3A_77 : i32
      %jit3A_87 = arith.constant 1024 : i32
      %eq3A_88 = arith.constant 0 : i32
      %eq3A_89 = arith.cmpi eq, %jit3A_87, %eq3A_88 : i32
      %jit3A_90 = arith.constant 1 : i32
      %select_n3A_91 = arith.select %eq3A_89, %jit3A_90, %jit3A_87 : i32
      %rem3A_92 = arith.remsi %select_n3A_86, %select_n3A_91 : i32
      %ne3A_93 = arith.constant 0 : i32
      %ne3A_94 = arith.cmpi ne, %rem3A_92, %ne3A_93 : i32
      %lt3A_95 = arith.constant 0 : i32
      %lt3A_96 = arith.cmpi slt, %rem3A_92, %lt3A_95 : i32
      %lt3A_97 = arith.constant 0 : i32
      %lt3A_98 = arith.cmpi slt, %select_n3A_91, %lt3A_97 : i32
      %ne3A_99 = arith.xori %lt3A_96, %lt3A_98 : i1
      %and3A_100 = arith.andi %ne3A_99, %ne3A_94 : i1
      %add3A_101 = arith.addi %rem3A_92, %select_n3A_91 : i32
      %select_n3A_102 = arith.select %and3A_100, %add3A_101, %rem3A_92 : i32
      %jit3A_103 = arith.constant 4096 : i32
      %eq3A_104 = arith.constant 0 : i32
      %eq3A_105 = arith.cmpi eq, %jit3A_103, %eq3A_104 : i32
      %jit3A_106 = arith.constant 1 : i32
      %select_n3A_107 = arith.select %eq3A_105, %jit3A_106, %jit3A_103 : i32
      %rem3A_108 = arith.remsi %mul3A_37, %select_n3A_107 : i32
      %ne3A_109 = arith.constant 0 : i32
      %ne3A_110 = arith.cmpi ne, %rem3A_108, %ne3A_109 : i32
      %lt3A_111 = arith.constant 0 : i32
      %lt3A_112 = arith.cmpi slt, %rem3A_108, %lt3A_111 : i32
      %lt3A_113 = arith.constant 0 : i32
      %lt3A_114 = arith.cmpi slt, %select_n3A_107, %lt3A_113 : i32
      %ne3A_115 = arith.xori %lt3A_112, %lt3A_114 : i1
      %and3A_116 = arith.andi %ne3A_115, %ne3A_110 : i1
      %add3A_117 = arith.addi %rem3A_108, %select_n3A_107 : i32
      %select_n3A_118 = arith.select %and3A_116, %add3A_117, %rem3A_108 : i32
      %jit3A_119 = arith.constant 1024 : i32
      %div3A_120 = arith.divsi %select_n3A_118, %jit3A_119 : i32
      %sign3A_121 = arith.constant 0 : i32
      %sign3A_122 = arith.cmpi sgt, %select_n3A_118, %sign3A_121 : i32
      %sign3A_123 = arith.extui %sign3A_122 : i1 to i32
      %sign3A_124 = arith.constant 0 : i32
      %sign3A_125 = arith.cmpi slt, %select_n3A_118, %sign3A_124 : i32
      %sign3A_126 = arith.extui %sign3A_125 : i1 to i32
      %sign3A_127 = arith.subi %sign3A_123, %sign3A_126 : i32
      %sign3A_128 = arith.constant 0 : i32
      %sign3A_129 = arith.cmpi sgt, %jit3A_119, %sign3A_128 : i32
      %sign3A_130 = arith.extui %sign3A_129 : i1 to i32
      %sign3A_131 = arith.constant 0 : i32
      %sign3A_132 = arith.cmpi slt, %jit3A_119, %sign3A_131 : i32
      %sign3A_133 = arith.extui %sign3A_132 : i1 to i32
      %sign3A_134 = arith.subi %sign3A_130, %sign3A_133 : i32
      %ne3A_135 = arith.cmpi ne, %sign3A_127, %sign3A_134 : i32
      %rem3A_136 = arith.remsi %select_n3A_118, %jit3A_119 : i32
      %ne3A_137 = arith.constant 0 : i32
      %ne3A_138 = arith.cmpi ne, %rem3A_136, %ne3A_137 : i32
      %and3A_139 = arith.andi %ne3A_135, %ne3A_138 : i1
      %sub3A_140 = arith.constant 1 : i32
      %sub3A_141 = arith.subi %div3A_120, %sub3A_140 : i32
      %select_n3A_142 = arith.select %and3A_139, %sub3A_141, %div3A_120 : i32
      %mul3A_143 = arith.constant 1024 : i32
      %mul3A_144 = arith.muli %select_n3A, %mul3A_143 : i32
      %add3A_145 = arith.addi %mul3A_144, %select_n3A_102 : i32
      %mul3A_146 = arith.constant 32 : i32
      %mul3A_147 = arith.muli %select_n3A_142, %mul3A_146 : i32
      %run_scoped3A = arith.constant 1 : i32
      "tpu.region"() ({
        %run_scoped3A_177 = tpu.sem_alloc : memref<!tpu.dma_semaphore, #tpu.memory_space<semaphore_mem>>
        %dma_start3A_178 = tpu.memref_slice %arg3[%run_scoped3A, %add3A_145, %mul3A_147] : memref<3x204800x128xf32, #tpu.memory_space<hbm>> -> memref<1x256x32xf32, #tpu.memory_space<hbm>>
        %dma_start3A_179 = tpu.memref_squeeze %dma_start3A_178 : memref<1x256x32xf32, #tpu.memory_space<hbm>> -> memref<256x32xf32, #tpu.memory_space<hbm>>
        %dma_start3A_180 = tpu.memref_slice %arg3[%run_scoped3A, %add3A_145, %mul3A_147] : memref<3x204800x128xf32, #tpu.memory_space<hbm>> -> memref<1x256x32xf32, #tpu.memory_space<hbm>>
        %dma_start3A_181 = tpu.memref_squeeze %dma_start3A_180 : memref<1x256x32xf32, #tpu.memory_space<hbm>> -> memref<256x32xf32, #tpu.memory_space<hbm>>
        tpu.enqueue_dma source(%dma_start3A_181 : memref<256x32xf32, #tpu.memory_space<hbm>>) target(%arg10 : memref<256x32xf32, #tpu.memory_space<vmem>>) target_semaphore(%run_scoped3A_177 : memref<!tpu.dma_semaphore, #tpu.memory_space<semaphore_mem>>)
        %dma_wait3A_182 = tpu.memref_slice %arg3[%run_scoped3A, %add3A_145, %mul3A_147] : memref<3x204800x128xf32, #tpu.memory_space<hbm>> -> memref<1x256x32xf32, #tpu.memory_space<hbm>>
        %dma_wait3A_183 = tpu.memref_squeeze %dma_wait3A_182 : memref<1x256x32xf32, #tpu.memory_space<hbm>> -> memref<256x32xf32, #tpu.memory_space<hbm>>
        %dma_wait3A_184 = tpu.memref_slice %arg3[%run_scoped3A, %add3A_145, %mul3A_147] : memref<3x204800x128xf32, #tpu.memory_space<hbm>> -> memref<1x256x32xf32, #tpu.memory_space<hbm>>
        %dma_wait3A_185 = tpu.memref_squeeze %dma_wait3A_184 : memref<1x256x32xf32, #tpu.memory_space<hbm>> -> memref<256x32xf32, #tpu.memory_space<hbm>>
        tpu.wait_dma2 semaphore(%run_scoped3A_177 : memref<!tpu.dma_semaphore, #tpu.memory_space<semaphore_mem>>) src(%dma_wait3A_185 : memref<256x32xf32, #tpu.memory_space<hbm>>) dst(%arg10 : memref<256x32xf32, #tpu.memory_space<vmem>>)
        tpu.yield
      }) : () -> ()
      %dma_wait3A = arith.constant 0 : i32
      %dma_wait3A_148 = arith.constant 0 : i32
      %dma_wait3A_149 = arith.constant 0 : i32
      %dma_wait3A_150 = tpu.memref_slice %arg9[%dma_wait3A_148, %dma_wait3A_149] : memref<256x32xf32, #tpu.memory_space<vmem>> -> memref<128x32xf32, #tpu.memory_space<vmem>>
      %dma_wait3A_151 = arith.constant 0 : i32
      %dma_wait3A_152 = tpu.memref_slice %arg7[%dma_wait3A, %dma_wait3A_151] : memref<2x128xi32, #tpu.memory_space<vmem>> -> memref<1x128xi32, #tpu.memory_space<vmem>>
      %dma_wait3A_153 = tpu.memref_squeeze %dma_wait3A_152 : memref<1x128xi32, #tpu.memory_space<vmem>> -> memref<128xi32, #tpu.memory_space<vmem>>
      %dma_wait3A_154 = arith.constant 0 : i32
      %dma_wait3A_155 = arith.constant 0 : i32
      %dma_wait3A_156 = tpu.memref_slice %arg2[%dma_wait3A_154, %dma_wait3A_155] : memref<50000x32xf32, #tpu.memory_space<hbm>> -> memref<50000x32xf32, #tpu.memory_space<hbm>>
      tpu.wait_indirect_dma semaphore(%arg13 : memref<!tpu.dma_semaphore, #tpu.memory_space<semaphore_mem>>) src(%dma_wait3A_156 : memref<50000x32xf32, #tpu.memory_space<hbm>>) dst(%dma_wait3A_150 : memref<128x32xf32, #tpu.memory_space<vmem>>)
      %dma_wait3A_157 = arith.constant 1 : i32
      %dma_wait3A_158 = arith.constant 128 : i32
      %dma_wait3A_159 = arith.constant 0 : i32
      %dma_wait3A_160 = tpu.memref_slice %arg9[%dma_wait3A_158, %dma_wait3A_159] : memref<256x32xf32, #tpu.memory_space<vmem>> -> memref<128x32xf32, #tpu.memory_space<vmem>>
      %dma_wait3A_161 = arith.constant 0 : i32
      %dma_wait3A_162 = tpu.memref_slice %arg7[%dma_wait3A_157, %dma_wait3A_161] : memref<2x128xi32, #tpu.memory_space<vmem>> -> memref<1x128xi32, #tpu.memory_space<vmem>>
      %dma_wait3A_163 = tpu.memref_squeeze %dma_wait3A_162 : memref<1x128xi32, #tpu.memory_space<vmem>> -> memref<128xi32, #tpu.memory_space<vmem>>
      %dma_wait3A_164 = arith.constant 0 : i32
      %dma_wait3A_165 = arith.constant 0 : i32
      %dma_wait3A_166 = tpu.memref_slice %arg2[%dma_wait3A_164, %dma_wait3A_165] : memref<50000x32xf32, #tpu.memory_space<hbm>> -> memref<50000x32xf32, #tpu.memory_space<hbm>>
      tpu.wait_indirect_dma semaphore(%arg13 : memref<!tpu.dma_semaphore, #tpu.memory_space<semaphore_mem>>) src(%dma_wait3A_166 : memref<50000x32xf32, #tpu.memory_space<hbm>>) dst(%dma_wait3A_160 : memref<128x32xf32, #tpu.memory_space<vmem>>)
      %scan3A_167 = arith.constant 0 : i32
      %scan3A_168 = arith.constant 0 : i32
      %scan3A_169 = arith.constant 256 : i32
      %scan3A_170 = arith.addi %scan3A_168, %scan3A_169 : i32
      %scan3A_171 = arith.constant 8 : i32
      %scan3A_172 = scf.for %scan3A_177 = %scan3A_168 to %scan3A_170 step %scan3A_171 iter_args(%scan3A_178 = %scan3A_167) -> (i32)  : i32 {
        %get3A = arith.index_cast %scan3A_177 : i32 to index
        %get3A_179 = arith.constant 0 : index
        %get3A_180 = tpu.vector_load %arg9[%get3A, %get3A_179] {strides = array<i32>} : memref<256x32xf32, #tpu.memory_space<vmem>>, vector<1x16xf32>,
        %get3A_181 = vector.shape_cast %get3A_180 : vector<1x16xf32> to vector<16xf32>
        %get3A_182 = arith.index_cast %scan3A_177 : i32 to index
        %get3A_183 = arith.constant 0 : index
        %get3A_184 = tpu.vector_load %arg10[%get3A_182, %get3A_183] {strides = array<i32>} : memref<256x32xf32, #tpu.memory_space<vmem>>, vector<1x16xf32>,
        %get3A_185 = vector.shape_cast %get3A_184 : vector<1x16xf32> to vector<16xf32>
        %mul3A_186 = arith.mulf %get3A_181, %get3A_185 : vector<16xf32>
        %swap3A = arith.index_cast %scan3A_177 : i32 to index
        %swap3A_187 = arith.constant 0 : index
        %swap3A_188 = tpu.vector_load %arg9[%swap3A, %swap3A_187] {strides = array<i32>} : memref<256x32xf32, #tpu.memory_space<vmem>>, vector<1x16xf32>,
        %swap3A_189 = vector.shape_cast %swap3A_188 : vector<1x16xf32> to vector<16xf32>
        %swap3A_190 = vector.shape_cast %mul3A_186 : vector<16xf32> to vector<1x16xf32>
        tpu.vector_store %arg9[%swap3A, %swap3A_187], %swap3A_190 {strides = array<i32>} : memref<256x32xf32, #tpu.memory_space<vmem>>, vector<1x16xf32>,
        %get3A_191 = arith.index_cast %scan3A_177 : i32 to index
        %get3A_192 = arith.constant 16 : index
        %get3A_193 = tpu.vector_load %arg9[%get3A_191, %get3A_192] {strides = array<i32>} : memref<256x32xf32, #tpu.memory_space<vmem>>, vector<1x16xf32>,
        %get3A_194 = vector.shape_cast %get3A_193 : vector<1x16xf32> to vector<16xf32>
        %get3A_195 = arith.index_cast %scan3A_177 : i32 to index
        %get3A_196 = arith.constant 16 : index
        %get3A_197 = tpu.vector_load %arg10[%get3A_195, %get3A_196] {strides = array<i32>} : memref<256x32xf32, #tpu.memory_space<vmem>>, vector<1x16xf32>,
        %get3A_198 = vector.shape_cast %get3A_197 : vector<1x16xf32> to vector<16xf32>
        %mul3A_199 = arith.mulf %get3A_194, %get3A_198 : vector<16xf32>
        %swap3A_200 = arith.index_cast %scan3A_177 : i32 to index
        %swap3A_201 = arith.constant 16 : index
        %swap3A_202 = tpu.vector_load %arg9[%swap3A_200, %swap3A_201] {strides = array<i32>} : memref<256x32xf32, #tpu.memory_space<vmem>>, vector<1x16xf32>,
        %swap3A_203 = vector.shape_cast %swap3A_202 : vector<1x16xf32> to vector<16xf32>
        %swap3A_204 = vector.shape_cast %mul3A_199 : vector<16xf32> to vector<1x16xf32>
        tpu.vector_store %arg9[%swap3A_200, %swap3A_201], %swap3A_204 {strides = array<i32>} : memref<256x32xf32, #tpu.memory_space<vmem>>, vector<1x16xf32>,
        %scan3A_205 = arith.constant 0 : i32
        %scan3A_206 = arith.constant 1 : i32
        %scan3A_207 = arith.addi %scan3A_177, %scan3A_206 : i32
        %get3A_208 = arith.index_cast %scan3A_207 : i32 to index
        %get3A_209 = arith.constant 0 : index
        %get3A_210 = tpu.vector_load %arg9[%get3A_208, %get3A_209] {strides = array<i32>} : memref<256x32xf32, #tpu.memory_space<vmem>>, vector<1x16xf32>,
        %get3A_211 = vector.shape_cast %get3A_210 : vector<1x16xf32> to vector<16xf32>
        %get3A_212 = arith.index_cast %scan3A_207 : i32 to index
        %get3A_213 = arith.constant 0 : index
        %get3A_214 = tpu.vector_load %arg10[%get3A_212, %get3A_213] {strides = array<i32>} : memref<256x32xf32, #tpu.memory_space<vmem>>, vector<1x16xf32>,
        %get3A_215 = vector.shape_cast %get3A_214 : vector<1x16xf32> to vector<16xf32>
        %mul3A_216 = arith.mulf %get3A_211, %get3A_215 : vector<16xf32>
        %swap3A_217 = arith.index_cast %scan3A_207 : i32 to index
        %swap3A_218 = arith.constant 0 : index
        %swap3A_219 = tpu.vector_load %arg9[%swap3A_217, %swap3A_218] {strides = array<i32>} : memref<256x32xf32, #tpu.memory_space<vmem>>, vector<1x16xf32>,
        %swap3A_220 = vector.shape_cast %swap3A_219 : vector<1x16xf32> to vector<16xf32>
        %swap3A_221 = vector.shape_cast %mul3A_216 : vector<16xf32> to vector<1x16xf32>
        tpu.vector_store %arg9[%swap3A_217, %swap3A_218], %swap3A_221 {strides = array<i32>} : memref<256x32xf32, #tpu.memory_space<vmem>>, vector<1x16xf32>,
        %get3A_222 = arith.index_cast %scan3A_207 : i32 to index
        %get3A_223 = arith.constant 16 : index
        %get3A_224 = tpu.vector_load %arg9[%get3A_222, %get3A_223] {strides = array<i32>} : memref<256x32xf32, #tpu.memory_space<vmem>>, vector<1x16xf32>,
        %get3A_225 = vector.shape_cast %get3A_224 : vector<1x16xf32> to vector<16xf32>
        %get3A_226 = arith.index_cast %scan3A_207 : i32 to index
        %get3A_227 = arith.constant 16 : index
        %get3A_228 = tpu.vector_load %arg10[%get3A_226, %get3A_227] {strides = array<i32>} : memref<256x32xf32, #tpu.memory_space<vmem>>, vector<1x16xf32>,
        %get3A_229 = vector.shape_cast %get3A_228 : vector<1x16xf32> to vector<16xf32>
        %mul3A_230 = arith.mulf %get3A_225, %get3A_229 : vector<16xf32>
        %swap3A_231 = arith.index_cast %scan3A_207 : i32 to index
        %swap3A_232 = arith.constant 16 : index
        %swap3A_233 = tpu.vector_load %arg9[%swap3A_231, %swap3A_232] {strides = array<i32>} : memref<256x32xf32, #tpu.memory_space<vmem>>, vector<1x16xf32>,
        %swap3A_234 = vector.shape_cast %swap3A_233 : vector<1x16xf32> to vector<16xf32>
        %swap3A_235 = vector.shape_cast %mul3A_230 : vector<16xf32> to vector<1x16xf32>
        tpu.vector_store %arg9[%swap3A_231, %swap3A_232], %swap3A_235 {strides = array<i32>} : memref<256x32xf32, #tpu.memory_space<vmem>>, vector<1x16xf32>,
        %scan3A_236 = arith.constant 0 : i32
        %scan3A_237 = arith.constant 2 : i32
        %scan3A_238 = arith.addi %scan3A_177, %scan3A_237 : i32
        %get3A_239 = arith.index_cast %scan3A_238 : i32 to index
        %get3A_240 = arith.constant 0 : index
        %get3A_241 = tpu.vector_load %arg9[%get3A_239, %get3A_240] {strides = array<i32>} : memref<256x32xf32, #tpu.memory_space<vmem>>, vector<1x16xf32>,
        %get3A_242 = vector.shape_cast %get3A_241 : vector<1x16xf32> to vector<16xf32>
        %get3A_243 = arith.index_cast %scan3A_238 : i32 to index
        %get3A_244 = arith.constant 0 : index
        %get3A_245 = tpu.vector_load %arg10[%get3A_243, %get3A_244] {strides = array<i32>} : memref<256x32xf32, #tpu.memory_space<vmem>>, vector<1x16xf32>,
        %get3A_246 = vector.shape_cast %get3A_245 : vector<1x16xf32> to vector<16xf32>
        %mul3A_247 = arith.mulf %get3A_242, %get3A_246 : vector<16xf32>
        %swap3A_248 = arith.index_cast %scan3A_238 : i32 to index
        %swap3A_249 = arith.constant 0 : index
        %swap3A_250 = tpu.vector_load %arg9[%swap3A_248, %swap3A_249] {strides = array<i32>} : memref<256x32xf32, #tpu.memory_space<vmem>>, vector<1x16xf32>,
        %swap3A_251 = vector.shape_cast %swap3A_250 : vector<1x16xf32> to vector<16xf32>
        %swap3A_252 = vector.shape_cast %mul3A_247 : vector<16xf32> to vector<1x16xf32>
        tpu.vector_store %arg9[%swap3A_248, %swap3A_249], %swap3A_252 {strides = array<i32>} : memref<256x32xf32, #tpu.memory_space<vmem>>, vector<1x16xf32>,
        %get3A_253 = arith.index_cast %scan3A_238 : i32 to index
        %get3A_254 = arith.constant 16 : index
        %get3A_255 = tpu.vector_load %arg9[%get3A_253, %get3A_254] {strides = array<i32>} : memref<256x32xf32, #tpu.memory_space<vmem>>, vector<1x16xf32>,
        %get3A_256 = vector.shape_cast %get3A_255 : vector<1x16xf32> to vector<16xf32>
        %get3A_257 = arith.index_cast %scan3A_238 : i32 to index
        %get3A_258 = arith.constant 16 : index
        %get3A_259 = tpu.vector_load %arg10[%get3A_257, %get3A_258] {strides = array<i32>} : memref<256x32xf32, #tpu.memory_space<vmem>>, vector<1x16xf32>,
        %get3A_260 = vector.shape_cast %get3A_259 : vector<1x16xf32> to vector<16xf32>
        %mul3A_261 = arith.mulf %get3A_256, %get3A_260 : vector<16xf32>
        %swap3A_262 = arith.index_cast %scan3A_238 : i32 to index
        %swap3A_263 = arith.constant 16 : index
        %swap3A_264 = tpu.vector_load %arg9[%swap3A_262, %swap3A_263] {strides = array<i32>} : memref<256x32xf32, #tpu.memory_space<vmem>>, vector<1x16xf32>,
        %swap3A_265 = vector.shape_cast %swap3A_264 : vector<1x16xf32> to vector<16xf32>
        %swap3A_266 = vector.shape_cast %mul3A_261 : vector<16xf32> to vector<1x16xf32>
        tpu.vector_store %arg9[%swap3A_262, %swap3A_263], %swap3A_266 {strides = array<i32>} : memref<256x32xf32, #tpu.memory_space<vmem>>, vector<1x16xf32>,
        %scan3A_267 = arith.constant 0 : i32
        %scan3A_268 = arith.constant 3 : i32
        %scan3A_269 = arith.addi %scan3A_177, %scan3A_268 : i32
        %get3A_270 = arith.index_cast %scan3A_269 : i32 to index
        %get3A_271 = arith.constant 0 : index
        %get3A_272 = tpu.vector_load %arg9[%get3A_270, %get3A_271] {strides = array<i32>} : memref<256x32xf32, #tpu.memory_space<vmem>>, vector<1x16xf32>,
        %get3A_273 = vector.shape_cast %get3A_272 : vector<1x16xf32> to vector<16xf32>
        %get3A_274 = arith.index_cast %scan3A_269 : i32 to index
        %get3A_275 = arith.constant 0 : index
        %get3A_276 = tpu.vector_load %arg10[%get3A_274, %get3A_275] {strides = array<i32>} : memref<256x32xf32, #tpu.memory_space<vmem>>, vector<1x16xf32>,
        %get3A_277 = vector.shape_cast %get3A_276 : vector<1x16xf32> to vector<16xf32>
        %mul3A_278 = arith.mulf %get3A_273, %get3A_277 : vector<16xf32>
        %swap3A_279 = arith.index_cast %scan3A_269 : i32 to index
        %swap3A_280 = arith.constant 0 : index
        %swap3A_281 = tpu.vector_load %arg9[%swap3A_279, %swap3A_280] {strides = array<i32>} : memref<256x32xf32, #tpu.memory_space<vmem>>, vector<1x16xf32>,
        %swap3A_282 = vector.shape_cast %swap3A_281 : vector<1x16xf32> to vector<16xf32>
        %swap3A_283 = vector.shape_cast %mul3A_278 : vector<16xf32> to vector<1x16xf32>
        tpu.vector_store %arg9[%swap3A_279, %swap3A_280], %swap3A_283 {strides = array<i32>} : memref<256x32xf32, #tpu.memory_space<vmem>>, vector<1x16xf32>,
        %get3A_284 = arith.index_cast %scan3A_269 : i32 to index
        %get3A_285 = arith.constant 16 : index
        %get3A_286 = tpu.vector_load %arg9[%get3A_284, %get3A_285] {strides = array<i32>} : memref<256x32xf32, #tpu.memory_space<vmem>>, vector<1x16xf32>,
        %get3A_287 = vector.shape_cast %get3A_286 : vector<1x16xf32> to vector<16xf32>
        %get3A_288 = arith.index_cast %scan3A_269 : i32 to index
        %get3A_289 = arith.constant 16 : index
        %get3A_290 = tpu.vector_load %arg10[%get3A_288, %get3A_289] {strides = array<i32>} : memref<256x32xf32, #tpu.memory_space<vmem>>, vector<1x16xf32>,
        %get3A_291 = vector.shape_cast %get3A_290 : vector<1x16xf32> to vector<16xf32>
        %mul3A_292 = arith.mulf %get3A_287, %get3A_291 : vector<16xf32>
        %swap3A_293 = arith.index_cast %scan3A_269 : i32 to index
        %swap3A_294 = arith.constant 16 : index
        %swap3A_295 = tpu.vector_load %arg9[%swap3A_293, %swap3A_294] {strides = array<i32>} : memref<256x32xf32, #tpu.memory_space<vmem>>, vector<1x16xf32>,
        %swap3A_296 = vector.shape_cast %swap3A_295 : vector<1x16xf32> to vector<16xf32>
        %swap3A_297 = vector.shape_cast %mul3A_292 : vector<16xf32> to vector<1x16xf32>
        tpu.vector_store %arg9[%swap3A_293, %swap3A_294], %swap3A_297 {strides = array<i32>} : memref<256x32xf32, #tpu.memory_space<vmem>>, vector<1x16xf32>,
        %scan3A_298 = arith.constant 0 : i32
        %scan3A_299 = arith.constant 4 : i32
        %scan3A_300 = arith.addi %scan3A_177, %scan3A_299 : i32
        %get3A_301 = arith.index_cast %scan3A_300 : i32 to index
        %get3A_302 = arith.constant 0 : index
        %get3A_303 = tpu.vector_load %arg9[%get3A_301, %get3A_302] {strides = array<i32>} : memref<256x32xf32, #tpu.memory_space<vmem>>, vector<1x16xf32>,
        %get3A_304 = vector.shape_cast %get3A_303 : vector<1x16xf32> to vector<16xf32>
        %get3A_305 = arith.index_cast %scan3A_300 : i32 to index
        %get3A_306 = arith.constant 0 : index
        %get3A_307 = tpu.vector_load %arg10[%get3A_305, %get3A_306] {strides = array<i32>} : memref<256x32xf32, #tpu.memory_space<vmem>>, vector<1x16xf32>,
        %get3A_308 = vector.shape_cast %get3A_307 : vector<1x16xf32> to vector<16xf32>
        %mul3A_309 = arith.mulf %get3A_304, %get3A_308 : vector<16xf32>
        %swap3A_310 = arith.index_cast %scan3A_300 : i32 to index
        %swap3A_311 = arith.constant 0 : index
        %swap3A_312 = tpu.vector_load %arg9[%swap3A_310, %swap3A_311] {strides = array<i32>} : memref<256x32xf32, #tpu.memory_space<vmem>>, vector<1x16xf32>,
        %swap3A_313 = vector.shape_cast %swap3A_312 : vector<1x16xf32> to vector<16xf32>
        %swap3A_314 = vector.shape_cast %mul3A_309 : vector<16xf32> to vector<1x16xf32>
        tpu.vector_store %arg9[%swap3A_310, %swap3A_311], %swap3A_314 {strides = array<i32>} : memref<256x32xf32, #tpu.memory_space<vmem>>, vector<1x16xf32>,
        %get3A_315 = arith.index_cast %scan3A_300 : i32 to index
        %get3A_316 = arith.constant 16 : index
        %get3A_317 = tpu.vector_load %arg9[%get3A_315, %get3A_316] {strides = array<i32>} : memref<256x32xf32, #tpu.memory_space<vmem>>, vector<1x16xf32>,
        %get3A_318 = vector.shape_cast %get3A_317 : vector<1x16xf32> to vector<16xf32>
        %get3A_319 = arith.index_cast %scan3A_300 : i32 to index
        %get3A_320 = arith.constant 16 : index
        %get3A_321 = tpu.vector_load %arg10[%get3A_319, %get3A_320] {strides = array<i32>} : memref<256x32xf32, #tpu.memory_space<vmem>>, vector<1x16xf32>,
        %get3A_322 = vector.shape_cast %get3A_321 : vector<1x16xf32> to vector<16xf32>
        %mul3A_323 = arith.mulf %get3A_318, %get3A_322 : vector<16xf32>
        %swap3A_324 = arith.index_cast %scan3A_300 : i32 to index
        %swap3A_325 = arith.constant 16 : index
        %swap3A_326 = tpu.vector_load %arg9[%swap3A_324, %swap3A_325] {strides = array<i32>} : memref<256x32xf32, #tpu.memory_space<vmem>>, vector<1x16xf32>,
        %swap3A_327 = vector.shape_cast %swap3A_326 : vector<1x16xf32> to vector<16xf32>
        %swap3A_328 = vector.shape_cast %mul3A_323 : vector<16xf32> to vector<1x16xf32>
        tpu.vector_store %arg9[%swap3A_324, %swap3A_325], %swap3A_328 {strides = array<i32>} : memref<256x32xf32, #tpu.memory_space<vmem>>, vector<1x16xf32>,
        %scan3A_329 = arith.constant 0 : i32
        %scan3A_330 = arith.constant 5 : i32
        %scan3A_331 = arith.addi %scan3A_177, %scan3A_330 : i32
        %get3A_332 = arith.index_cast %scan3A_331 : i32 to index
        %get3A_333 = arith.constant 0 : index
        %get3A_334 = tpu.vector_load %arg9[%get3A_332, %get3A_333] {strides = array<i32>} : memref<256x32xf32, #tpu.memory_space<vmem>>, vector<1x16xf32>,
        %get3A_335 = vector.shape_cast %get3A_334 : vector<1x16xf32> to vector<16xf32>
        %get3A_336 = arith.index_cast %scan3A_331 : i32 to index
        %get3A_337 = arith.constant 0 : index
        %get3A_338 = tpu.vector_load %arg10[%get3A_336, %get3A_337] {strides = array<i32>} : memref<256x32xf32, #tpu.memory_space<vmem>>, vector<1x16xf32>,
        %get3A_339 = vector.shape_cast %get3A_338 : vector<1x16xf32> to vector<16xf32>
        %mul3A_340 = arith.mulf %get3A_335, %get3A_339 : vector<16xf32>
        %swap3A_341 = arith.index_cast %scan3A_331 : i32 to index
        %swap3A_342 = arith.constant 0 : index
        %swap3A_343 = tpu.vector_load %arg9[%swap3A_341, %swap3A_342] {strides = array<i32>} : memref<256x32xf32, #tpu.memory_space<vmem>>, vector<1x16xf32>,
        %swap3A_344 = vector.shape_cast %swap3A_343 : vector<1x16xf32> to vector<16xf32>
        %swap3A_345 = vector.shape_cast %mul3A_340 : vector<16xf32> to vector<1x16xf32>
        tpu.vector_store %arg9[%swap3A_341, %swap3A_342], %swap3A_345 {strides = array<i32>} : memref<256x32xf32, #tpu.memory_space<vmem>>, vector<1x16xf32>,
        %get3A_346 = arith.index_cast %scan3A_331 : i32 to index
        %get3A_347 = arith.constant 16 : index
        %get3A_348 = tpu.vector_load %arg9[%get3A_346, %get3A_347] {strides = array<i32>} : memref<256x32xf32, #tpu.memory_space<vmem>>, vector<1x16xf32>,
        %get3A_349 = vector.shape_cast %get3A_348 : vector<1x16xf32> to vector<16xf32>
        %get3A_350 = arith.index_cast %scan3A_331 : i32 to index
        %get3A_351 = arith.constant 16 : index
        %get3A_352 = tpu.vector_load %arg10[%get3A_350, %get3A_351] {strides = array<i32>} : memref<256x32xf32, #tpu.memory_space<vmem>>, vector<1x16xf32>,
        %get3A_353 = vector.shape_cast %get3A_352 : vector<1x16xf32> to vector<16xf32>
        %mul3A_354 = arith.mulf %get3A_349, %get3A_353 : vector<16xf32>
        %swap3A_355 = arith.index_cast %scan3A_331 : i32 to index
        %swap3A_356 = arith.constant 16 : index
        %swap3A_357 = tpu.vector_load %arg9[%swap3A_355, %swap3A_356] {strides = array<i32>} : memref<256x32xf32, #tpu.memory_space<vmem>>, vector<1x16xf32>,
        %swap3A_358 = vector.shape_cast %swap3A_357 : vector<1x16xf32> to vector<16xf32>
        %swap3A_359 = vector.shape_cast %mul3A_354 : vector<16xf32> to vector<1x16xf32>
        tpu.vector_store %arg9[%swap3A_355, %swap3A_356], %swap3A_359 {strides = array<i32>} : memref<256x32xf32, #tpu.memory_space<vmem>>, vector<1x16xf32>,
        %scan3A_360 = arith.constant 0 : i32
        %scan3A_361 = arith.constant 6 : i32
        %scan3A_362 = arith.addi %scan3A_177, %scan3A_361 : i32
        %get3A_363 = arith.index_cast %scan3A_362 : i32 to index
        %get3A_364 = arith.constant 0 : index
        %get3A_365 = tpu.vector_load %arg9[%get3A_363, %get3A_364] {strides = array<i32>} : memref<256x32xf32, #tpu.memory_space<vmem>>, vector<1x16xf32>,
        %get3A_366 = vector.shape_cast %get3A_365 : vector<1x16xf32> to vector<16xf32>
        %get3A_367 = arith.index_cast %scan3A_362 : i32 to index
        %get3A_368 = arith.constant 0 : index
        %get3A_369 = tpu.vector_load %arg10[%get3A_367, %get3A_368] {strides = array<i32>} : memref<256x32xf32, #tpu.memory_space<vmem>>, vector<1x16xf32>,
        %get3A_370 = vector.shape_cast %get3A_369 : vector<1x16xf32> to vector<16xf32>
        %mul3A_371 = arith.mulf %get3A_366, %get3A_370 : vector<16xf32>
        %swap3A_372 = arith.index_cast %scan3A_362 : i32 to index
        %swap3A_373 = arith.constant 0 : index
        %swap3A_374 = tpu.vector_load %arg9[%swap3A_372, %swap3A_373] {strides = array<i32>} : memref<256x32xf32, #tpu.memory_space<vmem>>, vector<1x16xf32>,
        %swap3A_375 = vector.shape_cast %swap3A_374 : vector<1x16xf32> to vector<16xf32>
        %swap3A_376 = vector.shape_cast %mul3A_371 : vector<16xf32> to vector<1x16xf32>
        tpu.vector_store %arg9[%swap3A_372, %swap3A_373], %swap3A_376 {strides = array<i32>} : memref<256x32xf32, #tpu.memory_space<vmem>>, vector<1x16xf32>,
        %get3A_377 = arith.index_cast %scan3A_362 : i32 to index
        %get3A_378 = arith.constant 16 : index
        %get3A_379 = tpu.vector_load %arg9[%get3A_377, %get3A_378] {strides = array<i32>} : memref<256x32xf32, #tpu.memory_space<vmem>>, vector<1x16xf32>,
        %get3A_380 = vector.shape_cast %get3A_379 : vector<1x16xf32> to vector<16xf32>
        %get3A_381 = arith.index_cast %scan3A_362 : i32 to index
        %get3A_382 = arith.constant 16 : index
        %get3A_383 = tpu.vector_load %arg10[%get3A_381, %get3A_382] {strides = array<i32>} : memref<256x32xf32, #tpu.memory_space<vmem>>, vector<1x16xf32>,
        %get3A_384 = vector.shape_cast %get3A_383 : vector<1x16xf32> to vector<16xf32>
        %mul3A_385 = arith.mulf %get3A_380, %get3A_384 : vector<16xf32>
        %swap3A_386 = arith.index_cast %scan3A_362 : i32 to index
        %swap3A_387 = arith.constant 16 : index
        %swap3A_388 = tpu.vector_load %arg9[%swap3A_386, %swap3A_387] {strides = array<i32>} : memref<256x32xf32, #tpu.memory_space<vmem>>, vector<1x16xf32>,
        %swap3A_389 = vector.shape_cast %swap3A_388 : vector<1x16xf32> to vector<16xf32>
        %swap3A_390 = vector.shape_cast %mul3A_385 : vector<16xf32> to vector<1x16xf32>
        tpu.vector_store %arg9[%swap3A_386, %swap3A_387], %swap3A_390 {strides = array<i32>} : memref<256x32xf32, #tpu.memory_space<vmem>>, vector<1x16xf32>,
        %scan3A_391 = arith.constant 0 : i32
        %scan3A_392 = arith.constant 7 : i32
        %scan3A_393 = arith.addi %scan3A_177, %scan3A_392 : i32
        %get3A_394 = arith.index_cast %scan3A_393 : i32 to index
        %get3A_395 = arith.constant 0 : index
        %get3A_396 = tpu.vector_load %arg9[%get3A_394, %get3A_395] {strides = array<i32>} : memref<256x32xf32, #tpu.memory_space<vmem>>, vector<1x16xf32>,
        %get3A_397 = vector.shape_cast %get3A_396 : vector<1x16xf32> to vector<16xf32>
        %get3A_398 = arith.index_cast %scan3A_393 : i32 to index
        %get3A_399 = arith.constant 0 : index
        %get3A_400 = tpu.vector_load %arg10[%get3A_398, %get3A_399] {strides = array<i32>} : memref<256x32xf32, #tpu.memory_space<vmem>>, vector<1x16xf32>,
        %get3A_401 = vector.shape_cast %get3A_400 : vector<1x16xf32> to vector<16xf32>
        %mul3A_402 = arith.mulf %get3A_397, %get3A_401 : vector<16xf32>
        %swap3A_403 = arith.index_cast %scan3A_393 : i32 to index
        %swap3A_404 = arith.constant 0 : index
        %swap3A_405 = tpu.vector_load %arg9[%swap3A_403, %swap3A_404] {strides = array<i32>} : memref<256x32xf32, #tpu.memory_space<vmem>>, vector<1x16xf32>,
        %swap3A_406 = vector.shape_cast %swap3A_405 : vector<1x16xf32> to vector<16xf32>
        %swap3A_407 = vector.shape_cast %mul3A_402 : vector<16xf32> to vector<1x16xf32>
        tpu.vector_store %arg9[%swap3A_403, %swap3A_404], %swap3A_407 {strides = array<i32>} : memref<256x32xf32, #tpu.memory_space<vmem>>, vector<1x16xf32>,
        %get3A_408 = arith.index_cast %scan3A_393 : i32 to index
        %get3A_409 = arith.constant 16 : index
        %get3A_410 = tpu.vector_load %arg9[%get3A_408, %get3A_409] {strides = array<i32>} : memref<256x32xf32, #tpu.memory_space<vmem>>, vector<1x16xf32>,
        %get3A_411 = vector.shape_cast %get3A_410 : vector<1x16xf32> to vector<16xf32>
        %get3A_412 = arith.index_cast %scan3A_393 : i32 to index
        %get3A_413 = arith.constant 16 : index
        %get3A_414 = tpu.vector_load %arg10[%get3A_412, %get3A_413] {strides = array<i32>} : memref<256x32xf32, #tpu.memory_space<vmem>>, vector<1x16xf32>,
        %get3A_415 = vector.shape_cast %get3A_414 : vector<1x16xf32> to vector<16xf32>
        %mul3A_416 = arith.mulf %get3A_411, %get3A_415 : vector<16xf32>
        %swap3A_417 = arith.index_cast %scan3A_393 : i32 to index
        %swap3A_418 = arith.constant 16 : index
        %swap3A_419 = tpu.vector_load %arg9[%swap3A_417, %swap3A_418] {strides = array<i32>} : memref<256x32xf32, #tpu.memory_space<vmem>>, vector<1x16xf32>,
        %swap3A_420 = vector.shape_cast %swap3A_419 : vector<1x16xf32> to vector<16xf32>
        %swap3A_421 = vector.shape_cast %mul3A_416 : vector<16xf32> to vector<1x16xf32>
        tpu.vector_store %arg9[%swap3A_417, %swap3A_418], %swap3A_421 {strides = array<i32>} : memref<256x32xf32, #tpu.memory_space<vmem>>, vector<1x16xf32>,
        %scan3A_422 = arith.constant 0 : i32
        scf.yield %scan3A_422 : i32
      }
      %scan3A_173 = arith.constant 256 : i32
      %run_scoped3A_174 = arith.constant 0 : i32
      "tpu.region"() ({
        %run_scoped3A_177 = tpu.sem_alloc : memref<!tpu.dma_semaphore, #tpu.memory_space<semaphore_mem>>
        %dma_start3A_178 = arith.constant 0 : i32
        %dma_start3A_179 = arith.constant 0 : i32
        %dma_start3A_180 = tpu.memref_slice %arg9[%dma_start3A_178, %dma_start3A_179] : memref<256x32xf32, #tpu.memory_space<vmem>> -> memref<128x32xf32, #tpu.memory_space<vmem>>
        %dma_start3A_181 = arith.constant 0 : i32
        %dma_start3A_182 = tpu.memref_slice %arg8[%run_scoped3A_174, %dma_start3A_181] : memref<2x128xi32, #tpu.memory_space<vmem>> -> memref<1x128xi32, #tpu.memory_space<vmem>>
        %dma_start3A_183 = tpu.memref_squeeze %dma_start3A_182 : memref<1x128xi32, #tpu.memory_space<vmem>> -> memref<128xi32, #tpu.memory_space<vmem>>
        %dma_start3A_184 = arith.constant 0 : i32
        %dma_start3A_185 = arith.constant 0 : i32
        %dma_start3A_186 = tpu.memref_slice %arg12[%dma_start3A_184, %dma_start3A_185] : memref<50000x32xf32, #tpu.memory_space<vmem_shared>> -> memref<50000x32xf32, #tpu.memory_space<vmem_shared>>
        tpu.enqueue_indirect_dma source(%dma_start3A_180 : memref<128x32xf32, #tpu.memory_space<vmem>>) target(%dma_start3A_186 : memref<50000x32xf32, #tpu.memory_space<vmem_shared>>) offsets(%dma_start3A_183 : memref<128xi32, #tpu.memory_space<vmem>>) semaphore(%run_scoped3A_177 : memref<!tpu.dma_semaphore, #tpu.memory_space<semaphore_mem>>) {add = true}
        %dma_wait3A_187 = arith.constant 0 : i32
        %dma_wait3A_188 = arith.constant 0 : i32
        %dma_wait3A_189 = tpu.memref_slice %arg9[%dma_wait3A_187, %dma_wait3A_188] : memref<256x32xf32, #tpu.memory_space<vmem>> -> memref<128x32xf32, #tpu.memory_space<vmem>>
        %dma_wait3A_190 = arith.constant 0 : i32
        %dma_wait3A_191 = tpu.memref_slice %arg8[%run_scoped3A_174, %dma_wait3A_190] : memref<2x128xi32, #tpu.memory_space<vmem>> -> memref<1x128xi32, #tpu.memory_space<vmem>>
        %dma_wait3A_192 = tpu.memref_squeeze %dma_wait3A_191 : memref<1x128xi32, #tpu.memory_space<vmem>> -> memref<128xi32, #tpu.memory_space<vmem>>
        %dma_wait3A_193 = arith.constant 0 : i32
        %dma_wait3A_194 = arith.constant 0 : i32
        %dma_wait3A_195 = tpu.memref_slice %arg12[%dma_wait3A_193, %dma_wait3A_194] : memref<50000x32xf32, #tpu.memory_space<vmem_shared>> -> memref<50000x32xf32, #tpu.memory_space<vmem_shared>>
        tpu.wait_indirect_dma semaphore(%run_scoped3A_177 : memref<!tpu.dma_semaphore, #tpu.memory_space<semaphore_mem>>) src(%dma_wait3A_189 : memref<128x32xf32, #tpu.memory_space<vmem>>) dst(%dma_wait3A_195 : memref<50000x32xf32, #tpu.memory_space<vmem_shared>>)
        tpu.yield
      }) : () -> ()
      %run_scoped3A_175 = arith.constant 1 : i32
      "tpu.region"() ({
        %run_scoped3A_177 = tpu.sem_alloc : memref<!tpu.dma_semaphore, #tpu.memory_space<semaphore_mem>>
        %dma_start3A_178 = arith.constant 128 : i32
        %dma_start3A_179 = arith.constant 0 : i32
        %dma_start3A_180 = tpu.memref_slice %arg9[%dma_start3A_178, %dma_start3A_179] : memref<256x32xf32, #tpu.memory_space<vmem>> -> memref<128x32xf32, #tpu.memory_space<vmem>>
        %dma_start3A_181 = arith.constant 0 : i32
        %dma_start3A_182 = tpu.memref_slice %arg8[%run_scoped3A_175, %dma_start3A_181] : memref<2x128xi32, #tpu.memory_space<vmem>> -> memref<1x128xi32, #tpu.memory_space<vmem>>
        %dma_start3A_183 = tpu.memref_squeeze %dma_start3A_182 : memref<1x128xi32, #tpu.memory_space<vmem>> -> memref<128xi32, #tpu.memory_space<vmem>>
        %dma_start3A_184 = arith.constant 0 : i32
        %dma_start3A_185 = arith.constant 0 : i32
        %dma_start3A_186 = tpu.memref_slice %arg12[%dma_start3A_184, %dma_start3A_185] : memref<50000x32xf32, #tpu.memory_space<vmem_shared>> -> memref<50000x32xf32, #tpu.memory_space<vmem_shared>>
        tpu.enqueue_indirect_dma source(%dma_start3A_180 : memref<128x32xf32, #tpu.memory_space<vmem>>) target(%dma_start3A_186 : memref<50000x32xf32, #tpu.memory_space<vmem_shared>>) offsets(%dma_start3A_183 : memref<128xi32, #tpu.memory_space<vmem>>) semaphore(%run_scoped3A_177 : memref<!tpu.dma_semaphore, #tpu.memory_space<semaphore_mem>>) {add = true}
        %dma_wait3A_187 = arith.constant 128 : i32
        %dma_wait3A_188 = arith.constant 0 : i32
        %dma_wait3A_189 = tpu.memref_slice %arg9[%dma_wait3A_187, %dma_wait3A_188] : memref<256x32xf32, #tpu.memory_space<vmem>> -> memref<128x32xf32, #tpu.memory_space<vmem>>
        %dma_wait3A_190 = arith.constant 0 : i32
        %dma_wait3A_191 = tpu.memref_slice %arg8[%run_scoped3A_175, %dma_wait3A_190] : memref<2x128xi32, #tpu.memory_space<vmem>> -> memref<1x128xi32, #tpu.memory_space<vmem>>
        %dma_wait3A_192 = tpu.memref_squeeze %dma_wait3A_191 : memref<1x128xi32, #tpu.memory_space<vmem>> -> memref<128xi32, #tpu.memory_space<vmem>>
        %dma_wait3A_193 = arith.constant 0 : i32
        %dma_wait3A_194 = arith.constant 0 : i32
        %dma_wait3A_195 = tpu.memref_slice %arg12[%dma_wait3A_193, %dma_wait3A_194] : memref<50000x32xf32, #tpu.memory_space<vmem_shared>> -> memref<50000x32xf32, #tpu.memory_space<vmem_shared>>
        tpu.wait_indirect_dma semaphore(%run_scoped3A_177 : memref<!tpu.dma_semaphore, #tpu.memory_space<semaphore_mem>>) src(%dma_wait3A_189 : memref<128x32xf32, #tpu.memory_space<vmem>>) dst(%dma_wait3A_195 : memref<50000x32xf32, #tpu.memory_space<vmem_shared>>)
        tpu.yield
      }) : () -> ()
      %scan3A_176 = arith.constant 0 : i32
      scf.yield %scan3A_176 : i32
    }
    %scan3A_24 = arith.constant 100 : i32
    %barrier3A_25 = arith.constant 0 : index
    tpu.barrier barrier_id(%barrier3A_25)
    %mul3A_26 = arith.constant 50000 : i32
    %mul3A_27 = arith.muli %arg0, %mul3A_26 : i32
    %add3A_28 = arith.addi %mul3A_27, %mul3A_8 : i32
    "tpu.region"() ({
      %run_scoped3A = tpu.sem_alloc : memref<!tpu.dma_semaphore, #tpu.memory_space<semaphore_mem>>
      %dma_start3A = arith.constant 0 : i32
      %dma_start3A_29 = tpu.memref_slice %arg6[%add3A_28, %dma_start3A] : memref<100000x32xf32, #tpu.memory_space<hbm>> -> memref<3125x32xf32, #tpu.memory_space<hbm>>
      %dma_start3A_30 = arith.constant 0 : i32
      %dma_start3A_31 = tpu.memref_slice %arg12[%mul3A_8, %dma_start3A_30] : memref<50000x32xf32, #tpu.memory_space<vmem_shared>> -> memref<3125x32xf32, #tpu.memory_space<vmem_shared>>
      tpu.enqueue_dma source(%dma_start3A_31 : memref<3125x32xf32, #tpu.memory_space<vmem_shared>>) target(%dma_start3A_29 : memref<3125x32xf32, #tpu.memory_space<hbm>>) target_semaphore(%run_scoped3A : memref<!tpu.dma_semaphore, #tpu.memory_space<semaphore_mem>>)
      %dma_wait3A = arith.constant 0 : i32
      %dma_wait3A_32 = tpu.memref_slice %arg6[%add3A_28, %dma_wait3A] : memref<100000x32xf32, #tpu.memory_space<hbm>> -> memref<3125x32xf32, #tpu.memory_space<hbm>>
      %dma_wait3A_33 = arith.constant 0 : i32
      %dma_wait3A_34 = tpu.memref_slice %arg12[%mul3A_8, %dma_wait3A_33] : memref<50000x32xf32, #tpu.memory_space<vmem_shared>> -> memref<3125x32xf32, #tpu.memory_space<vmem_shared>>
      tpu.wait_dma2 semaphore(%run_scoped3A : memref<!tpu.dma_semaphore, #tpu.memory_space<semaphore_mem>>) src(%dma_wait3A_34 : memref<3125x32xf32, #tpu.memory_space<vmem_shared>>) dst(%dma_wait3A_32 : memref<3125x32xf32, #tpu.memory_space<hbm>>)
      tpu.yield
    }) : () -> ()
    return
  }
}

#map = affine_map<(d0, d1) -> (0, 0)>
#map1 = affine_map<(d0, d1) -> (0, 0, 0)>
module attributes {stable_mosaic.version = 14 : i64} {
  func.func @k(%arg0: i32, %arg1: i32, %arg2: memref<50000x32xf32, #tpu.memory_space<hbm>>, %arg3: memref<3x204800x128xf32, #tpu.memory_space<hbm>>, %arg4: memref<6400x128xi32, #tpu.memory_space<hbm>>, %arg5: memref<6400x128xi32, #tpu.memory_space<hbm>>, %arg6: memref<100000x32xf32, #tpu.memory_space<hbm>>, %arg7: memref<2x128xi32, #tpu.memory_space<vmem>>, %arg8: memref<2x128xi32, #tpu.memory_space<vmem>>, %arg9: memref<256x32xf32, #tpu.memory_space<vmem>>, %arg10: memref<256x32xf32, #tpu.memory_space<vmem>>, %arg11: memref<128x32xf32, #tpu.memory_space<vmem>>, %arg12: memref<50000x32xf32, #tpu.memory_space<vmem_shared>>, %arg13: memref<!tpu.dma_semaphore, #tpu.memory_space<semaphore_mem>>) attributes {dimension_semantics = [#tpu.dimension_semantics<core_parallel>, #tpu.dimension_semantics<subcore_parallel>], iteration_bounds = array<i64: 2, 16>, scalar_prefetch = 0 : i64, scratch_operands = 7 : i64, tpu.core_type = #tpu.core_type<sc_vector_subcore>, window_params = [{transform_indices = #map}, {transform_indices = #map1}, {transform_indices = #map}, {transform_indices = #map}, {transform_indices = #map}]} {
    %mul3A = arith.constant 2 : i32
    %mul3A_0 = arith.muli %arg1, %mul3A : i32
    %add3A = arith.addi %mul3A_0, %arg0 : i32
    %scan3A = arith.constant 0 : i32
    %scan3A_1 = arith.constant 0 : i32
    %scan3A_2 = arith.constant 128 : i32
    %scan3A_3 = arith.addi %scan3A_1, %scan3A_2 : i32
    %scan3A_4 = arith.constant 8 : i32
    %scan3A_5 = scf.for %scan3A_29 = %scan3A_1 to %scan3A_3 step %scan3A_4 iter_args(%scan3A_30 = %scan3A) -> (i32)  : i32 {
      %broadcast_in_dim3A = arith.constant 0.000000e+00 : f32
      %broadcast_in_dim3A_31 = vector.broadcast %broadcast_in_dim3A : f32 to vector<16xf32>
      %swap3A = arith.index_cast %scan3A_29 : i32 to index
      %swap3A_32 = arith.constant 0 : index
      %swap3A_33 = tpu.vector_load %arg11[%swap3A, %swap3A_32] {strides = array<i32>} : memref<128x32xf32, #tpu.memory_space<vmem>>, vector<1x16xf32>,
      %swap3A_34 = vector.shape_cast %swap3A_33 : vector<1x16xf32> to vector<16xf32>
      %swap3A_35 = vector.shape_cast %broadcast_in_dim3A_31 : vector<16xf32> to vector<1x16xf32>
      tpu.vector_store %arg11[%swap3A, %swap3A_32], %swap3A_35 {strides = array<i32>} : memref<128x32xf32, #tpu.memory_space<vmem>>, vector<1x16xf32>,
      %broadcast_in_dim3A_36 = arith.constant 0.000000e+00 : f32
      %broadcast_in_dim3A_37 = vector.broadcast %broadcast_in_dim3A_36 : f32 to vector<16xf32>
      %swap3A_38 = arith.index_cast %scan3A_29 : i32 to index
      %swap3A_39 = arith.constant 16 : index
      %swap3A_40 = tpu.vector_load %arg11[%swap3A_38, %swap3A_39] {strides = array<i32>} : memref<128x32xf32, #tpu.memory_space<vmem>>, vector<1x16xf32>,
      %swap3A_41 = vector.shape_cast %swap3A_40 : vector<1x16xf32> to vector<16xf32>
      %swap3A_42 = vector.shape_cast %broadcast_in_dim3A_37 : vector<16xf32> to vector<1x16xf32>
      tpu.vector_store %arg11[%swap3A_38, %swap3A_39], %swap3A_42 {strides = array<i32>} : memref<128x32xf32, #tpu.memory_space<vmem>>, vector<1x16xf32>,
      %scan3A_43 = arith.constant 0 : i32
      %scan3A_44 = arith.constant 1 : i32
      %scan3A_45 = arith.addi %scan3A_29, %scan3A_44 : i32
      %broadcast_in_dim3A_46 = arith.constant 0.000000e+00 : f32
      %broadcast_in_dim3A_47 = vector.broadcast %broadcast_in_dim3A_46 : f32 to vector<16xf32>
      %swap3A_48 = arith.index_cast %scan3A_45 : i32 to index
      %swap3A_49 = arith.constant 0 : index
      %swap3A_50 = tpu.vector_load %arg11[%swap3A_48, %swap3A_49] {strides = array<i32>} : memref<128x32xf32, #tpu.memory_space<vmem>>, vector<1x16xf32>,
      %swap3A_51 = vector.shape_cast %swap3A_50 : vector<1x16xf32> to vector<16xf32>
      %swap3A_52 = vector.shape_cast %broadcast_in_dim3A_47 : vector<16xf32> to vector<1x16xf32>
      tpu.vector_store %arg11[%swap3A_48, %swap3A_49], %swap3A_52 {strides = array<i32>} : memref<128x32xf32, #tpu.memory_space<vmem>>, vector<1x16xf32>,
      %broadcast_in_dim3A_53 = arith.constant 0.000000e+00 : f32
      %broadcast_in_dim3A_54 = vector.broadcast %broadcast_in_dim3A_53 : f32 to vector<16xf32>
      %swap3A_55 = arith.index_cast %scan3A_45 : i32 to index
      %swap3A_56 = arith.constant 16 : index
      %swap3A_57 = tpu.vector_load %arg11[%swap3A_55, %swap3A_56] {strides = array<i32>} : memref<128x32xf32, #tpu.memory_space<vmem>>, vector<1x16xf32>,
      %swap3A_58 = vector.shape_cast %swap3A_57 : vector<1x16xf32> to vector<16xf32>
      %swap3A_59 = vector.shape_cast %broadcast_in_dim3A_54 : vector<16xf32> to vector<1x16xf32>
      tpu.vector_store %arg11[%swap3A_55, %swap3A_56], %swap3A_59 {strides = array<i32>} : memref<128x32xf32, #tpu.memory_space<vmem>>, vector<1x16xf32>,
      %scan3A_60 = arith.constant 0 : i32
      %scan3A_61 = arith.constant 2 : i32
      %scan3A_62 = arith.addi %scan3A_29, %scan3A_61 : i32
      %broadcast_in_dim3A_63 = arith.constant 0.000000e+00 : f32
      %broadcast_in_dim3A_64 = vector.broadcast %broadcast_in_dim3A_63 : f32 to vector<16xf32>
      %swap3A_65 = arith.index_cast %scan3A_62 : i32 to index
      %swap3A_66 = arith.constant 0 : index
      %swap3A_67 = tpu.vector_load %arg11[%swap3A_65, %swap3A_66] {strides = array<i32>} : memref<128x32xf32, #tpu.memory_space<vmem>>, vector<1x16xf32>,
      %swap3A_68 = vector.shape_cast %swap3A_67 : vector<1x16xf32> to vector<16xf32>
      %swap3A_69 = vector.shape_cast %broadcast_in_dim3A_64 : vector<16xf32> to vector<1x16xf32>
      tpu.vector_store %arg11[%swap3A_65, %swap3A_66], %swap3A_69 {strides = array<i32>} : memref<128x32xf32, #tpu.memory_space<vmem>>, vector<1x16xf32>,
      %broadcast_in_dim3A_70 = arith.constant 0.000000e+00 : f32
      %broadcast_in_dim3A_71 = vector.broadcast %broadcast_in_dim3A_70 : f32 to vector<16xf32>
      %swap3A_72 = arith.index_cast %scan3A_62 : i32 to index
      %swap3A_73 = arith.constant 16 : index
      %swap3A_74 = tpu.vector_load %arg11[%swap3A_72, %swap3A_73] {strides = array<i32>} : memref<128x32xf32, #tpu.memory_space<vmem>>, vector<1x16xf32>,
      %swap3A_75 = vector.shape_cast %swap3A_74 : vector<1x16xf32> to vector<16xf32>
      %swap3A_76 = vector.shape_cast %broadcast_in_dim3A_71 : vector<16xf32> to vector<1x16xf32>
      tpu.vector_store %arg11[%swap3A_72, %swap3A_73], %swap3A_76 {strides = array<i32>} : memref<128x32xf32, #tpu.memory_space<vmem>>, vector<1x16xf32>,
      %scan3A_77 = arith.constant 0 : i32
      %scan3A_78 = arith.constant 3 : i32
      %scan3A_79 = arith.addi %scan3A_29, %scan3A_78 : i32
      %broadcast_in_dim3A_80 = arith.constant 0.000000e+00 : f32
      %broadcast_in_dim3A_81 = vector.broadcast %broadcast_in_dim3A_80 : f32 to vector<16xf32>
      %swap3A_82 = arith.index_cast %scan3A_79 : i32 to index
      %swap3A_83 = arith.constant 0 : index
      %swap3A_84 = tpu.vector_load %arg11[%swap3A_82, %swap3A_83] {strides = array<i32>} : memref<128x32xf32, #tpu.memory_space<vmem>>, vector<1x16xf32>,
      %swap3A_85 = vector.shape_cast %swap3A_84 : vector<1x16xf32> to vector<16xf32>
      %swap3A_86 = vector.shape_cast %broadcast_in_dim3A_81 : vector<16xf32> to vector<1x16xf32>
      tpu.vector_store %arg11[%swap3A_82, %swap3A_83], %swap3A_86 {strides = array<i32>} : memref<128x32xf32, #tpu.memory_space<vmem>>, vector<1x16xf32>,
      %broadcast_in_dim3A_87 = arith.constant 0.000000e+00 : f32
      %broadcast_in_dim3A_88 = vector.broadcast %broadcast_in_dim3A_87 : f32 to vector<16xf32>
      %swap3A_89 = arith.index_cast %scan3A_79 : i32 to index
      %swap3A_90 = arith.constant 16 : index
      %swap3A_91 = tpu.vector_load %arg11[%swap3A_89, %swap3A_90] {strides = array<i32>} : memref<128x32xf32, #tpu.memory_space<vmem>>, vector<1x16xf32>,
      %swap3A_92 = vector.shape_cast %swap3A_91 : vector<1x16xf32> to vector<16xf32>
      %swap3A_93 = vector.shape_cast %broadcast_in_dim3A_88 : vector<16xf32> to vector<1x16xf32>
      tpu.vector_store %arg11[%swap3A_89, %swap3A_90], %swap3A_93 {strides = array<i32>} : memref<128x32xf32, #tpu.memory_space<vmem>>, vector<1x16xf32>,
      %scan3A_94 = arith.constant 0 : i32
      %scan3A_95 = arith.constant 4 : i32
      %scan3A_96 = arith.addi %scan3A_29, %scan3A_95 : i32
      %broadcast_in_dim3A_97 = arith.constant 0.000000e+00 : f32
      %broadcast_in_dim3A_98 = vector.broadcast %broadcast_in_dim3A_97 : f32 to vector<16xf32>
      %swap3A_99 = arith.index_cast %scan3A_96 : i32 to index
      %swap3A_100 = arith.constant 0 : index
      %swap3A_101 = tpu.vector_load %arg11[%swap3A_99, %swap3A_100] {strides = array<i32>} : memref<128x32xf32, #tpu.memory_space<vmem>>, vector<1x16xf32>,
      %swap3A_102 = vector.shape_cast %swap3A_101 : vector<1x16xf32> to vector<16xf32>
      %swap3A_103 = vector.shape_cast %broadcast_in_dim3A_98 : vector<16xf32> to vector<1x16xf32>
      tpu.vector_store %arg11[%swap3A_99, %swap3A_100], %swap3A_103 {strides = array<i32>} : memref<128x32xf32, #tpu.memory_space<vmem>>, vector<1x16xf32>,
      %broadcast_in_dim3A_104 = arith.constant 0.000000e+00 : f32
      %broadcast_in_dim3A_105 = vector.broadcast %broadcast_in_dim3A_104 : f32 to vector<16xf32>
      %swap3A_106 = arith.index_cast %scan3A_96 : i32 to index
      %swap3A_107 = arith.constant 16 : index
      %swap3A_108 = tpu.vector_load %arg11[%swap3A_106, %swap3A_107] {strides = array<i32>} : memref<128x32xf32, #tpu.memory_space<vmem>>, vector<1x16xf32>,
      %swap3A_109 = vector.shape_cast %swap3A_108 : vector<1x16xf32> to vector<16xf32>
      %swap3A_110 = vector.shape_cast %broadcast_in_dim3A_105 : vector<16xf32> to vector<1x16xf32>
      tpu.vector_store %arg11[%swap3A_106, %swap3A_107], %swap3A_110 {strides = array<i32>} : memref<128x32xf32, #tpu.memory_space<vmem>>, vector<1x16xf32>,
      %scan3A_111 = arith.constant 0 : i32
      %scan3A_112 = arith.constant 5 : i32
      %scan3A_113 = arith.addi %scan3A_29, %scan3A_112 : i32
      %broadcast_in_dim3A_114 = arith.constant 0.000000e+00 : f32
      %broadcast_in_dim3A_115 = vector.broadcast %broadcast_in_dim3A_114 : f32 to vector<16xf32>
      %swap3A_116 = arith.index_cast %scan3A_113 : i32 to index
      %swap3A_117 = arith.constant 0 : index
      %swap3A_118 = tpu.vector_load %arg11[%swap3A_116, %swap3A_117] {strides = array<i32>} : memref<128x32xf32, #tpu.memory_space<vmem>>, vector<1x16xf32>,
      %swap3A_119 = vector.shape_cast %swap3A_118 : vector<1x16xf32> to vector<16xf32>
      %swap3A_120 = vector.shape_cast %broadcast_in_dim3A_115 : vector<16xf32> to vector<1x16xf32>
      tpu.vector_store %arg11[%swap3A_116, %swap3A_117], %swap3A_120 {strides = array<i32>} : memref<128x32xf32, #tpu.memory_space<vmem>>, vector<1x16xf32>,
      %broadcast_in_dim3A_121 = arith.constant 0.000000e+00 : f32
      %broadcast_in_dim3A_122 = vector.broadcast %broadcast_in_dim3A_121 : f32 to vector<16xf32>
      %swap3A_123 = arith.index_cast %scan3A_113 : i32 to index
      %swap3A_124 = arith.constant 16 : index
      %swap3A_125 = tpu.vector_load %arg11[%swap3A_123, %swap3A_124] {strides = array<i32>} : memref<128x32xf32, #tpu.memory_space<vmem>>, vector<1x16xf32>,
      %swap3A_126 = vector.shape_cast %swap3A_125 : vector<1x16xf32> to vector<16xf32>
      %swap3A_127 = vector.shape_cast %broadcast_in_dim3A_122 : vector<16xf32> to vector<1x16xf32>
      tpu.vector_store %arg11[%swap3A_123, %swap3A_124], %swap3A_127 {strides = array<i32>} : memref<128x32xf32, #tpu.memory_space<vmem>>, vector<1x16xf32>,
      %scan3A_128 = arith.constant 0 : i32
      %scan3A_129 = arith.constant 6 : i32
      %scan3A_130 = arith.addi %scan3A_29, %scan3A_129 : i32
      %broadcast_in_dim3A_131 = arith.constant 0.000000e+00 : f32
      %broadcast_in_dim3A_132 = vector.broadcast %broadcast_in_dim3A_131 : f32 to vector<16xf32>
      %swap3A_133 = arith.index_cast %scan3A_130 : i32 to index
      %swap3A_134 = arith.constant 0 : index
      %swap3A_135 = tpu.vector_load %arg11[%swap3A_133, %swap3A_134] {strides = array<i32>} : memref<128x32xf32, #tpu.memory_space<vmem>>, vector<1x16xf32>,
      %swap3A_136 = vector.shape_cast %swap3A_135 : vector<1x16xf32> to vector<16xf32>
      %swap3A_137 = vector.shape_cast %broadcast_in_dim3A_132 : vector<16xf32> to vector<1x16xf32>
      tpu.vector_store %arg11[%swap3A_133, %swap3A_134], %swap3A_137 {strides = array<i32>} : memref<128x32xf32, #tpu.memory_space<vmem>>, vector<1x16xf32>,
      %broadcast_in_dim3A_138 = arith.constant 0.000000e+00 : f32
      %broadcast_in_dim3A_139 = vector.broadcast %broadcast_in_dim3A_138 : f32 to vector<16xf32>
      %swap3A_140 = arith.index_cast %scan3A_130 : i32 to index
      %swap3A_141 = arith.constant 16 : index
      %swap3A_142 = tpu.vector_load %arg11[%swap3A_140, %swap3A_141] {strides = array<i32>} : memref<128x32xf32, #tpu.memory_space<vmem>>, vector<1x16xf32>,
      %swap3A_143 = vector.shape_cast %swap3A_142 : vector<1x16xf32> to vector<16xf32>
      %swap3A_144 = vector.shape_cast %broadcast_in_dim3A_139 : vector<16xf32> to vector<1x16xf32>
      tpu.vector_store %arg11[%swap3A_140, %swap3A_141], %swap3A_144 {strides = array<i32>} : memref<128x32xf32, #tpu.memory_space<vmem>>, vector<1x16xf32>,
      %scan3A_145 = arith.constant 0 : i32
      %scan3A_146 = arith.constant 7 : i32
      %scan3A_147 = arith.addi %scan3A_29, %scan3A_146 : i32
      %broadcast_in_dim3A_148 = arith.constant 0.000000e+00 : f32
      %broadcast_in_dim3A_149 = vector.broadcast %broadcast_in_dim3A_148 : f32 to vector<16xf32>
      %swap3A_150 = arith.index_cast %scan3A_147 : i32 to index
      %swap3A_151 = arith.constant 0 : index
      %swap3A_152 = tpu.vector_load %arg11[%swap3A_150, %swap3A_151] {strides = array<i32>} : memref<128x32xf32, #tpu.memory_space<vmem>>, vector<1x16xf32>,
      %swap3A_153 = vector.shape_cast %swap3A_152 : vector<1x16xf32> to vector<16xf32>
      %swap3A_154 = vector.shape_cast %broadcast_in_dim3A_149 : vector<16xf32> to vector<1x16xf32>
      tpu.vector_store %arg11[%swap3A_150, %swap3A_151], %swap3A_154 {strides = array<i32>} : memref<128x32xf32, #tpu.memory_space<vmem>>, vector<1x16xf32>,
      %broadcast_in_dim3A_155 = arith.constant 0.000000e+00 : f32
      %broadcast_in_dim3A_156 = vector.broadcast %broadcast_in_dim3A_155 : f32 to vector<16xf32>
      %swap3A_157 = arith.index_cast %scan3A_147 : i32 to index
      %swap3A_158 = arith.constant 16 : index
      %swap3A_159 = tpu.vector_load %arg11[%swap3A_157, %swap3A_158] {strides = array<i32>} : memref<128x32xf32, #tpu.memory_space<vmem>>, vector<1x16xf32>,
      %swap3A_160 = vector.shape_cast %swap3A_159 : vector<1x16xf32> to vector<16xf32>
      %swap3A_161 = vector.shape_cast %broadcast_in_dim3A_156 : vector<16xf32> to vector<1x16xf32>
      tpu.vector_store %arg11[%swap3A_157, %swap3A_158], %swap3A_161 {strides = array<i32>} : memref<128x32xf32, #tpu.memory_space<vmem>>, vector<1x16xf32>,
      %scan3A_162 = arith.constant 0 : i32
      scf.yield %scan3A_162 : i32
    }
    %scan3A_6 = arith.constant 128 : i32
    %mul3A_7 = arith.constant 3125 : i32
    %mul3A_8 = arith.muli %arg1, %mul3A_7 : i32
    %scan3A_9 = arith.constant 0 : i32
    %scan3A_10 = arith.constant 0 : i32
    %scan3A_11 = arith.constant 24 : i32
    %scan3A_12 = arith.addi %scan3A_10, %scan3A_11 : i32
    %scan3A_13 = arith.constant 1 : i32
    %scan3A_14 = scf.for %scan3A_29 = %scan3A_10 to %scan3A_12 step %scan3A_13 iter_args(%scan3A_30 = %scan3A_9) -> (i32)  : i32 {
      %mul3A_31 = arith.constant 128 : i32
      %mul3A_32 = arith.muli %scan3A_29, %mul3A_31 : i32
      %add3A_33 = arith.addi %mul3A_8, %mul3A_32 : i32
      "tpu.region"() ({
        %run_scoped3A = tpu.sem_alloc : memref<!tpu.dma_semaphore, #tpu.memory_space<semaphore_mem>>
        %dma_start3A = arith.constant 0 : i32
        %dma_start3A_35 = tpu.memref_slice %arg12[%add3A_33, %dma_start3A] : memref<50000x32xf32, #tpu.memory_space<vmem_shared>> -> memref<128x32xf32, #tpu.memory_space<vmem_shared>>
        %dma_start3A_36 = arith.constant 0 : i32
        %dma_start3A_37 = tpu.memref_slice %arg12[%add3A_33, %dma_start3A_36] : memref<50000x32xf32, #tpu.memory_space<vmem_shared>> -> memref<128x32xf32, #tpu.memory_space<vmem_shared>>
        tpu.enqueue_dma source(%arg11 : memref<128x32xf32, #tpu.memory_space<vmem>>) target(%dma_start3A_37 : memref<128x32xf32, #tpu.memory_space<vmem_shared>>) target_semaphore(%run_scoped3A : memref<!tpu.dma_semaphore, #tpu.memory_space<semaphore_mem>>)
        %dma_wait3A = arith.constant 0 : i32
        %dma_wait3A_38 = tpu.memref_slice %arg12[%add3A_33, %dma_wait3A] : memref<50000x32xf32, #tpu.memory_space<vmem_shared>> -> memref<128x32xf32, #tpu.memory_space<vmem_shared>>
        %dma_wait3A_39 = arith.constant 0 : i32
        %dma_wait3A_40 = tpu.memref_slice %arg12[%add3A_33, %dma_wait3A_39] : memref<50000x32xf32, #tpu.memory_space<vmem_shared>> -> memref<128x32xf32, #tpu.memory_space<vmem_shared>>
        tpu.wait_dma2 semaphore(%run_scoped3A : memref<!tpu.dma_semaphore, #tpu.memory_space<semaphore_mem>>) src(%arg11 : memref<128x32xf32, #tpu.memory_space<vmem>>) dst(%dma_wait3A_40 : memref<128x32xf32, #tpu.memory_space<vmem_shared>>)
        tpu.yield
      }) : () -> ()
      %scan3A_34 = arith.constant 0 : i32
      scf.yield %scan3A_34 : i32
    }
    %scan3A_15 = arith.constant 24 : i32
    %add3A_16 = arith.constant 3072 : i32
    %add3A_17 = arith.addi %mul3A_8, %add3A_16 : i32
    "tpu.region"() ({
      %run_scoped3A = tpu.sem_alloc : memref<!tpu.dma_semaphore, #tpu.memory_space<semaphore_mem>>
      %dma_start3A = arith.constant 0 : i32
      %dma_start3A_29 = arith.constant 0 : i32
      %dma_start3A_30 = tpu.memref_slice %arg11[%dma_start3A, %dma_start3A_29] : memref<128x32xf32, #tpu.memory_space<vmem>> -> memref<53x32xf32, #tpu.memory_space<vmem>>
      %dma_start3A_31 = arith.constant 0 : i32
      %dma_start3A_32 = tpu.memref_slice %arg12[%add3A_17, %dma_start3A_31] : memref<50000x32xf32, #tpu.memory_space<vmem_shared>> -> memref<53x32xf32, #tpu.memory_space<vmem_shared>>
      %dma_start3A_33 = arith.constant 0 : i32
      %dma_start3A_34 = tpu.memref_slice %arg12[%add3A_17, %dma_start3A_33] : memref<50000x32xf32, #tpu.memory_space<vmem_shared>> -> memref<53x32xf32, #tpu.memory_space<vmem_shared>>
      %dma_start3A_35 = arith.constant 0 : i32
      %dma_start3A_36 = arith.constant 0 : i32
      %dma_start3A_37 = tpu.memref_slice %arg11[%dma_start3A_35, %dma_start3A_36] : memref<128x32xf32, #tpu.memory_space<vmem>> -> memref<53x32xf32, #tpu.memory_space<vmem>>
      tpu.enqueue_dma source(%dma_start3A_37 : memref<53x32xf32, #tpu.memory_space<vmem>>) target(%dma_start3A_34 : memref<53x32xf32, #tpu.memory_space<vmem_shared>>) target_semaphore(%run_scoped3A : memref<!tpu.dma_semaphore, #tpu.memory_space<semaphore_mem>>)
      %dma_wait3A = arith.constant 0 : i32
      %dma_wait3A_38 = arith.constant 0 : i32
      %dma_wait3A_39 = tpu.memref_slice %arg11[%dma_wait3A, %dma_wait3A_38] : memref<128x32xf32, #tpu.memory_space<vmem>> -> memref<53x32xf32, #tpu.memory_space<vmem>>
      %dma_wait3A_40 = arith.constant 0 : i32
      %dma_wait3A_41 = tpu.memref_slice %arg12[%add3A_17, %dma_wait3A_40] : memref<50000x32xf32, #tpu.memory_space<vmem_shared>> -> memref<53x32xf32, #tpu.memory_space<vmem_shared>>
      %dma_wait3A_42 = arith.constant 0 : i32
      %dma_wait3A_43 = tpu.memref_slice %arg12[%add3A_17, %dma_wait3A_42] : memref<50000x32xf32, #tpu.memory_space<vmem_shared>> -> memref<53x32xf32, #tpu.memory_space<vmem_shared>>
      %dma_wait3A_44 = arith.constant 0 : i32
      %dma_wait3A_45 = arith.constant 0 : i32
      %dma_wait3A_46 = tpu.memref_slice %arg11[%dma_wait3A_44, %dma_wait3A_45] : memref<128x32xf32, #tpu.memory_space<vmem>> -> memref<53x32xf32, #tpu.memory_space<vmem>>
      tpu.wait_dma2 semaphore(%run_scoped3A : memref<!tpu.dma_semaphore, #tpu.memory_space<semaphore_mem>>) src(%dma_wait3A_46 : memref<53x32xf32, #tpu.memory_space<vmem>>) dst(%dma_wait3A_43 : memref<53x32xf32, #tpu.memory_space<vmem_shared>>)
      tpu.yield
    }) : () -> ()
    %barrier3A = arith.constant 0 : index
    tpu.barrier barrier_id(%barrier3A)
    %scan3A_18 = arith.constant 0 : i32
    %scan3A_19 = arith.constant 0 : i32
    %scan3A_20 = arith.constant 100 : i32
    %scan3A_21 = arith.addi %scan3A_19, %scan3A_20 : i32
    %scan3A_22 = arith.constant 1 : i32
    %scan3A_23 = scf.for %scan3A_29 = %scan3A_19 to %scan3A_21 step %scan3A_22 iter_args(%scan3A_30 = %scan3A_18) -> (i32)  : i32 {
      %mul3A_31 = arith.constant 200 : i32
      %mul3A_32 = arith.muli %add3A, %mul3A_31 : i32
      %mul3A_33 = arith.constant 2 : i32
      %mul3A_34 = arith.muli %scan3A_29, %mul3A_33 : i32
      %add3A_35 = arith.addi %mul3A_32, %mul3A_34 : i32
      %mul3A_36 = arith.constant 128 : i32
      %mul3A_37 = arith.muli %add3A_35, %mul3A_36 : i32
      "tpu.region"() ({
        %run_scoped3A_177 = tpu.sem_alloc : memref<!tpu.dma_semaphore, #tpu.memory_space<semaphore_mem>>
        %dma_start3A_178 = arith.constant 0 : i32
        %dma_start3A_179 = tpu.memref_slice %arg4[%add3A_35, %dma_start3A_178] : memref<6400x128xi32, #tpu.memory_space<hbm>> -> memref<2x128xi32, #tpu.memory_space<hbm>>
        %dma_start3A_180 = arith.constant 0 : i32
        %dma_start3A_181 = tpu.memref_slice %arg4[%add3A_35, %dma_start3A_180] : memref<6400x128xi32, #tpu.memory_space<hbm>> -> memref<2x128xi32, #tpu.memory_space<hbm>>
        tpu.enqueue_dma source(%dma_start3A_181 : memref<2x128xi32, #tpu.memory_space<hbm>>) target(%arg7 : memref<2x128xi32, #tpu.memory_space<vmem>>) target_semaphore(%run_scoped3A_177 : memref<!tpu.dma_semaphore, #tpu.memory_space<semaphore_mem>>)
        %dma_wait3A_182 = arith.constant 0 : i32
        %dma_wait3A_183 = tpu.memref_slice %arg4[%add3A_35, %dma_wait3A_182] : memref<6400x128xi32, #tpu.memory_space<hbm>> -> memref<2x128xi32, #tpu.memory_space<hbm>>
        %dma_wait3A_184 = arith.constant 0 : i32
        %dma_wait3A_185 = tpu.memref_slice %arg4[%add3A_35, %dma_wait3A_184] : memref<6400x128xi32, #tpu.memory_space<hbm>> -> memref<2x128xi32, #tpu.memory_space<hbm>>
        tpu.wait_dma2 semaphore(%run_scoped3A_177 : memref<!tpu.dma_semaphore, #tpu.memory_space<semaphore_mem>>) src(%dma_wait3A_185 : memref<2x128xi32, #tpu.memory_space<hbm>>) dst(%arg7 : memref<2x128xi32, #tpu.memory_space<vmem>>)
        tpu.yield
      }) : () -> ()
      "tpu.region"() ({
        %run_scoped3A_177 = tpu.sem_alloc : memref<!tpu.dma_semaphore, #tpu.memory_space<semaphore_mem>>
        %dma_start3A_178 = arith.constant 0 : i32
        %dma_start3A_179 = tpu.memref_slice %arg5[%add3A_35, %dma_start3A_178] : memref<6400x128xi32, #tpu.memory_space<hbm>> -> memref<2x128xi32, #tpu.memory_space<hbm>>
        %dma_start3A_180 = arith.constant 0 : i32
        %dma_start3A_181 = tpu.memref_slice %arg5[%add3A_35, %dma_start3A_180] : memref<6400x128xi32, #tpu.memory_space<hbm>> -> memref<2x128xi32, #tpu.memory_space<hbm>>
        tpu.enqueue_dma source(%dma_start3A_181 : memref<2x128xi32, #tpu.memory_space<hbm>>) target(%arg8 : memref<2x128xi32, #tpu.memory_space<vmem>>) target_semaphore(%run_scoped3A_177 : memref<!tpu.dma_semaphore, #tpu.memory_space<semaphore_mem>>)
        %dma_wait3A_182 = arith.constant 0 : i32
        %dma_wait3A_183 = tpu.memref_slice %arg5[%add3A_35, %dma_wait3A_182] : memref<6400x128xi32, #tpu.memory_space<hbm>> -> memref<2x128xi32, #tpu.memory_space<hbm>>
        %dma_wait3A_184 = arith.constant 0 : i32
        %dma_wait3A_185 = tpu.memref_slice %arg5[%add3A_35, %dma_wait3A_184] : memref<6400x128xi32, #tpu.memory_space<hbm>> -> memref<2x128xi32, #tpu.memory_space<hbm>>
        tpu.wait_dma2 semaphore(%run_scoped3A_177 : memref<!tpu.dma_semaphore, #tpu.memory_space<semaphore_mem>>) src(%dma_wait3A_185 : memref<2x128xi32, #tpu.memory_space<hbm>>) dst(%arg8 : memref<2x128xi32, #tpu.memory_space<vmem>>)
        tpu.yield
      }) : () -> ()
      %dma_start3A = arith.constant 0 : i32
      %dma_start3A_38 = arith.constant 0 : i32
      %dma_start3A_39 = arith.constant 0 : i32
      %dma_start3A_40 = tpu.memref_slice %arg9[%dma_start3A_38, %dma_start3A_39] : memref<256x32xf32, #tpu.memory_space<vmem>> -> memref<128x32xf32, #tpu.memory_space<vmem>>
      %dma_start3A_41 = arith.constant 0 : i32
      %dma_start3A_42 = tpu.memref_slice %arg7[%dma_start3A, %dma_start3A_41] : memref<2x128xi32, #tpu.memory_space<vmem>> -> memref<1x128xi32, #tpu.memory_space<vmem>>
      %dma_start3A_43 = tpu.memref_squeeze %dma_start3A_42 : memref<1x128xi32, #tpu.memory_space<vmem>> -> memref<128xi32, #tpu.memory_space<vmem>>
      %dma_start3A_44 = arith.constant 0 : i32
      %dma_start3A_45 = arith.constant 0 : i32
      %dma_start3A_46 = tpu.memref_slice %arg2[%dma_start3A_44, %dma_start3A_45] : memref<50000x32xf32, #tpu.memory_space<hbm>> -> memref<50000x32xf32, #tpu.memory_space<hbm>>
      tpu.enqueue_indirect_dma source(%dma_start3A_46 : memref<50000x32xf32, #tpu.memory_space<hbm>>) target(%dma_start3A_40 : memref<128x32xf32, #tpu.memory_space<vmem>>) offsets(%dma_start3A_43 : memref<128xi32, #tpu.memory_space<vmem>>) semaphore(%arg13 : memref<!tpu.dma_semaphore, #tpu.memory_space<semaphore_mem>>)
      %dma_start3A_47 = arith.constant 1 : i32
      %dma_start3A_48 = arith.constant 128 : i32
      %dma_start3A_49 = arith.constant 0 : i32
      %dma_start3A_50 = tpu.memref_slice %arg9[%dma_start3A_48, %dma_start3A_49] : memref<256x32xf32, #tpu.memory_space<vmem>> -> memref<128x32xf32, #tpu.memory_space<vmem>>
      %dma_start3A_51 = arith.constant 0 : i32
      %dma_start3A_52 = tpu.memref_slice %arg7[%dma_start3A_47, %dma_start3A_51] : memref<2x128xi32, #tpu.memory_space<vmem>> -> memref<1x128xi32, #tpu.memory_space<vmem>>
      %dma_start3A_53 = tpu.memref_squeeze %dma_start3A_52 : memref<1x128xi32, #tpu.memory_space<vmem>> -> memref<128xi32, #tpu.memory_space<vmem>>
      %dma_start3A_54 = arith.constant 0 : i32
      %dma_start3A_55 = arith.constant 0 : i32
      %dma_start3A_56 = tpu.memref_slice %arg2[%dma_start3A_54, %dma_start3A_55] : memref<50000x32xf32, #tpu.memory_space<hbm>> -> memref<50000x32xf32, #tpu.memory_space<hbm>>
      tpu.enqueue_indirect_dma source(%dma_start3A_56 : memref<50000x32xf32, #tpu.memory_space<hbm>>) target(%dma_start3A_50 : memref<128x32xf32, #tpu.memory_space<vmem>>) offsets(%dma_start3A_53 : memref<128xi32, #tpu.memory_space<vmem>>) semaphore(%arg13 : memref<!tpu.dma_semaphore, #tpu.memory_space<semaphore_mem>>)
      %jit3A = arith.constant 4096 : i32
      %div3A = arith.divsi %mul3A_37, %jit3A : i32
      %sign3A = arith.constant 0 : i32
      %sign3A_57 = arith.cmpi sgt, %mul3A_37, %sign3A : i32
      %sign3A_58 = arith.extui %sign3A_57 : i1 to i32
      %sign3A_59 = arith.constant 0 : i32
      %sign3A_60 = arith.cmpi slt, %mul3A_37, %sign3A_59 : i32
      %sign3A_61 = arith.extui %sign3A_60 : i1 to i32
      %sign3A_62 = arith.subi %sign3A_58, %sign3A_61 : i32
      %sign3A_63 = arith.constant 0 : i32
      %sign3A_64 = arith.cmpi sgt, %jit3A, %sign3A_63 : i32
      %sign3A_65 = arith.extui %sign3A_64 : i1 to i32
      %sign3A_66 = arith.constant 0 : i32
      %sign3A_67 = arith.cmpi slt, %jit3A, %sign3A_66 : i32
      %sign3A_68 = arith.extui %sign3A_67 : i1 to i32
      %sign3A_69 = arith.subi %sign3A_65, %sign3A_68 : i32
      %ne3A = arith.cmpi ne, %sign3A_62, %sign3A_69 : i32
      %rem3A = arith.remsi %mul3A_37, %jit3A : i32
      %ne3A_70 = arith.constant 0 : i32
      %ne3A_71 = arith.cmpi ne, %rem3A, %ne3A_70 : i32
      %and3A = arith.andi %ne3A, %ne3A_71 : i1
      %sub3A = arith.constant 1 : i32
      %sub3A_72 = arith.subi %div3A, %sub3A : i32
      %select_n3A = arith.select %and3A, %sub3A_72, %div3A : i32
      %jit3A_73 = arith.constant 4096 : i32
      %eq3A = arith.constant 0 : i32
      %eq3A_74 = arith.cmpi eq, %jit3A_73, %eq3A : i32
      %jit3A_75 = arith.constant 1 : i32
      %select_n3A_76 = arith.select %eq3A_74, %jit3A_75, %jit3A_73 : i32
      %rem3A_77 = arith.remsi %mul3A_37, %select_n3A_76 : i32
      %ne3A_78 = arith.constant 0 : i32
      %ne3A_79 = arith.cmpi ne, %rem3A_77, %ne3A_78 : i32
      %lt3A = arith.constant 0 : i32
      %lt3A_80 = arith.cmpi slt, %rem3A_77, %lt3A : i32
      %lt3A_81 = arith.constant 0 : i32
      %lt3A_82 = arith.cmpi slt, %select_n3A_76, %lt3A_81 : i32
      %ne3A_83 = arith.xori %lt3A_80, %lt3A_82 : i1
      %and3A_84 = arith.andi %ne3A_83, %ne3A_79 : i1
      %add3A_85 = arith.addi %rem3A_77, %select_n3A_76 : i32
      %select_n3A_86 = arith.select %and3A_84, %add3A_85, %rem3A_77 : i32
      %jit3A_87 = arith.constant 1024 : i32
      %eq3A_88 = arith.constant 0 : i32
      %eq3A_89 = arith.cmpi eq, %jit3A_87, %eq3A_88 : i32
      %jit3A_90 = arith.constant 1 : i32
      %select_n3A_91 = arith.select %eq3A_89, %jit3A_90, %jit3A_87 : i32
      %rem3A_92 = arith.remsi %select_n3A_86, %select_n3A_91 : i32
      %ne3A_93 = arith.constant 0 : i32
      %ne3A_94 = arith.cmpi ne, %rem3A_92, %ne3A_93 : i32
      %lt3A_95 = arith.constant 0 : i32
      %lt3A_96 = arith.cmpi slt, %rem3A_92, %lt3A_95 : i32
      %lt3A_97 = arith.constant 0 : i32
      %lt3A_98 = arith.cmpi slt, %select_n3A_91, %lt3A_97 : i32
      %ne3A_99 = arith.xori %lt3A_96, %lt3A_98 : i1
      %and3A_100 = arith.andi %ne3A_99, %ne3A_94 : i1
      %add3A_101 = arith.addi %rem3A_92, %select_n3A_91 : i32
      %select_n3A_102 = arith.select %and3A_100, %add3A_101, %rem3A_92 : i32
      %jit3A_103 = arith.constant 4096 : i32
      %eq3A_104 = arith.constant 0 : i32
      %eq3A_105 = arith.cmpi eq, %jit3A_103, %eq3A_104 : i32
      %jit3A_106 = arith.constant 1 : i32
      %select_n3A_107 = arith.select %eq3A_105, %jit3A_106, %jit3A_103 : i32
      %rem3A_108 = arith.remsi %mul3A_37, %select_n3A_107 : i32
      %ne3A_109 = arith.constant 0 : i32
      %ne3A_110 = arith.cmpi ne, %rem3A_108, %ne3A_109 : i32
      %lt3A_111 = arith.constant 0 : i32
      %lt3A_112 = arith.cmpi slt, %rem3A_108, %lt3A_111 : i32
      %lt3A_113 = arith.constant 0 : i32
      %lt3A_114 = arith.cmpi slt, %select_n3A_107, %lt3A_113 : i32
      %ne3A_115 = arith.xori %lt3A_112, %lt3A_114 : i1
      %and3A_116 = arith.andi %ne3A_115, %ne3A_110 : i1
      %add3A_117 = arith.addi %rem3A_108, %select_n3A_107 : i32
      %select_n3A_118 = arith.select %and3A_116, %add3A_117, %rem3A_108 : i32
      %jit3A_119 = arith.constant 1024 : i32
      %div3A_120 = arith.divsi %select_n3A_118, %jit3A_119 : i32
      %sign3A_121 = arith.constant 0 : i32
      %sign3A_122 = arith.cmpi sgt, %select_n3A_118, %sign3A_121 : i32
      %sign3A_123 = arith.extui %sign3A_122 : i1 to i32
      %sign3A_124 = arith.constant 0 : i32
      %sign3A_125 = arith.cmpi slt, %select_n3A_118, %sign3A_124 : i32
      %sign3A_126 = arith.extui %sign3A_125 : i1 to i32
      %sign3A_127 = arith.subi %sign3A_123, %sign3A_126 : i32
      %sign3A_128 = arith.constant 0 : i32
      %sign3A_129 = arith.cmpi sgt, %jit3A_119, %sign3A_128 : i32
      %sign3A_130 = arith.extui %sign3A_129 : i1 to i32
      %sign3A_131 = arith.constant 0 : i32
      %sign3A_132 = arith.cmpi slt, %jit3A_119, %sign3A_131 : i32
      %sign3A_133 = arith.extui %sign3A_132 : i1 to i32
      %sign3A_134 = arith.subi %sign3A_130, %sign3A_133 : i32
      %ne3A_135 = arith.cmpi ne, %sign3A_127, %sign3A_134 : i32
      %rem3A_136 = arith.remsi %select_n3A_118, %jit3A_119 : i32
      %ne3A_137 = arith.constant 0 : i32
      %ne3A_138 = arith.cmpi ne, %rem3A_136, %ne3A_137 : i32
      %and3A_139 = arith.andi %ne3A_135, %ne3A_138 : i1
      %sub3A_140 = arith.constant 1 : i32
      %sub3A_141 = arith.subi %div3A_120, %sub3A_140 : i32
      %select_n3A_142 = arith.select %and3A_139, %sub3A_141, %div3A_120 : i32
      %mul3A_143 = arith.constant 1024 : i32
      %mul3A_144 = arith.muli %select_n3A, %mul3A_143 : i32
      %add3A_145 = arith.addi %mul3A_144, %select_n3A_102 : i32
      %mul3A_146 = arith.constant 32 : i32
      %mul3A_147 = arith.muli %select_n3A_142, %mul3A_146 : i32
      %run_scoped3A = arith.constant 2 : i32
      "tpu.region"() ({
        %run_scoped3A_177 = tpu.sem_alloc : memref<!tpu.dma_semaphore, #tpu.memory_space<semaphore_mem>>
        %dma_start3A_178 = tpu.memref_slice %arg3[%run_scoped3A, %add3A_145, %mul3A_147] : memref<3x204800x128xf32, #tpu.memory_space<hbm>> -> memref<1x256x32xf32, #tpu.memory_space<hbm>>
        %dma_start3A_179 = tpu.memref_squeeze %dma_start3A_178 : memref<1x256x32xf32, #tpu.memory_space<hbm>> -> memref<256x32xf32, #tpu.memory_space<hbm>>
        %dma_start3A_180 = tpu.memref_slice %arg3[%run_scoped3A, %add3A_145, %mul3A_147] : memref<3x204800x128xf32, #tpu.memory_space<hbm>> -> memref<1x256x32xf32, #tpu.memory_space<hbm>>
        %dma_start3A_181 = tpu.memref_squeeze %dma_start3A_180 : memref<1x256x32xf32, #tpu.memory_space<hbm>> -> memref<256x32xf32, #tpu.memory_space<hbm>>
        tpu.enqueue_dma source(%dma_start3A_181 : memref<256x32xf32, #tpu.memory_space<hbm>>) target(%arg10 : memref<256x32xf32, #tpu.memory_space<vmem>>) target_semaphore(%run_scoped3A_177 : memref<!tpu.dma_semaphore, #tpu.memory_space<semaphore_mem>>)
        %dma_wait3A_182 = tpu.memref_slice %arg3[%run_scoped3A, %add3A_145, %mul3A_147] : memref<3x204800x128xf32, #tpu.memory_space<hbm>> -> memref<1x256x32xf32, #tpu.memory_space<hbm>>
        %dma_wait3A_183 = tpu.memref_squeeze %dma_wait3A_182 : memref<1x256x32xf32, #tpu.memory_space<hbm>> -> memref<256x32xf32, #tpu.memory_space<hbm>>
        %dma_wait3A_184 = tpu.memref_slice %arg3[%run_scoped3A, %add3A_145, %mul3A_147] : memref<3x204800x128xf32, #tpu.memory_space<hbm>> -> memref<1x256x32xf32, #tpu.memory_space<hbm>>
        %dma_wait3A_185 = tpu.memref_squeeze %dma_wait3A_184 : memref<1x256x32xf32, #tpu.memory_space<hbm>> -> memref<256x32xf32, #tpu.memory_space<hbm>>
        tpu.wait_dma2 semaphore(%run_scoped3A_177 : memref<!tpu.dma_semaphore, #tpu.memory_space<semaphore_mem>>) src(%dma_wait3A_185 : memref<256x32xf32, #tpu.memory_space<hbm>>) dst(%arg10 : memref<256x32xf32, #tpu.memory_space<vmem>>)
        tpu.yield
      }) : () -> ()
      %dma_wait3A = arith.constant 0 : i32
      %dma_wait3A_148 = arith.constant 0 : i32
      %dma_wait3A_149 = arith.constant 0 : i32
      %dma_wait3A_150 = tpu.memref_slice %arg9[%dma_wait3A_148, %dma_wait3A_149] : memref<256x32xf32, #tpu.memory_space<vmem>> -> memref<128x32xf32, #tpu.memory_space<vmem>>
      %dma_wait3A_151 = arith.constant 0 : i32
      %dma_wait3A_152 = tpu.memref_slice %arg7[%dma_wait3A, %dma_wait3A_151] : memref<2x128xi32, #tpu.memory_space<vmem>> -> memref<1x128xi32, #tpu.memory_space<vmem>>
      %dma_wait3A_153 = tpu.memref_squeeze %dma_wait3A_152 : memref<1x128xi32, #tpu.memory_space<vmem>> -> memref<128xi32, #tpu.memory_space<vmem>>
      %dma_wait3A_154 = arith.constant 0 : i32
      %dma_wait3A_155 = arith.constant 0 : i32
      %dma_wait3A_156 = tpu.memref_slice %arg2[%dma_wait3A_154, %dma_wait3A_155] : memref<50000x32xf32, #tpu.memory_space<hbm>> -> memref<50000x32xf32, #tpu.memory_space<hbm>>
      tpu.wait_indirect_dma semaphore(%arg13 : memref<!tpu.dma_semaphore, #tpu.memory_space<semaphore_mem>>) src(%dma_wait3A_156 : memref<50000x32xf32, #tpu.memory_space<hbm>>) dst(%dma_wait3A_150 : memref<128x32xf32, #tpu.memory_space<vmem>>)
      %dma_wait3A_157 = arith.constant 1 : i32
      %dma_wait3A_158 = arith.constant 128 : i32
      %dma_wait3A_159 = arith.constant 0 : i32
      %dma_wait3A_160 = tpu.memref_slice %arg9[%dma_wait3A_158, %dma_wait3A_159] : memref<256x32xf32, #tpu.memory_space<vmem>> -> memref<128x32xf32, #tpu.memory_space<vmem>>
      %dma_wait3A_161 = arith.constant 0 : i32
      %dma_wait3A_162 = tpu.memref_slice %arg7[%dma_wait3A_157, %dma_wait3A_161] : memref<2x128xi32, #tpu.memory_space<vmem>> -> memref<1x128xi32, #tpu.memory_space<vmem>>
      %dma_wait3A_163 = tpu.memref_squeeze %dma_wait3A_162 : memref<1x128xi32, #tpu.memory_space<vmem>> -> memref<128xi32, #tpu.memory_space<vmem>>
      %dma_wait3A_164 = arith.constant 0 : i32
      %dma_wait3A_165 = arith.constant 0 : i32
      %dma_wait3A_166 = tpu.memref_slice %arg2[%dma_wait3A_164, %dma_wait3A_165] : memref<50000x32xf32, #tpu.memory_space<hbm>> -> memref<50000x32xf32, #tpu.memory_space<hbm>>
      tpu.wait_indirect_dma semaphore(%arg13 : memref<!tpu.dma_semaphore, #tpu.memory_space<semaphore_mem>>) src(%dma_wait3A_166 : memref<50000x32xf32, #tpu.memory_space<hbm>>) dst(%dma_wait3A_160 : memref<128x32xf32, #tpu.memory_space<vmem>>)
      %scan3A_167 = arith.constant 0 : i32
      %scan3A_168 = arith.constant 0 : i32
      %scan3A_169 = arith.constant 256 : i32
      %scan3A_170 = arith.addi %scan3A_168, %scan3A_169 : i32
      %scan3A_171 = arith.constant 8 : i32
      %scan3A_172 = scf.for %scan3A_177 = %scan3A_168 to %scan3A_170 step %scan3A_171 iter_args(%scan3A_178 = %scan3A_167) -> (i32)  : i32 {
        %get3A = arith.index_cast %scan3A_177 : i32 to index
        %get3A_179 = arith.constant 0 : index
        %get3A_180 = tpu.vector_load %arg9[%get3A, %get3A_179] {strides = array<i32>} : memref<256x32xf32, #tpu.memory_space<vmem>>, vector<1x16xf32>,
        %get3A_181 = vector.shape_cast %get3A_180 : vector<1x16xf32> to vector<16xf32>
        %get3A_182 = arith.index_cast %scan3A_177 : i32 to index
        %get3A_183 = arith.constant 0 : index
        %get3A_184 = tpu.vector_load %arg10[%get3A_182, %get3A_183] {strides = array<i32>} : memref<256x32xf32, #tpu.memory_space<vmem>>, vector<1x16xf32>,
        %get3A_185 = vector.shape_cast %get3A_184 : vector<1x16xf32> to vector<16xf32>
        %mul3A_186 = arith.mulf %get3A_181, %get3A_185 : vector<16xf32>
        %swap3A = arith.index_cast %scan3A_177 : i32 to index
        %swap3A_187 = arith.constant 0 : index
        %swap3A_188 = tpu.vector_load %arg9[%swap3A, %swap3A_187] {strides = array<i32>} : memref<256x32xf32, #tpu.memory_space<vmem>>, vector<1x16xf32>,
        %swap3A_189 = vector.shape_cast %swap3A_188 : vector<1x16xf32> to vector<16xf32>
        %swap3A_190 = vector.shape_cast %mul3A_186 : vector<16xf32> to vector<1x16xf32>
        tpu.vector_store %arg9[%swap3A, %swap3A_187], %swap3A_190 {strides = array<i32>} : memref<256x32xf32, #tpu.memory_space<vmem>>, vector<1x16xf32>,
        %get3A_191 = arith.index_cast %scan3A_177 : i32 to index
        %get3A_192 = arith.constant 16 : index
        %get3A_193 = tpu.vector_load %arg9[%get3A_191, %get3A_192] {strides = array<i32>} : memref<256x32xf32, #tpu.memory_space<vmem>>, vector<1x16xf32>,
        %get3A_194 = vector.shape_cast %get3A_193 : vector<1x16xf32> to vector<16xf32>
        %get3A_195 = arith.index_cast %scan3A_177 : i32 to index
        %get3A_196 = arith.constant 16 : index
        %get3A_197 = tpu.vector_load %arg10[%get3A_195, %get3A_196] {strides = array<i32>} : memref<256x32xf32, #tpu.memory_space<vmem>>, vector<1x16xf32>,
        %get3A_198 = vector.shape_cast %get3A_197 : vector<1x16xf32> to vector<16xf32>
        %mul3A_199 = arith.mulf %get3A_194, %get3A_198 : vector<16xf32>
        %swap3A_200 = arith.index_cast %scan3A_177 : i32 to index
        %swap3A_201 = arith.constant 16 : index
        %swap3A_202 = tpu.vector_load %arg9[%swap3A_200, %swap3A_201] {strides = array<i32>} : memref<256x32xf32, #tpu.memory_space<vmem>>, vector<1x16xf32>,
        %swap3A_203 = vector.shape_cast %swap3A_202 : vector<1x16xf32> to vector<16xf32>
        %swap3A_204 = vector.shape_cast %mul3A_199 : vector<16xf32> to vector<1x16xf32>
        tpu.vector_store %arg9[%swap3A_200, %swap3A_201], %swap3A_204 {strides = array<i32>} : memref<256x32xf32, #tpu.memory_space<vmem>>, vector<1x16xf32>,
        %scan3A_205 = arith.constant 0 : i32
        %scan3A_206 = arith.constant 1 : i32
        %scan3A_207 = arith.addi %scan3A_177, %scan3A_206 : i32
        %get3A_208 = arith.index_cast %scan3A_207 : i32 to index
        %get3A_209 = arith.constant 0 : index
        %get3A_210 = tpu.vector_load %arg9[%get3A_208, %get3A_209] {strides = array<i32>} : memref<256x32xf32, #tpu.memory_space<vmem>>, vector<1x16xf32>,
        %get3A_211 = vector.shape_cast %get3A_210 : vector<1x16xf32> to vector<16xf32>
        %get3A_212 = arith.index_cast %scan3A_207 : i32 to index
        %get3A_213 = arith.constant 0 : index
        %get3A_214 = tpu.vector_load %arg10[%get3A_212, %get3A_213] {strides = array<i32>} : memref<256x32xf32, #tpu.memory_space<vmem>>, vector<1x16xf32>,
        %get3A_215 = vector.shape_cast %get3A_214 : vector<1x16xf32> to vector<16xf32>
        %mul3A_216 = arith.mulf %get3A_211, %get3A_215 : vector<16xf32>
        %swap3A_217 = arith.index_cast %scan3A_207 : i32 to index
        %swap3A_218 = arith.constant 0 : index
        %swap3A_219 = tpu.vector_load %arg9[%swap3A_217, %swap3A_218] {strides = array<i32>} : memref<256x32xf32, #tpu.memory_space<vmem>>, vector<1x16xf32>,
        %swap3A_220 = vector.shape_cast %swap3A_219 : vector<1x16xf32> to vector<16xf32>
        %swap3A_221 = vector.shape_cast %mul3A_216 : vector<16xf32> to vector<1x16xf32>
        tpu.vector_store %arg9[%swap3A_217, %swap3A_218], %swap3A_221 {strides = array<i32>} : memref<256x32xf32, #tpu.memory_space<vmem>>, vector<1x16xf32>,
        %get3A_222 = arith.index_cast %scan3A_207 : i32 to index
        %get3A_223 = arith.constant 16 : index
        %get3A_224 = tpu.vector_load %arg9[%get3A_222, %get3A_223] {strides = array<i32>} : memref<256x32xf32, #tpu.memory_space<vmem>>, vector<1x16xf32>,
        %get3A_225 = vector.shape_cast %get3A_224 : vector<1x16xf32> to vector<16xf32>
        %get3A_226 = arith.index_cast %scan3A_207 : i32 to index
        %get3A_227 = arith.constant 16 : index
        %get3A_228 = tpu.vector_load %arg10[%get3A_226, %get3A_227] {strides = array<i32>} : memref<256x32xf32, #tpu.memory_space<vmem>>, vector<1x16xf32>,
        %get3A_229 = vector.shape_cast %get3A_228 : vector<1x16xf32> to vector<16xf32>
        %mul3A_230 = arith.mulf %get3A_225, %get3A_229 : vector<16xf32>
        %swap3A_231 = arith.index_cast %scan3A_207 : i32 to index
        %swap3A_232 = arith.constant 16 : index
        %swap3A_233 = tpu.vector_load %arg9[%swap3A_231, %swap3A_232] {strides = array<i32>} : memref<256x32xf32, #tpu.memory_space<vmem>>, vector<1x16xf32>,
        %swap3A_234 = vector.shape_cast %swap3A_233 : vector<1x16xf32> to vector<16xf32>
        %swap3A_235 = vector.shape_cast %mul3A_230 : vector<16xf32> to vector<1x16xf32>
        tpu.vector_store %arg9[%swap3A_231, %swap3A_232], %swap3A_235 {strides = array<i32>} : memref<256x32xf32, #tpu.memory_space<vmem>>, vector<1x16xf32>,
        %scan3A_236 = arith.constant 0 : i32
        %scan3A_237 = arith.constant 2 : i32
        %scan3A_238 = arith.addi %scan3A_177, %scan3A_237 : i32
        %get3A_239 = arith.index_cast %scan3A_238 : i32 to index
        %get3A_240 = arith.constant 0 : index
        %get3A_241 = tpu.vector_load %arg9[%get3A_239, %get3A_240] {strides = array<i32>} : memref<256x32xf32, #tpu.memory_space<vmem>>, vector<1x16xf32>,
        %get3A_242 = vector.shape_cast %get3A_241 : vector<1x16xf32> to vector<16xf32>
        %get3A_243 = arith.index_cast %scan3A_238 : i32 to index
        %get3A_244 = arith.constant 0 : index
        %get3A_245 = tpu.vector_load %arg10[%get3A_243, %get3A_244] {strides = array<i32>} : memref<256x32xf32, #tpu.memory_space<vmem>>, vector<1x16xf32>,
        %get3A_246 = vector.shape_cast %get3A_245 : vector<1x16xf32> to vector<16xf32>
        %mul3A_247 = arith.mulf %get3A_242, %get3A_246 : vector<16xf32>
        %swap3A_248 = arith.index_cast %scan3A_238 : i32 to index
        %swap3A_249 = arith.constant 0 : index
        %swap3A_250 = tpu.vector_load %arg9[%swap3A_248, %swap3A_249] {strides = array<i32>} : memref<256x32xf32, #tpu.memory_space<vmem>>, vector<1x16xf32>,
        %swap3A_251 = vector.shape_cast %swap3A_250 : vector<1x16xf32> to vector<16xf32>
        %swap3A_252 = vector.shape_cast %mul3A_247 : vector<16xf32> to vector<1x16xf32>
        tpu.vector_store %arg9[%swap3A_248, %swap3A_249], %swap3A_252 {strides = array<i32>} : memref<256x32xf32, #tpu.memory_space<vmem>>, vector<1x16xf32>,
        %get3A_253 = arith.index_cast %scan3A_238 : i32 to index
        %get3A_254 = arith.constant 16 : index
        %get3A_255 = tpu.vector_load %arg9[%get3A_253, %get3A_254] {strides = array<i32>} : memref<256x32xf32, #tpu.memory_space<vmem>>, vector<1x16xf32>,
        %get3A_256 = vector.shape_cast %get3A_255 : vector<1x16xf32> to vector<16xf32>
        %get3A_257 = arith.index_cast %scan3A_238 : i32 to index
        %get3A_258 = arith.constant 16 : index
        %get3A_259 = tpu.vector_load %arg10[%get3A_257, %get3A_258] {strides = array<i32>} : memref<256x32xf32, #tpu.memory_space<vmem>>, vector<1x16xf32>,
        %get3A_260 = vector.shape_cast %get3A_259 : vector<1x16xf32> to vector<16xf32>
        %mul3A_261 = arith.mulf %get3A_256, %get3A_260 : vector<16xf32>
        %swap3A_262 = arith.index_cast %scan3A_238 : i32 to index
        %swap3A_263 = arith.constant 16 : index
        %swap3A_264 = tpu.vector_load %arg9[%swap3A_262, %swap3A_263] {strides = array<i32>} : memref<256x32xf32, #tpu.memory_space<vmem>>, vector<1x16xf32>,
        %swap3A_265 = vector.shape_cast %swap3A_264 : vector<1x16xf32> to vector<16xf32>
        %swap3A_266 = vector.shape_cast %mul3A_261 : vector<16xf32> to vector<1x16xf32>
        tpu.vector_store %arg9[%swap3A_262, %swap3A_263], %swap3A_266 {strides = array<i32>} : memref<256x32xf32, #tpu.memory_space<vmem>>, vector<1x16xf32>,
        %scan3A_267 = arith.constant 0 : i32
        %scan3A_268 = arith.constant 3 : i32
        %scan3A_269 = arith.addi %scan3A_177, %scan3A_268 : i32
        %get3A_270 = arith.index_cast %scan3A_269 : i32 to index
        %get3A_271 = arith.constant 0 : index
        %get3A_272 = tpu.vector_load %arg9[%get3A_270, %get3A_271] {strides = array<i32>} : memref<256x32xf32, #tpu.memory_space<vmem>>, vector<1x16xf32>,
        %get3A_273 = vector.shape_cast %get3A_272 : vector<1x16xf32> to vector<16xf32>
        %get3A_274 = arith.index_cast %scan3A_269 : i32 to index
        %get3A_275 = arith.constant 0 : index
        %get3A_276 = tpu.vector_load %arg10[%get3A_274, %get3A_275] {strides = array<i32>} : memref<256x32xf32, #tpu.memory_space<vmem>>, vector<1x16xf32>,
        %get3A_277 = vector.shape_cast %get3A_276 : vector<1x16xf32> to vector<16xf32>
        %mul3A_278 = arith.mulf %get3A_273, %get3A_277 : vector<16xf32>
        %swap3A_279 = arith.index_cast %scan3A_269 : i32 to index
        %swap3A_280 = arith.constant 0 : index
        %swap3A_281 = tpu.vector_load %arg9[%swap3A_279, %swap3A_280] {strides = array<i32>} : memref<256x32xf32, #tpu.memory_space<vmem>>, vector<1x16xf32>,
        %swap3A_282 = vector.shape_cast %swap3A_281 : vector<1x16xf32> to vector<16xf32>
        %swap3A_283 = vector.shape_cast %mul3A_278 : vector<16xf32> to vector<1x16xf32>
        tpu.vector_store %arg9[%swap3A_279, %swap3A_280], %swap3A_283 {strides = array<i32>} : memref<256x32xf32, #tpu.memory_space<vmem>>, vector<1x16xf32>,
        %get3A_284 = arith.index_cast %scan3A_269 : i32 to index
        %get3A_285 = arith.constant 16 : index
        %get3A_286 = tpu.vector_load %arg9[%get3A_284, %get3A_285] {strides = array<i32>} : memref<256x32xf32, #tpu.memory_space<vmem>>, vector<1x16xf32>,
        %get3A_287 = vector.shape_cast %get3A_286 : vector<1x16xf32> to vector<16xf32>
        %get3A_288 = arith.index_cast %scan3A_269 : i32 to index
        %get3A_289 = arith.constant 16 : index
        %get3A_290 = tpu.vector_load %arg10[%get3A_288, %get3A_289] {strides = array<i32>} : memref<256x32xf32, #tpu.memory_space<vmem>>, vector<1x16xf32>,
        %get3A_291 = vector.shape_cast %get3A_290 : vector<1x16xf32> to vector<16xf32>
        %mul3A_292 = arith.mulf %get3A_287, %get3A_291 : vector<16xf32>
        %swap3A_293 = arith.index_cast %scan3A_269 : i32 to index
        %swap3A_294 = arith.constant 16 : index
        %swap3A_295 = tpu.vector_load %arg9[%swap3A_293, %swap3A_294] {strides = array<i32>} : memref<256x32xf32, #tpu.memory_space<vmem>>, vector<1x16xf32>,
        %swap3A_296 = vector.shape_cast %swap3A_295 : vector<1x16xf32> to vector<16xf32>
        %swap3A_297 = vector.shape_cast %mul3A_292 : vector<16xf32> to vector<1x16xf32>
        tpu.vector_store %arg9[%swap3A_293, %swap3A_294], %swap3A_297 {strides = array<i32>} : memref<256x32xf32, #tpu.memory_space<vmem>>, vector<1x16xf32>,
        %scan3A_298 = arith.constant 0 : i32
        %scan3A_299 = arith.constant 4 : i32
        %scan3A_300 = arith.addi %scan3A_177, %scan3A_299 : i32
        %get3A_301 = arith.index_cast %scan3A_300 : i32 to index
        %get3A_302 = arith.constant 0 : index
        %get3A_303 = tpu.vector_load %arg9[%get3A_301, %get3A_302] {strides = array<i32>} : memref<256x32xf32, #tpu.memory_space<vmem>>, vector<1x16xf32>,
        %get3A_304 = vector.shape_cast %get3A_303 : vector<1x16xf32> to vector<16xf32>
        %get3A_305 = arith.index_cast %scan3A_300 : i32 to index
        %get3A_306 = arith.constant 0 : index
        %get3A_307 = tpu.vector_load %arg10[%get3A_305, %get3A_306] {strides = array<i32>} : memref<256x32xf32, #tpu.memory_space<vmem>>, vector<1x16xf32>,
        %get3A_308 = vector.shape_cast %get3A_307 : vector<1x16xf32> to vector<16xf32>
        %mul3A_309 = arith.mulf %get3A_304, %get3A_308 : vector<16xf32>
        %swap3A_310 = arith.index_cast %scan3A_300 : i32 to index
        %swap3A_311 = arith.constant 0 : index
        %swap3A_312 = tpu.vector_load %arg9[%swap3A_310, %swap3A_311] {strides = array<i32>} : memref<256x32xf32, #tpu.memory_space<vmem>>, vector<1x16xf32>,
        %swap3A_313 = vector.shape_cast %swap3A_312 : vector<1x16xf32> to vector<16xf32>
        %swap3A_314 = vector.shape_cast %mul3A_309 : vector<16xf32> to vector<1x16xf32>
        tpu.vector_store %arg9[%swap3A_310, %swap3A_311], %swap3A_314 {strides = array<i32>} : memref<256x32xf32, #tpu.memory_space<vmem>>, vector<1x16xf32>,
        %get3A_315 = arith.index_cast %scan3A_300 : i32 to index
        %get3A_316 = arith.constant 16 : index
        %get3A_317 = tpu.vector_load %arg9[%get3A_315, %get3A_316] {strides = array<i32>} : memref<256x32xf32, #tpu.memory_space<vmem>>, vector<1x16xf32>,
        %get3A_318 = vector.shape_cast %get3A_317 : vector<1x16xf32> to vector<16xf32>
        %get3A_319 = arith.index_cast %scan3A_300 : i32 to index
        %get3A_320 = arith.constant 16 : index
        %get3A_321 = tpu.vector_load %arg10[%get3A_319, %get3A_320] {strides = array<i32>} : memref<256x32xf32, #tpu.memory_space<vmem>>, vector<1x16xf32>,
        %get3A_322 = vector.shape_cast %get3A_321 : vector<1x16xf32> to vector<16xf32>
        %mul3A_323 = arith.mulf %get3A_318, %get3A_322 : vector<16xf32>
        %swap3A_324 = arith.index_cast %scan3A_300 : i32 to index
        %swap3A_325 = arith.constant 16 : index
        %swap3A_326 = tpu.vector_load %arg9[%swap3A_324, %swap3A_325] {strides = array<i32>} : memref<256x32xf32, #tpu.memory_space<vmem>>, vector<1x16xf32>,
        %swap3A_327 = vector.shape_cast %swap3A_326 : vector<1x16xf32> to vector<16xf32>
        %swap3A_328 = vector.shape_cast %mul3A_323 : vector<16xf32> to vector<1x16xf32>
        tpu.vector_store %arg9[%swap3A_324, %swap3A_325], %swap3A_328 {strides = array<i32>} : memref<256x32xf32, #tpu.memory_space<vmem>>, vector<1x16xf32>,
        %scan3A_329 = arith.constant 0 : i32
        %scan3A_330 = arith.constant 5 : i32
        %scan3A_331 = arith.addi %scan3A_177, %scan3A_330 : i32
        %get3A_332 = arith.index_cast %scan3A_331 : i32 to index
        %get3A_333 = arith.constant 0 : index
        %get3A_334 = tpu.vector_load %arg9[%get3A_332, %get3A_333] {strides = array<i32>} : memref<256x32xf32, #tpu.memory_space<vmem>>, vector<1x16xf32>,
        %get3A_335 = vector.shape_cast %get3A_334 : vector<1x16xf32> to vector<16xf32>
        %get3A_336 = arith.index_cast %scan3A_331 : i32 to index
        %get3A_337 = arith.constant 0 : index
        %get3A_338 = tpu.vector_load %arg10[%get3A_336, %get3A_337] {strides = array<i32>} : memref<256x32xf32, #tpu.memory_space<vmem>>, vector<1x16xf32>,
        %get3A_339 = vector.shape_cast %get3A_338 : vector<1x16xf32> to vector<16xf32>
        %mul3A_340 = arith.mulf %get3A_335, %get3A_339 : vector<16xf32>
        %swap3A_341 = arith.index_cast %scan3A_331 : i32 to index
        %swap3A_342 = arith.constant 0 : index
        %swap3A_343 = tpu.vector_load %arg9[%swap3A_341, %swap3A_342] {strides = array<i32>} : memref<256x32xf32, #tpu.memory_space<vmem>>, vector<1x16xf32>,
        %swap3A_344 = vector.shape_cast %swap3A_343 : vector<1x16xf32> to vector<16xf32>
        %swap3A_345 = vector.shape_cast %mul3A_340 : vector<16xf32> to vector<1x16xf32>
        tpu.vector_store %arg9[%swap3A_341, %swap3A_342], %swap3A_345 {strides = array<i32>} : memref<256x32xf32, #tpu.memory_space<vmem>>, vector<1x16xf32>,
        %get3A_346 = arith.index_cast %scan3A_331 : i32 to index
        %get3A_347 = arith.constant 16 : index
        %get3A_348 = tpu.vector_load %arg9[%get3A_346, %get3A_347] {strides = array<i32>} : memref<256x32xf32, #tpu.memory_space<vmem>>, vector<1x16xf32>,
        %get3A_349 = vector.shape_cast %get3A_348 : vector<1x16xf32> to vector<16xf32>
        %get3A_350 = arith.index_cast %scan3A_331 : i32 to index
        %get3A_351 = arith.constant 16 : index
        %get3A_352 = tpu.vector_load %arg10[%get3A_350, %get3A_351] {strides = array<i32>} : memref<256x32xf32, #tpu.memory_space<vmem>>, vector<1x16xf32>,
        %get3A_353 = vector.shape_cast %get3A_352 : vector<1x16xf32> to vector<16xf32>
        %mul3A_354 = arith.mulf %get3A_349, %get3A_353 : vector<16xf32>
        %swap3A_355 = arith.index_cast %scan3A_331 : i32 to index
        %swap3A_356 = arith.constant 16 : index
        %swap3A_357 = tpu.vector_load %arg9[%swap3A_355, %swap3A_356] {strides = array<i32>} : memref<256x32xf32, #tpu.memory_space<vmem>>, vector<1x16xf32>,
        %swap3A_358 = vector.shape_cast %swap3A_357 : vector<1x16xf32> to vector<16xf32>
        %swap3A_359 = vector.shape_cast %mul3A_354 : vector<16xf32> to vector<1x16xf32>
        tpu.vector_store %arg9[%swap3A_355, %swap3A_356], %swap3A_359 {strides = array<i32>} : memref<256x32xf32, #tpu.memory_space<vmem>>, vector<1x16xf32>,
        %scan3A_360 = arith.constant 0 : i32
        %scan3A_361 = arith.constant 6 : i32
        %scan3A_362 = arith.addi %scan3A_177, %scan3A_361 : i32
        %get3A_363 = arith.index_cast %scan3A_362 : i32 to index
        %get3A_364 = arith.constant 0 : index
        %get3A_365 = tpu.vector_load %arg9[%get3A_363, %get3A_364] {strides = array<i32>} : memref<256x32xf32, #tpu.memory_space<vmem>>, vector<1x16xf32>,
        %get3A_366 = vector.shape_cast %get3A_365 : vector<1x16xf32> to vector<16xf32>
        %get3A_367 = arith.index_cast %scan3A_362 : i32 to index
        %get3A_368 = arith.constant 0 : index
        %get3A_369 = tpu.vector_load %arg10[%get3A_367, %get3A_368] {strides = array<i32>} : memref<256x32xf32, #tpu.memory_space<vmem>>, vector<1x16xf32>,
        %get3A_370 = vector.shape_cast %get3A_369 : vector<1x16xf32> to vector<16xf32>
        %mul3A_371 = arith.mulf %get3A_366, %get3A_370 : vector<16xf32>
        %swap3A_372 = arith.index_cast %scan3A_362 : i32 to index
        %swap3A_373 = arith.constant 0 : index
        %swap3A_374 = tpu.vector_load %arg9[%swap3A_372, %swap3A_373] {strides = array<i32>} : memref<256x32xf32, #tpu.memory_space<vmem>>, vector<1x16xf32>,
        %swap3A_375 = vector.shape_cast %swap3A_374 : vector<1x16xf32> to vector<16xf32>
        %swap3A_376 = vector.shape_cast %mul3A_371 : vector<16xf32> to vector<1x16xf32>
        tpu.vector_store %arg9[%swap3A_372, %swap3A_373], %swap3A_376 {strides = array<i32>} : memref<256x32xf32, #tpu.memory_space<vmem>>, vector<1x16xf32>,
        %get3A_377 = arith.index_cast %scan3A_362 : i32 to index
        %get3A_378 = arith.constant 16 : index
        %get3A_379 = tpu.vector_load %arg9[%get3A_377, %get3A_378] {strides = array<i32>} : memref<256x32xf32, #tpu.memory_space<vmem>>, vector<1x16xf32>,
        %get3A_380 = vector.shape_cast %get3A_379 : vector<1x16xf32> to vector<16xf32>
        %get3A_381 = arith.index_cast %scan3A_362 : i32 to index
        %get3A_382 = arith.constant 16 : index
        %get3A_383 = tpu.vector_load %arg10[%get3A_381, %get3A_382] {strides = array<i32>} : memref<256x32xf32, #tpu.memory_space<vmem>>, vector<1x16xf32>,
        %get3A_384 = vector.shape_cast %get3A_383 : vector<1x16xf32> to vector<16xf32>
        %mul3A_385 = arith.mulf %get3A_380, %get3A_384 : vector<16xf32>
        %swap3A_386 = arith.index_cast %scan3A_362 : i32 to index
        %swap3A_387 = arith.constant 16 : index
        %swap3A_388 = tpu.vector_load %arg9[%swap3A_386, %swap3A_387] {strides = array<i32>} : memref<256x32xf32, #tpu.memory_space<vmem>>, vector<1x16xf32>,
        %swap3A_389 = vector.shape_cast %swap3A_388 : vector<1x16xf32> to vector<16xf32>
        %swap3A_390 = vector.shape_cast %mul3A_385 : vector<16xf32> to vector<1x16xf32>
        tpu.vector_store %arg9[%swap3A_386, %swap3A_387], %swap3A_390 {strides = array<i32>} : memref<256x32xf32, #tpu.memory_space<vmem>>, vector<1x16xf32>,
        %scan3A_391 = arith.constant 0 : i32
        %scan3A_392 = arith.constant 7 : i32
        %scan3A_393 = arith.addi %scan3A_177, %scan3A_392 : i32
        %get3A_394 = arith.index_cast %scan3A_393 : i32 to index
        %get3A_395 = arith.constant 0 : index
        %get3A_396 = tpu.vector_load %arg9[%get3A_394, %get3A_395] {strides = array<i32>} : memref<256x32xf32, #tpu.memory_space<vmem>>, vector<1x16xf32>,
        %get3A_397 = vector.shape_cast %get3A_396 : vector<1x16xf32> to vector<16xf32>
        %get3A_398 = arith.index_cast %scan3A_393 : i32 to index
        %get3A_399 = arith.constant 0 : index
        %get3A_400 = tpu.vector_load %arg10[%get3A_398, %get3A_399] {strides = array<i32>} : memref<256x32xf32, #tpu.memory_space<vmem>>, vector<1x16xf32>,
        %get3A_401 = vector.shape_cast %get3A_400 : vector<1x16xf32> to vector<16xf32>
        %mul3A_402 = arith.mulf %get3A_397, %get3A_401 : vector<16xf32>
        %swap3A_403 = arith.index_cast %scan3A_393 : i32 to index
        %swap3A_404 = arith.constant 0 : index
        %swap3A_405 = tpu.vector_load %arg9[%swap3A_403, %swap3A_404] {strides = array<i32>} : memref<256x32xf32, #tpu.memory_space<vmem>>, vector<1x16xf32>,
        %swap3A_406 = vector.shape_cast %swap3A_405 : vector<1x16xf32> to vector<16xf32>
        %swap3A_407 = vector.shape_cast %mul3A_402 : vector<16xf32> to vector<1x16xf32>
        tpu.vector_store %arg9[%swap3A_403, %swap3A_404], %swap3A_407 {strides = array<i32>} : memref<256x32xf32, #tpu.memory_space<vmem>>, vector<1x16xf32>,
        %get3A_408 = arith.index_cast %scan3A_393 : i32 to index
        %get3A_409 = arith.constant 16 : index
        %get3A_410 = tpu.vector_load %arg9[%get3A_408, %get3A_409] {strides = array<i32>} : memref<256x32xf32, #tpu.memory_space<vmem>>, vector<1x16xf32>,
        %get3A_411 = vector.shape_cast %get3A_410 : vector<1x16xf32> to vector<16xf32>
        %get3A_412 = arith.index_cast %scan3A_393 : i32 to index
        %get3A_413 = arith.constant 16 : index
        %get3A_414 = tpu.vector_load %arg10[%get3A_412, %get3A_413] {strides = array<i32>} : memref<256x32xf32, #tpu.memory_space<vmem>>, vector<1x16xf32>,
        %get3A_415 = vector.shape_cast %get3A_414 : vector<1x16xf32> to vector<16xf32>
        %mul3A_416 = arith.mulf %get3A_411, %get3A_415 : vector<16xf32>
        %swap3A_417 = arith.index_cast %scan3A_393 : i32 to index
        %swap3A_418 = arith.constant 16 : index
        %swap3A_419 = tpu.vector_load %arg9[%swap3A_417, %swap3A_418] {strides = array<i32>} : memref<256x32xf32, #tpu.memory_space<vmem>>, vector<1x16xf32>,
        %swap3A_420 = vector.shape_cast %swap3A_419 : vector<1x16xf32> to vector<16xf32>
        %swap3A_421 = vector.shape_cast %mul3A_416 : vector<16xf32> to vector<1x16xf32>
        tpu.vector_store %arg9[%swap3A_417, %swap3A_418], %swap3A_421 {strides = array<i32>} : memref<256x32xf32, #tpu.memory_space<vmem>>, vector<1x16xf32>,
        %scan3A_422 = arith.constant 0 : i32
        scf.yield %scan3A_422 : i32
      }
      %scan3A_173 = arith.constant 256 : i32
      %run_scoped3A_174 = arith.constant 0 : i32
      "tpu.region"() ({
        %run_scoped3A_177 = tpu.sem_alloc : memref<!tpu.dma_semaphore, #tpu.memory_space<semaphore_mem>>
        %dma_start3A_178 = arith.constant 0 : i32
        %dma_start3A_179 = arith.constant 0 : i32
        %dma_start3A_180 = tpu.memref_slice %arg9[%dma_start3A_178, %dma_start3A_179] : memref<256x32xf32, #tpu.memory_space<vmem>> -> memref<128x32xf32, #tpu.memory_space<vmem>>
        %dma_start3A_181 = arith.constant 0 : i32
        %dma_start3A_182 = tpu.memref_slice %arg8[%run_scoped3A_174, %dma_start3A_181] : memref<2x128xi32, #tpu.memory_space<vmem>> -> memref<1x128xi32, #tpu.memory_space<vmem>>
        %dma_start3A_183 = tpu.memref_squeeze %dma_start3A_182 : memref<1x128xi32, #tpu.memory_space<vmem>> -> memref<128xi32, #tpu.memory_space<vmem>>
        %dma_start3A_184 = arith.constant 0 : i32
        %dma_start3A_185 = arith.constant 0 : i32
        %dma_start3A_186 = tpu.memref_slice %arg12[%dma_start3A_184, %dma_start3A_185] : memref<50000x32xf32, #tpu.memory_space<vmem_shared>> -> memref<50000x32xf32, #tpu.memory_space<vmem_shared>>
        tpu.enqueue_indirect_dma source(%dma_start3A_180 : memref<128x32xf32, #tpu.memory_space<vmem>>) target(%dma_start3A_186 : memref<50000x32xf32, #tpu.memory_space<vmem_shared>>) offsets(%dma_start3A_183 : memref<128xi32, #tpu.memory_space<vmem>>) semaphore(%run_scoped3A_177 : memref<!tpu.dma_semaphore, #tpu.memory_space<semaphore_mem>>) {add = true}
        %dma_wait3A_187 = arith.constant 0 : i32
        %dma_wait3A_188 = arith.constant 0 : i32
        %dma_wait3A_189 = tpu.memref_slice %arg9[%dma_wait3A_187, %dma_wait3A_188] : memref<256x32xf32, #tpu.memory_space<vmem>> -> memref<128x32xf32, #tpu.memory_space<vmem>>
        %dma_wait3A_190 = arith.constant 0 : i32
        %dma_wait3A_191 = tpu.memref_slice %arg8[%run_scoped3A_174, %dma_wait3A_190] : memref<2x128xi32, #tpu.memory_space<vmem>> -> memref<1x128xi32, #tpu.memory_space<vmem>>
        %dma_wait3A_192 = tpu.memref_squeeze %dma_wait3A_191 : memref<1x128xi32, #tpu.memory_space<vmem>> -> memref<128xi32, #tpu.memory_space<vmem>>
        %dma_wait3A_193 = arith.constant 0 : i32
        %dma_wait3A_194 = arith.constant 0 : i32
        %dma_wait3A_195 = tpu.memref_slice %arg12[%dma_wait3A_193, %dma_wait3A_194] : memref<50000x32xf32, #tpu.memory_space<vmem_shared>> -> memref<50000x32xf32, #tpu.memory_space<vmem_shared>>
        tpu.wait_indirect_dma semaphore(%run_scoped3A_177 : memref<!tpu.dma_semaphore, #tpu.memory_space<semaphore_mem>>) src(%dma_wait3A_189 : memref<128x32xf32, #tpu.memory_space<vmem>>) dst(%dma_wait3A_195 : memref<50000x32xf32, #tpu.memory_space<vmem_shared>>)
        tpu.yield
      }) : () -> ()
      %run_scoped3A_175 = arith.constant 1 : i32
      "tpu.region"() ({
        %run_scoped3A_177 = tpu.sem_alloc : memref<!tpu.dma_semaphore, #tpu.memory_space<semaphore_mem>>
        %dma_start3A_178 = arith.constant 128 : i32
        %dma_start3A_179 = arith.constant 0 : i32
        %dma_start3A_180 = tpu.memref_slice %arg9[%dma_start3A_178, %dma_start3A_179] : memref<256x32xf32, #tpu.memory_space<vmem>> -> memref<128x32xf32, #tpu.memory_space<vmem>>
        %dma_start3A_181 = arith.constant 0 : i32
        %dma_start3A_182 = tpu.memref_slice %arg8[%run_scoped3A_175, %dma_start3A_181] : memref<2x128xi32, #tpu.memory_space<vmem>> -> memref<1x128xi32, #tpu.memory_space<vmem>>
        %dma_start3A_183 = tpu.memref_squeeze %dma_start3A_182 : memref<1x128xi32, #tpu.memory_space<vmem>> -> memref<128xi32, #tpu.memory_space<vmem>>
        %dma_start3A_184 = arith.constant 0 : i32
        %dma_start3A_185 = arith.constant 0 : i32
        %dma_start3A_186 = tpu.memref_slice %arg12[%dma_start3A_184, %dma_start3A_185] : memref<50000x32xf32, #tpu.memory_space<vmem_shared>> -> memref<50000x32xf32, #tpu.memory_space<vmem_shared>>
        tpu.enqueue_indirect_dma source(%dma_start3A_180 : memref<128x32xf32, #tpu.memory_space<vmem>>) target(%dma_start3A_186 : memref<50000x32xf32, #tpu.memory_space<vmem_shared>>) offsets(%dma_start3A_183 : memref<128xi32, #tpu.memory_space<vmem>>) semaphore(%run_scoped3A_177 : memref<!tpu.dma_semaphore, #tpu.memory_space<semaphore_mem>>) {add = true}
        %dma_wait3A_187 = arith.constant 128 : i32
        %dma_wait3A_188 = arith.constant 0 : i32
        %dma_wait3A_189 = tpu.memref_slice %arg9[%dma_wait3A_187, %dma_wait3A_188] : memref<256x32xf32, #tpu.memory_space<vmem>> -> memref<128x32xf32, #tpu.memory_space<vmem>>
        %dma_wait3A_190 = arith.constant 0 : i32
        %dma_wait3A_191 = tpu.memref_slice %arg8[%run_scoped3A_175, %dma_wait3A_190] : memref<2x128xi32, #tpu.memory_space<vmem>> -> memref<1x128xi32, #tpu.memory_space<vmem>>
        %dma_wait3A_192 = tpu.memref_squeeze %dma_wait3A_191 : memref<1x128xi32, #tpu.memory_space<vmem>> -> memref<128xi32, #tpu.memory_space<vmem>>
        %dma_wait3A_193 = arith.constant 0 : i32
        %dma_wait3A_194 = arith.constant 0 : i32
        %dma_wait3A_195 = tpu.memref_slice %arg12[%dma_wait3A_193, %dma_wait3A_194] : memref<50000x32xf32, #tpu.memory_space<vmem_shared>> -> memref<50000x32xf32, #tpu.memory_space<vmem_shared>>
        tpu.wait_indirect_dma semaphore(%run_scoped3A_177 : memref<!tpu.dma_semaphore, #tpu.memory_space<semaphore_mem>>) src(%dma_wait3A_189 : memref<128x32xf32, #tpu.memory_space<vmem>>) dst(%dma_wait3A_195 : memref<50000x32xf32, #tpu.memory_space<vmem_shared>>)
        tpu.yield
      }) : () -> ()
      %scan3A_176 = arith.constant 0 : i32
      scf.yield %scan3A_176 : i32
    }
    %scan3A_24 = arith.constant 100 : i32
    %barrier3A_25 = arith.constant 0 : index
    tpu.barrier barrier_id(%barrier3A_25)
    %mul3A_26 = arith.constant 50000 : i32
    %mul3A_27 = arith.muli %arg0, %mul3A_26 : i32
    %add3A_28 = arith.addi %mul3A_27, %mul3A_8 : i32
    "tpu.region"() ({
      %run_scoped3A = tpu.sem_alloc : memref<!tpu.dma_semaphore, #tpu.memory_space<semaphore_mem>>
      %dma_start3A = arith.constant 0 : i32
      %dma_start3A_29 = tpu.memref_slice %arg6[%add3A_28, %dma_start3A] : memref<100000x32xf32, #tpu.memory_space<hbm>> -> memref<3125x32xf32, #tpu.memory_space<hbm>>
      %dma_start3A_30 = arith.constant 0 : i32
      %dma_start3A_31 = tpu.memref_slice %arg12[%mul3A_8, %dma_start3A_30] : memref<50000x32xf32, #tpu.memory_space<vmem_shared>> -> memref<3125x32xf32, #tpu.memory_space<vmem_shared>>
      tpu.enqueue_dma source(%dma_start3A_31 : memref<3125x32xf32, #tpu.memory_space<vmem_shared>>) target(%dma_start3A_29 : memref<3125x32xf32, #tpu.memory_space<hbm>>) target_semaphore(%run_scoped3A : memref<!tpu.dma_semaphore, #tpu.memory_space<semaphore_mem>>)
      %dma_wait3A = arith.constant 0 : i32
      %dma_wait3A_32 = tpu.memref_slice %arg6[%add3A_28, %dma_wait3A] : memref<100000x32xf32, #tpu.memory_space<hbm>> -> memref<3125x32xf32, #tpu.memory_space<hbm>>
      %dma_wait3A_33 = arith.constant 0 : i32
      %dma_wait3A_34 = tpu.memref_slice %arg12[%mul3A_8, %dma_wait3A_33] : memref<50000x32xf32, #tpu.memory_space<vmem_shared>> -> memref<3125x32xf32, #tpu.memory_space<vmem_shared>>
      tpu.wait_dma2 semaphore(%run_scoped3A : memref<!tpu.dma_semaphore, #tpu.memory_space<semaphore_mem>>) src(%dma_wait3A_34 : memref<3125x32xf32, #tpu.memory_space<vmem_shared>>) dst(%dma_wait3A_32 : memref<3125x32xf32, #tpu.memory_space<hbm>>)
      tpu.yield
    }) : () -> ()
    return
  }
}

#map = affine_map<(d0, d1) -> (0, 0)>
#map1 = affine_map<(d0, d1) -> (0, 0, 0)>
module attributes {stable_mosaic.version = 14 : i64} {
  func.func @k(%arg0: i32, %arg1: i32, %arg2: memref<50000x32xf32, #tpu.memory_space<hbm>>, %arg3: memref<3x204800x128xf32, #tpu.memory_space<hbm>>, %arg4: memref<6400x128xi32, #tpu.memory_space<hbm>>, %arg5: memref<6400x128xi32, #tpu.memory_space<hbm>>, %arg6: memref<100000x32xf32, #tpu.memory_space<hbm>>, %arg7: memref<2x128xi32, #tpu.memory_space<vmem>>, %arg8: memref<2x128xi32, #tpu.memory_space<vmem>>, %arg9: memref<256x32xf32, #tpu.memory_space<vmem>>, %arg10: memref<256x32xf32, #tpu.memory_space<vmem>>, %arg11: memref<128x32xf32, #tpu.memory_space<vmem>>, %arg12: memref<50000x32xf32, #tpu.memory_space<vmem_shared>>, %arg13: memref<!tpu.dma_semaphore, #tpu.memory_space<semaphore_mem>>) attributes {dimension_semantics = [#tpu.dimension_semantics<core_parallel>, #tpu.dimension_semantics<subcore_parallel>], iteration_bounds = array<i64: 2, 16>, scalar_prefetch = 0 : i64, scratch_operands = 7 : i64, tpu.core_type = #tpu.core_type<sc_vector_subcore>, window_params = [{transform_indices = #map}, {transform_indices = #map1}, {transform_indices = #map}, {transform_indices = #map}, {transform_indices = #map}]} {
    %mul3A = arith.constant 2 : i32
    %mul3A_0 = arith.muli %arg1, %mul3A : i32
    %add3A = arith.addi %mul3A_0, %arg0 : i32
    %scan3A = arith.constant 0 : i32
    %scan3A_1 = arith.constant 0 : i32
    %scan3A_2 = arith.constant 128 : i32
    %scan3A_3 = arith.addi %scan3A_1, %scan3A_2 : i32
    %scan3A_4 = arith.constant 8 : i32
    %scan3A_5 = scf.for %scan3A_29 = %scan3A_1 to %scan3A_3 step %scan3A_4 iter_args(%scan3A_30 = %scan3A) -> (i32)  : i32 {
      %broadcast_in_dim3A = arith.constant 0.000000e+00 : f32
      %broadcast_in_dim3A_31 = vector.broadcast %broadcast_in_dim3A : f32 to vector<16xf32>
      %swap3A = arith.index_cast %scan3A_29 : i32 to index
      %swap3A_32 = arith.constant 0 : index
      %swap3A_33 = tpu.vector_load %arg11[%swap3A, %swap3A_32] {strides = array<i32>} : memref<128x32xf32, #tpu.memory_space<vmem>>, vector<1x16xf32>,
      %swap3A_34 = vector.shape_cast %swap3A_33 : vector<1x16xf32> to vector<16xf32>
      %swap3A_35 = vector.shape_cast %broadcast_in_dim3A_31 : vector<16xf32> to vector<1x16xf32>
      tpu.vector_store %arg11[%swap3A, %swap3A_32], %swap3A_35 {strides = array<i32>} : memref<128x32xf32, #tpu.memory_space<vmem>>, vector<1x16xf32>,
      %broadcast_in_dim3A_36 = arith.constant 0.000000e+00 : f32
      %broadcast_in_dim3A_37 = vector.broadcast %broadcast_in_dim3A_36 : f32 to vector<16xf32>
      %swap3A_38 = arith.index_cast %scan3A_29 : i32 to index
      %swap3A_39 = arith.constant 16 : index
      %swap3A_40 = tpu.vector_load %arg11[%swap3A_38, %swap3A_39] {strides = array<i32>} : memref<128x32xf32, #tpu.memory_space<vmem>>, vector<1x16xf32>,
      %swap3A_41 = vector.shape_cast %swap3A_40 : vector<1x16xf32> to vector<16xf32>
      %swap3A_42 = vector.shape_cast %broadcast_in_dim3A_37 : vector<16xf32> to vector<1x16xf32>
      tpu.vector_store %arg11[%swap3A_38, %swap3A_39], %swap3A_42 {strides = array<i32>} : memref<128x32xf32, #tpu.memory_space<vmem>>, vector<1x16xf32>,
      %scan3A_43 = arith.constant 0 : i32
      %scan3A_44 = arith.constant 1 : i32
      %scan3A_45 = arith.addi %scan3A_29, %scan3A_44 : i32
      %broadcast_in_dim3A_46 = arith.constant 0.000000e+00 : f32
      %broadcast_in_dim3A_47 = vector.broadcast %broadcast_in_dim3A_46 : f32 to vector<16xf32>
      %swap3A_48 = arith.index_cast %scan3A_45 : i32 to index
      %swap3A_49 = arith.constant 0 : index
      %swap3A_50 = tpu.vector_load %arg11[%swap3A_48, %swap3A_49] {strides = array<i32>} : memref<128x32xf32, #tpu.memory_space<vmem>>, vector<1x16xf32>,
      %swap3A_51 = vector.shape_cast %swap3A_50 : vector<1x16xf32> to vector<16xf32>
      %swap3A_52 = vector.shape_cast %broadcast_in_dim3A_47 : vector<16xf32> to vector<1x16xf32>
      tpu.vector_store %arg11[%swap3A_48, %swap3A_49], %swap3A_52 {strides = array<i32>} : memref<128x32xf32, #tpu.memory_space<vmem>>, vector<1x16xf32>,
      %broadcast_in_dim3A_53 = arith.constant 0.000000e+00 : f32
      %broadcast_in_dim3A_54 = vector.broadcast %broadcast_in_dim3A_53 : f32 to vector<16xf32>
      %swap3A_55 = arith.index_cast %scan3A_45 : i32 to index
      %swap3A_56 = arith.constant 16 : index
      %swap3A_57 = tpu.vector_load %arg11[%swap3A_55, %swap3A_56] {strides = array<i32>} : memref<128x32xf32, #tpu.memory_space<vmem>>, vector<1x16xf32>,
      %swap3A_58 = vector.shape_cast %swap3A_57 : vector<1x16xf32> to vector<16xf32>
      %swap3A_59 = vector.shape_cast %broadcast_in_dim3A_54 : vector<16xf32> to vector<1x16xf32>
      tpu.vector_store %arg11[%swap3A_55, %swap3A_56], %swap3A_59 {strides = array<i32>} : memref<128x32xf32, #tpu.memory_space<vmem>>, vector<1x16xf32>,
      %scan3A_60 = arith.constant 0 : i32
      %scan3A_61 = arith.constant 2 : i32
      %scan3A_62 = arith.addi %scan3A_29, %scan3A_61 : i32
      %broadcast_in_dim3A_63 = arith.constant 0.000000e+00 : f32
      %broadcast_in_dim3A_64 = vector.broadcast %broadcast_in_dim3A_63 : f32 to vector<16xf32>
      %swap3A_65 = arith.index_cast %scan3A_62 : i32 to index
      %swap3A_66 = arith.constant 0 : index
      %swap3A_67 = tpu.vector_load %arg11[%swap3A_65, %swap3A_66] {strides = array<i32>} : memref<128x32xf32, #tpu.memory_space<vmem>>, vector<1x16xf32>,
      %swap3A_68 = vector.shape_cast %swap3A_67 : vector<1x16xf32> to vector<16xf32>
      %swap3A_69 = vector.shape_cast %broadcast_in_dim3A_64 : vector<16xf32> to vector<1x16xf32>
      tpu.vector_store %arg11[%swap3A_65, %swap3A_66], %swap3A_69 {strides = array<i32>} : memref<128x32xf32, #tpu.memory_space<vmem>>, vector<1x16xf32>,
      %broadcast_in_dim3A_70 = arith.constant 0.000000e+00 : f32
      %broadcast_in_dim3A_71 = vector.broadcast %broadcast_in_dim3A_70 : f32 to vector<16xf32>
      %swap3A_72 = arith.index_cast %scan3A_62 : i32 to index
      %swap3A_73 = arith.constant 16 : index
      %swap3A_74 = tpu.vector_load %arg11[%swap3A_72, %swap3A_73] {strides = array<i32>} : memref<128x32xf32, #tpu.memory_space<vmem>>, vector<1x16xf32>,
      %swap3A_75 = vector.shape_cast %swap3A_74 : vector<1x16xf32> to vector<16xf32>
      %swap3A_76 = vector.shape_cast %broadcast_in_dim3A_71 : vector<16xf32> to vector<1x16xf32>
      tpu.vector_store %arg11[%swap3A_72, %swap3A_73], %swap3A_76 {strides = array<i32>} : memref<128x32xf32, #tpu.memory_space<vmem>>, vector<1x16xf32>,
      %scan3A_77 = arith.constant 0 : i32
      %scan3A_78 = arith.constant 3 : i32
      %scan3A_79 = arith.addi %scan3A_29, %scan3A_78 : i32
      %broadcast_in_dim3A_80 = arith.constant 0.000000e+00 : f32
      %broadcast_in_dim3A_81 = vector.broadcast %broadcast_in_dim3A_80 : f32 to vector<16xf32>
      %swap3A_82 = arith.index_cast %scan3A_79 : i32 to index
      %swap3A_83 = arith.constant 0 : index
      %swap3A_84 = tpu.vector_load %arg11[%swap3A_82, %swap3A_83] {strides = array<i32>} : memref<128x32xf32, #tpu.memory_space<vmem>>, vector<1x16xf32>,
      %swap3A_85 = vector.shape_cast %swap3A_84 : vector<1x16xf32> to vector<16xf32>
      %swap3A_86 = vector.shape_cast %broadcast_in_dim3A_81 : vector<16xf32> to vector<1x16xf32>
      tpu.vector_store %arg11[%swap3A_82, %swap3A_83], %swap3A_86 {strides = array<i32>} : memref<128x32xf32, #tpu.memory_space<vmem>>, vector<1x16xf32>,
      %broadcast_in_dim3A_87 = arith.constant 0.000000e+00 : f32
      %broadcast_in_dim3A_88 = vector.broadcast %broadcast_in_dim3A_87 : f32 to vector<16xf32>
      %swap3A_89 = arith.index_cast %scan3A_79 : i32 to index
      %swap3A_90 = arith.constant 16 : index
      %swap3A_91 = tpu.vector_load %arg11[%swap3A_89, %swap3A_90] {strides = array<i32>} : memref<128x32xf32, #tpu.memory_space<vmem>>, vector<1x16xf32>,
      %swap3A_92 = vector.shape_cast %swap3A_91 : vector<1x16xf32> to vector<16xf32>
      %swap3A_93 = vector.shape_cast %broadcast_in_dim3A_88 : vector<16xf32> to vector<1x16xf32>
      tpu.vector_store %arg11[%swap3A_89, %swap3A_90], %swap3A_93 {strides = array<i32>} : memref<128x32xf32, #tpu.memory_space<vmem>>, vector<1x16xf32>,
      %scan3A_94 = arith.constant 0 : i32
      %scan3A_95 = arith.constant 4 : i32
      %scan3A_96 = arith.addi %scan3A_29, %scan3A_95 : i32
      %broadcast_in_dim3A_97 = arith.constant 0.000000e+00 : f32
      %broadcast_in_dim3A_98 = vector.broadcast %broadcast_in_dim3A_97 : f32 to vector<16xf32>
      %swap3A_99 = arith.index_cast %scan3A_96 : i32 to index
      %swap3A_100 = arith.constant 0 : index
      %swap3A_101 = tpu.vector_load %arg11[%swap3A_99, %swap3A_100] {strides = array<i32>} : memref<128x32xf32, #tpu.memory_space<vmem>>, vector<1x16xf32>,
      %swap3A_102 = vector.shape_cast %swap3A_101 : vector<1x16xf32> to vector<16xf32>
      %swap3A_103 = vector.shape_cast %broadcast_in_dim3A_98 : vector<16xf32> to vector<1x16xf32>
      tpu.vector_store %arg11[%swap3A_99, %swap3A_100], %swap3A_103 {strides = array<i32>} : memref<128x32xf32, #tpu.memory_space<vmem>>, vector<1x16xf32>,
      %broadcast_in_dim3A_104 = arith.constant 0.000000e+00 : f32
      %broadcast_in_dim3A_105 = vector.broadcast %broadcast_in_dim3A_104 : f32 to vector<16xf32>
      %swap3A_106 = arith.index_cast %scan3A_96 : i32 to index
      %swap3A_107 = arith.constant 16 : index
      %swap3A_108 = tpu.vector_load %arg11[%swap3A_106, %swap3A_107] {strides = array<i32>} : memref<128x32xf32, #tpu.memory_space<vmem>>, vector<1x16xf32>,
      %swap3A_109 = vector.shape_cast %swap3A_108 : vector<1x16xf32> to vector<16xf32>
      %swap3A_110 = vector.shape_cast %broadcast_in_dim3A_105 : vector<16xf32> to vector<1x16xf32>
      tpu.vector_store %arg11[%swap3A_106, %swap3A_107], %swap3A_110 {strides = array<i32>} : memref<128x32xf32, #tpu.memory_space<vmem>>, vector<1x16xf32>,
      %scan3A_111 = arith.constant 0 : i32
      %scan3A_112 = arith.constant 5 : i32
      %scan3A_113 = arith.addi %scan3A_29, %scan3A_112 : i32
      %broadcast_in_dim3A_114 = arith.constant 0.000000e+00 : f32
      %broadcast_in_dim3A_115 = vector.broadcast %broadcast_in_dim3A_114 : f32 to vector<16xf32>
      %swap3A_116 = arith.index_cast %scan3A_113 : i32 to index
      %swap3A_117 = arith.constant 0 : index
      %swap3A_118 = tpu.vector_load %arg11[%swap3A_116, %swap3A_117] {strides = array<i32>} : memref<128x32xf32, #tpu.memory_space<vmem>>, vector<1x16xf32>,
      %swap3A_119 = vector.shape_cast %swap3A_118 : vector<1x16xf32> to vector<16xf32>
      %swap3A_120 = vector.shape_cast %broadcast_in_dim3A_115 : vector<16xf32> to vector<1x16xf32>
      tpu.vector_store %arg11[%swap3A_116, %swap3A_117], %swap3A_120 {strides = array<i32>} : memref<128x32xf32, #tpu.memory_space<vmem>>, vector<1x16xf32>,
      %broadcast_in_dim3A_121 = arith.constant 0.000000e+00 : f32
      %broadcast_in_dim3A_122 = vector.broadcast %broadcast_in_dim3A_121 : f32 to vector<16xf32>
      %swap3A_123 = arith.index_cast %scan3A_113 : i32 to index
      %swap3A_124 = arith.constant 16 : index
      %swap3A_125 = tpu.vector_load %arg11[%swap3A_123, %swap3A_124] {strides = array<i32>} : memref<128x32xf32, #tpu.memory_space<vmem>>, vector<1x16xf32>,
      %swap3A_126 = vector.shape_cast %swap3A_125 : vector<1x16xf32> to vector<16xf32>
      %swap3A_127 = vector.shape_cast %broadcast_in_dim3A_122 : vector<16xf32> to vector<1x16xf32>
      tpu.vector_store %arg11[%swap3A_123, %swap3A_124], %swap3A_127 {strides = array<i32>} : memref<128x32xf32, #tpu.memory_space<vmem>>, vector<1x16xf32>,
      %scan3A_128 = arith.constant 0 : i32
      %scan3A_129 = arith.constant 6 : i32
      %scan3A_130 = arith.addi %scan3A_29, %scan3A_129 : i32
      %broadcast_in_dim3A_131 = arith.constant 0.000000e+00 : f32
      %broadcast_in_dim3A_132 = vector.broadcast %broadcast_in_dim3A_131 : f32 to vector<16xf32>
      %swap3A_133 = arith.index_cast %scan3A_130 : i32 to index
      %swap3A_134 = arith.constant 0 : index
      %swap3A_135 = tpu.vector_load %arg11[%swap3A_133, %swap3A_134] {strides = array<i32>} : memref<128x32xf32, #tpu.memory_space<vmem>>, vector<1x16xf32>,
      %swap3A_136 = vector.shape_cast %swap3A_135 : vector<1x16xf32> to vector<16xf32>
      %swap3A_137 = vector.shape_cast %broadcast_in_dim3A_132 : vector<16xf32> to vector<1x16xf32>
      tpu.vector_store %arg11[%swap3A_133, %swap3A_134], %swap3A_137 {strides = array<i32>} : memref<128x32xf32, #tpu.memory_space<vmem>>, vector<1x16xf32>,
      %broadcast_in_dim3A_138 = arith.constant 0.000000e+00 : f32
      %broadcast_in_dim3A_139 = vector.broadcast %broadcast_in_dim3A_138 : f32 to vector<16xf32>
      %swap3A_140 = arith.index_cast %scan3A_130 : i32 to index
      %swap3A_141 = arith.constant 16 : index
      %swap3A_142 = tpu.vector_load %arg11[%swap3A_140, %swap3A_141] {strides = array<i32>} : memref<128x32xf32, #tpu.memory_space<vmem>>, vector<1x16xf32>,
      %swap3A_143 = vector.shape_cast %swap3A_142 : vector<1x16xf32> to vector<16xf32>
      %swap3A_144 = vector.shape_cast %broadcast_in_dim3A_139 : vector<16xf32> to vector<1x16xf32>
      tpu.vector_store %arg11[%swap3A_140, %swap3A_141], %swap3A_144 {strides = array<i32>} : memref<128x32xf32, #tpu.memory_space<vmem>>, vector<1x16xf32>,
      %scan3A_145 = arith.constant 0 : i32
      %scan3A_146 = arith.constant 7 : i32
      %scan3A_147 = arith.addi %scan3A_29, %scan3A_146 : i32
      %broadcast_in_dim3A_148 = arith.constant 0.000000e+00 : f32
      %broadcast_in_dim3A_149 = vector.broadcast %broadcast_in_dim3A_148 : f32 to vector<16xf32>
      %swap3A_150 = arith.index_cast %scan3A_147 : i32 to index
      %swap3A_151 = arith.constant 0 : index
      %swap3A_152 = tpu.vector_load %arg11[%swap3A_150, %swap3A_151] {strides = array<i32>} : memref<128x32xf32, #tpu.memory_space<vmem>>, vector<1x16xf32>,
      %swap3A_153 = vector.shape_cast %swap3A_152 : vector<1x16xf32> to vector<16xf32>
      %swap3A_154 = vector.shape_cast %broadcast_in_dim3A_149 : vector<16xf32> to vector<1x16xf32>
      tpu.vector_store %arg11[%swap3A_150, %swap3A_151], %swap3A_154 {strides = array<i32>} : memref<128x32xf32, #tpu.memory_space<vmem>>, vector<1x16xf32>,
      %broadcast_in_dim3A_155 = arith.constant 0.000000e+00 : f32
      %broadcast_in_dim3A_156 = vector.broadcast %broadcast_in_dim3A_155 : f32 to vector<16xf32>
      %swap3A_157 = arith.index_cast %scan3A_147 : i32 to index
      %swap3A_158 = arith.constant 16 : index
      %swap3A_159 = tpu.vector_load %arg11[%swap3A_157, %swap3A_158] {strides = array<i32>} : memref<128x32xf32, #tpu.memory_space<vmem>>, vector<1x16xf32>,
      %swap3A_160 = vector.shape_cast %swap3A_159 : vector<1x16xf32> to vector<16xf32>
      %swap3A_161 = vector.shape_cast %broadcast_in_dim3A_156 : vector<16xf32> to vector<1x16xf32>
      tpu.vector_store %arg11[%swap3A_157, %swap3A_158], %swap3A_161 {strides = array<i32>} : memref<128x32xf32, #tpu.memory_space<vmem>>, vector<1x16xf32>,
      %scan3A_162 = arith.constant 0 : i32
      scf.yield %scan3A_162 : i32
    }
    %scan3A_6 = arith.constant 128 : i32
    %mul3A_7 = arith.constant 3125 : i32
    %mul3A_8 = arith.muli %arg1, %mul3A_7 : i32
    %scan3A_9 = arith.constant 0 : i32
    %scan3A_10 = arith.constant 0 : i32
    %scan3A_11 = arith.constant 24 : i32
    %scan3A_12 = arith.addi %scan3A_10, %scan3A_11 : i32
    %scan3A_13 = arith.constant 1 : i32
    %scan3A_14 = scf.for %scan3A_29 = %scan3A_10 to %scan3A_12 step %scan3A_13 iter_args(%scan3A_30 = %scan3A_9) -> (i32)  : i32 {
      %mul3A_31 = arith.constant 128 : i32
      %mul3A_32 = arith.muli %scan3A_29, %mul3A_31 : i32
      %add3A_33 = arith.addi %mul3A_8, %mul3A_32 : i32
      "tpu.region"() ({
        %run_scoped3A = tpu.sem_alloc : memref<!tpu.dma_semaphore, #tpu.memory_space<semaphore_mem>>
        %dma_start3A = arith.constant 0 : i32
        %dma_start3A_35 = tpu.memref_slice %arg12[%add3A_33, %dma_start3A] : memref<50000x32xf32, #tpu.memory_space<vmem_shared>> -> memref<128x32xf32, #tpu.memory_space<vmem_shared>>
        %dma_start3A_36 = arith.constant 0 : i32
        %dma_start3A_37 = tpu.memref_slice %arg12[%add3A_33, %dma_start3A_36] : memref<50000x32xf32, #tpu.memory_space<vmem_shared>> -> memref<128x32xf32, #tpu.memory_space<vmem_shared>>
        tpu.enqueue_dma source(%arg11 : memref<128x32xf32, #tpu.memory_space<vmem>>) target(%dma_start3A_37 : memref<128x32xf32, #tpu.memory_space<vmem_shared>>) target_semaphore(%run_scoped3A : memref<!tpu.dma_semaphore, #tpu.memory_space<semaphore_mem>>)
        %dma_wait3A = arith.constant 0 : i32
        %dma_wait3A_38 = tpu.memref_slice %arg12[%add3A_33, %dma_wait3A] : memref<50000x32xf32, #tpu.memory_space<vmem_shared>> -> memref<128x32xf32, #tpu.memory_space<vmem_shared>>
        %dma_wait3A_39 = arith.constant 0 : i32
        %dma_wait3A_40 = tpu.memref_slice %arg12[%add3A_33, %dma_wait3A_39] : memref<50000x32xf32, #tpu.memory_space<vmem_shared>> -> memref<128x32xf32, #tpu.memory_space<vmem_shared>>
        tpu.wait_dma2 semaphore(%run_scoped3A : memref<!tpu.dma_semaphore, #tpu.memory_space<semaphore_mem>>) src(%arg11 : memref<128x32xf32, #tpu.memory_space<vmem>>) dst(%dma_wait3A_40 : memref<128x32xf32, #tpu.memory_space<vmem_shared>>)
        tpu.yield
      }) : () -> ()
      %scan3A_34 = arith.constant 0 : i32
      scf.yield %scan3A_34 : i32
    }
    %scan3A_15 = arith.constant 24 : i32
    %add3A_16 = arith.constant 3072 : i32
    %add3A_17 = arith.addi %mul3A_8, %add3A_16 : i32
    "tpu.region"() ({
      %run_scoped3A = tpu.sem_alloc : memref<!tpu.dma_semaphore, #tpu.memory_space<semaphore_mem>>
      %dma_start3A = arith.constant 0 : i32
      %dma_start3A_29 = arith.constant 0 : i32
      %dma_start3A_30 = tpu.memref_slice %arg11[%dma_start3A, %dma_start3A_29] : memref<128x32xf32, #tpu.memory_space<vmem>> -> memref<53x32xf32, #tpu.memory_space<vmem>>
      %dma_start3A_31 = arith.constant 0 : i32
      %dma_start3A_32 = tpu.memref_slice %arg12[%add3A_17, %dma_start3A_31] : memref<50000x32xf32, #tpu.memory_space<vmem_shared>> -> memref<53x32xf32, #tpu.memory_space<vmem_shared>>
      %dma_start3A_33 = arith.constant 0 : i32
      %dma_start3A_34 = tpu.memref_slice %arg12[%add3A_17, %dma_start3A_33] : memref<50000x32xf32, #tpu.memory_space<vmem_shared>> -> memref<53x32xf32, #tpu.memory_space<vmem_shared>>
      %dma_start3A_35 = arith.constant 0 : i32
      %dma_start3A_36 = arith.constant 0 : i32
      %dma_start3A_37 = tpu.memref_slice %arg11[%dma_start3A_35, %dma_start3A_36] : memref<128x32xf32, #tpu.memory_space<vmem>> -> memref<53x32xf32, #tpu.memory_space<vmem>>
      tpu.enqueue_dma source(%dma_start3A_37 : memref<53x32xf32, #tpu.memory_space<vmem>>) target(%dma_start3A_34 : memref<53x32xf32, #tpu.memory_space<vmem_shared>>) target_semaphore(%run_scoped3A : memref<!tpu.dma_semaphore, #tpu.memory_space<semaphore_mem>>)
      %dma_wait3A = arith.constant 0 : i32
      %dma_wait3A_38 = arith.constant 0 : i32
      %dma_wait3A_39 = tpu.memref_slice %arg11[%dma_wait3A, %dma_wait3A_38] : memref<128x32xf32, #tpu.memory_space<vmem>> -> memref<53x32xf32, #tpu.memory_space<vmem>>
      %dma_wait3A_40 = arith.constant 0 : i32
      %dma_wait3A_41 = tpu.memref_slice %arg12[%add3A_17, %dma_wait3A_40] : memref<50000x32xf32, #tpu.memory_space<vmem_shared>> -> memref<53x32xf32, #tpu.memory_space<vmem_shared>>
      %dma_wait3A_42 = arith.constant 0 : i32
      %dma_wait3A_43 = tpu.memref_slice %arg12[%add3A_17, %dma_wait3A_42] : memref<50000x32xf32, #tpu.memory_space<vmem_shared>> -> memref<53x32xf32, #tpu.memory_space<vmem_shared>>
      %dma_wait3A_44 = arith.constant 0 : i32
      %dma_wait3A_45 = arith.constant 0 : i32
      %dma_wait3A_46 = tpu.memref_slice %arg11[%dma_wait3A_44, %dma_wait3A_45] : memref<128x32xf32, #tpu.memory_space<vmem>> -> memref<53x32xf32, #tpu.memory_space<vmem>>
      tpu.wait_dma2 semaphore(%run_scoped3A : memref<!tpu.dma_semaphore, #tpu.memory_space<semaphore_mem>>) src(%dma_wait3A_46 : memref<53x32xf32, #tpu.memory_space<vmem>>) dst(%dma_wait3A_43 : memref<53x32xf32, #tpu.memory_space<vmem_shared>>)
      tpu.yield
    }) : () -> ()
    %barrier3A = arith.constant 0 : index
    tpu.barrier barrier_id(%barrier3A)
    %scan3A_18 = arith.constant 0 : i32
    %scan3A_19 = arith.constant 0 : i32
    %scan3A_20 = arith.constant 100 : i32
    %scan3A_21 = arith.addi %scan3A_19, %scan3A_20 : i32
    %scan3A_22 = arith.constant 1 : i32
    %scan3A_23 = scf.for %scan3A_29 = %scan3A_19 to %scan3A_21 step %scan3A_22 iter_args(%scan3A_30 = %scan3A_18) -> (i32)  : i32 {
      %mul3A_31 = arith.constant 200 : i32
      %mul3A_32 = arith.muli %add3A, %mul3A_31 : i32
      %mul3A_33 = arith.constant 2 : i32
      %mul3A_34 = arith.muli %scan3A_29, %mul3A_33 : i32
      %add3A_35 = arith.addi %mul3A_32, %mul3A_34 : i32
      %mul3A_36 = arith.constant 128 : i32
      %mul3A_37 = arith.muli %add3A_35, %mul3A_36 : i32
      "tpu.region"() ({
        %run_scoped3A_177 = tpu.sem_alloc : memref<!tpu.dma_semaphore, #tpu.memory_space<semaphore_mem>>
        %dma_start3A_178 = arith.constant 0 : i32
        %dma_start3A_179 = tpu.memref_slice %arg4[%add3A_35, %dma_start3A_178] : memref<6400x128xi32, #tpu.memory_space<hbm>> -> memref<2x128xi32, #tpu.memory_space<hbm>>
        %dma_start3A_180 = arith.constant 0 : i32
        %dma_start3A_181 = tpu.memref_slice %arg4[%add3A_35, %dma_start3A_180] : memref<6400x128xi32, #tpu.memory_space<hbm>> -> memref<2x128xi32, #tpu.memory_space<hbm>>
        tpu.enqueue_dma source(%dma_start3A_181 : memref<2x128xi32, #tpu.memory_space<hbm>>) target(%arg7 : memref<2x128xi32, #tpu.memory_space<vmem>>) target_semaphore(%run_scoped3A_177 : memref<!tpu.dma_semaphore, #tpu.memory_space<semaphore_mem>>)
        %dma_wait3A_182 = arith.constant 0 : i32
        %dma_wait3A_183 = tpu.memref_slice %arg4[%add3A_35, %dma_wait3A_182] : memref<6400x128xi32, #tpu.memory_space<hbm>> -> memref<2x128xi32, #tpu.memory_space<hbm>>
        %dma_wait3A_184 = arith.constant 0 : i32
        %dma_wait3A_185 = tpu.memref_slice %arg4[%add3A_35, %dma_wait3A_184] : memref<6400x128xi32, #tpu.memory_space<hbm>> -> memref<2x128xi32, #tpu.memory_space<hbm>>
        tpu.wait_dma2 semaphore(%run_scoped3A_177 : memref<!tpu.dma_semaphore, #tpu.memory_space<semaphore_mem>>) src(%dma_wait3A_185 : memref<2x128xi32, #tpu.memory_space<hbm>>) dst(%arg7 : memref<2x128xi32, #tpu.memory_space<vmem>>)
        tpu.yield
      }) : () -> ()
      "tpu.region"() ({
        %run_scoped3A_177 = tpu.sem_alloc : memref<!tpu.dma_semaphore, #tpu.memory_space<semaphore_mem>>
        %dma_start3A_178 = arith.constant 0 : i32
        %dma_start3A_179 = tpu.memref_slice %arg5[%add3A_35, %dma_start3A_178] : memref<6400x128xi32, #tpu.memory_space<hbm>> -> memref<2x128xi32, #tpu.memory_space<hbm>>
        %dma_start3A_180 = arith.constant 0 : i32
        %dma_start3A_181 = tpu.memref_slice %arg5[%add3A_35, %dma_start3A_180] : memref<6400x128xi32, #tpu.memory_space<hbm>> -> memref<2x128xi32, #tpu.memory_space<hbm>>
        tpu.enqueue_dma source(%dma_start3A_181 : memref<2x128xi32, #tpu.memory_space<hbm>>) target(%arg8 : memref<2x128xi32, #tpu.memory_space<vmem>>) target_semaphore(%run_scoped3A_177 : memref<!tpu.dma_semaphore, #tpu.memory_space<semaphore_mem>>)
        %dma_wait3A_182 = arith.constant 0 : i32
        %dma_wait3A_183 = tpu.memref_slice %arg5[%add3A_35, %dma_wait3A_182] : memref<6400x128xi32, #tpu.memory_space<hbm>> -> memref<2x128xi32, #tpu.memory_space<hbm>>
        %dma_wait3A_184 = arith.constant 0 : i32
        %dma_wait3A_185 = tpu.memref_slice %arg5[%add3A_35, %dma_wait3A_184] : memref<6400x128xi32, #tpu.memory_space<hbm>> -> memref<2x128xi32, #tpu.memory_space<hbm>>
        tpu.wait_dma2 semaphore(%run_scoped3A_177 : memref<!tpu.dma_semaphore, #tpu.memory_space<semaphore_mem>>) src(%dma_wait3A_185 : memref<2x128xi32, #tpu.memory_space<hbm>>) dst(%arg8 : memref<2x128xi32, #tpu.memory_space<vmem>>)
        tpu.yield
      }) : () -> ()
      %dma_start3A = arith.constant 0 : i32
      %dma_start3A_38 = arith.constant 0 : i32
      %dma_start3A_39 = arith.constant 0 : i32
      %dma_start3A_40 = tpu.memref_slice %arg9[%dma_start3A_38, %dma_start3A_39] : memref<256x32xf32, #tpu.memory_space<vmem>> -> memref<128x32xf32, #tpu.memory_space<vmem>>
      %dma_start3A_41 = arith.constant 0 : i32
      %dma_start3A_42 = tpu.memref_slice %arg7[%dma_start3A, %dma_start3A_41] : memref<2x128xi32, #tpu.memory_space<vmem>> -> memref<1x128xi32, #tpu.memory_space<vmem>>
      %dma_start3A_43 = tpu.memref_squeeze %dma_start3A_42 : memref<1x128xi32, #tpu.memory_space<vmem>> -> memref<128xi32, #tpu.memory_space<vmem>>
      %dma_start3A_44 = arith.constant 0 : i32
      %dma_start3A_45 = arith.constant 0 : i32
      %dma_start3A_46 = tpu.memref_slice %arg2[%dma_start3A_44, %dma_start3A_45] : memref<50000x32xf32, #tpu.memory_space<hbm>> -> memref<50000x32xf32, #tpu.memory_space<hbm>>
      tpu.enqueue_indirect_dma source(%dma_start3A_46 : memref<50000x32xf32, #tpu.memory_space<hbm>>) target(%dma_start3A_40 : memref<128x32xf32, #tpu.memory_space<vmem>>) offsets(%dma_start3A_43 : memref<128xi32, #tpu.memory_space<vmem>>) semaphore(%arg13 : memref<!tpu.dma_semaphore, #tpu.memory_space<semaphore_mem>>)
      %dma_start3A_47 = arith.constant 1 : i32
      %dma_start3A_48 = arith.constant 128 : i32
      %dma_start3A_49 = arith.constant 0 : i32
      %dma_start3A_50 = tpu.memref_slice %arg9[%dma_start3A_48, %dma_start3A_49] : memref<256x32xf32, #tpu.memory_space<vmem>> -> memref<128x32xf32, #tpu.memory_space<vmem>>
      %dma_start3A_51 = arith.constant 0 : i32
      %dma_start3A_52 = tpu.memref_slice %arg7[%dma_start3A_47, %dma_start3A_51] : memref<2x128xi32, #tpu.memory_space<vmem>> -> memref<1x128xi32, #tpu.memory_space<vmem>>
      %dma_start3A_53 = tpu.memref_squeeze %dma_start3A_52 : memref<1x128xi32, #tpu.memory_space<vmem>> -> memref<128xi32, #tpu.memory_space<vmem>>
      %dma_start3A_54 = arith.constant 0 : i32
      %dma_start3A_55 = arith.constant 0 : i32
      %dma_start3A_56 = tpu.memref_slice %arg2[%dma_start3A_54, %dma_start3A_55] : memref<50000x32xf32, #tpu.memory_space<hbm>> -> memref<50000x32xf32, #tpu.memory_space<hbm>>
      tpu.enqueue_indirect_dma source(%dma_start3A_56 : memref<50000x32xf32, #tpu.memory_space<hbm>>) target(%dma_start3A_50 : memref<128x32xf32, #tpu.memory_space<vmem>>) offsets(%dma_start3A_53 : memref<128xi32, #tpu.memory_space<vmem>>) semaphore(%arg13 : memref<!tpu.dma_semaphore, #tpu.memory_space<semaphore_mem>>)
      %jit3A = arith.constant 4096 : i32
      %div3A = arith.divsi %mul3A_37, %jit3A : i32
      %sign3A = arith.constant 0 : i32
      %sign3A_57 = arith.cmpi sgt, %mul3A_37, %sign3A : i32
      %sign3A_58 = arith.extui %sign3A_57 : i1 to i32
      %sign3A_59 = arith.constant 0 : i32
      %sign3A_60 = arith.cmpi slt, %mul3A_37, %sign3A_59 : i32
      %sign3A_61 = arith.extui %sign3A_60 : i1 to i32
      %sign3A_62 = arith.subi %sign3A_58, %sign3A_61 : i32
      %sign3A_63 = arith.constant 0 : i32
      %sign3A_64 = arith.cmpi sgt, %jit3A, %sign3A_63 : i32
      %sign3A_65 = arith.extui %sign3A_64 : i1 to i32
      %sign3A_66 = arith.constant 0 : i32
      %sign3A_67 = arith.cmpi slt, %jit3A, %sign3A_66 : i32
      %sign3A_68 = arith.extui %sign3A_67 : i1 to i32
      %sign3A_69 = arith.subi %sign3A_65, %sign3A_68 : i32
      %ne3A = arith.cmpi ne, %sign3A_62, %sign3A_69 : i32
      %rem3A = arith.remsi %mul3A_37, %jit3A : i32
      %ne3A_70 = arith.constant 0 : i32
      %ne3A_71 = arith.cmpi ne, %rem3A, %ne3A_70 : i32
      %and3A = arith.andi %ne3A, %ne3A_71 : i1
      %sub3A = arith.constant 1 : i32
      %sub3A_72 = arith.subi %div3A, %sub3A : i32
      %select_n3A = arith.select %and3A, %sub3A_72, %div3A : i32
      %jit3A_73 = arith.constant 4096 : i32
      %eq3A = arith.constant 0 : i32
      %eq3A_74 = arith.cmpi eq, %jit3A_73, %eq3A : i32
      %jit3A_75 = arith.constant 1 : i32
      %select_n3A_76 = arith.select %eq3A_74, %jit3A_75, %jit3A_73 : i32
      %rem3A_77 = arith.remsi %mul3A_37, %select_n3A_76 : i32
      %ne3A_78 = arith.constant 0 : i32
      %ne3A_79 = arith.cmpi ne, %rem3A_77, %ne3A_78 : i32
      %lt3A = arith.constant 0 : i32
      %lt3A_80 = arith.cmpi slt, %rem3A_77, %lt3A : i32
      %lt3A_81 = arith.constant 0 : i32
      %lt3A_82 = arith.cmpi slt, %select_n3A_76, %lt3A_81 : i32
      %ne3A_83 = arith.xori %lt3A_80, %lt3A_82 : i1
      %and3A_84 = arith.andi %ne3A_83, %ne3A_79 : i1
      %add3A_85 = arith.addi %rem3A_77, %select_n3A_76 : i32
      %select_n3A_86 = arith.select %and3A_84, %add3A_85, %rem3A_77 : i32
      %jit3A_87 = arith.constant 1024 : i32
      %eq3A_88 = arith.constant 0 : i32
      %eq3A_89 = arith.cmpi eq, %jit3A_87, %eq3A_88 : i32
      %jit3A_90 = arith.constant 1 : i32
      %select_n3A_91 = arith.select %eq3A_89, %jit3A_90, %jit3A_87 : i32
      %rem3A_92 = arith.remsi %select_n3A_86, %select_n3A_91 : i32
      %ne3A_93 = arith.constant 0 : i32
      %ne3A_94 = arith.cmpi ne, %rem3A_92, %ne3A_93 : i32
      %lt3A_95 = arith.constant 0 : i32
      %lt3A_96 = arith.cmpi slt, %rem3A_92, %lt3A_95 : i32
      %lt3A_97 = arith.constant 0 : i32
      %lt3A_98 = arith.cmpi slt, %select_n3A_91, %lt3A_97 : i32
      %ne3A_99 = arith.xori %lt3A_96, %lt3A_98 : i1
      %and3A_100 = arith.andi %ne3A_99, %ne3A_94 : i1
      %add3A_101 = arith.addi %rem3A_92, %select_n3A_91 : i32
      %select_n3A_102 = arith.select %and3A_100, %add3A_101, %rem3A_92 : i32
      %jit3A_103 = arith.constant 4096 : i32
      %eq3A_104 = arith.constant 0 : i32
      %eq3A_105 = arith.cmpi eq, %jit3A_103, %eq3A_104 : i32
      %jit3A_106 = arith.constant 1 : i32
      %select_n3A_107 = arith.select %eq3A_105, %jit3A_106, %jit3A_103 : i32
      %rem3A_108 = arith.remsi %mul3A_37, %select_n3A_107 : i32
      %ne3A_109 = arith.constant 0 : i32
      %ne3A_110 = arith.cmpi ne, %rem3A_108, %ne3A_109 : i32
      %lt3A_111 = arith.constant 0 : i32
      %lt3A_112 = arith.cmpi slt, %rem3A_108, %lt3A_111 : i32
      %lt3A_113 = arith.constant 0 : i32
      %lt3A_114 = arith.cmpi slt, %select_n3A_107, %lt3A_113 : i32
      %ne3A_115 = arith.xori %lt3A_112, %lt3A_114 : i1
      %and3A_116 = arith.andi %ne3A_115, %ne3A_110 : i1
      %add3A_117 = arith.addi %rem3A_108, %select_n3A_107 : i32
      %select_n3A_118 = arith.select %and3A_116, %add3A_117, %rem3A_108 : i32
      %jit3A_119 = arith.constant 1024 : i32
      %div3A_120 = arith.divsi %select_n3A_118, %jit3A_119 : i32
      %sign3A_121 = arith.constant 0 : i32
      %sign3A_122 = arith.cmpi sgt, %select_n3A_118, %sign3A_121 : i32
      %sign3A_123 = arith.extui %sign3A_122 : i1 to i32
      %sign3A_124 = arith.constant 0 : i32
      %sign3A_125 = arith.cmpi slt, %select_n3A_118, %sign3A_124 : i32
      %sign3A_126 = arith.extui %sign3A_125 : i1 to i32
      %sign3A_127 = arith.subi %sign3A_123, %sign3A_126 : i32
      %sign3A_128 = arith.constant 0 : i32
      %sign3A_129 = arith.cmpi sgt, %jit3A_119, %sign3A_128 : i32
      %sign3A_130 = arith.extui %sign3A_129 : i1 to i32
      %sign3A_131 = arith.constant 0 : i32
      %sign3A_132 = arith.cmpi slt, %jit3A_119, %sign3A_131 : i32
      %sign3A_133 = arith.extui %sign3A_132 : i1 to i32
      %sign3A_134 = arith.subi %sign3A_130, %sign3A_133 : i32
      %ne3A_135 = arith.cmpi ne, %sign3A_127, %sign3A_134 : i32
      %rem3A_136 = arith.remsi %select_n3A_118, %jit3A_119 : i32
      %ne3A_137 = arith.constant 0 : i32
      %ne3A_138 = arith.cmpi ne, %rem3A_136, %ne3A_137 : i32
      %and3A_139 = arith.andi %ne3A_135, %ne3A_138 : i1
      %sub3A_140 = arith.constant 1 : i32
      %sub3A_141 = arith.subi %div3A_120, %sub3A_140 : i32
      %select_n3A_142 = arith.select %and3A_139, %sub3A_141, %div3A_120 : i32
      %mul3A_143 = arith.constant 1024 : i32
      %mul3A_144 = arith.muli %select_n3A, %mul3A_143 : i32
      %add3A_145 = arith.addi %mul3A_144, %select_n3A_102 : i32
      %mul3A_146 = arith.constant 32 : i32
      %mul3A_147 = arith.muli %select_n3A_142, %mul3A_146 : i32
      %run_scoped3A = arith.constant 0 : i32
      "tpu.region"() ({
        %run_scoped3A_177 = tpu.sem_alloc : memref<!tpu.dma_semaphore, #tpu.memory_space<semaphore_mem>>
        %dma_start3A_178 = tpu.memref_slice %arg3[%run_scoped3A, %add3A_145, %mul3A_147] : memref<3x204800x128xf32, #tpu.memory_space<hbm>> -> memref<1x256x32xf32, #tpu.memory_space<hbm>>
        %dma_start3A_179 = tpu.memref_squeeze %dma_start3A_178 : memref<1x256x32xf32, #tpu.memory_space<hbm>> -> memref<256x32xf32, #tpu.memory_space<hbm>>
        %dma_start3A_180 = tpu.memref_slice %arg3[%run_scoped3A, %add3A_145, %mul3A_147] : memref<3x204800x128xf32, #tpu.memory_space<hbm>> -> memref<1x256x32xf32, #tpu.memory_space<hbm>>
        %dma_start3A_181 = tpu.memref_squeeze %dma_start3A_180 : memref<1x256x32xf32, #tpu.memory_space<hbm>> -> memref<256x32xf32, #tpu.memory_space<hbm>>
        tpu.enqueue_dma source(%dma_start3A_181 : memref<256x32xf32, #tpu.memory_space<hbm>>) target(%arg10 : memref<256x32xf32, #tpu.memory_space<vmem>>) target_semaphore(%run_scoped3A_177 : memref<!tpu.dma_semaphore, #tpu.memory_space<semaphore_mem>>)
        %dma_wait3A_182 = tpu.memref_slice %arg3[%run_scoped3A, %add3A_145, %mul3A_147] : memref<3x204800x128xf32, #tpu.memory_space<hbm>> -> memref<1x256x32xf32, #tpu.memory_space<hbm>>
        %dma_wait3A_183 = tpu.memref_squeeze %dma_wait3A_182 : memref<1x256x32xf32, #tpu.memory_space<hbm>> -> memref<256x32xf32, #tpu.memory_space<hbm>>
        %dma_wait3A_184 = tpu.memref_slice %arg3[%run_scoped3A, %add3A_145, %mul3A_147] : memref<3x204800x128xf32, #tpu.memory_space<hbm>> -> memref<1x256x32xf32, #tpu.memory_space<hbm>>
        %dma_wait3A_185 = tpu.memref_squeeze %dma_wait3A_184 : memref<1x256x32xf32, #tpu.memory_space<hbm>> -> memref<256x32xf32, #tpu.memory_space<hbm>>
        tpu.wait_dma2 semaphore(%run_scoped3A_177 : memref<!tpu.dma_semaphore, #tpu.memory_space<semaphore_mem>>) src(%dma_wait3A_185 : memref<256x32xf32, #tpu.memory_space<hbm>>) dst(%arg10 : memref<256x32xf32, #tpu.memory_space<vmem>>)
        tpu.yield
      }) : () -> ()
      %dma_wait3A = arith.constant 0 : i32
      %dma_wait3A_148 = arith.constant 0 : i32
      %dma_wait3A_149 = arith.constant 0 : i32
      %dma_wait3A_150 = tpu.memref_slice %arg9[%dma_wait3A_148, %dma_wait3A_149] : memref<256x32xf32, #tpu.memory_space<vmem>> -> memref<128x32xf32, #tpu.memory_space<vmem>>
      %dma_wait3A_151 = arith.constant 0 : i32
      %dma_wait3A_152 = tpu.memref_slice %arg7[%dma_wait3A, %dma_wait3A_151] : memref<2x128xi32, #tpu.memory_space<vmem>> -> memref<1x128xi32, #tpu.memory_space<vmem>>
      %dma_wait3A_153 = tpu.memref_squeeze %dma_wait3A_152 : memref<1x128xi32, #tpu.memory_space<vmem>> -> memref<128xi32, #tpu.memory_space<vmem>>
      %dma_wait3A_154 = arith.constant 0 : i32
      %dma_wait3A_155 = arith.constant 0 : i32
      %dma_wait3A_156 = tpu.memref_slice %arg2[%dma_wait3A_154, %dma_wait3A_155] : memref<50000x32xf32, #tpu.memory_space<hbm>> -> memref<50000x32xf32, #tpu.memory_space<hbm>>
      tpu.wait_indirect_dma semaphore(%arg13 : memref<!tpu.dma_semaphore, #tpu.memory_space<semaphore_mem>>) src(%dma_wait3A_156 : memref<50000x32xf32, #tpu.memory_space<hbm>>) dst(%dma_wait3A_150 : memref<128x32xf32, #tpu.memory_space<vmem>>)
      %dma_wait3A_157 = arith.constant 1 : i32
      %dma_wait3A_158 = arith.constant 128 : i32
      %dma_wait3A_159 = arith.constant 0 : i32
      %dma_wait3A_160 = tpu.memref_slice %arg9[%dma_wait3A_158, %dma_wait3A_159] : memref<256x32xf32, #tpu.memory_space<vmem>> -> memref<128x32xf32, #tpu.memory_space<vmem>>
      %dma_wait3A_161 = arith.constant 0 : i32
      %dma_wait3A_162 = tpu.memref_slice %arg7[%dma_wait3A_157, %dma_wait3A_161] : memref<2x128xi32, #tpu.memory_space<vmem>> -> memref<1x128xi32, #tpu.memory_space<vmem>>
      %dma_wait3A_163 = tpu.memref_squeeze %dma_wait3A_162 : memref<1x128xi32, #tpu.memory_space<vmem>> -> memref<128xi32, #tpu.memory_space<vmem>>
      %dma_wait3A_164 = arith.constant 0 : i32
      %dma_wait3A_165 = arith.constant 0 : i32
      %dma_wait3A_166 = tpu.memref_slice %arg2[%dma_wait3A_164, %dma_wait3A_165] : memref<50000x32xf32, #tpu.memory_space<hbm>> -> memref<50000x32xf32, #tpu.memory_space<hbm>>
      tpu.wait_indirect_dma semaphore(%arg13 : memref<!tpu.dma_semaphore, #tpu.memory_space<semaphore_mem>>) src(%dma_wait3A_166 : memref<50000x32xf32, #tpu.memory_space<hbm>>) dst(%dma_wait3A_160 : memref<128x32xf32, #tpu.memory_space<vmem>>)
      %scan3A_167 = arith.constant 0 : i32
      %scan3A_168 = arith.constant 0 : i32
      %scan3A_169 = arith.constant 256 : i32
      %scan3A_170 = arith.addi %scan3A_168, %scan3A_169 : i32
      %scan3A_171 = arith.constant 8 : i32
      %scan3A_172 = scf.for %scan3A_177 = %scan3A_168 to %scan3A_170 step %scan3A_171 iter_args(%scan3A_178 = %scan3A_167) -> (i32)  : i32 {
        %get3A = arith.index_cast %scan3A_177 : i32 to index
        %get3A_179 = arith.constant 0 : index
        %get3A_180 = tpu.vector_load %arg9[%get3A, %get3A_179] {strides = array<i32>} : memref<256x32xf32, #tpu.memory_space<vmem>>, vector<1x16xf32>,
        %get3A_181 = vector.shape_cast %get3A_180 : vector<1x16xf32> to vector<16xf32>
        %get3A_182 = arith.index_cast %scan3A_177 : i32 to index
        %get3A_183 = arith.constant 0 : index
        %get3A_184 = tpu.vector_load %arg10[%get3A_182, %get3A_183] {strides = array<i32>} : memref<256x32xf32, #tpu.memory_space<vmem>>, vector<1x16xf32>,
        %get3A_185 = vector.shape_cast %get3A_184 : vector<1x16xf32> to vector<16xf32>
        %mul3A_186 = arith.mulf %get3A_181, %get3A_185 : vector<16xf32>
        %swap3A = arith.index_cast %scan3A_177 : i32 to index
        %swap3A_187 = arith.constant 0 : index
        %swap3A_188 = tpu.vector_load %arg9[%swap3A, %swap3A_187] {strides = array<i32>} : memref<256x32xf32, #tpu.memory_space<vmem>>, vector<1x16xf32>,
        %swap3A_189 = vector.shape_cast %swap3A_188 : vector<1x16xf32> to vector<16xf32>
        %swap3A_190 = vector.shape_cast %mul3A_186 : vector<16xf32> to vector<1x16xf32>
        tpu.vector_store %arg9[%swap3A, %swap3A_187], %swap3A_190 {strides = array<i32>} : memref<256x32xf32, #tpu.memory_space<vmem>>, vector<1x16xf32>,
        %get3A_191 = arith.index_cast %scan3A_177 : i32 to index
        %get3A_192 = arith.constant 16 : index
        %get3A_193 = tpu.vector_load %arg9[%get3A_191, %get3A_192] {strides = array<i32>} : memref<256x32xf32, #tpu.memory_space<vmem>>, vector<1x16xf32>,
        %get3A_194 = vector.shape_cast %get3A_193 : vector<1x16xf32> to vector<16xf32>
        %get3A_195 = arith.index_cast %scan3A_177 : i32 to index
        %get3A_196 = arith.constant 16 : index
        %get3A_197 = tpu.vector_load %arg10[%get3A_195, %get3A_196] {strides = array<i32>} : memref<256x32xf32, #tpu.memory_space<vmem>>, vector<1x16xf32>,
        %get3A_198 = vector.shape_cast %get3A_197 : vector<1x16xf32> to vector<16xf32>
        %mul3A_199 = arith.mulf %get3A_194, %get3A_198 : vector<16xf32>
        %swap3A_200 = arith.index_cast %scan3A_177 : i32 to index
        %swap3A_201 = arith.constant 16 : index
        %swap3A_202 = tpu.vector_load %arg9[%swap3A_200, %swap3A_201] {strides = array<i32>} : memref<256x32xf32, #tpu.memory_space<vmem>>, vector<1x16xf32>,
        %swap3A_203 = vector.shape_cast %swap3A_202 : vector<1x16xf32> to vector<16xf32>
        %swap3A_204 = vector.shape_cast %mul3A_199 : vector<16xf32> to vector<1x16xf32>
        tpu.vector_store %arg9[%swap3A_200, %swap3A_201], %swap3A_204 {strides = array<i32>} : memref<256x32xf32, #tpu.memory_space<vmem>>, vector<1x16xf32>,
        %scan3A_205 = arith.constant 0 : i32
        %scan3A_206 = arith.constant 1 : i32
        %scan3A_207 = arith.addi %scan3A_177, %scan3A_206 : i32
        %get3A_208 = arith.index_cast %scan3A_207 : i32 to index
        %get3A_209 = arith.constant 0 : index
        %get3A_210 = tpu.vector_load %arg9[%get3A_208, %get3A_209] {strides = array<i32>} : memref<256x32xf32, #tpu.memory_space<vmem>>, vector<1x16xf32>,
        %get3A_211 = vector.shape_cast %get3A_210 : vector<1x16xf32> to vector<16xf32>
        %get3A_212 = arith.index_cast %scan3A_207 : i32 to index
        %get3A_213 = arith.constant 0 : index
        %get3A_214 = tpu.vector_load %arg10[%get3A_212, %get3A_213] {strides = array<i32>} : memref<256x32xf32, #tpu.memory_space<vmem>>, vector<1x16xf32>,
        %get3A_215 = vector.shape_cast %get3A_214 : vector<1x16xf32> to vector<16xf32>
        %mul3A_216 = arith.mulf %get3A_211, %get3A_215 : vector<16xf32>
        %swap3A_217 = arith.index_cast %scan3A_207 : i32 to index
        %swap3A_218 = arith.constant 0 : index
        %swap3A_219 = tpu.vector_load %arg9[%swap3A_217, %swap3A_218] {strides = array<i32>} : memref<256x32xf32, #tpu.memory_space<vmem>>, vector<1x16xf32>,
        %swap3A_220 = vector.shape_cast %swap3A_219 : vector<1x16xf32> to vector<16xf32>
        %swap3A_221 = vector.shape_cast %mul3A_216 : vector<16xf32> to vector<1x16xf32>
        tpu.vector_store %arg9[%swap3A_217, %swap3A_218], %swap3A_221 {strides = array<i32>} : memref<256x32xf32, #tpu.memory_space<vmem>>, vector<1x16xf32>,
        %get3A_222 = arith.index_cast %scan3A_207 : i32 to index
        %get3A_223 = arith.constant 16 : index
        %get3A_224 = tpu.vector_load %arg9[%get3A_222, %get3A_223] {strides = array<i32>} : memref<256x32xf32, #tpu.memory_space<vmem>>, vector<1x16xf32>,
        %get3A_225 = vector.shape_cast %get3A_224 : vector<1x16xf32> to vector<16xf32>
        %get3A_226 = arith.index_cast %scan3A_207 : i32 to index
        %get3A_227 = arith.constant 16 : index
        %get3A_228 = tpu.vector_load %arg10[%get3A_226, %get3A_227] {strides = array<i32>} : memref<256x32xf32, #tpu.memory_space<vmem>>, vector<1x16xf32>,
        %get3A_229 = vector.shape_cast %get3A_228 : vector<1x16xf32> to vector<16xf32>
        %mul3A_230 = arith.mulf %get3A_225, %get3A_229 : vector<16xf32>
        %swap3A_231 = arith.index_cast %scan3A_207 : i32 to index
        %swap3A_232 = arith.constant 16 : index
        %swap3A_233 = tpu.vector_load %arg9[%swap3A_231, %swap3A_232] {strides = array<i32>} : memref<256x32xf32, #tpu.memory_space<vmem>>, vector<1x16xf32>,
        %swap3A_234 = vector.shape_cast %swap3A_233 : vector<1x16xf32> to vector<16xf32>
        %swap3A_235 = vector.shape_cast %mul3A_230 : vector<16xf32> to vector<1x16xf32>
        tpu.vector_store %arg9[%swap3A_231, %swap3A_232], %swap3A_235 {strides = array<i32>} : memref<256x32xf32, #tpu.memory_space<vmem>>, vector<1x16xf32>,
        %scan3A_236 = arith.constant 0 : i32
        %scan3A_237 = arith.constant 2 : i32
        %scan3A_238 = arith.addi %scan3A_177, %scan3A_237 : i32
        %get3A_239 = arith.index_cast %scan3A_238 : i32 to index
        %get3A_240 = arith.constant 0 : index
        %get3A_241 = tpu.vector_load %arg9[%get3A_239, %get3A_240] {strides = array<i32>} : memref<256x32xf32, #tpu.memory_space<vmem>>, vector<1x16xf32>,
        %get3A_242 = vector.shape_cast %get3A_241 : vector<1x16xf32> to vector<16xf32>
        %get3A_243 = arith.index_cast %scan3A_238 : i32 to index
        %get3A_244 = arith.constant 0 : index
        %get3A_245 = tpu.vector_load %arg10[%get3A_243, %get3A_244] {strides = array<i32>} : memref<256x32xf32, #tpu.memory_space<vmem>>, vector<1x16xf32>,
        %get3A_246 = vector.shape_cast %get3A_245 : vector<1x16xf32> to vector<16xf32>
        %mul3A_247 = arith.mulf %get3A_242, %get3A_246 : vector<16xf32>
        %swap3A_248 = arith.index_cast %scan3A_238 : i32 to index
        %swap3A_249 = arith.constant 0 : index
        %swap3A_250 = tpu.vector_load %arg9[%swap3A_248, %swap3A_249] {strides = array<i32>} : memref<256x32xf32, #tpu.memory_space<vmem>>, vector<1x16xf32>,
        %swap3A_251 = vector.shape_cast %swap3A_250 : vector<1x16xf32> to vector<16xf32>
        %swap3A_252 = vector.shape_cast %mul3A_247 : vector<16xf32> to vector<1x16xf32>
        tpu.vector_store %arg9[%swap3A_248, %swap3A_249], %swap3A_252 {strides = array<i32>} : memref<256x32xf32, #tpu.memory_space<vmem>>, vector<1x16xf32>,
        %get3A_253 = arith.index_cast %scan3A_238 : i32 to index
        %get3A_254 = arith.constant 16 : index
        %get3A_255 = tpu.vector_load %arg9[%get3A_253, %get3A_254] {strides = array<i32>} : memref<256x32xf32, #tpu.memory_space<vmem>>, vector<1x16xf32>,
        %get3A_256 = vector.shape_cast %get3A_255 : vector<1x16xf32> to vector<16xf32>
        %get3A_257 = arith.index_cast %scan3A_238 : i32 to index
        %get3A_258 = arith.constant 16 : index
        %get3A_259 = tpu.vector_load %arg10[%get3A_257, %get3A_258] {strides = array<i32>} : memref<256x32xf32, #tpu.memory_space<vmem>>, vector<1x16xf32>,
        %get3A_260 = vector.shape_cast %get3A_259 : vector<1x16xf32> to vector<16xf32>
        %mul3A_261 = arith.mulf %get3A_256, %get3A_260 : vector<16xf32>
        %swap3A_262 = arith.index_cast %scan3A_238 : i32 to index
        %swap3A_263 = arith.constant 16 : index
        %swap3A_264 = tpu.vector_load %arg9[%swap3A_262, %swap3A_263] {strides = array<i32>} : memref<256x32xf32, #tpu.memory_space<vmem>>, vector<1x16xf32>,
        %swap3A_265 = vector.shape_cast %swap3A_264 : vector<1x16xf32> to vector<16xf32>
        %swap3A_266 = vector.shape_cast %mul3A_261 : vector<16xf32> to vector<1x16xf32>
        tpu.vector_store %arg9[%swap3A_262, %swap3A_263], %swap3A_266 {strides = array<i32>} : memref<256x32xf32, #tpu.memory_space<vmem>>, vector<1x16xf32>,
        %scan3A_267 = arith.constant 0 : i32
        %scan3A_268 = arith.constant 3 : i32
        %scan3A_269 = arith.addi %scan3A_177, %scan3A_268 : i32
        %get3A_270 = arith.index_cast %scan3A_269 : i32 to index
        %get3A_271 = arith.constant 0 : index
        %get3A_272 = tpu.vector_load %arg9[%get3A_270, %get3A_271] {strides = array<i32>} : memref<256x32xf32, #tpu.memory_space<vmem>>, vector<1x16xf32>,
        %get3A_273 = vector.shape_cast %get3A_272 : vector<1x16xf32> to vector<16xf32>
        %get3A_274 = arith.index_cast %scan3A_269 : i32 to index
        %get3A_275 = arith.constant 0 : index
        %get3A_276 = tpu.vector_load %arg10[%get3A_274, %get3A_275] {strides = array<i32>} : memref<256x32xf32, #tpu.memory_space<vmem>>, vector<1x16xf32>,
        %get3A_277 = vector.shape_cast %get3A_276 : vector<1x16xf32> to vector<16xf32>
        %mul3A_278 = arith.mulf %get3A_273, %get3A_277 : vector<16xf32>
        %swap3A_279 = arith.index_cast %scan3A_269 : i32 to index
        %swap3A_280 = arith.constant 0 : index
        %swap3A_281 = tpu.vector_load %arg9[%swap3A_279, %swap3A_280] {strides = array<i32>} : memref<256x32xf32, #tpu.memory_space<vmem>>, vector<1x16xf32>,
        %swap3A_282 = vector.shape_cast %swap3A_281 : vector<1x16xf32> to vector<16xf32>
        %swap3A_283 = vector.shape_cast %mul3A_278 : vector<16xf32> to vector<1x16xf32>
        tpu.vector_store %arg9[%swap3A_279, %swap3A_280], %swap3A_283 {strides = array<i32>} : memref<256x32xf32, #tpu.memory_space<vmem>>, vector<1x16xf32>,
        %get3A_284 = arith.index_cast %scan3A_269 : i32 to index
        %get3A_285 = arith.constant 16 : index
        %get3A_286 = tpu.vector_load %arg9[%get3A_284, %get3A_285] {strides = array<i32>} : memref<256x32xf32, #tpu.memory_space<vmem>>, vector<1x16xf32>,
        %get3A_287 = vector.shape_cast %get3A_286 : vector<1x16xf32> to vector<16xf32>
        %get3A_288 = arith.index_cast %scan3A_269 : i32 to index
        %get3A_289 = arith.constant 16 : index
        %get3A_290 = tpu.vector_load %arg10[%get3A_288, %get3A_289] {strides = array<i32>} : memref<256x32xf32, #tpu.memory_space<vmem>>, vector<1x16xf32>,
        %get3A_291 = vector.shape_cast %get3A_290 : vector<1x16xf32> to vector<16xf32>
        %mul3A_292 = arith.mulf %get3A_287, %get3A_291 : vector<16xf32>
        %swap3A_293 = arith.index_cast %scan3A_269 : i32 to index
        %swap3A_294 = arith.constant 16 : index
        %swap3A_295 = tpu.vector_load %arg9[%swap3A_293, %swap3A_294] {strides = array<i32>} : memref<256x32xf32, #tpu.memory_space<vmem>>, vector<1x16xf32>,
        %swap3A_296 = vector.shape_cast %swap3A_295 : vector<1x16xf32> to vector<16xf32>
        %swap3A_297 = vector.shape_cast %mul3A_292 : vector<16xf32> to vector<1x16xf32>
        tpu.vector_store %arg9[%swap3A_293, %swap3A_294], %swap3A_297 {strides = array<i32>} : memref<256x32xf32, #tpu.memory_space<vmem>>, vector<1x16xf32>,
        %scan3A_298 = arith.constant 0 : i32
        %scan3A_299 = arith.constant 4 : i32
        %scan3A_300 = arith.addi %scan3A_177, %scan3A_299 : i32
        %get3A_301 = arith.index_cast %scan3A_300 : i32 to index
        %get3A_302 = arith.constant 0 : index
        %get3A_303 = tpu.vector_load %arg9[%get3A_301, %get3A_302] {strides = array<i32>} : memref<256x32xf32, #tpu.memory_space<vmem>>, vector<1x16xf32>,
        %get3A_304 = vector.shape_cast %get3A_303 : vector<1x16xf32> to vector<16xf32>
        %get3A_305 = arith.index_cast %scan3A_300 : i32 to index
        %get3A_306 = arith.constant 0 : index
        %get3A_307 = tpu.vector_load %arg10[%get3A_305, %get3A_306] {strides = array<i32>} : memref<256x32xf32, #tpu.memory_space<vmem>>, vector<1x16xf32>,
        %get3A_308 = vector.shape_cast %get3A_307 : vector<1x16xf32> to vector<16xf32>
        %mul3A_309 = arith.mulf %get3A_304, %get3A_308 : vector<16xf32>
        %swap3A_310 = arith.index_cast %scan3A_300 : i32 to index
        %swap3A_311 = arith.constant 0 : index
        %swap3A_312 = tpu.vector_load %arg9[%swap3A_310, %swap3A_311] {strides = array<i32>} : memref<256x32xf32, #tpu.memory_space<vmem>>, vector<1x16xf32>,
        %swap3A_313 = vector.shape_cast %swap3A_312 : vector<1x16xf32> to vector<16xf32>
        %swap3A_314 = vector.shape_cast %mul3A_309 : vector<16xf32> to vector<1x16xf32>
        tpu.vector_store %arg9[%swap3A_310, %swap3A_311], %swap3A_314 {strides = array<i32>} : memref<256x32xf32, #tpu.memory_space<vmem>>, vector<1x16xf32>,
        %get3A_315 = arith.index_cast %scan3A_300 : i32 to index
        %get3A_316 = arith.constant 16 : index
        %get3A_317 = tpu.vector_load %arg9[%get3A_315, %get3A_316] {strides = array<i32>} : memref<256x32xf32, #tpu.memory_space<vmem>>, vector<1x16xf32>,
        %get3A_318 = vector.shape_cast %get3A_317 : vector<1x16xf32> to vector<16xf32>
        %get3A_319 = arith.index_cast %scan3A_300 : i32 to index
        %get3A_320 = arith.constant 16 : index
        %get3A_321 = tpu.vector_load %arg10[%get3A_319, %get3A_320] {strides = array<i32>} : memref<256x32xf32, #tpu.memory_space<vmem>>, vector<1x16xf32>,
        %get3A_322 = vector.shape_cast %get3A_321 : vector<1x16xf32> to vector<16xf32>
        %mul3A_323 = arith.mulf %get3A_318, %get3A_322 : vector<16xf32>
        %swap3A_324 = arith.index_cast %scan3A_300 : i32 to index
        %swap3A_325 = arith.constant 16 : index
        %swap3A_326 = tpu.vector_load %arg9[%swap3A_324, %swap3A_325] {strides = array<i32>} : memref<256x32xf32, #tpu.memory_space<vmem>>, vector<1x16xf32>,
        %swap3A_327 = vector.shape_cast %swap3A_326 : vector<1x16xf32> to vector<16xf32>
        %swap3A_328 = vector.shape_cast %mul3A_323 : vector<16xf32> to vector<1x16xf32>
        tpu.vector_store %arg9[%swap3A_324, %swap3A_325], %swap3A_328 {strides = array<i32>} : memref<256x32xf32, #tpu.memory_space<vmem>>, vector<1x16xf32>,
        %scan3A_329 = arith.constant 0 : i32
        %scan3A_330 = arith.constant 5 : i32
        %scan3A_331 = arith.addi %scan3A_177, %scan3A_330 : i32
        %get3A_332 = arith.index_cast %scan3A_331 : i32 to index
        %get3A_333 = arith.constant 0 : index
        %get3A_334 = tpu.vector_load %arg9[%get3A_332, %get3A_333] {strides = array<i32>} : memref<256x32xf32, #tpu.memory_space<vmem>>, vector<1x16xf32>,
        %get3A_335 = vector.shape_cast %get3A_334 : vector<1x16xf32> to vector<16xf32>
        %get3A_336 = arith.index_cast %scan3A_331 : i32 to index
        %get3A_337 = arith.constant 0 : index
        %get3A_338 = tpu.vector_load %arg10[%get3A_336, %get3A_337] {strides = array<i32>} : memref<256x32xf32, #tpu.memory_space<vmem>>, vector<1x16xf32>,
        %get3A_339 = vector.shape_cast %get3A_338 : vector<1x16xf32> to vector<16xf32>
        %mul3A_340 = arith.mulf %get3A_335, %get3A_339 : vector<16xf32>
        %swap3A_341 = arith.index_cast %scan3A_331 : i32 to index
        %swap3A_342 = arith.constant 0 : index
        %swap3A_343 = tpu.vector_load %arg9[%swap3A_341, %swap3A_342] {strides = array<i32>} : memref<256x32xf32, #tpu.memory_space<vmem>>, vector<1x16xf32>,
        %swap3A_344 = vector.shape_cast %swap3A_343 : vector<1x16xf32> to vector<16xf32>
        %swap3A_345 = vector.shape_cast %mul3A_340 : vector<16xf32> to vector<1x16xf32>
        tpu.vector_store %arg9[%swap3A_341, %swap3A_342], %swap3A_345 {strides = array<i32>} : memref<256x32xf32, #tpu.memory_space<vmem>>, vector<1x16xf32>,
        %get3A_346 = arith.index_cast %scan3A_331 : i32 to index
        %get3A_347 = arith.constant 16 : index
        %get3A_348 = tpu.vector_load %arg9[%get3A_346, %get3A_347] {strides = array<i32>} : memref<256x32xf32, #tpu.memory_space<vmem>>, vector<1x16xf32>,
        %get3A_349 = vector.shape_cast %get3A_348 : vector<1x16xf32> to vector<16xf32>
        %get3A_350 = arith.index_cast %scan3A_331 : i32 to index
        %get3A_351 = arith.constant 16 : index
        %get3A_352 = tpu.vector_load %arg10[%get3A_350, %get3A_351] {strides = array<i32>} : memref<256x32xf32, #tpu.memory_space<vmem>>, vector<1x16xf32>,
        %get3A_353 = vector.shape_cast %get3A_352 : vector<1x16xf32> to vector<16xf32>
        %mul3A_354 = arith.mulf %get3A_349, %get3A_353 : vector<16xf32>
        %swap3A_355 = arith.index_cast %scan3A_331 : i32 to index
        %swap3A_356 = arith.constant 16 : index
        %swap3A_357 = tpu.vector_load %arg9[%swap3A_355, %swap3A_356] {strides = array<i32>} : memref<256x32xf32, #tpu.memory_space<vmem>>, vector<1x16xf32>,
        %swap3A_358 = vector.shape_cast %swap3A_357 : vector<1x16xf32> to vector<16xf32>
        %swap3A_359 = vector.shape_cast %mul3A_354 : vector<16xf32> to vector<1x16xf32>
        tpu.vector_store %arg9[%swap3A_355, %swap3A_356], %swap3A_359 {strides = array<i32>} : memref<256x32xf32, #tpu.memory_space<vmem>>, vector<1x16xf32>,
        %scan3A_360 = arith.constant 0 : i32
        %scan3A_361 = arith.constant 6 : i32
        %scan3A_362 = arith.addi %scan3A_177, %scan3A_361 : i32
        %get3A_363 = arith.index_cast %scan3A_362 : i32 to index
        %get3A_364 = arith.constant 0 : index
        %get3A_365 = tpu.vector_load %arg9[%get3A_363, %get3A_364] {strides = array<i32>} : memref<256x32xf32, #tpu.memory_space<vmem>>, vector<1x16xf32>,
        %get3A_366 = vector.shape_cast %get3A_365 : vector<1x16xf32> to vector<16xf32>
        %get3A_367 = arith.index_cast %scan3A_362 : i32 to index
        %get3A_368 = arith.constant 0 : index
        %get3A_369 = tpu.vector_load %arg10[%get3A_367, %get3A_368] {strides = array<i32>} : memref<256x32xf32, #tpu.memory_space<vmem>>, vector<1x16xf32>,
        %get3A_370 = vector.shape_cast %get3A_369 : vector<1x16xf32> to vector<16xf32>
        %mul3A_371 = arith.mulf %get3A_366, %get3A_370 : vector<16xf32>
        %swap3A_372 = arith.index_cast %scan3A_362 : i32 to index
        %swap3A_373 = arith.constant 0 : index
        %swap3A_374 = tpu.vector_load %arg9[%swap3A_372, %swap3A_373] {strides = array<i32>} : memref<256x32xf32, #tpu.memory_space<vmem>>, vector<1x16xf32>,
        %swap3A_375 = vector.shape_cast %swap3A_374 : vector<1x16xf32> to vector<16xf32>
        %swap3A_376 = vector.shape_cast %mul3A_371 : vector<16xf32> to vector<1x16xf32>
        tpu.vector_store %arg9[%swap3A_372, %swap3A_373], %swap3A_376 {strides = array<i32>} : memref<256x32xf32, #tpu.memory_space<vmem>>, vector<1x16xf32>,
        %get3A_377 = arith.index_cast %scan3A_362 : i32 to index
        %get3A_378 = arith.constant 16 : index
        %get3A_379 = tpu.vector_load %arg9[%get3A_377, %get3A_378] {strides = array<i32>} : memref<256x32xf32, #tpu.memory_space<vmem>>, vector<1x16xf32>,
        %get3A_380 = vector.shape_cast %get3A_379 : vector<1x16xf32> to vector<16xf32>
        %get3A_381 = arith.index_cast %scan3A_362 : i32 to index
        %get3A_382 = arith.constant 16 : index
        %get3A_383 = tpu.vector_load %arg10[%get3A_381, %get3A_382] {strides = array<i32>} : memref<256x32xf32, #tpu.memory_space<vmem>>, vector<1x16xf32>,
        %get3A_384 = vector.shape_cast %get3A_383 : vector<1x16xf32> to vector<16xf32>
        %mul3A_385 = arith.mulf %get3A_380, %get3A_384 : vector<16xf32>
        %swap3A_386 = arith.index_cast %scan3A_362 : i32 to index
        %swap3A_387 = arith.constant 16 : index
        %swap3A_388 = tpu.vector_load %arg9[%swap3A_386, %swap3A_387] {strides = array<i32>} : memref<256x32xf32, #tpu.memory_space<vmem>>, vector<1x16xf32>,
        %swap3A_389 = vector.shape_cast %swap3A_388 : vector<1x16xf32> to vector<16xf32>
        %swap3A_390 = vector.shape_cast %mul3A_385 : vector<16xf32> to vector<1x16xf32>
        tpu.vector_store %arg9[%swap3A_386, %swap3A_387], %swap3A_390 {strides = array<i32>} : memref<256x32xf32, #tpu.memory_space<vmem>>, vector<1x16xf32>,
        %scan3A_391 = arith.constant 0 : i32
        %scan3A_392 = arith.constant 7 : i32
        %scan3A_393 = arith.addi %scan3A_177, %scan3A_392 : i32
        %get3A_394 = arith.index_cast %scan3A_393 : i32 to index
        %get3A_395 = arith.constant 0 : index
        %get3A_396 = tpu.vector_load %arg9[%get3A_394, %get3A_395] {strides = array<i32>} : memref<256x32xf32, #tpu.memory_space<vmem>>, vector<1x16xf32>,
        %get3A_397 = vector.shape_cast %get3A_396 : vector<1x16xf32> to vector<16xf32>
        %get3A_398 = arith.index_cast %scan3A_393 : i32 to index
        %get3A_399 = arith.constant 0 : index
        %get3A_400 = tpu.vector_load %arg10[%get3A_398, %get3A_399] {strides = array<i32>} : memref<256x32xf32, #tpu.memory_space<vmem>>, vector<1x16xf32>,
        %get3A_401 = vector.shape_cast %get3A_400 : vector<1x16xf32> to vector<16xf32>
        %mul3A_402 = arith.mulf %get3A_397, %get3A_401 : vector<16xf32>
        %swap3A_403 = arith.index_cast %scan3A_393 : i32 to index
        %swap3A_404 = arith.constant 0 : index
        %swap3A_405 = tpu.vector_load %arg9[%swap3A_403, %swap3A_404] {strides = array<i32>} : memref<256x32xf32, #tpu.memory_space<vmem>>, vector<1x16xf32>,
        %swap3A_406 = vector.shape_cast %swap3A_405 : vector<1x16xf32> to vector<16xf32>
        %swap3A_407 = vector.shape_cast %mul3A_402 : vector<16xf32> to vector<1x16xf32>
        tpu.vector_store %arg9[%swap3A_403, %swap3A_404], %swap3A_407 {strides = array<i32>} : memref<256x32xf32, #tpu.memory_space<vmem>>, vector<1x16xf32>,
        %get3A_408 = arith.index_cast %scan3A_393 : i32 to index
        %get3A_409 = arith.constant 16 : index
        %get3A_410 = tpu.vector_load %arg9[%get3A_408, %get3A_409] {strides = array<i32>} : memref<256x32xf32, #tpu.memory_space<vmem>>, vector<1x16xf32>,
        %get3A_411 = vector.shape_cast %get3A_410 : vector<1x16xf32> to vector<16xf32>
        %get3A_412 = arith.index_cast %scan3A_393 : i32 to index
        %get3A_413 = arith.constant 16 : index
        %get3A_414 = tpu.vector_load %arg10[%get3A_412, %get3A_413] {strides = array<i32>} : memref<256x32xf32, #tpu.memory_space<vmem>>, vector<1x16xf32>,
        %get3A_415 = vector.shape_cast %get3A_414 : vector<1x16xf32> to vector<16xf32>
        %mul3A_416 = arith.mulf %get3A_411, %get3A_415 : vector<16xf32>
        %swap3A_417 = arith.index_cast %scan3A_393 : i32 to index
        %swap3A_418 = arith.constant 16 : index
        %swap3A_419 = tpu.vector_load %arg9[%swap3A_417, %swap3A_418] {strides = array<i32>} : memref<256x32xf32, #tpu.memory_space<vmem>>, vector<1x16xf32>,
        %swap3A_420 = vector.shape_cast %swap3A_419 : vector<1x16xf32> to vector<16xf32>
        %swap3A_421 = vector.shape_cast %mul3A_416 : vector<16xf32> to vector<1x16xf32>
        tpu.vector_store %arg9[%swap3A_417, %swap3A_418], %swap3A_421 {strides = array<i32>} : memref<256x32xf32, #tpu.memory_space<vmem>>, vector<1x16xf32>,
        %scan3A_422 = arith.constant 0 : i32
        scf.yield %scan3A_422 : i32
      }
      %scan3A_173 = arith.constant 256 : i32
      %run_scoped3A_174 = arith.constant 0 : i32
      "tpu.region"() ({
        %run_scoped3A_177 = tpu.sem_alloc : memref<!tpu.dma_semaphore, #tpu.memory_space<semaphore_mem>>
        %dma_start3A_178 = arith.constant 0 : i32
        %dma_start3A_179 = arith.constant 0 : i32
        %dma_start3A_180 = tpu.memref_slice %arg9[%dma_start3A_178, %dma_start3A_179] : memref<256x32xf32, #tpu.memory_space<vmem>> -> memref<128x32xf32, #tpu.memory_space<vmem>>
        %dma_start3A_181 = arith.constant 0 : i32
        %dma_start3A_182 = tpu.memref_slice %arg8[%run_scoped3A_174, %dma_start3A_181] : memref<2x128xi32, #tpu.memory_space<vmem>> -> memref<1x128xi32, #tpu.memory_space<vmem>>
        %dma_start3A_183 = tpu.memref_squeeze %dma_start3A_182 : memref<1x128xi32, #tpu.memory_space<vmem>> -> memref<128xi32, #tpu.memory_space<vmem>>
        %dma_start3A_184 = arith.constant 0 : i32
        %dma_start3A_185 = arith.constant 0 : i32
        %dma_start3A_186 = tpu.memref_slice %arg12[%dma_start3A_184, %dma_start3A_185] : memref<50000x32xf32, #tpu.memory_space<vmem_shared>> -> memref<50000x32xf32, #tpu.memory_space<vmem_shared>>
        tpu.enqueue_indirect_dma source(%dma_start3A_180 : memref<128x32xf32, #tpu.memory_space<vmem>>) target(%dma_start3A_186 : memref<50000x32xf32, #tpu.memory_space<vmem_shared>>) offsets(%dma_start3A_183 : memref<128xi32, #tpu.memory_space<vmem>>) semaphore(%run_scoped3A_177 : memref<!tpu.dma_semaphore, #tpu.memory_space<semaphore_mem>>) {add = true}
        %dma_wait3A_187 = arith.constant 0 : i32
        %dma_wait3A_188 = arith.constant 0 : i32
        %dma_wait3A_189 = tpu.memref_slice %arg9[%dma_wait3A_187, %dma_wait3A_188] : memref<256x32xf32, #tpu.memory_space<vmem>> -> memref<128x32xf32, #tpu.memory_space<vmem>>
        %dma_wait3A_190 = arith.constant 0 : i32
        %dma_wait3A_191 = tpu.memref_slice %arg8[%run_scoped3A_174, %dma_wait3A_190] : memref<2x128xi32, #tpu.memory_space<vmem>> -> memref<1x128xi32, #tpu.memory_space<vmem>>
        %dma_wait3A_192 = tpu.memref_squeeze %dma_wait3A_191 : memref<1x128xi32, #tpu.memory_space<vmem>> -> memref<128xi32, #tpu.memory_space<vmem>>
        %dma_wait3A_193 = arith.constant 0 : i32
        %dma_wait3A_194 = arith.constant 0 : i32
        %dma_wait3A_195 = tpu.memref_slice %arg12[%dma_wait3A_193, %dma_wait3A_194] : memref<50000x32xf32, #tpu.memory_space<vmem_shared>> -> memref<50000x32xf32, #tpu.memory_space<vmem_shared>>
        tpu.wait_indirect_dma semaphore(%run_scoped3A_177 : memref<!tpu.dma_semaphore, #tpu.memory_space<semaphore_mem>>) src(%dma_wait3A_189 : memref<128x32xf32, #tpu.memory_space<vmem>>) dst(%dma_wait3A_195 : memref<50000x32xf32, #tpu.memory_space<vmem_shared>>)
        tpu.yield
      }) : () -> ()
      %run_scoped3A_175 = arith.constant 1 : i32
      "tpu.region"() ({
        %run_scoped3A_177 = tpu.sem_alloc : memref<!tpu.dma_semaphore, #tpu.memory_space<semaphore_mem>>
        %dma_start3A_178 = arith.constant 128 : i32
        %dma_start3A_179 = arith.constant 0 : i32
        %dma_start3A_180 = tpu.memref_slice %arg9[%dma_start3A_178, %dma_start3A_179] : memref<256x32xf32, #tpu.memory_space<vmem>> -> memref<128x32xf32, #tpu.memory_space<vmem>>
        %dma_start3A_181 = arith.constant 0 : i32
        %dma_start3A_182 = tpu.memref_slice %arg8[%run_scoped3A_175, %dma_start3A_181] : memref<2x128xi32, #tpu.memory_space<vmem>> -> memref<1x128xi32, #tpu.memory_space<vmem>>
        %dma_start3A_183 = tpu.memref_squeeze %dma_start3A_182 : memref<1x128xi32, #tpu.memory_space<vmem>> -> memref<128xi32, #tpu.memory_space<vmem>>
        %dma_start3A_184 = arith.constant 0 : i32
        %dma_start3A_185 = arith.constant 0 : i32
        %dma_start3A_186 = tpu.memref_slice %arg12[%dma_start3A_184, %dma_start3A_185] : memref<50000x32xf32, #tpu.memory_space<vmem_shared>> -> memref<50000x32xf32, #tpu.memory_space<vmem_shared>>
        tpu.enqueue_indirect_dma source(%dma_start3A_180 : memref<128x32xf32, #tpu.memory_space<vmem>>) target(%dma_start3A_186 : memref<50000x32xf32, #tpu.memory_space<vmem_shared>>) offsets(%dma_start3A_183 : memref<128xi32, #tpu.memory_space<vmem>>) semaphore(%run_scoped3A_177 : memref<!tpu.dma_semaphore, #tpu.memory_space<semaphore_mem>>) {add = true}
        %dma_wait3A_187 = arith.constant 128 : i32
        %dma_wait3A_188 = arith.constant 0 : i32
        %dma_wait3A_189 = tpu.memref_slice %arg9[%dma_wait3A_187, %dma_wait3A_188] : memref<256x32xf32, #tpu.memory_space<vmem>> -> memref<128x32xf32, #tpu.memory_space<vmem>>
        %dma_wait3A_190 = arith.constant 0 : i32
        %dma_wait3A_191 = tpu.memref_slice %arg8[%run_scoped3A_175, %dma_wait3A_190] : memref<2x128xi32, #tpu.memory_space<vmem>> -> memref<1x128xi32, #tpu.memory_space<vmem>>
        %dma_wait3A_192 = tpu.memref_squeeze %dma_wait3A_191 : memref<1x128xi32, #tpu.memory_space<vmem>> -> memref<128xi32, #tpu.memory_space<vmem>>
        %dma_wait3A_193 = arith.constant 0 : i32
        %dma_wait3A_194 = arith.constant 0 : i32
        %dma_wait3A_195 = tpu.memref_slice %arg12[%dma_wait3A_193, %dma_wait3A_194] : memref<50000x32xf32, #tpu.memory_space<vmem_shared>> -> memref<50000x32xf32, #tpu.memory_space<vmem_shared>>
        tpu.wait_indirect_dma semaphore(%run_scoped3A_177 : memref<!tpu.dma_semaphore, #tpu.memory_space<semaphore_mem>>) src(%dma_wait3A_189 : memref<128x32xf32, #tpu.memory_space<vmem>>) dst(%dma_wait3A_195 : memref<50000x32xf32, #tpu.memory_space<vmem_shared>>)
        tpu.yield
      }) : () -> ()
      %scan3A_176 = arith.constant 0 : i32
      scf.yield %scan3A_176 : i32
    }
    %scan3A_24 = arith.constant 100 : i32
    %barrier3A_25 = arith.constant 0 : index
    tpu.barrier barrier_id(%barrier3A_25)
    %mul3A_26 = arith.constant 50000 : i32
    %mul3A_27 = arith.muli %arg0, %mul3A_26 : i32
    %add3A_28 = arith.addi %mul3A_27, %mul3A_8 : i32
    "tpu.region"() ({
      %run_scoped3A = tpu.sem_alloc : memref<!tpu.dma_semaphore, #tpu.memory_space<semaphore_mem>>
      %dma_start3A = arith.constant 0 : i32
      %dma_start3A_29 = tpu.memref_slice %arg6[%add3A_28, %dma_start3A] : memref<100000x32xf32, #tpu.memory_space<hbm>> -> memref<3125x32xf32, #tpu.memory_space<hbm>>
      %dma_start3A_30 = arith.constant 0 : i32
      %dma_start3A_31 = tpu.memref_slice %arg12[%mul3A_8, %dma_start3A_30] : memref<50000x32xf32, #tpu.memory_space<vmem_shared>> -> memref<3125x32xf32, #tpu.memory_space<vmem_shared>>
      tpu.enqueue_dma source(%dma_start3A_31 : memref<3125x32xf32, #tpu.memory_space<vmem_shared>>) target(%dma_start3A_29 : memref<3125x32xf32, #tpu.memory_space<hbm>>) target_semaphore(%run_scoped3A : memref<!tpu.dma_semaphore, #tpu.memory_space<semaphore_mem>>)
      %dma_wait3A = arith.constant 0 : i32
      %dma_wait3A_32 = tpu.memref_slice %arg6[%add3A_28, %dma_wait3A] : memref<100000x32xf32, #tpu.memory_space<hbm>> -> memref<3125x32xf32, #tpu.memory_space<hbm>>
      %dma_wait3A_33 = arith.constant 0 : i32
      %dma_wait3A_34 = tpu.memref_slice %arg12[%mul3A_8, %dma_wait3A_33] : memref<50000x32xf32, #tpu.memory_space<vmem_shared>> -> memref<3125x32xf32, #tpu.memory_space<vmem_shared>>
      tpu.wait_dma2 semaphore(%run_scoped3A : memref<!tpu.dma_semaphore, #tpu.memory_space<semaphore_mem>>) src(%dma_wait3A_34 : memref<3125x32xf32, #tpu.memory_space<vmem_shared>>) dst(%dma_wait3A_32 : memref<3125x32xf32, #tpu.memory_space<hbm>>)
      tpu.yield
    }) : () -> ()
    return
  }
}

module attributes {stable_mosaic.version = 14 : i64} {
  func.func @_k1_body(%arg0: i32, %arg1: memref<1x1x2000xi32, #tpu.memory_space<vmem>>, %arg2: memref<1x1x2000xi32, #tpu.memory_space<vmem>>, %arg3: memref<2000x3xf32, #tpu.memory_space<vmem>>, %arg4: memref<64x9xf32, #tpu.memory_space<vmem>>, %arg5: memref<2x32xf32, #tpu.memory_space<vmem>>, %arg6: memref<2000x16xf32, #tpu.memory_space<vmem>>, %arg7: memref<2000x32xf32, #tpu.memory_space<vmem>>) attributes {dimension_semantics = [#tpu.dimension_semantics<arbitrary>], iteration_bounds = array<i64: 25>, scalar_prefetch = 0 : i64, scratch_operands = 0 : i64, tpu.core_type = #tpu.core_type<tc>, window_params = [{transform_indices = @transform_0, window_bounds = array<i64: 1, 1, 2000>}, {transform_indices = @transform_1, window_bounds = array<i64: 1, 1, 2000>}, {transform_indices = @transform_2, window_bounds = array<i64: 2000, 3>}, {pipeline_mode = #tpu.pipeline_mode<synchronous>, transform_indices = @transform_3, window_bounds = array<i64: 64, 9>}, {pipeline_mode = #tpu.pipeline_mode<synchronous>, transform_indices = @transform_4, window_bounds = array<i64: 2, 32>}, {transform_indices = @transform_5, window_bounds = array<i64: 2000, 16>}, {transform_indices = @transform_6, window_bounds = array<i64: 2000, 32>}]} {
    %get3A = arith.constant 0 : index
    %get3A_0 = arith.constant 0 : index
    %get3A_1 = arith.constant 0 : index
    %get3A_2 = vector.load %arg1[%get3A, %get3A_0, %get3A_1] : memref<1x1x2000xi32, #tpu.memory_space<vmem>>, vector<1x1x2000xi32>
    %get3A_3 = vector.shape_cast %get3A_2 : vector<1x1x2000xi32> to vector<2000xi32>
    %get3A_4 = arith.constant 0 : index
    %get3A_5 = arith.constant 0 : index
    %get3A_6 = arith.constant 0 : index
    %get3A_7 = vector.load %arg2[%get3A_4, %get3A_5, %get3A_6] : memref<1x1x2000xi32, #tpu.memory_space<vmem>>, vector<1x1x2000xi32>
    %get3A_8 = vector.shape_cast %get3A_7 : vector<1x1x2000xi32> to vector<2000xi32>
    %get3A_9 = arith.constant 0 : index
    %get3A_10 = arith.constant 0 : index
    %get3A_11 = vector.load %arg3[%get3A_9, %get3A_10] : memref<2000x3xf32, #tpu.memory_space<vmem>>, vector<2000x3xf32>
    %iota3A = tpu.iota {dimensions = array<i32: 1>} : vector<2000x64xi32>
    %broadcast_in_dim3A = vector.shape_cast %get3A_8 : vector<2000xi32> to vector<2000x1xi32>
    %eq3A = vector.broadcast %broadcast_in_dim3A : vector<2000x1xi32> to vector<2000x64xi32>
    %eq3A_12 = arith.cmpi eq, %iota3A, %eq3A : vector<2000x64xi32>
    %convert_element_type3A = arith.extui %eq3A_12 : vector<2000x64xi1> to vector<2000x64xi32>
    %convert_element_type3A_13 = arith.sitofp %convert_element_type3A : vector<2000x64xi32> to vector<2000x64xf32>
    %get3A_14 = arith.constant 0 : index
    %get3A_15 = arith.constant 0 : index
    %get3A_16 = vector.load %arg4[%get3A_14, %get3A_15] : memref<64x9xf32, #tpu.memory_space<vmem>>, vector<64x9xf32>
    %dot_general3A = arith.constant dense<0.000000e+00> : vector<2000x9xf32>
    %dot_general3A_17 = tpu.matmul %convert_element_type3A_13, %get3A_16, %dot_general3A {dimension_numbers = #tpu.dot_dimension_numbers<[1], [0], [0], [1], [0, 0, 1, 1], [], []>, precision = #tpu.contract_precision<fp32>, transpose_lhs_hint = false} : vector<2000x64xf32>, vector<64x9xf32>, vector<2000x9xf32> -> vector<2000x9xf32>
    %broadcast_in_dim3A_18 = arith.constant 0.000000e+00 : f32
    %broadcast_in_dim3A_19 = vector.broadcast %broadcast_in_dim3A_18 : f32 to vector<2000x4xf32>
    %concatenate3A = tpu.concatenate %get3A_11, %dot_general3A_17, %broadcast_in_dim3A_19 in 1 : vector<2000x3xf32>, vector<2000x9xf32>, vector<2000x4xf32> -> vector<2000x16xf32>
    %swap3A = arith.constant 0 : index
    %swap3A_20 = arith.constant 0 : index
    %swap3A_21 = vector.load %arg6[%swap3A, %swap3A_20] : memref<2000x16xf32, #tpu.memory_space<vmem>>, vector<2000x16xf32>
    tpu.vector_store %arg6[%swap3A, %swap3A_20], %concatenate3A {strides = array<i32>} : memref<2000x16xf32, #tpu.memory_space<vmem>>, vector<2000x16xf32>,
    %iota3A_22 = tpu.iota {dimensions = array<i32: 1>} : vector<2000x2xi32>
    %broadcast_in_dim3A_23 = vector.shape_cast %get3A_3 : vector<2000xi32> to vector<2000x1xi32>
    %eq3A_24 = vector.broadcast %broadcast_in_dim3A_23 : vector<2000x1xi32> to vector<2000x2xi32>
    %eq3A_25 = arith.cmpi eq, %iota3A_22, %eq3A_24 : vector<2000x2xi32>
    %convert_element_type3A_26 = arith.extui %eq3A_25 : vector<2000x2xi1> to vector<2000x2xi32>
    %convert_element_type3A_27 = arith.sitofp %convert_element_type3A_26 : vector<2000x2xi32> to vector<2000x2xf32>
    %get3A_28 = arith.constant 0 : index
    %get3A_29 = arith.constant 0 : index
    %get3A_30 = vector.load %arg5[%get3A_28, %get3A_29] : memref<2x32xf32, #tpu.memory_space<vmem>>, vector<2x32xf32>
    %dot_general3A_31 = arith.constant dense<0.000000e+00> : vector<2000x32xf32>
    %dot_general3A_32 = tpu.matmul %convert_element_type3A_27, %get3A_30, %dot_general3A_31 {dimension_numbers = #tpu.dot_dimension_numbers<[1], [0], [0], [1], [0, 0, 1, 1], [], []>, transpose_lhs_hint = false} : vector<2000x2xf32>, vector<2x32xf32>, vector<2000x32xf32> -> vector<2000x32xf32>
    %swap3A_33 = arith.constant 0 : index
    %swap3A_34 = arith.constant 0 : index
    %swap3A_35 = vector.load %arg7[%swap3A_33, %swap3A_34] : memref<2000x32xf32, #tpu.memory_space<vmem>>, vector<2000x32xf32>
    tpu.vector_store %arg7[%swap3A_33, %swap3A_34], %dot_general3A_32 {strides = array<i32>} : memref<2000x32xf32, #tpu.memory_space<vmem>>, vector<2000x32xf32>,
    return
  }
  func.func @transform_0(%arg0: i32) -> (i32, i32, i32) {
    %c0_i32 = arith.constant 0 : i32
    %c0_i32_0 = arith.constant 0 : i32
    %c0_i32_1 = arith.constant 0 : i32
    return %arg0, %c0_i32, %c0_i32_0 : i32, i32, i32
  }
  func.func @transform_1(%arg0: i32) -> (i32, i32, i32) {
    %c0_i32 = arith.constant 0 : i32
    %c0_i32_0 = arith.constant 0 : i32
    %c0_i32_1 = arith.constant 0 : i32
    return %arg0, %c0_i32, %c0_i32_0 : i32, i32, i32
  }
  func.func @transform_2(%arg0: i32) -> (i32, i32) {
    %c0_i32 = arith.constant 0 : i32
    %c0_i32_0 = arith.constant 0 : i32
    return %arg0, %c0_i32 : i32, i32
  }
  func.func @transform_3(%arg0: i32) -> (i32, i32) {
    %c0_i32 = arith.constant 0 : i32
    %c0_i32_0 = arith.constant 0 : i32
    %c0_i32_1 = arith.constant 0 : i32
    return %c0_i32, %c0_i32_0 : i32, i32
  }
  func.func @transform_4(%arg0: i32) -> (i32, i32) {
    %c0_i32 = arith.constant 0 : i32
    %c0_i32_0 = arith.constant 0 : i32
    %c0_i32_1 = arith.constant 0 : i32
    return %c0_i32, %c0_i32_0 : i32, i32
  }
  func.func @transform_5(%arg0: i32) -> (i32, i32) {
    %c0_i32 = arith.constant 0 : i32
    %c0_i32_0 = arith.constant 0 : i32
    return %arg0, %c0_i32 : i32, i32
  }
  func.func @transform_6(%arg0: i32) -> (i32, i32) {
    %c0_i32 = arith.constant 0 : i32
    %c0_i32_0 = arith.constant 0 : i32
    return %arg0, %c0_i32 : i32, i32
  }
}

module attributes {stable_mosaic.version = 14 : i64} {
  func.func @_k3_body(%arg0: i32, %arg1: memref<512x128xf32, #tpu.memory_space<vmem>>, %arg2: memref<512x128xf32, #tpu.memory_space<vmem>>, %arg3: memref<4096x4xf32, #tpu.memory_space<vmem>>, %arg4: memref<3x8x64xf32, #tpu.memory_space<vmem>>, %arg5: memref<3x64x32xf32, #tpu.memory_space<vmem>>, %arg6: memref<3x4x32xf32, #tpu.memory_space<vmem>>, %arg7: memref<3x1024x128xf32, #tpu.memory_space<vmem>>) attributes {dimension_semantics = [#tpu.dimension_semantics<arbitrary>], iteration_bounds = array<i64: 200>, scalar_prefetch = 0 : i64, scratch_operands = 0 : i64, tpu.core_type = #tpu.core_type<tc>, window_params = [{transform_indices = @transform_0, window_bounds = array<i64: 512, 128>}, {transform_indices = @transform_1, window_bounds = array<i64: 512, 128>}, {transform_indices = @transform_2, window_bounds = array<i64: 4096, 4>}, {pipeline_mode = #tpu.pipeline_mode<synchronous>, transform_indices = @transform_3, window_bounds = array<i64: 3, 8, 64>}, {pipeline_mode = #tpu.pipeline_mode<synchronous>, transform_indices = @transform_4, window_bounds = array<i64: 3, 64, 32>}, {pipeline_mode = #tpu.pipeline_mode<synchronous>, transform_indices = @transform_5, window_bounds = array<i64: 3, 4, 32>}, {transform_indices = @transform_6, window_bounds = array<i64: 3, 1024, 128>}]} {
    %get3A = arith.constant 0 : index
    %get3A_0 = arith.constant 0 : index
    %get3A_1 = vector.load %arg1[%get3A, %get3A_0] : memref<512x128xf32, #tpu.memory_space<vmem>>, vector<512x16xf32>
    %get3A_2 = arith.constant 0 : index
    %get3A_3 = arith.constant 16 : index
    %get3A_4 = vector.load %arg1[%get3A_2, %get3A_3] : memref<512x128xf32, #tpu.memory_space<vmem>>, vector<512x16xf32>
    %get3A_5 = arith.constant 0 : index
    %get3A_6 = arith.constant 32 : index
    %get3A_7 = vector.load %arg1[%get3A_5, %get3A_6] : memref<512x128xf32, #tpu.memory_space<vmem>>, vector<512x16xf32>
    %get3A_8 = arith.constant 0 : index
    %get3A_9 = arith.constant 48 : index
    %get3A_10 = vector.load %arg1[%get3A_8, %get3A_9] : memref<512x128xf32, #tpu.memory_space<vmem>>, vector<512x16xf32>
    %get3A_11 = arith.constant 0 : index
    %get3A_12 = arith.constant 64 : index
    %get3A_13 = vector.load %arg1[%get3A_11, %get3A_12] : memref<512x128xf32, #tpu.memory_space<vmem>>, vector<512x16xf32>
    %get3A_14 = arith.constant 0 : index
    %get3A_15 = arith.constant 80 : index
    %get3A_16 = vector.load %arg1[%get3A_14, %get3A_15] : memref<512x128xf32, #tpu.memory_space<vmem>>, vector<512x16xf32>
    %get3A_17 = arith.constant 0 : index
    %get3A_18 = arith.constant 96 : index
    %get3A_19 = vector.load %arg1[%get3A_17, %get3A_18] : memref<512x128xf32, #tpu.memory_space<vmem>>, vector<512x16xf32>
    %get3A_20 = arith.constant 0 : index
    %get3A_21 = arith.constant 112 : index
    %get3A_22 = vector.load %arg1[%get3A_20, %get3A_21] : memref<512x128xf32, #tpu.memory_space<vmem>>, vector<512x16xf32>
    %concatenate3A = tpu.concatenate %get3A_1, %get3A_4, %get3A_7, %get3A_10, %get3A_13, %get3A_16, %get3A_19, %get3A_22 in 0 : vector<512x16xf32>, vector<512x16xf32>, vector<512x16xf32>, vector<512x16xf32>, vector<512x16xf32>, vector<512x16xf32>, vector<512x16xf32>, vector<512x16xf32> -> vector<4096x16xf32>
    %get3A_23 = arith.constant 0 : index
    %get3A_24 = arith.constant 0 : index
    %get3A_25 = vector.load %arg2[%get3A_23, %get3A_24] : memref<512x128xf32, #tpu.memory_space<vmem>>, vector<512x16xf32>
    %get3A_26 = arith.constant 0 : index
    %get3A_27 = arith.constant 16 : index
    %get3A_28 = vector.load %arg2[%get3A_26, %get3A_27] : memref<512x128xf32, #tpu.memory_space<vmem>>, vector<512x16xf32>
    %get3A_29 = arith.constant 0 : index
    %get3A_30 = arith.constant 32 : index
    %get3A_31 = vector.load %arg2[%get3A_29, %get3A_30] : memref<512x128xf32, #tpu.memory_space<vmem>>, vector<512x16xf32>
    %get3A_32 = arith.constant 0 : index
    %get3A_33 = arith.constant 48 : index
    %get3A_34 = vector.load %arg2[%get3A_32, %get3A_33] : memref<512x128xf32, #tpu.memory_space<vmem>>, vector<512x16xf32>
    %get3A_35 = arith.constant 0 : index
    %get3A_36 = arith.constant 64 : index
    %get3A_37 = vector.load %arg2[%get3A_35, %get3A_36] : memref<512x128xf32, #tpu.memory_space<vmem>>, vector<512x16xf32>
    %get3A_38 = arith.constant 0 : index
    %get3A_39 = arith.constant 80 : index
    %get3A_40 = vector.load %arg2[%get3A_38, %get3A_39] : memref<512x128xf32, #tpu.memory_space<vmem>>, vector<512x16xf32>
    %get3A_41 = arith.constant 0 : index
    %get3A_42 = arith.constant 96 : index
    %get3A_43 = vector.load %arg2[%get3A_41, %get3A_42] : memref<512x128xf32, #tpu.memory_space<vmem>>, vector<512x16xf32>
    %get3A_44 = arith.constant 0 : index
    %get3A_45 = arith.constant 112 : index
    %get3A_46 = vector.load %arg2[%get3A_44, %get3A_45] : memref<512x128xf32, #tpu.memory_space<vmem>>, vector<512x16xf32>
    %concatenate3A_47 = tpu.concatenate %get3A_25, %get3A_28, %get3A_31, %get3A_34, %get3A_37, %get3A_40, %get3A_43, %get3A_46 in 0 : vector<512x16xf32>, vector<512x16xf32>, vector<512x16xf32>, vector<512x16xf32>, vector<512x16xf32>, vector<512x16xf32>, vector<512x16xf32>, vector<512x16xf32> -> vector<4096x16xf32>
    %get3A_48 = arith.constant 0 : index
    %get3A_49 = arith.constant 0 : index
    %get3A_50 = vector.load %arg3[%get3A_48, %get3A_49] : memref<4096x4xf32, #tpu.memory_space<vmem>>, vector<4096x4xf32>
    %slice3A = vector.extract_strided_slice %get3A_50 {offsets = [0, 0], sizes = [4096, 1], strides = [1, 1]} : vector<4096x4xf32> to vector<4096x1xf32>
    %slice3A_51 = vector.extract_strided_slice %concatenate3A {offsets = [0, 3], sizes = [4096, 1], strides = [1, 1]} : vector<4096x16xf32> to vector<4096x1xf32>
    %mul3A = arith.mulf %slice3A, %slice3A_51 : vector<4096x1xf32>
    %slice3A_52 = vector.extract_strided_slice %get3A_50 {offsets = [0, 1], sizes = [4096, 1], strides = [1, 1]} : vector<4096x4xf32> to vector<4096x1xf32>
    %slice3A_53 = vector.extract_strided_slice %concatenate3A {offsets = [0, 6], sizes = [4096, 1], strides = [1, 1]} : vector<4096x16xf32> to vector<4096x1xf32>
    %mul3A_54 = arith.mulf %slice3A_52, %slice3A_53 : vector<4096x1xf32>
    %add3A = arith.addf %mul3A, %mul3A_54 : vector<4096x1xf32>
    %slice3A_55 = vector.extract_strided_slice %get3A_50 {offsets = [0, 2], sizes = [4096, 1], strides = [1, 1]} : vector<4096x4xf32> to vector<4096x1xf32>
    %slice3A_56 = vector.extract_strided_slice %concatenate3A {offsets = [0, 9], sizes = [4096, 1], strides = [1, 1]} : vector<4096x16xf32> to vector<4096x1xf32>
    %mul3A_57 = arith.mulf %slice3A_55, %slice3A_56 : vector<4096x1xf32>
    %add3A_58 = arith.addf %add3A, %mul3A_57 : vector<4096x1xf32>
    %slice3A_59 = vector.extract_strided_slice %concatenate3A_47 {offsets = [0, 0], sizes = [4096, 1], strides = [1, 1]} : vector<4096x16xf32> to vector<4096x1xf32>
    %slice3A_60 = vector.extract_strided_slice %concatenate3A {offsets = [0, 0], sizes = [4096, 1], strides = [1, 1]} : vector<4096x16xf32> to vector<4096x1xf32>
    %sub3A = arith.subf %slice3A_59, %slice3A_60 : vector<4096x1xf32>
    %add3A_61 = arith.addf %sub3A, %add3A_58 : vector<4096x1xf32>
    %slice3A_62 = vector.extract_strided_slice %get3A_50 {offsets = [0, 0], sizes = [4096, 1], strides = [1, 1]} : vector<4096x4xf32> to vector<4096x1xf32>
    %slice3A_63 = vector.extract_strided_slice %concatenate3A {offsets = [0, 4], sizes = [4096, 1], strides = [1, 1]} : vector<4096x16xf32> to vector<4096x1xf32>
    %mul3A_64 = arith.mulf %slice3A_62, %slice3A_63 : vector<4096x1xf32>
    %slice3A_65 = vector.extract_strided_slice %get3A_50 {offsets = [0, 1], sizes = [4096, 1], strides = [1, 1]} : vector<4096x4xf32> to vector<4096x1xf32>
    %slice3A_66 = vector.extract_strided_slice %concatenate3A {offsets = [0, 7], sizes = [4096, 1], strides = [1, 1]} : vector<4096x16xf32> to vector<4096x1xf32>
    %mul3A_67 = arith.mulf %slice3A_65, %slice3A_66 : vector<4096x1xf32>
    %add3A_68 = arith.addf %mul3A_64, %mul3A_67 : vector<4096x1xf32>
    %slice3A_69 = vector.extract_strided_slice %get3A_50 {offsets = [0, 2], sizes = [4096, 1], strides = [1, 1]} : vector<4096x4xf32> to vector<4096x1xf32>
    %slice3A_70 = vector.extract_strided_slice %concatenate3A {offsets = [0, 10], sizes = [4096, 1], strides = [1, 1]} : vector<4096x16xf32> to vector<4096x1xf32>
    %mul3A_71 = arith.mulf %slice3A_69, %slice3A_70 : vector<4096x1xf32>
    %add3A_72 = arith.addf %add3A_68, %mul3A_71 : vector<4096x1xf32>
    %slice3A_73 = vector.extract_strided_slice %concatenate3A_47 {offsets = [0, 1], sizes = [4096, 1], strides = [1, 1]} : vector<4096x16xf32> to vector<4096x1xf32>
    %slice3A_74 = vector.extract_strided_slice %concatenate3A {offsets = [0, 1], sizes = [4096, 1], strides = [1, 1]} : vector<4096x16xf32> to vector<4096x1xf32>
    %sub3A_75 = arith.subf %slice3A_73, %slice3A_74 : vector<4096x1xf32>
    %add3A_76 = arith.addf %sub3A_75, %add3A_72 : vector<4096x1xf32>
    %slice3A_77 = vector.extract_strided_slice %get3A_50 {offsets = [0, 0], sizes = [4096, 1], strides = [1, 1]} : vector<4096x4xf32> to vector<4096x1xf32>
    %slice3A_78 = vector.extract_strided_slice %concatenate3A {offsets = [0, 5], sizes = [4096, 1], strides = [1, 1]} : vector<4096x16xf32> to vector<4096x1xf32>
    %mul3A_79 = arith.mulf %slice3A_77, %slice3A_78 : vector<4096x1xf32>
    %slice3A_80 = vector.extract_strided_slice %get3A_50 {offsets = [0, 1], sizes = [4096, 1], strides = [1, 1]} : vector<4096x4xf32> to vector<4096x1xf32>
    %slice3A_81 = vector.extract_strided_slice %concatenate3A {offsets = [0, 8], sizes = [4096, 1], strides = [1, 1]} : vector<4096x16xf32> to vector<4096x1xf32>
    %mul3A_82 = arith.mulf %slice3A_80, %slice3A_81 : vector<4096x1xf32>
    %add3A_83 = arith.addf %mul3A_79, %mul3A_82 : vector<4096x1xf32>
    %slice3A_84 = vector.extract_strided_slice %get3A_50 {offsets = [0, 2], sizes = [4096, 1], strides = [1, 1]} : vector<4096x4xf32> to vector<4096x1xf32>
    %slice3A_85 = vector.extract_strided_slice %concatenate3A {offsets = [0, 11], sizes = [4096, 1], strides = [1, 1]} : vector<4096x16xf32> to vector<4096x1xf32>
    %mul3A_86 = arith.mulf %slice3A_84, %slice3A_85 : vector<4096x1xf32>
    %add3A_87 = arith.addf %add3A_83, %mul3A_86 : vector<4096x1xf32>
    %slice3A_88 = vector.extract_strided_slice %concatenate3A_47 {offsets = [0, 2], sizes = [4096, 1], strides = [1, 1]} : vector<4096x16xf32> to vector<4096x1xf32>
    %slice3A_89 = vector.extract_strided_slice %concatenate3A {offsets = [0, 2], sizes = [4096, 1], strides = [1, 1]} : vector<4096x16xf32> to vector<4096x1xf32>
    %sub3A_90 = arith.subf %slice3A_88, %slice3A_89 : vector<4096x1xf32>
    %add3A_91 = arith.addf %sub3A_90, %add3A_87 : vector<4096x1xf32>
    %mul3A_92 = arith.mulf %add3A_61, %add3A_61 : vector<4096x1xf32>
    %mul3A_93 = arith.mulf %add3A_76, %add3A_76 : vector<4096x1xf32>
    %add3A_94 = arith.addf %mul3A_92, %mul3A_93 : vector<4096x1xf32>
    %mul3A_95 = arith.mulf %add3A_91, %add3A_91 : vector<4096x1xf32>
    %add3A_96 = arith.addf %add3A_94, %mul3A_95 : vector<4096x1xf32>
    %sqrt3A = math.sqrt %add3A_96 : vector<4096x1xf32>
    %add3A_97 = arith.constant 9.99999996E-13 : f32
    %add3A_98 = vector.broadcast %add3A_97 : f32 to vector<4096x1xf32>
    %add3A_99 = arith.addf %sqrt3A, %add3A_98 : vector<4096x1xf32>
    %div3A = arith.constant 1.000000e+00 : f32
    %div3A_100 = vector.broadcast %div3A : f32 to vector<4096x1xf32>
    %div3A_101 = arith.divf %div3A_100, %add3A_99 : vector<4096x1xf32>
    %broadcast_in_dim3A = arith.constant 1.000000e+00 : f32
    %broadcast_in_dim3A_102 = vector.broadcast %broadcast_in_dim3A : f32 to vector<4096x1xf32>
    %sqrt3A_103 = arith.constant 3.000000e+00 : f32
    %sqrt3A_104 = math.sqrt %sqrt3A_103 : f32
    %mul3A_105 = vector.broadcast %sqrt3A_104 : f32 to vector<4096x1xf32>
    %mul3A_106 = arith.mulf %mul3A_105, %add3A_61 : vector<4096x1xf32>
    %mul3A_107 = arith.mulf %mul3A_106, %div3A_101 : vector<4096x1xf32>
    %sqrt3A_108 = arith.constant 3.000000e+00 : f32
    %sqrt3A_109 = math.sqrt %sqrt3A_108 : f32
    %mul3A_110 = vector.broadcast %sqrt3A_109 : f32 to vector<4096x1xf32>
    %mul3A_111 = arith.mulf %mul3A_110, %add3A_76 : vector<4096x1xf32>
    %mul3A_112 = arith.mulf %mul3A_111, %div3A_101 : vector<4096x1xf32>
    %sqrt3A_113 = arith.constant 3.000000e+00 : f32
    %sqrt3A_114 = math.sqrt %sqrt3A_113 : f32
    %mul3A_115 = vector.broadcast %sqrt3A_114 : f32 to vector<4096x1xf32>
    %mul3A_116 = arith.mulf %mul3A_115, %add3A_91 : vector<4096x1xf32>
    %mul3A_117 = arith.mulf %mul3A_116, %div3A_101 : vector<4096x1xf32>
    %concatenate3A_118 = tpu.concatenate %broadcast_in_dim3A_102, %mul3A_107, %mul3A_112, %mul3A_117 in 1 : vector<4096x1xf32>, vector<4096x1xf32>, vector<4096x1xf32>, vector<4096x1xf32> -> vector<4096x4xf32>
    %mul3A_119 = arith.constant 2.500000e-01 : f32
    %mul3A_120 = vector.broadcast %mul3A_119 : f32 to vector<4096x1xf32>
    %mul3A_121 = arith.mulf %sqrt3A, %mul3A_120 : vector<4096x1xf32>
    %min3A = arith.constant 1.000000e+00 : f32
    %min3A_122 = vector.broadcast %min3A : f32 to vector<4096x1xf32>
    %min3A_123 = arith.minimumf %mul3A_121, %min3A_122 : vector<4096x1xf32>
    %mul3A_124 = arith.constant 3.14159274 : f32
    %mul3A_125 = vector.broadcast %mul3A_124 : f32 to vector<4096x1xf32>
    %mul3A_126 = arith.mulf %mul3A_125, %min3A_123 : vector<4096x1xf32>
    %sub3A_127 = arith.constant 3.14159274 : f32
    %sub3A_128 = vector.broadcast %sub3A_127 : f32 to vector<4096x1xf32>
    %sub3A_129 = arith.subf %sub3A_128, %mul3A_126 : vector<4096x1xf32>
    %min3A_130 = arith.minimumf %mul3A_126, %sub3A_129 : vector<4096x1xf32>
    %mul3A_131 = arith.mulf %min3A_130, %min3A_130 : vector<4096x1xf32>
    %mul3A_132 = arith.constant 2.50521079E-8 : f32
    %mul3A_133 = vector.broadcast %mul3A_132 : f32 to vector<4096x1xf32>
    %mul3A_134 = arith.mulf %mul3A_131, %mul3A_133 : vector<4096x1xf32>
    %sub3A_135 = arith.constant 2.75573188E-6 : f32
    %sub3A_136 = vector.broadcast %sub3A_135 : f32 to vector<4096x1xf32>
    %sub3A_137 = arith.subf %sub3A_136, %mul3A_134 : vector<4096x1xf32>
    %mul3A_138 = arith.mulf %mul3A_131, %sub3A_137 : vector<4096x1xf32>
    %add3A_139 = arith.constant -1.98412701E-4 : f32
    %add3A_140 = vector.broadcast %add3A_139 : f32 to vector<4096x1xf32>
    %add3A_141 = arith.addf %add3A_140, %mul3A_138 : vector<4096x1xf32>
    %mul3A_142 = arith.mulf %mul3A_131, %add3A_141 : vector<4096x1xf32>
    %add3A_143 = arith.constant 0.00833333377 : f32
    %add3A_144 = vector.broadcast %add3A_143 : f32 to vector<4096x1xf32>
    %add3A_145 = arith.addf %add3A_144, %mul3A_142 : vector<4096x1xf32>
    %mul3A_146 = arith.mulf %mul3A_131, %add3A_145 : vector<4096x1xf32>
    %add3A_147 = arith.constant -0.166666672 : f32
    %add3A_148 = vector.broadcast %add3A_147 : f32 to vector<4096x1xf32>
    %add3A_149 = arith.addf %add3A_148, %mul3A_146 : vector<4096x1xf32>
    %mul3A_150 = arith.mulf %mul3A_131, %add3A_149 : vector<4096x1xf32>
    %add3A_151 = arith.constant 1.000000e+00 : f32
    %add3A_152 = vector.broadcast %add3A_151 : f32 to vector<4096x1xf32>
    %add3A_153 = arith.addf %add3A_152, %mul3A_150 : vector<4096x1xf32>
    %mul3A_154 = arith.mulf %min3A_130, %add3A_153 : vector<4096x1xf32>
    %mul3A_155 = arith.constant 2.08767559E-9 : f32
    %mul3A_156 = vector.broadcast %mul3A_155 : f32 to vector<4096x1xf32>
    %mul3A_157 = arith.mulf %mul3A_131, %mul3A_156 : vector<4096x1xf32>
    %add3A_158 = arith.constant -2.755732E-7 : f32
    %add3A_159 = vector.broadcast %add3A_158 : f32 to vector<4096x1xf32>
    %add3A_160 = arith.addf %add3A_159, %mul3A_157 : vector<4096x1xf32>
    %mul3A_161 = arith.mulf %mul3A_131, %add3A_160 : vector<4096x1xf32>
    %add3A_162 = arith.constant 2.48015876E-5 : f32
    %add3A_163 = vector.broadcast %add3A_162 : f32 to vector<4096x1xf32>
    %add3A_164 = arith.addf %add3A_163, %mul3A_161 : vector<4096x1xf32>
    %mul3A_165 = arith.mulf %mul3A_131, %add3A_164 : vector<4096x1xf32>
    %add3A_166 = arith.constant -0.00138888892 : f32
    %add3A_167 = vector.broadcast %add3A_166 : f32 to vector<4096x1xf32>
    %add3A_168 = arith.addf %add3A_167, %mul3A_165 : vector<4096x1xf32>
    %mul3A_169 = arith.mulf %mul3A_131, %add3A_168 : vector<4096x1xf32>
    %add3A_170 = arith.constant 0.0416666679 : f32
    %add3A_171 = vector.broadcast %add3A_170 : f32 to vector<4096x1xf32>
    %add3A_172 = arith.addf %add3A_171, %mul3A_169 : vector<4096x1xf32>
    %mul3A_173 = arith.mulf %mul3A_131, %add3A_172 : vector<4096x1xf32>
    %add3A_174 = arith.constant -5.000000e-01 : f32
    %add3A_175 = vector.broadcast %add3A_174 : f32 to vector<4096x1xf32>
    %add3A_176 = arith.addf %add3A_175, %mul3A_173 : vector<4096x1xf32>
    %mul3A_177 = arith.mulf %mul3A_131, %add3A_176 : vector<4096x1xf32>
    %add3A_178 = arith.constant 1.000000e+00 : f32
    %add3A_179 = vector.broadcast %add3A_178 : f32 to vector<4096x1xf32>
    %add3A_180 = arith.addf %add3A_179, %mul3A_177 : vector<4096x1xf32>
    %gt3A = arith.constant 1.57079637 : f32
    %gt3A_181 = vector.broadcast %gt3A : f32 to vector<4096x1xf32>
    %gt3A_182 = arith.cmpf ogt, %mul3A_126, %gt3A_181 : vector<4096x1xf32>
    %neg3A = arith.constant 0.000000e+00 : f32
    %neg3A_183 = vector.broadcast %neg3A : f32 to vector<4096x1xf32>
    %neg3A_184 = arith.subf %neg3A_183, %add3A_180 : vector<4096x1xf32>
    %select_n3A = arith.select %gt3A_182, %neg3A_184, %add3A_180 : vector<4096x1xi1>, vector<4096x1xf32>
    %mul3A_185 = arith.mulf %mul3A_154, %select_n3A : vector<4096x1xf32>
    %mul3A_186 = arith.mulf %select_n3A, %mul3A_154 : vector<4096x1xf32>
    %add3A_187 = arith.addf %mul3A_185, %mul3A_186 : vector<4096x1xf32>
    %mul3A_188 = arith.mulf %select_n3A, %select_n3A : vector<4096x1xf32>
    %mul3A_189 = arith.mulf %mul3A_154, %mul3A_154 : vector<4096x1xf32>
    %sub3A_190 = arith.subf %mul3A_188, %mul3A_189 : vector<4096x1xf32>
    %mul3A_191 = arith.mulf %add3A_187, %select_n3A : vector<4096x1xf32>
    %mul3A_192 = arith.mulf %sub3A_190, %mul3A_154 : vector<4096x1xf32>
    %add3A_193 = arith.addf %mul3A_191, %mul3A_192 : vector<4096x1xf32>
    %mul3A_194 = arith.mulf %sub3A_190, %select_n3A : vector<4096x1xf32>
    %mul3A_195 = arith.mulf %add3A_187, %mul3A_154 : vector<4096x1xf32>
    %sub3A_196 = arith.subf %mul3A_194, %mul3A_195 : vector<4096x1xf32>
    %mul3A_197 = arith.mulf %add3A_193, %select_n3A : vector<4096x1xf32>
    %mul3A_198 = arith.mulf %sub3A_196, %mul3A_154 : vector<4096x1xf32>
    %add3A_199 = arith.addf %mul3A_197, %mul3A_198 : vector<4096x1xf32>
    %mul3A_200 = arith.mulf %sub3A_196, %select_n3A : vector<4096x1xf32>
    %mul3A_201 = arith.mulf %add3A_193, %mul3A_154 : vector<4096x1xf32>
    %sub3A_202 = arith.subf %mul3A_200, %mul3A_201 : vector<4096x1xf32>
    %mul3A_203 = arith.mulf %add3A_199, %select_n3A : vector<4096x1xf32>
    %mul3A_204 = arith.mulf %sub3A_202, %mul3A_154 : vector<4096x1xf32>
    %add3A_205 = arith.addf %mul3A_203, %mul3A_204 : vector<4096x1xf32>
    %mul3A_206 = arith.mulf %sub3A_202, %select_n3A : vector<4096x1xf32>
    %mul3A_207 = arith.mulf %add3A_199, %mul3A_154 : vector<4096x1xf32>
    %sub3A_208 = arith.subf %mul3A_206, %mul3A_207 : vector<4096x1xf32>
    %mul3A_209 = arith.mulf %add3A_205, %select_n3A : vector<4096x1xf32>
    %mul3A_210 = arith.mulf %sub3A_208, %mul3A_154 : vector<4096x1xf32>
    %add3A_211 = arith.addf %mul3A_209, %mul3A_210 : vector<4096x1xf32>
    %mul3A_212 = arith.mulf %sub3A_208, %select_n3A : vector<4096x1xf32>
    %mul3A_213 = arith.mulf %add3A_205, %mul3A_154 : vector<4096x1xf32>
    %sub3A_214 = arith.subf %mul3A_212, %mul3A_213 : vector<4096x1xf32>
    %mul3A_215 = arith.mulf %add3A_211, %select_n3A : vector<4096x1xf32>
    %mul3A_216 = arith.mulf %sub3A_214, %mul3A_154 : vector<4096x1xf32>
    %add3A_217 = arith.addf %mul3A_215, %mul3A_216 : vector<4096x1xf32>
    %mul3A_218 = arith.mulf %sub3A_214, %select_n3A : vector<4096x1xf32>
    %mul3A_219 = arith.mulf %add3A_211, %mul3A_154 : vector<4096x1xf32>
    %sub3A_220 = arith.subf %mul3A_218, %mul3A_219 : vector<4096x1xf32>
    %mul3A_221 = arith.mulf %add3A_217, %select_n3A : vector<4096x1xf32>
    %mul3A_222 = arith.mulf %sub3A_220, %mul3A_154 : vector<4096x1xf32>
    %add3A_223 = arith.addf %mul3A_221, %mul3A_222 : vector<4096x1xf32>
    %concatenate3A_224 = tpu.concatenate %mul3A_154, %add3A_187, %add3A_193, %add3A_199, %add3A_205, %add3A_211, %add3A_217, %add3A_223 in 1 : vector<4096x1xf32>, vector<4096x1xf32>, vector<4096x1xf32>, vector<4096x1xf32>, vector<4096x1xf32>, vector<4096x1xf32>, vector<4096x1xf32>, vector<4096x1xf32> -> vector<4096x8xf32>
    %sqrt3A_225 = arith.constant 5.000000e-01 : f32
    %sqrt3A_226 = math.sqrt %sqrt3A_225 : f32
    %mul3A_227 = vector.broadcast %sqrt3A_226 : f32 to vector<4096x8xf32>
    %mul3A_228 = arith.mulf %mul3A_227, %concatenate3A_224 : vector<4096x8xf32>
    %mul3A_229 = vector.broadcast %div3A_101 : vector<4096x1xf32> to vector<4096x8xf32>
    %mul3A_230 = arith.mulf %mul3A_228, %mul3A_229 : vector<4096x8xf32>
    %div3A_231 = arith.constant 4.000000e+00 : f32
    %div3A_232 = vector.broadcast %div3A_231 : f32 to vector<4096x1xf32>
    %div3A_233 = arith.divf %sqrt3A, %div3A_232 : vector<4096x1xf32>
    %mul3A_234 = arith.mulf %div3A_233, %div3A_233 : vector<4096x1xf32>
    %mul3A_235 = arith.mulf %mul3A_234, %div3A_233 : vector<4096x1xf32>
    %mul3A_236 = arith.mulf %mul3A_235, %mul3A_235 : vector<4096x1xf32>
    %mul3A_237 = arith.constant 2.800000e+01 : f32
    %mul3A_238 = vector.broadcast %mul3A_237 : f32 to vector<4096x1xf32>
    %mul3A_239 = arith.mulf %mul3A_238, %mul3A_236 : vector<4096x1xf32>
    %sub3A_240 = arith.constant 1.000000e+00 : f32
    %sub3A_241 = vector.broadcast %sub3A_240 : f32 to vector<4096x1xf32>
    %sub3A_242 = arith.subf %sub3A_241, %mul3A_239 : vector<4096x1xf32>
    %mul3A_243 = arith.constant 4.800000e+01 : f32
    %mul3A_244 = vector.broadcast %mul3A_243 : f32 to vector<4096x1xf32>
    %mul3A_245 = arith.mulf %mul3A_244, %mul3A_236 : vector<4096x1xf32>
    %mul3A_246 = arith.mulf %mul3A_245, %div3A_233 : vector<4096x1xf32>
    %add3A_247 = arith.addf %sub3A_242, %mul3A_246 : vector<4096x1xf32>
    %mul3A_248 = arith.constant 2.100000e+01 : f32
    %mul3A_249 = vector.broadcast %mul3A_248 : f32 to vector<4096x1xf32>
    %mul3A_250 = arith.mulf %mul3A_249, %mul3A_236 : vector<4096x1xf32>
    %mul3A_251 = arith.mulf %mul3A_250, %mul3A_234 : vector<4096x1xf32>
    %sub3A_252 = arith.subf %add3A_247, %mul3A_251 : vector<4096x1xf32>
    %lt3A = arith.constant 1.000000e+00 : f32
    %lt3A_253 = vector.broadcast %lt3A : f32 to vector<4096x1xf32>
    %lt3A_254 = arith.cmpf olt, %div3A_233, %lt3A_253 : vector<4096x1xf32>
    %jit3A = arith.constant 0.000000e+00 : f32
    %broadcast_in_dim3A_255 = vector.broadcast %jit3A : f32 to vector<4096x1xf32>
    %select_n3A_256 = arith.select %lt3A_254, %sub3A_252, %broadcast_in_dim3A_255 : vector<4096x1xi1>, vector<4096x1xf32>
    %mul3A_257 = vector.broadcast %select_n3A_256 : vector<4096x1xf32> to vector<4096x8xf32>
    %mul3A_258 = arith.mulf %mul3A_230, %mul3A_257 : vector<4096x8xf32>
    %mul3A_259 = arith.constant 4096 : i32
    %mul3A_260 = arith.muli %arg0, %mul3A_259 : i32
    %iota3A = tpu.iota {dimensions = array<i32: 0>} : vector<4096x1xi32>
    %add3A_261 = vector.broadcast %mul3A_260 : i32 to vector<4096x1xi32>
    %add3A_262 = arith.addi %iota3A, %add3A_261 : vector<4096x1xi32>
    %lt3A_263 = arith.constant 800000 : i32
    %lt3A_264 = vector.broadcast %lt3A_263 : i32 to vector<4096x1xi32>
    %lt3A_265 = arith.cmpi slt, %add3A_262, %lt3A_264 : vector<4096x1xi32>
    %convert_element_type3A = arith.extui %lt3A_265 : vector<4096x1xi1> to vector<4096x1xi32>
    %convert_element_type3A_266 = arith.sitofp %convert_element_type3A : vector<4096x1xi32> to vector<4096x1xf32>
    %get3A_267 = arith.constant 0 : index
    %get3A_268 = arith.constant 0 : index
    %get3A_269 = arith.constant 0 : index
    %get3A_270 = vector.load %arg4[%get3A_267, %get3A_268, %get3A_269] : memref<3x8x64xf32, #tpu.memory_space<vmem>>, vector<1x8x64xf32>
    %get3A_271 = vector.shape_cast %get3A_270 : vector<1x8x64xf32> to vector<8x64xf32>
    %dot_general3A = arith.constant dense<0.000000e+00> : vector<4096x64xf32>
    %dot_general3A_272 = tpu.matmul %mul3A_258, %get3A_271, %dot_general3A {dimension_numbers = #tpu.dot_dimension_numbers<[1], [0], [0], [1], [0, 0, 1, 1], [], []>, transpose_lhs_hint = false} : vector<4096x8xf32>, vector<8x64xf32>, vector<4096x64xf32> -> vector<4096x64xf32>
    %logistic3A = arith.negf %dot_general3A_272 : vector<4096x64xf32>
    %logistic3A_273 = math.exp %logistic3A : vector<4096x64xf32>
    %logistic3A_274 = arith.constant 1.000000e+00 : f32
    %logistic3A_275 = vector.broadcast %logistic3A_274 : f32 to vector<4096x64xf32>
    %logistic3A_276 = arith.addf %logistic3A_275, %logistic3A_273 : vector<4096x64xf32>
    %logistic3A_277 = arith.divf %logistic3A_275, %logistic3A_276 : vector<4096x64xf32>
    %mul3A_278 = arith.mulf %dot_general3A_272, %logistic3A_277 : vector<4096x64xf32>
    %get3A_279 = arith.constant 0 : index
    %get3A_280 = arith.constant 0 : index
    %get3A_281 = arith.constant 0 : index
    %get3A_282 = vector.load %arg5[%get3A_279, %get3A_280, %get3A_281] : memref<3x64x32xf32, #tpu.memory_space<vmem>>, vector<1x64x32xf32>
    %get3A_283 = vector.shape_cast %get3A_282 : vector<1x64x32xf32> to vector<64x32xf32>
    %dot_general3A_284 = arith.constant dense<0.000000e+00> : vector<4096x32xf32>
    %dot_general3A_285 = tpu.matmul %mul3A_278, %get3A_283, %dot_general3A_284 {dimension_numbers = #tpu.dot_dimension_numbers<[1], [0], [0], [1], [0, 0, 1, 1], [], []>, transpose_lhs_hint = false} : vector<4096x64xf32>, vector<64x32xf32>, vector<4096x32xf32> -> vector<4096x32xf32>
    %get3A_286 = arith.constant 0 : index
    %get3A_287 = arith.constant 0 : index
    %get3A_288 = arith.constant 0 : index
    %get3A_289 = vector.load %arg6[%get3A_286, %get3A_287, %get3A_288] : memref<3x4x32xf32, #tpu.memory_space<vmem>>, vector<1x4x32xf32>
    %get3A_290 = vector.shape_cast %get3A_289 : vector<1x4x32xf32> to vector<4x32xf32>
    %dot_general3A_291 = arith.constant dense<0.000000e+00> : vector<4096x32xf32>
    %dot_general3A_292 = tpu.matmul %concatenate3A_118, %get3A_290, %dot_general3A_291 {dimension_numbers = #tpu.dot_dimension_numbers<[1], [0], [0], [1], [0, 0, 1, 1], [], []>, transpose_lhs_hint = false} : vector<4096x4xf32>, vector<4x32xf32>, vector<4096x32xf32> -> vector<4096x32xf32>
    %mul3A_293 = arith.mulf %dot_general3A_285, %dot_general3A_292 : vector<4096x32xf32>
    %mul3A_294 = arith.constant 5.000000e-02 : f32
    %mul3A_295 = vector.broadcast %mul3A_294 : f32 to vector<4096x1xf32>
    %mul3A_296 = arith.mulf %mul3A_295, %convert_element_type3A_266 : vector<4096x1xf32>
    %mul3A_297 = vector.broadcast %mul3A_296 : vector<4096x1xf32> to vector<4096x32xf32>
    %mul3A_298 = arith.mulf %mul3A_293, %mul3A_297 : vector<4096x32xf32>
    %slice3A_299 = vector.extract_strided_slice %mul3A_298 {offsets = [0, 0], sizes = [1024, 32], strides = [1, 1]} : vector<4096x32xf32> to vector<1024x32xf32>
    %slice3A_300 = vector.extract_strided_slice %mul3A_298 {offsets = [1024, 0], sizes = [1024, 32], strides = [1, 1]} : vector<4096x32xf32> to vector<1024x32xf32>
    %slice3A_301 = vector.extract_strided_slice %mul3A_298 {offsets = [2048, 0], sizes = [1024, 32], strides = [1, 1]} : vector<4096x32xf32> to vector<1024x32xf32>
    %slice3A_302 = vector.extract_strided_slice %mul3A_298 {offsets = [3072, 0], sizes = [1024, 32], strides = [1, 1]} : vector<4096x32xf32> to vector<1024x32xf32>
    %concatenate3A_303 = tpu.concatenate %slice3A_299, %slice3A_300, %slice3A_301, %slice3A_302 in 1 : vector<1024x32xf32>, vector<1024x32xf32>, vector<1024x32xf32>, vector<1024x32xf32> -> vector<1024x128xf32>
    %swap3A = arith.constant 0 : index
    %swap3A_304 = arith.constant 0 : index
    %swap3A_305 = arith.constant 0 : index
    %swap3A_306 = vector.load %arg7[%swap3A, %swap3A_304, %swap3A_305] : memref<3x1024x128xf32, #tpu.memory_space<vmem>>, vector<1x1024x128xf32>
    %swap3A_307 = vector.shape_cast %swap3A_306 : vector<1x1024x128xf32> to vector<1024x128xf32>
    %swap3A_308 = vector.shape_cast %concatenate3A_303 : vector<1024x128xf32> to vector<1x1024x128xf32>
    tpu.vector_store %arg7[%swap3A, %swap3A_304, %swap3A_305], %swap3A_308 {strides = array<i32>} : memref<3x1024x128xf32, #tpu.memory_space<vmem>>, vector<1x1024x128xf32>,
    %get3A_309 = arith.constant 1 : index
    %get3A_310 = arith.constant 0 : index
    %get3A_311 = arith.constant 0 : index
    %get3A_312 = vector.load %arg4[%get3A_309, %get3A_310, %get3A_311] : memref<3x8x64xf32, #tpu.memory_space<vmem>>, vector<1x8x64xf32>
    %get3A_313 = vector.shape_cast %get3A_312 : vector<1x8x64xf32> to vector<8x64xf32>
    %dot_general3A_314 = arith.constant dense<0.000000e+00> : vector<4096x64xf32>
    %dot_general3A_315 = tpu.matmul %mul3A_258, %get3A_313, %dot_general3A_314 {dimension_numbers = #tpu.dot_dimension_numbers<[1], [0], [0], [1], [0, 0, 1, 1], [], []>, transpose_lhs_hint = false} : vector<4096x8xf32>, vector<8x64xf32>, vector<4096x64xf32> -> vector<4096x64xf32>
    %logistic3A_316 = arith.negf %dot_general3A_315 : vector<4096x64xf32>
    %logistic3A_317 = math.exp %logistic3A_316 : vector<4096x64xf32>
    %logistic3A_318 = arith.constant 1.000000e+00 : f32
    %logistic3A_319 = vector.broadcast %logistic3A_318 : f32 to vector<4096x64xf32>
    %logistic3A_320 = arith.addf %logistic3A_319, %logistic3A_317 : vector<4096x64xf32>
    %logistic3A_321 = arith.divf %logistic3A_319, %logistic3A_320 : vector<4096x64xf32>
    %mul3A_322 = arith.mulf %dot_general3A_315, %logistic3A_321 : vector<4096x64xf32>
    %get3A_323 = arith.constant 1 : index
    %get3A_324 = arith.constant 0 : index
    %get3A_325 = arith.constant 0 : index
    %get3A_326 = vector.load %arg5[%get3A_323, %get3A_324, %get3A_325] : memref<3x64x32xf32, #tpu.memory_space<vmem>>, vector<1x64x32xf32>
    %get3A_327 = vector.shape_cast %get3A_326 : vector<1x64x32xf32> to vector<64x32xf32>
    %dot_general3A_328 = arith.constant dense<0.000000e+00> : vector<4096x32xf32>
    %dot_general3A_329 = tpu.matmul %mul3A_322, %get3A_327, %dot_general3A_328 {dimension_numbers = #tpu.dot_dimension_numbers<[1], [0], [0], [1], [0, 0, 1, 1], [], []>, transpose_lhs_hint = false} : vector<4096x64xf32>, vector<64x32xf32>, vector<4096x32xf32> -> vector<4096x32xf32>
    %get3A_330 = arith.constant 1 : index
    %get3A_331 = arith.constant 0 : index
    %get3A_332 = arith.constant 0 : index
    %get3A_333 = vector.load %arg6[%get3A_330, %get3A_331, %get3A_332] : memref<3x4x32xf32, #tpu.memory_space<vmem>>, vector<1x4x32xf32>
    %get3A_334 = vector.shape_cast %get3A_333 : vector<1x4x32xf32> to vector<4x32xf32>
    %dot_general3A_335 = arith.constant dense<0.000000e+00> : vector<4096x32xf32>
    %dot_general3A_336 = tpu.matmul %concatenate3A_118, %get3A_334, %dot_general3A_335 {dimension_numbers = #tpu.dot_dimension_numbers<[1], [0], [0], [1], [0, 0, 1, 1], [], []>, transpose_lhs_hint = false} : vector<4096x4xf32>, vector<4x32xf32>, vector<4096x32xf32> -> vector<4096x32xf32>
    %mul3A_337 = arith.mulf %dot_general3A_329, %dot_general3A_336 : vector<4096x32xf32>
    %mul3A_338 = arith.constant 5.000000e-02 : f32
    %mul3A_339 = vector.broadcast %mul3A_338 : f32 to vector<4096x1xf32>
    %mul3A_340 = arith.mulf %mul3A_339, %convert_element_type3A_266 : vector<4096x1xf32>
    %mul3A_341 = vector.broadcast %mul3A_340 : vector<4096x1xf32> to vector<4096x32xf32>
    %mul3A_342 = arith.mulf %mul3A_337, %mul3A_341 : vector<4096x32xf32>
    %slice3A_343 = vector.extract_strided_slice %mul3A_342 {offsets = [0, 0], sizes = [1024, 32], strides = [1, 1]} : vector<4096x32xf32> to vector<1024x32xf32>
    %slice3A_344 = vector.extract_strided_slice %mul3A_342 {offsets = [1024, 0], sizes = [1024, 32], strides = [1, 1]} : vector<4096x32xf32> to vector<1024x32xf32>
    %slice3A_345 = vector.extract_strided_slice %mul3A_342 {offsets = [2048, 0], sizes = [1024, 32], strides = [1, 1]} : vector<4096x32xf32> to vector<1024x32xf32>
    %slice3A_346 = vector.extract_strided_slice %mul3A_342 {offsets = [3072, 0], sizes = [1024, 32], strides = [1, 1]} : vector<4096x32xf32> to vector<1024x32xf32>
    %concatenate3A_347 = tpu.concatenate %slice3A_343, %slice3A_344, %slice3A_345, %slice3A_346 in 1 : vector<1024x32xf32>, vector<1024x32xf32>, vector<1024x32xf32>, vector<1024x32xf32> -> vector<1024x128xf32>
    %swap3A_348 = arith.constant 1 : index
    %swap3A_349 = arith.constant 0 : index
    %swap3A_350 = arith.constant 0 : index
    %swap3A_351 = vector.load %arg7[%swap3A_348, %swap3A_349, %swap3A_350] : memref<3x1024x128xf32, #tpu.memory_space<vmem>>, vector<1x1024x128xf32>
    %swap3A_352 = vector.shape_cast %swap3A_351 : vector<1x1024x128xf32> to vector<1024x128xf32>
    %swap3A_353 = vector.shape_cast %concatenate3A_347 : vector<1024x128xf32> to vector<1x1024x128xf32>
    tpu.vector_store %arg7[%swap3A_348, %swap3A_349, %swap3A_350], %swap3A_353 {strides = array<i32>} : memref<3x1024x128xf32, #tpu.memory_space<vmem>>, vector<1x1024x128xf32>,
    %get3A_354 = arith.constant 2 : index
    %get3A_355 = arith.constant 0 : index
    %get3A_356 = arith.constant 0 : index
    %get3A_357 = vector.load %arg4[%get3A_354, %get3A_355, %get3A_356] : memref<3x8x64xf32, #tpu.memory_space<vmem>>, vector<1x8x64xf32>
    %get3A_358 = vector.shape_cast %get3A_357 : vector<1x8x64xf32> to vector<8x64xf32>
    %dot_general3A_359 = arith.constant dense<0.000000e+00> : vector<4096x64xf32>
    %dot_general3A_360 = tpu.matmul %mul3A_258, %get3A_358, %dot_general3A_359 {dimension_numbers = #tpu.dot_dimension_numbers<[1], [0], [0], [1], [0, 0, 1, 1], [], []>, transpose_lhs_hint = false} : vector<4096x8xf32>, vector<8x64xf32>, vector<4096x64xf32> -> vector<4096x64xf32>
    %logistic3A_361 = arith.negf %dot_general3A_360 : vector<4096x64xf32>
    %logistic3A_362 = math.exp %logistic3A_361 : vector<4096x64xf32>
    %logistic3A_363 = arith.constant 1.000000e+00 : f32
    %logistic3A_364 = vector.broadcast %logistic3A_363 : f32 to vector<4096x64xf32>
    %logistic3A_365 = arith.addf %logistic3A_364, %logistic3A_362 : vector<4096x64xf32>
    %logistic3A_366 = arith.divf %logistic3A_364, %logistic3A_365 : vector<4096x64xf32>
    %mul3A_367 = arith.mulf %dot_general3A_360, %logistic3A_366 : vector<4096x64xf32>
    %get3A_368 = arith.constant 2 : index
    %get3A_369 = arith.constant 0 : index
    %get3A_370 = arith.constant 0 : index
    %get3A_371 = vector.load %arg5[%get3A_368, %get3A_369, %get3A_370] : memref<3x64x32xf32, #tpu.memory_space<vmem>>, vector<1x64x32xf32>
    %get3A_372 = vector.shape_cast %get3A_371 : vector<1x64x32xf32> to vector<64x32xf32>
    %dot_general3A_373 = arith.constant dense<0.000000e+00> : vector<4096x32xf32>
    %dot_general3A_374 = tpu.matmul %mul3A_367, %get3A_372, %dot_general3A_373 {dimension_numbers = #tpu.dot_dimension_numbers<[1], [0], [0], [1], [0, 0, 1, 1], [], []>, transpose_lhs_hint = false} : vector<4096x64xf32>, vector<64x32xf32>, vector<4096x32xf32> -> vector<4096x32xf32>
    %get3A_375 = arith.constant 2 : index
    %get3A_376 = arith.constant 0 : index
    %get3A_377 = arith.constant 0 : index
    %get3A_378 = vector.load %arg6[%get3A_375, %get3A_376, %get3A_377] : memref<3x4x32xf32, #tpu.memory_space<vmem>>, vector<1x4x32xf32>
    %get3A_379 = vector.shape_cast %get3A_378 : vector<1x4x32xf32> to vector<4x32xf32>
    %dot_general3A_380 = arith.constant dense<0.000000e+00> : vector<4096x32xf32>
    %dot_general3A_381 = tpu.matmul %concatenate3A_118, %get3A_379, %dot_general3A_380 {dimension_numbers = #tpu.dot_dimension_numbers<[1], [0], [0], [1], [0, 0, 1, 1], [], []>, transpose_lhs_hint = false} : vector<4096x4xf32>, vector<4x32xf32>, vector<4096x32xf32> -> vector<4096x32xf32>
    %mul3A_382 = arith.mulf %dot_general3A_374, %dot_general3A_381 : vector<4096x32xf32>
    %mul3A_383 = arith.constant 5.000000e-02 : f32
    %mul3A_384 = vector.broadcast %mul3A_383 : f32 to vector<4096x1xf32>
    %mul3A_385 = arith.mulf %mul3A_384, %convert_element_type3A_266 : vector<4096x1xf32>
    %mul3A_386 = vector.broadcast %mul3A_385 : vector<4096x1xf32> to vector<4096x32xf32>
    %mul3A_387 = arith.mulf %mul3A_382, %mul3A_386 : vector<4096x32xf32>
    %slice3A_388 = vector.extract_strided_slice %mul3A_387 {offsets = [0, 0], sizes = [1024, 32], strides = [1, 1]} : vector<4096x32xf32> to vector<1024x32xf32>
    %slice3A_389 = vector.extract_strided_slice %mul3A_387 {offsets = [1024, 0], sizes = [1024, 32], strides = [1, 1]} : vector<4096x32xf32> to vector<1024x32xf32>
    %slice3A_390 = vector.extract_strided_slice %mul3A_387 {offsets = [2048, 0], sizes = [1024, 32], strides = [1, 1]} : vector<4096x32xf32> to vector<1024x32xf32>
    %slice3A_391 = vector.extract_strided_slice %mul3A_387 {offsets = [3072, 0], sizes = [1024, 32], strides = [1, 1]} : vector<4096x32xf32> to vector<1024x32xf32>
    %concatenate3A_392 = tpu.concatenate %slice3A_388, %slice3A_389, %slice3A_390, %slice3A_391 in 1 : vector<1024x32xf32>, vector<1024x32xf32>, vector<1024x32xf32>, vector<1024x32xf32> -> vector<1024x128xf32>
    %swap3A_393 = arith.constant 2 : index
    %swap3A_394 = arith.constant 0 : index
    %swap3A_395 = arith.constant 0 : index
    %swap3A_396 = vector.load %arg7[%swap3A_393, %swap3A_394, %swap3A_395] : memref<3x1024x128xf32, #tpu.memory_space<vmem>>, vector<1x1024x128xf32>
    %swap3A_397 = vector.shape_cast %swap3A_396 : vector<1x1024x128xf32> to vector<1024x128xf32>
    %swap3A_398 = vector.shape_cast %concatenate3A_392 : vector<1024x128xf32> to vector<1x1024x128xf32>
    tpu.vector_store %arg7[%swap3A_393, %swap3A_394, %swap3A_395], %swap3A_398 {strides = array<i32>} : memref<3x1024x128xf32, #tpu.memory_space<vmem>>, vector<1x1024x128xf32>,
    return
  }
  func.func @transform_0(%arg0: i32) -> (i32, i32) {
    %c0_i32 = arith.constant 0 : i32
    %c0_i32_0 = arith.constant 0 : i32
    return %arg0, %c0_i32 : i32, i32
  }
  func.func @transform_1(%arg0: i32) -> (i32, i32) {
    %c0_i32 = arith.constant 0 : i32
    %c0_i32_0 = arith.constant 0 : i32
    return %arg0, %c0_i32 : i32, i32
  }
  func.func @transform_2(%arg0: i32) -> (i32, i32) {
    %c0_i32 = arith.constant 0 : i32
    %c0_i32_0 = arith.constant 0 : i32
    return %arg0, %c0_i32 : i32, i32
  }
  func.func @transform_3(%arg0: i32) -> (i32, i32, i32) {
    %c0_i32 = arith.constant 0 : i32
    %c0_i32_0 = arith.constant 0 : i32
    %c0_i32_1 = arith.constant 0 : i32
    %c0_i32_2 = arith.constant 0 : i32
    return %c0_i32, %c0_i32_0, %c0_i32_1 : i32, i32, i32
  }
  func.func @transform_4(%arg0: i32) -> (i32, i32, i32) {
    %c0_i32 = arith.constant 0 : i32
    %c0_i32_0 = arith.constant 0 : i32
    %c0_i32_1 = arith.constant 0 : i32
    %c0_i32_2 = arith.constant 0 : i32
    return %c0_i32, %c0_i32_0, %c0_i32_1 : i32, i32, i32
  }
  func.func @transform_5(%arg0: i32) -> (i32, i32, i32) {
    %c0_i32 = arith.constant 0 : i32
    %c0_i32_0 = arith.constant 0 : i32
    %c0_i32_1 = arith.constant 0 : i32
    %c0_i32_2 = arith.constant 0 : i32
    return %c0_i32, %c0_i32_0, %c0_i32_1 : i32, i32, i32
  }
  func.func @transform_6(%arg0: i32) -> (i32, i32, i32) {
    %c0_i32 = arith.constant 0 : i32
    %c0_i32_0 = arith.constant 0 : i32
    %c0_i32_1 = arith.constant 0 : i32
    return %c0_i32, %arg0, %c0_i32_0 : i32, i32, i32
  }
}

module attributes {stable_mosaic.version = 14 : i64} {
  func.func @_k5_body(%arg0: i32, %arg1: memref<2000x32xf32, #tpu.memory_space<vmem>>, %arg2: memref<2000x32xf32, #tpu.memory_space<vmem>>, %arg3: memref<2000x32xf32, #tpu.memory_space<vmem>>, %arg4: memref<32x32xf32, #tpu.memory_space<vmem>>, %arg5: memref<32x32xf32, #tpu.memory_space<vmem>>, %arg6: memref<2000x32xf32, #tpu.memory_space<vmem>>) attributes {dimension_semantics = [#tpu.dimension_semantics<arbitrary>], iteration_bounds = array<i64: 25>, scalar_prefetch = 0 : i64, scratch_operands = 0 : i64, tpu.core_type = #tpu.core_type<tc>, window_params = [{transform_indices = @transform_0, window_bounds = array<i64: 2000, 32>}, {transform_indices = @transform_1, window_bounds = array<i64: 2000, 32>}, {transform_indices = @transform_2, window_bounds = array<i64: 2000, 32>}, {pipeline_mode = #tpu.pipeline_mode<synchronous>, transform_indices = @transform_3, window_bounds = array<i64: 32, 32>}, {pipeline_mode = #tpu.pipeline_mode<synchronous>, transform_indices = @transform_4, window_bounds = array<i64: 32, 32>}, {transform_indices = @transform_5, window_bounds = array<i64: 2000, 32>}]} {
    %get3A = arith.constant 0 : index
    %get3A_0 = arith.constant 0 : index
    %get3A_1 = vector.load %arg1[%get3A, %get3A_0] : memref<2000x32xf32, #tpu.memory_space<vmem>>, vector<2000x32xf32>
    %get3A_2 = arith.constant 0 : index
    %get3A_3 = arith.constant 0 : index
    %get3A_4 = vector.load %arg2[%get3A_2, %get3A_3] : memref<2000x32xf32, #tpu.memory_space<vmem>>, vector<2000x32xf32>
    %get3A_5 = arith.constant 0 : index
    %get3A_6 = arith.constant 0 : index
    %get3A_7 = vector.load %arg3[%get3A_5, %get3A_6] : memref<2000x32xf32, #tpu.memory_space<vmem>>, vector<2000x32xf32>
    %add3A = arith.addf %get3A_4, %get3A_7 : vector<2000x32xf32>
    %get3A_8 = arith.constant 0 : index
    %get3A_9 = arith.constant 0 : index
    %get3A_10 = vector.load %arg4[%get3A_8, %get3A_9] : memref<32x32xf32, #tpu.memory_space<vmem>>, vector<32x32xf32>
    %dot_general3A = arith.constant dense<0.000000e+00> : vector<2000x32xf32>
    %dot_general3A_11 = tpu.matmul %get3A_1, %get3A_10, %dot_general3A {dimension_numbers = #tpu.dot_dimension_numbers<[1], [0], [0], [1], [0, 0, 1, 1], [], []>, transpose_lhs_hint = false} : vector<2000x32xf32>, vector<32x32xf32>, vector<2000x32xf32> -> vector<2000x32xf32>
    %add3A_12 = arith.addf %add3A, %dot_general3A_11 : vector<2000x32xf32>
    %get3A_13 = arith.constant 0 : index
    %get3A_14 = arith.constant 0 : index
    %get3A_15 = vector.load %arg5[%get3A_13, %get3A_14] : memref<32x32xf32, #tpu.memory_space<vmem>>, vector<32x32xf32>
    %dot_general3A_16 = arith.constant dense<0.000000e+00> : vector<2000x32xf32>
    %dot_general3A_17 = tpu.matmul %add3A_12, %get3A_15, %dot_general3A_16 {dimension_numbers = #tpu.dot_dimension_numbers<[1], [0], [0], [1], [0, 0, 1, 1], [], []>, transpose_lhs_hint = false} : vector<2000x32xf32>, vector<32x32xf32>, vector<2000x32xf32> -> vector<2000x32xf32>
    %logistic3A = arith.negf %dot_general3A_17 : vector<2000x32xf32>
    %logistic3A_18 = math.exp %logistic3A : vector<2000x32xf32>
    %logistic3A_19 = arith.constant 1.000000e+00 : f32
    %logistic3A_20 = vector.broadcast %logistic3A_19 : f32 to vector<2000x32xf32>
    %logistic3A_21 = arith.addf %logistic3A_20, %logistic3A_18 : vector<2000x32xf32>
    %logistic3A_22 = arith.divf %logistic3A_20, %logistic3A_21 : vector<2000x32xf32>
    %mul3A = arith.mulf %dot_general3A_17, %logistic3A_22 : vector<2000x32xf32>
    %add3A_23 = arith.addf %get3A_1, %mul3A : vector<2000x32xf32>
    %swap3A = arith.constant 0 : index
    %swap3A_24 = arith.constant 0 : index
    %swap3A_25 = vector.load %arg6[%swap3A, %swap3A_24] : memref<2000x32xf32, #tpu.memory_space<vmem>>, vector<2000x32xf32>
    tpu.vector_store %arg6[%swap3A, %swap3A_24], %add3A_23 {strides = array<i32>} : memref<2000x32xf32, #tpu.memory_space<vmem>>, vector<2000x32xf32>,
    return
  }
  func.func @transform_0(%arg0: i32) -> (i32, i32) {
    %c0_i32 = arith.constant 0 : i32
    %c0_i32_0 = arith.constant 0 : i32
    return %arg0, %c0_i32 : i32, i32
  }
  func.func @transform_1(%arg0: i32) -> (i32, i32) {
    %c0_i32 = arith.constant 0 : i32
    %c0_i32_0 = arith.constant 0 : i32
    return %arg0, %c0_i32 : i32, i32
  }
  func.func @transform_2(%arg0: i32) -> (i32, i32) {
    %add3A = arith.constant 25 : i32
    %add3A_0 = arith.addi %arg0, %add3A : i32
    %c0_i32 = arith.constant 0 : i32
    %c0_i32_1 = arith.constant 0 : i32
    return %add3A_0, %c0_i32 : i32, i32
  }
  func.func @transform_3(%arg0: i32) -> (i32, i32) {
    %c0_i32 = arith.constant 0 : i32
    %c0_i32_0 = arith.constant 0 : i32
    %c0_i32_1 = arith.constant 0 : i32
    return %c0_i32, %c0_i32_0 : i32, i32
  }
  func.func @transform_4(%arg0: i32) -> (i32, i32) {
    %c0_i32 = arith.constant 0 : i32
    %c0_i32_0 = arith.constant 0 : i32
    %c0_i32_1 = arith.constant 0 : i32
    return %c0_i32, %c0_i32_0 : i32, i32
  }
  func.func @transform_5(%arg0: i32) -> (i32, i32) {
    %c0_i32 = arith.constant 0 : i32
    %c0_i32_0 = arith.constant 0 : i32
    return %arg0, %c0_i32 : i32, i32
  }
}

module attributes {stable_mosaic.version = 14 : i64} {
  func.func @_k6_body(%arg0: i32, %arg1: memref<1x1x2000xi32, #tpu.memory_space<vmem>>, %arg2: memref<2000x32xf32, #tpu.memory_space<vmem>>, %arg3: memref<32x16xf32, #tpu.memory_space<vmem>>, %arg4: memref<16x1xf32, #tpu.memory_space<vmem>>, %arg5: memref<32x16xf32, #tpu.memory_space<vmem>>, %arg6: memref<16x1xf32, #tpu.memory_space<vmem>>, %arg7: memref<64x1xf32, #tpu.memory_space<vmem>>, %arg8: memref<64x1xf32, #tpu.memory_space<vmem>>, %arg9: memref<64x32xf32, #tpu.memory_space<vmem>>, %arg10: memref<64x32xf32, #tpu.memory_space<vmem>>, %arg11: memref<64x1xf32, #tpu.memory_space<vmem>>) attributes {dimension_semantics = [#tpu.dimension_semantics<arbitrary>], iteration_bounds = array<i64: 25>, scalar_prefetch = 0 : i64, scratch_operands = 3 : i64, tpu.core_type = #tpu.core_type<tc>, window_params = [{transform_indices = @transform_0, window_bounds = array<i64: 1, 1, 2000>}, {transform_indices = @transform_1, window_bounds = array<i64: 2000, 32>}, {pipeline_mode = #tpu.pipeline_mode<synchronous>, transform_indices = @transform_2, window_bounds = array<i64: 32, 16>}, {pipeline_mode = #tpu.pipeline_mode<synchronous>, transform_indices = @transform_3, window_bounds = array<i64: 16, 1>}, {pipeline_mode = #tpu.pipeline_mode<synchronous>, transform_indices = @transform_4, window_bounds = array<i64: 32, 16>}, {pipeline_mode = #tpu.pipeline_mode<synchronous>, transform_indices = @transform_5, window_bounds = array<i64: 16, 1>}, {pipeline_mode = #tpu.pipeline_mode<synchronous>, transform_indices = @transform_6, window_bounds = array<i64: 64, 1>}, {pipeline_mode = #tpu.pipeline_mode<synchronous>, transform_indices = @transform_7, window_bounds = array<i64: 64, 1>}]} {
    %eq3A = arith.constant 0 : i32
    %eq3A_0 = arith.cmpi eq, %arg0, %eq3A : i32
    %convert_element_type3A = arith.extui %eq3A_0 : i1 to i32
    %cond3A = arith.constant 0 : i32
    %cond3A_1 = arith.cmpi ne, %convert_element_type3A, %cond3A : i32
    scf.if %cond3A_1 {
      %broadcast_in_dim3A_42 = arith.constant 0.000000e+00 : f32
      %broadcast_in_dim3A_43 = vector.broadcast %broadcast_in_dim3A_42 : f32 to vector<64x32xf32>
      %swap3A_44 = arith.constant 0 : index
      %swap3A_45 = arith.constant 0 : index
      %swap3A_46 = vector.load %arg9[%swap3A_44, %swap3A_45] : memref<64x32xf32, #tpu.memory_space<vmem>>, vector<64x32xf32>
      tpu.vector_store %arg9[%swap3A_44, %swap3A_45], %broadcast_in_dim3A_43 {strides = array<i32>} : memref<64x32xf32, #tpu.memory_space<vmem>>, vector<64x32xf32>,
      %broadcast_in_dim3A_47 = arith.constant 0.000000e+00 : f32
      %broadcast_in_dim3A_48 = vector.broadcast %broadcast_in_dim3A_47 : f32 to vector<64x32xf32>
      %swap3A_49 = arith.constant 0 : index
      %swap3A_50 = arith.constant 0 : index
      %swap3A_51 = vector.load %arg10[%swap3A_49, %swap3A_50] : memref<64x32xf32, #tpu.memory_space<vmem>>, vector<64x32xf32>
      tpu.vector_store %arg10[%swap3A_49, %swap3A_50], %broadcast_in_dim3A_48 {strides = array<i32>} : memref<64x32xf32, #tpu.memory_space<vmem>>, vector<64x32xf32>,
      %broadcast_in_dim3A_52 = arith.constant 0.000000e+00 : f32
      %broadcast_in_dim3A_53 = vector.broadcast %broadcast_in_dim3A_52 : f32 to vector<64x1xf32>
      %swap3A_54 = arith.constant 0 : index
      %swap3A_55 = arith.constant 0 : index
      %swap3A_56 = vector.load %arg11[%swap3A_54, %swap3A_55] : memref<64x1xf32, #tpu.memory_space<vmem>>, vector<64x1xf32>
      tpu.vector_store %arg11[%swap3A_54, %swap3A_55], %broadcast_in_dim3A_53 {strides = array<i32>} : memref<64x1xf32, #tpu.memory_space<vmem>>, vector<64x1xf32>,
    } else {
    }
    %get3A = arith.constant 0 : index
    %get3A_2 = arith.constant 0 : index
    %get3A_3 = arith.constant 0 : index
    %get3A_4 = vector.load %arg1[%get3A, %get3A_2, %get3A_3] : memref<1x1x2000xi32, #tpu.memory_space<vmem>>, vector<1x1x2000xi32>
    %get3A_5 = vector.shape_cast %get3A_4 : vector<1x1x2000xi32> to vector<2000xi32>
    %get3A_6 = arith.constant 0 : index
    %get3A_7 = arith.constant 0 : index
    %get3A_8 = vector.load %arg2[%get3A_6, %get3A_7] : memref<2000x32xf32, #tpu.memory_space<vmem>>, vector<2000x32xf32>
    %iota3A = tpu.iota {dimensions = array<i32: 0>} : vector<64x2000xi32>
    %broadcast_in_dim3A = vector.shape_cast %get3A_5 : vector<2000xi32> to vector<1x2000xi32>
    %eq3A_9 = vector.broadcast %broadcast_in_dim3A : vector<1x2000xi32> to vector<64x2000xi32>
    %eq3A_10 = arith.cmpi eq, %iota3A, %eq3A_9 : vector<64x2000xi32>
    %convert_element_type3A_11 = arith.extui %eq3A_10 : vector<64x2000xi1> to vector<64x2000xi32>
    %convert_element_type3A_12 = arith.sitofp %convert_element_type3A_11 : vector<64x2000xi32> to vector<64x2000xf32>
    %get3A_13 = arith.constant 0 : index
    %get3A_14 = arith.constant 0 : index
    %get3A_15 = vector.load %arg9[%get3A_13, %get3A_14] : memref<64x32xf32, #tpu.memory_space<vmem>>, vector<64x32xf32>
    %dot_general3A = arith.constant dense<0.000000e+00> : vector<64x32xf32>
    %dot_general3A_16 = tpu.matmul %convert_element_type3A_12, %get3A_8, %dot_general3A {dimension_numbers = #tpu.dot_dimension_numbers<[1], [0], [0], [1], [0, 0, 1, 1], [], []>, precision = #tpu.contract_precision<fp32>, transpose_lhs_hint = false} : vector<64x2000xf32>, vector<2000x32xf32>, vector<64x32xf32> -> vector<64x32xf32>
    %add3A = arith.addf %get3A_15, %dot_general3A_16 : vector<64x32xf32>
    %swap3A = arith.constant 0 : index
    %swap3A_17 = arith.constant 0 : index
    %swap3A_18 = vector.load %arg9[%swap3A, %swap3A_17] : memref<64x32xf32, #tpu.memory_space<vmem>>, vector<64x32xf32>
    tpu.vector_store %arg9[%swap3A, %swap3A_17], %add3A {strides = array<i32>} : memref<64x32xf32, #tpu.memory_space<vmem>>, vector<64x32xf32>,
    %get3A_19 = arith.constant 0 : index
    %get3A_20 = arith.constant 0 : index
    %get3A_21 = vector.load %arg10[%get3A_19, %get3A_20] : memref<64x32xf32, #tpu.memory_space<vmem>>, vector<64x32xf32>
    %mul3A = arith.mulf %get3A_8, %get3A_8 : vector<2000x32xf32>
    %dot_general3A_22 = arith.constant dense<0.000000e+00> : vector<64x32xf32>
    %dot_general3A_23 = tpu.matmul %convert_element_type3A_12, %mul3A, %dot_general3A_22 {dimension_numbers = #tpu.dot_dimension_numbers<[1], [0], [0], [1], [0, 0, 1, 1], [], []>, precision = #tpu.contract_precision<fp32>, transpose_lhs_hint = false} : vector<64x2000xf32>, vector<2000x32xf32>, vector<64x32xf32> -> vector<64x32xf32>
    %add3A_24 = arith.addf %get3A_21, %dot_general3A_23 : vector<64x32xf32>
    %swap3A_25 = arith.constant 0 : index
    %swap3A_26 = arith.constant 0 : index
    %swap3A_27 = vector.load %arg10[%swap3A_25, %swap3A_26] : memref<64x32xf32, #tpu.memory_space<vmem>>, vector<64x32xf32>
    tpu.vector_store %arg10[%swap3A_25, %swap3A_26], %add3A_24 {strides = array<i32>} : memref<64x32xf32, #tpu.memory_space<vmem>>, vector<64x32xf32>,
    %get3A_28 = arith.constant 0 : index
    %get3A_29 = arith.constant 0 : index
    %get3A_30 = vector.load %arg11[%get3A_28, %get3A_29] : memref<64x1xf32, #tpu.memory_space<vmem>>, vector<64x1xf32>
    %reduce_sum3A = arith.constant dense<0.000000e+00> : vector<64xf32>
    %reduce_sum3A_31 = vector.multi_reduction <add>, %convert_element_type3A_12, %reduce_sum3A [1] : vector<64x2000xf32> to vector<64xf32>
    %broadcast_in_dim3A_32 = vector.shape_cast %reduce_sum3A_31 : vector<64xf32> to vector<64x1xf32>
    %add3A_33 = arith.addf %get3A_30, %broadcast_in_dim3A_32 : vector<64x1xf32>
    %swap3A_34 = arith.constant 0 : index
    %swap3A_35 = arith.constant 0 : index
    %swap3A_36 = vector.load %arg11[%swap3A_34, %swap3A_35] : memref<64x1xf32, #tpu.memory_space<vmem>>, vector<64x1xf32>
    tpu.vector_store %arg11[%swap3A_34, %swap3A_35], %add3A_33 {strides = array<i32>} : memref<64x1xf32, #tpu.memory_space<vmem>>, vector<64x1xf32>,
    %eq3A_37 = arith.constant 24 : i32
    %eq3A_38 = arith.cmpi eq, %arg0, %eq3A_37 : i32
    %convert_element_type3A_39 = arith.extui %eq3A_38 : i1 to i32
    %cond3A_40 = arith.constant 0 : i32
    %cond3A_41 = arith.cmpi ne, %convert_element_type3A_39, %cond3A_40 : i32
    scf.if %cond3A_41 {
      %get3A_42 = arith.constant 0 : index
      %get3A_43 = arith.constant 0 : index
      %get3A_44 = vector.load %arg11[%get3A_42, %get3A_43] : memref<64x1xf32, #tpu.memory_space<vmem>>, vector<64x1xf32>
      %max3A = arith.constant 1.000000e+00 : f32
      %max3A_45 = vector.broadcast %max3A : f32 to vector<64x1xf32>
      %max3A_46 = arith.maximumf %get3A_44, %max3A_45 : vector<64x1xf32>
      %get3A_47 = arith.constant 0 : index
      %get3A_48 = arith.constant 0 : index
      %get3A_49 = vector.load %arg9[%get3A_47, %get3A_48] : memref<64x32xf32, #tpu.memory_space<vmem>>, vector<64x32xf32>
      %div3A = vector.broadcast %max3A_46 : vector<64x1xf32> to vector<64x32xf32>
      %div3A_50 = arith.divf %get3A_49, %div3A : vector<64x32xf32>
      %get3A_51 = arith.constant 0 : index
      %get3A_52 = arith.constant 0 : index
      %get3A_53 = vector.load %arg10[%get3A_51, %get3A_52] : memref<64x32xf32, #tpu.memory_space<vmem>>, vector<64x32xf32>
      %div3A_54 = vector.broadcast %max3A_46 : vector<64x1xf32> to vector<64x32xf32>
      %div3A_55 = arith.divf %get3A_53, %div3A_54 : vector<64x32xf32>
      %mul3A_56 = arith.mulf %div3A_50, %div3A_50 : vector<64x32xf32>
      %sub3A = arith.subf %div3A_55, %mul3A_56 : vector<64x32xf32>
      %max3A_57 = arith.constant 0.000000e+00 : f32
      %max3A_58 = vector.broadcast %max3A_57 : f32 to vector<64x32xf32>
      %max3A_59 = arith.maximumf %sub3A, %max3A_58 : vector<64x32xf32>
      %add3A_60 = arith.constant 9.99999996E-13 : f32
      %add3A_61 = vector.broadcast %add3A_60 : f32 to vector<64x32xf32>
      %add3A_62 = arith.addf %max3A_59, %add3A_61 : vector<64x32xf32>
      %sqrt3A = math.sqrt %add3A_62 : vector<64x32xf32>
      %get3A_63 = arith.constant 0 : index
      %get3A_64 = arith.constant 0 : index
      %get3A_65 = vector.load %arg5[%get3A_63, %get3A_64] : memref<32x16xf32, #tpu.memory_space<vmem>>, vector<32x16xf32>
      %dot_general3A_66 = arith.constant dense<0.000000e+00> : vector<64x16xf32>
      %dot_general3A_67 = tpu.matmul %sqrt3A, %get3A_65, %dot_general3A_66 {dimension_numbers = #tpu.dot_dimension_numbers<[1], [0], [0], [1], [0, 0, 1, 1], [], []>, transpose_lhs_hint = false} : vector<64x32xf32>, vector<32x16xf32>, vector<64x16xf32> -> vector<64x16xf32>
      %get3A_68 = arith.constant 0 : index
      %get3A_69 = arith.constant 0 : index
      %get3A_70 = vector.load %arg6[%get3A_68, %get3A_69] : memref<16x1xf32, #tpu.memory_space<vmem>>, vector<16x1xf32>
      %dot_general3A_71 = arith.constant dense<0.000000e+00> : vector<64x1xf32>
      %dot_general3A_72 = tpu.matmul %dot_general3A_67, %get3A_70, %dot_general3A_71 {dimension_numbers = #tpu.dot_dimension_numbers<[1], [0], [0], [1], [0, 0, 1, 1], [], []>, transpose_lhs_hint = false} : vector<64x16xf32>, vector<16x1xf32>, vector<64x1xf32> -> vector<64x1xf32>
      %swap3A_73 = arith.constant 0 : index
      %swap3A_74 = arith.constant 0 : index
      %swap3A_75 = vector.load %arg7[%swap3A_73, %swap3A_74] : memref<64x1xf32, #tpu.memory_space<vmem>>, vector<64x1xf32>
      tpu.vector_store %arg7[%swap3A_73, %swap3A_74], %dot_general3A_72 {strides = array<i32>} : memref<64x1xf32, #tpu.memory_space<vmem>>, vector<64x1xf32>,
      %get3A_76 = arith.constant 0 : index
      %get3A_77 = arith.constant 0 : index
      %get3A_78 = vector.load %arg3[%get3A_76, %get3A_77] : memref<32x16xf32, #tpu.memory_space<vmem>>, vector<32x16xf32>
      %dot_general3A_79 = arith.constant dense<0.000000e+00> : vector<64x16xf32>
      %dot_general3A_80 = tpu.matmul %div3A_50, %get3A_78, %dot_general3A_79 {dimension_numbers = #tpu.dot_dimension_numbers<[1], [0], [0], [1], [0, 0, 1, 1], [], []>, transpose_lhs_hint = false} : vector<64x32xf32>, vector<32x16xf32>, vector<64x16xf32> -> vector<64x16xf32>
      %get3A_81 = arith.constant 0 : index
      %get3A_82 = arith.constant 0 : index
      %get3A_83 = vector.load %arg4[%get3A_81, %get3A_82] : memref<16x1xf32, #tpu.memory_space<vmem>>, vector<16x1xf32>
      %dot_general3A_84 = arith.constant dense<0.000000e+00> : vector<64x1xf32>
      %dot_general3A_85 = tpu.matmul %dot_general3A_80, %get3A_83, %dot_general3A_84 {dimension_numbers = #tpu.dot_dimension_numbers<[1], [0], [0], [1], [0, 0, 1, 1], [], []>, transpose_lhs_hint = false} : vector<64x16xf32>, vector<16x1xf32>, vector<64x1xf32> -> vector<64x1xf32>
      %swap3A_86 = arith.constant 0 : index
      %swap3A_87 = arith.constant 0 : index
      %swap3A_88 = vector.load %arg8[%swap3A_86, %swap3A_87] : memref<64x1xf32, #tpu.memory_space<vmem>>, vector<64x1xf32>
      tpu.vector_store %arg8[%swap3A_86, %swap3A_87], %dot_general3A_85 {strides = array<i32>} : memref<64x1xf32, #tpu.memory_space<vmem>>, vector<64x1xf32>,
    } else {
    }
    return
  }
  func.func @transform_0(%arg0: i32) -> (i32, i32, i32) {
    %c0_i32 = arith.constant 0 : i32
    %c0_i32_0 = arith.constant 0 : i32
    %c0_i32_1 = arith.constant 0 : i32
    return %arg0, %c0_i32, %c0_i32_0 : i32, i32, i32
  }
  func.func @transform_1(%arg0: i32) -> (i32, i32) {
    %c0_i32 = arith.constant 0 : i32
    %c0_i32_0 = arith.constant 0 : i32
    return %arg0, %c0_i32 : i32, i32
  }
  func.func @transform_2(%arg0: i32) -> (i32, i32) {
    %c0_i32 = arith.constant 0 : i32
    %c0_i32_0 = arith.constant 0 : i32
    %c0_i32_1 = arith.constant 0 : i32
    return %c0_i32, %c0_i32_0 : i32, i32
  }
  func.func @transform_3(%arg0: i32) -> (i32, i32) {
    %c0_i32 = arith.constant 0 : i32
    %c0_i32_0 = arith.constant 0 : i32
    %c0_i32_1 = arith.constant 0 : i32
    return %c0_i32, %c0_i32_0 : i32, i32
  }
  func.func @transform_4(%arg0: i32) -> (i32, i32) {
    %c0_i32 = arith.constant 0 : i32
    %c0_i32_0 = arith.constant 0 : i32
    %c0_i32_1 = arith.constant 0 : i32
    return %c0_i32, %c0_i32_0 : i32, i32
  }
  func.func @transform_5(%arg0: i32) -> (i32, i32) {
    %c0_i32 = arith.constant 0 : i32
    %c0_i32_0 = arith.constant 0 : i32
    %c0_i32_1 = arith.constant 0 : i32
    return %c0_i32, %c0_i32_0 : i32, i32
  }
  func.func @transform_6(%arg0: i32) -> (i32, i32) {
    %c0_i32 = arith.constant 0 : i32
    %c0_i32_0 = arith.constant 0 : i32
    %c0_i32_1 = arith.constant 0 : i32
    return %c0_i32, %c0_i32_0 : i32, i32
  }
  func.func @transform_7(%arg0: i32) -> (i32, i32) {
    %c0_i32 = arith.constant 0 : i32
    %c0_i32_0 = arith.constant 0 : i32
    %c0_i32_1 = arith.constant 0 : i32
    return %c0_i32, %c0_i32_0 : i32, i32
  }
}

</mosaic_0001>

<sc_bundles>
// kernel: kernel.12.cloned.1.call-start
scs
__scs_entry_jumppad:
0x0: {  	(pc) =	sbr.rel $0x88, $3  }
0x1: {  	(tag) =	ssettag $0x0;
	lr =	simm.s32 $0x1  }
0x2: {  	[smem:$0x3F90] =	sst lr;
	_ =	strace $0xD0000000  }
0x3: {  	_ = 	snop  }
0x4: {  	_ = 	snop  }
0x5: {  	_ = 	snop  }
0x6: {  	_ = 	snop  }
0x7: {  	_ = 	snop  }
__scs_overlays_trampoline_lowered:
0x8: {  	[smem:$0x3F9F] =	sst s0  }
0x9: {  	[smem:$0x3FA0] =	sst s1  }
0xa: {  	[smem:$0x3FA1] =	sst s2  }
0xb: {  	[smem:$0x3FA2] =	sst s3  }
0xc: {  	[smem:$0x3FA3] =	sst s4  }
0xd: {  	[smem:$0x3FA4] =	sst s5  }
0xe: {  	[smem:$0x3FA5] =	sst s6  }
0xf: {  	[smem:$0x3FA6] =	sst s7  }
0x10: {  	[smem:$0x3FA7] =	sst s8  }
0x11: {  	[smem:$0x3FA8] =	sst s9;
	s0 =	simm.s32 @!p0 $0x0  }
0x12: {  	s1 =	sld [smem:$0x3F8E];
	s0 =	simm.s32 @p0 $0x1  }
0x13: {  	[smem:$0x3FA9] =	sst s0;
	s0 =	simm.s32 @!p1 $0x0  }
0x14: {  	s2 =	sld [smem:$0x3F8D];
	s0 =	simm.s32 @p1 $0x1  }
0x15: {  	[smem:$0x3FAA] =	sst s0;
	s0 =	simm.s32 @!p2 $0x0  }
0x16: {  	s3 =	sld [smem:$0x3FDB];
	s0 =	simm.s32 @p2 $0x1  }
0x17: {  	s4 =	simm.s32 $0x1BF5;
	[smem:$0x3FAC] =	sst s0  }
0x18: {  	s0 =	sld [smem:$0x3F8F];
	_ =	swait.ge [sflag:s4], $0x0  }
0x19: {  	s7 =	sld [smem:$0x3F90]  }
0x1a: {  	s8 =	sadd.s32 $0xFFFFE003, lr  }
0x1b: {  	s9 =	sadd.s32 $0xFFFFFEF7, lr;
	s5 =	simm.s32 $0xFFFFFFFF;
	p2 =	slt.u32 s8, $0xFFFFF086  }
0x1c: {  	p1 =	slt.u32 s9, $0xF7A;
	s5 =	simm.s32 @!p2 $0x0  }
0x1d: {  	s5 =	simm.s32 @p1 $0x1;
	p0 =	seq.s32 s7, s2  }
0x1e: {  	s7 =	smul.u32 @!p0 $0xF7A, s2;
	p2 =	seq.s32 @!p0 s5, $0x0  }
0x1f: {  	s9 =	smul.u32 $0xF7A, s1;
	s8 =	simm.s32 @!p0 $0x1BF5;
	p2 =	por !p2, p0  }
0x20: {  	[sflag:s8] =	ssyncset.s32 @!p0 $0xFFFFF086;
	s6 =	sadd.s32 @!p0 s3, s7;
	s7 =	simm.s32 @!p0 $0x108  }
0x21: {  	s3 =	sadd.s32 s3, s9;
	s6 =	sadd.s32 @!p0 $0x88, s6;
	s7 =	simm.s32 @p2 $0x1082  }
0x22: {  	[simem:s7], [sflag:s8] =	dma.local @!p0 [hbm:s6], $0xF7A  }
0x23: {  	s9 =	sor.u32 $0xD0000000, s2;
	s6 =	simm.s32 $0x108;
	_ =	swait.ge @!p0 [sflag:s8], $0x0  }
0x24: {  	s3 =	sadd.s32 $0x88, s3;
	s6 =	simm.s32 @!p1 $0x1082;
	[sflag:s4] =	ssyncset.s32 $0xFFFFF086  }
0x25: {  	[simem:s6], [sflag:s4] =	dma.local [hbm:s3], $0xF7A  }
0x26: {  	[smem:$0x3F90] =	sst s1;
	(tag) =	ssettag s2;
	_ =	strace s9  }
0x27: {  	s1 =	sld [smem:$0x3FA0]  }
0x28: {  	s2 =	sld [smem:$0x3FA1]  }
0x29: {  	s4 =	sld [smem:$0x3FA3]  }
0x2a: {  	p0 =	seq.s32 s5, $0x0;
	s5 =	sld [smem:$0x3FA4]  }
0x2b: {  	s6 =	sld [smem:$0x3FA5]  }
0x2c: {  	s7 =	sld [smem:$0x3FA6]  }
0x2d: {  	s3 =	simm.s32 $0x108;
	s8 =	sld [smem:$0x3FA7]  }
0x2e: {  	s3 =	simm.s32 @!p0 $0x1082;
	s9 =	sld [smem:$0x3FA8]  }
0x2f: {  	lr =	sadd.s32 s0, s3;
	s0 =	sld [smem:$0x3F9F]  }
0x30: {  	s3 =	sld [smem:$0x3FA2]  }
0x31: {  	[smem:$0x3FAB] =	sst s10  }
0x32: {  	s10 =	sld [smem:$0x3FA9];
	_ =	sdelay $0x3  }
0x33: {  	p0 =	seq.s32 s10, $0x1;
	s10 =	sld [smem:$0x3FAB];
	_ =	sdelay $0x3  }
0x34: {  	[smem:$0x3FAB] =	sst s10  }
0x35: {  	s10 =	sld [smem:$0x3FAA];
	_ =	sdelay $0x3  }
0x36: {  	p1 =	seq.s32 s10, $0x1;
	s10 =	sld [smem:$0x3FAB];
	_ =	sdelay $0x3  }
0x37: {  	[smem:$0x3FAB] =	sst s10  }
0x38: {  	s10 =	sld [smem:$0x3FAC]  }
0x39: {  	_ = 	snop;
	(pc) =	sbr.ind lr, $3  }
0x3a: {  	_ = 	snop  }
0x3b: {  	_ = 	snop  }
0x3c: {  	p2 =	seq.s32 s10, $0x1;
	s10 =	sld [smem:$0x3FAB]  }
0x3d: {  	_ =	shalt  }
0x3e: {  	_ =	shalt  }
0x3f: {  	_ =	shalt  }
0x40: {  	_ =	shalt  }
0x41: {  	_ =	shalt  }
0x42: {  	_ =	shalt  }
0x43: {  	_ =	shalt  }
0x44: {  	_ =	shalt  }
0x45: {  	_ =	shalt  }
0x46: {  	_ =	shalt  }
0x47: {  	_ =	shalt  }
0x48: {  	_ =	shalt  }
0x49: {  	_ =	shalt  }
0x4a: {  	_ =	shalt  }
0x4b: {  	_ =	shalt  }
0x4c: {  	_ =	shalt  }
0x4d: {  	_ =	shalt  }
0x4e: {  	_ =	shalt  }
0x4f: {  	_ =	shalt  }
0x50: {  	_ =	shalt  }
0x51: {  	_ =	shalt  }
0x52: {  	_ =	shalt  }
0x53: {  	_ =	shalt  }
0x54: {  	_ =	shalt  }
0x55: {  	_ =	shalt  }
0x56: {  	_ =	shalt  }
0x57: {  	_ =	shalt  }
0x58: {  	_ =	shalt  }
0x59: {  	_ =	shalt  }
0x5a: {  	_ =	shalt  }
0x5b: {  	_ =	shalt  }
0x5c: {  	_ =	shalt  }
0x5d: {  	_ =	shalt  }
0x5e: {  	_ =	shalt  }
0x5f: {  	_ =	shalt  }
0x60: {  	_ =	shalt  }
0x61: {  	_ =	shalt  }
0x62: {  	_ =	shalt  }
0x63: {  	_ =	shalt  }
0x64: {  	_ =	shalt  }
0x65: {  	_ =	shalt  }
0x66: {  	_ =	shalt  }
0x67: {  	_ =	shalt  }
0x68: {  	_ =	shalt  }
0x69: {  	_ =	shalt  }
0x6a: {  	_ =	shalt  }
0x6b: {  	_ =	shalt  }
0x6c: {  	_ =	shalt  }
0x6d: {  	_ =	shalt  }
0x6e: {  	_ =	shalt  }
0x6f: {  	_ =	shalt  }
0x70: {  	_ =	shalt  }
0x71: {  	_ =	shalt  }
0x72: {  	_ =	shalt  }
0x73: {  	_ =	shalt  }
0x74: {  	_ =	shalt  }
0x75: {  	_ =	shalt  }
0x76: {  	_ =	shalt  }
0x77: {  	_ =	shalt  }
0x78: {  	_ =	shalt  }
0x79: {  	_ =	shalt  }
0x7a: {  	_ =	shalt  }
0x7b: {  	_ =	shalt  }
0x7c: {  	_ =	shalt  }
0x7d: {  	_ =	shalt  }
0x7e: {  	_ =	shalt  }
0x7f: {  	_ =	shalt  }
0x80: {  	_ =	shalt  }
0x81: {  	_ =	shalt  }
0x82: {  	_ =	shalt  }
0x83: {  	_ =	shalt  }
0x84: {  	_ =	shalt  }
0x85: {  	_ =	shalt  }
0x86: {  	_ =	shalt  }
0x87: {  	_ =	shalt  }
.Lfunc_end0:
.L_simem_size_0:
called_computation_lowered:
.L_overlay_start_0:
0x88: {  	s2 =	sld [smem:$0x3FD9]  }
0x89: {  	s3 =	sld [smem:$0x3FFE];
	_ =	sdelay $0x1  }
0x8a: {  	s1 =	srdreg.scid  }
0x8b: {  	s0 =	sand.u32 $0x1, s1  }
0x8c: {  	s16 =	sshll.u32 s0, $0xA;
	s2 =	sadd.s32 s3, s2  }
0x8d: {  	s2 =	sadd.s32 s2, s16  }
0x8e: {  	[smem:$0x3FB7] =	sst s2  }
0x8f: {  	_ = 	snop  }
0x90: {  	(tm) =	ssettm $0x1  }
0x91: {  	s17 =	sld [smem:$0x3FFB];
	_ =	sdelay $0x3  }
0x92: {  	_ =	strace s17  }
0x93: {  	s2 =	sld [smem:$0x3FFC];
	_ =	sdelay $0x3  }
0x94: {  	_ =	strace s2  }
0x95: {  	s2 =	sld [smem:$0x3FFD];
	_ =	sdelay $0x3  }
0x96: {  	_ =	strace s2  }
0x97: {  	_ =	strace $0x8FFFFFFF  }
0x98: {  	s18 =	sld [smem:$0x3FDB];
	_ =	sdelay $0x1  }
0x99: {  	s19 =	simm.s32 $_scs_section_size  }
0x9a: {  	s4 =	simm.s32 $_size__tile_overlayer_lowered;
	s5 =	simm.s32 $_tile_overlayer_lowered  }
0x9b: {  	s22 =	simm.s32 $0x1BFF;
	s21 =	sshll.u32 s5, $0x1;
	s2 =	sadd.s32 s19, s18  }
0x9c: {  	s6 =	simm.s32 $0x0;
	s20 =	sshll.u32 s4, $0x1;
	s4 =	sadd.s32 s21, s2  }
0x9d: {  	[timem:s6], [sflag:s22] =	dma.local [hbm:s4], s20  }
0x9e: {  	_ =	swait.ge [sflag:s22], s20  }
0x9f: {  	s3 =	ssub.s32 $0x0, s20;
	[sflag:s22] =	ssyncset.done $0x0  }
0xa0: {  	[sflag:s22] =	ssyncadd.s32 s3;
	_ =	sdelay $0x1  }
0xa1: {  	s23 =	simm.s32 $0x1B8B  }
0xa2: {  	_ =	swait.ge [sflag:s23], $0x1  }
0xa3: {  	[sflag:s23] =	ssyncset.done $0x0  }
0xa4: {  	s25 =	simm.s32 $0x1B8E;
	s24 =	sld [smem:$0x3FFE];
	[sflag:s23] =	ssyncadd.s32 $0xFFFFFFFF  }
0xa5: {  	s26 =	simm.s32 $execute0_lowered;
	[smem:$0x3FD2] =	sst s25  }
0xa6: {  	s4 =	sshll.u32 s26, $0x1;
	_ =	strace $0x80000046;
	[dreg:$0x1] =	wrdreg $0xFFFFFFFF  }
0xa7: {  	s28 =	simm.s32 $_size_execute0_lowered;
	s2 =	sadd.s32 s2, s4;
	[dreg:$0x0] =	wrdreg $0x0  }
0xa8: {  	s4 =	sshll.u32 s28, $0x1;
	[dreg:$0x2] =	wrdreg s2  }
0xa9: {  	[dreg:$0x3] =	wrdreg s4  }
0xaa: {  	[dreg:$0x4] =	wrdreg $0xC0  }
0xab: {  	_ =	task [dreg:s6], $0x5FFFF  }
0xac: {  	[dreg:$0x1] =	wrdreg $0xFFFFFFFF  }
0xad: {  	[dreg:$0x0] =	wrdreg $0x60  }
0xae: {  	[dreg:$0x2] =	wrdreg s24  }
0xaf: {  	[dreg:$0x3] =	wrdreg $0x9  }
0xb0: {  	_ =	task.clear_ibuf [dreg:s6], $0x4FFFF;
	_ =	strace $0x90000046  }
0xb1: {  	s29 =	simm.s32 $0x9;
	_ =	strace $0x80000048  }
0xb2: {  	_ =	swait.ge [sflag:s29], $0x1  }
0xb3: {  	[sflag:s29] =	ssyncadd.s32 $0xFFFFFFFF  }
0xb4: {  	_ =	strace $0x90000048  }
0xb5: {  	_ =	sfence  }
0xb6: {  	s30 =	sld [smem:$0x0];
	_ =	sdelay $0x2  }
0xb7: {  	s31 =	sshll.u32 s1, $0xD;
	s1 =	sshrl.u32 s1, $0x2  }
0xb8: {  	s3 =	sand.u32 $0x4000, s31;
	s1 =	sadd.s32 s1, s30  }
0xb9: {  	s0 =	sor.u32 s3, s0;
	s1 =	sshll.u32 s1, $0x11  }
0xba: {  	s0 =	sor.u32 s1, s0  }
0xbb: {  	s0 =	sadd.s32 $0x8F2B, s0  }
0xbc: {  	[sflag:s0] =	ssyncadd.remote.s32 $0x1  }
0xbd: {  	_ =	sfence.sel $0xFFFF  }
0xbe: {  	[dreg:$0x0] =	wrdreg $0xFFFFFFFF;
	(pc) =	sbr.abs _section_cstart, $3  }
0xbf: {  	[dreg:$0x1] =	wrdreg $0xFFFFFFFF  }
0xc0: {  	_ =	task.clear_ibuf [dreg:s6], $0x2FFFF;
	_ =	strace $0x9FFFFFFF  }
0xc1: {  	(tm) =	ssettm $0x7FFFFFFF  }
tec
execute0_lowered:
.L_overlay_start_1:
0x0: {  	(tag) =	ssettag $0x1  }
0x1: {  	s1 =	srdreg.scid  }
0x2: {  	s0 =	stileid.u32;
	s5 =	rddreg [dreg:$0x0]  }
0x3: {  	s2 =	simm.s32 $0x0;
	s11 =	simm.s32 $0xC00;
	s31 =	simm.s32 $0x100  }
0x4: {  	s12 =	simm.s32 $0x180;
	s13 =	simm.s32 $0x1C00;
	s14 =	simm.s32 $0x2400  }
0x5: {  	s15 =	simm.s32 $0x280;
	s16 =	simm.s32 $0x2C00;
	s17 =	simm.s32 $0x300  }
0x6: {  	s18 =	simm.s32 $0x3400;
	s19 =	simm.s32 $0x380;
	s20 =	simm.s32 $0x3C00  }
0x7: {  	s21 =	simm.s32 $0x1;
	s22 =	simm.s32 $0x2;
	s23 =	simm.s32 $0x10  }
0x8: {  	s24 =	simm.s32 $0x0;
	s4 =	sand.u32 $0x1, s1;
	s3 =	smul.u32 $0xC800, s0  }
0x9: {  	[smem:$0x7FF] =	sst s2;
	s8 =	sadd.s32 $0x283800, s5;
	s10 =	smul.u32 $0xC8000, s0  }
0xa: {  	s6 =	smul.u32 $0x6400, s4;
	_ =	strace $0x80000047;
	[dreg:$0x2] =	wrdreg s8  }
0xb: {  	s9 =	ssub.s32 $0x2, s4;
	s29 =	smul.u32 $0x64000, s4;
	[dreg:$0x6] =	wrdreg s11  }
0xc: {  	[dreg:$0x7] =	wrdreg s31;
	s11 =	simm.s32 $0x1400;
	s28 =	sshrl.u32 s9, $0x1  }
0xd: {  	s6 =	sadd.s32 s6, s3;
	s3 =	sadd.s32 $0x39600, s5;
	s8 =	ssub.s32 s9, s28  }
0xe: {  	s9 =	simm.s32 $0x80;
	s7 =	sshrl.u32 s6, $0x3;
	s4 =	smax.u32 s8, $0x1  }
0xf: {  	s6 =	sshrl.u32 s6, $0x5;
	s7 =	sadd.s32 s7, s5;
	s5 =	sadd.s32 $0x413800, s5  }
0x10: {  	s8 =	simm.s32 $0x200;
	[dreg:$0x3] =	wrdreg s5;
	s30 =	sadd.s32 $0x5C00, s7  }
0x11: {  	s5 =	sadd.s32 s29, s10;
	s7 =	sadd.s32 $0x1EC00, s7;
	[dreg:$0x4] =	wrdreg s30  }
0x12: {  	s10 =	simm.s32 $0x400;
	[dreg:$0x5] =	wrdreg s7;
	s7 =	simm.s32 $0x3  }
.LBB2_1:
0x13: {  	s25 =	rddreg [dreg:$0x5]  }
0x14: {  	s25 =	sadd.s32 $0x0, s25  }
0x15: {  	[tilespmem:s2], [sflag:$0x3] =	stream.linear.gather [hbm4b:s25+s2], $0x200, $0x38;
	[tilespmem:$0x4400] =	vst v63  }
0x16: {  	_ =	swait.ge [sflag:s7], $0x200  }
0x17: {  	s31 =	rddreg [dreg:$0x4];
	[sflag:s7] =	ssyncset.done $0x0  }
0x18: {  	[sflag:s7] =	ssyncadd.s32 $0xFFFFFE00;
	s25 =	sadd.s32 $0x0, s31  }
0x19: {  	[tilespmem:s8], [sflag:$0x3] =	stream.linear.gather [hbm4b:s25+s2], $0x200, $0x38;
	[tilespmem:$0x4400] =	vst v63  }
0x1a: {  	_ =	swait.ge [sflag:s7], $0x200  }
0x1b: {  	[sflag:s7] =	ssyncset.done $0x0  }
0x1c: {  	[sflag:s7] =	ssyncadd.s32 $0xFFFFFE00  }
0x1d: {  	[tilespmem:s10], [sflag:$0x1] =	stream.indirect.gather [hbm4b:s3+s9], $0x10, s2, s9, $0xb8;
	[tilespmem:$0x4400] =	vst v63  }
0x1e: {  	s1 =	rddreg [dreg:$0x6]  }
0x1f: {  	[tilespmem:s1], [sflag:$0x1] =	stream.indirect.gather [hbm4b:s3+s9], $0x10, s9, s9, $0xb8;
	[tilespmem:$0x4400] =	vst v63  }
0x20: {  	s26 =	rddreg [dreg:$0x7]  }
0x21: {  	[tilespmem:s11], [sflag:$0x1] =	stream.indirect.gather [hbm4b:s3+s9], $0x10, s26, s9, $0xb8;
	[tilespmem:$0x4400] =	vst v63  }
0x22: {  	_ = 	snop  }
0x23: {  	[tilespmem:s13], [sflag:$0x1] =	stream.indirect.gather [hbm4b:s3+s9], $0x10, s12, s9, $0xb8;
	[tilespmem:$0x4400] =	vst v63  }
0x24: {  	_ = 	snop  }
0x25: {  	[tilespmem:s14], [sflag:$0x2] =	stream.indirect.gather [hbm4b:s3+s9], $0x10, s8, s9, $0xb8;
	[tilespmem:$0x4400] =	vst v63  }
0x26: {  	_ = 	snop  }
0x27: {  	[tilespmem:s16], [sflag:$0x2] =	stream.indirect.gather [hbm4b:s3+s9], $0x10, s15, s9, $0xb8;
	[tilespmem:$0x4400] =	vst v63  }
0x28: {  	_ = 	snop  }
0x29: {  	[tilespmem:s18], [sflag:$0x2] =	stream.indirect.gather [hbm4b:s3+s9], $0x10, s17, s9, $0xb8;
	[tilespmem:$0x4400] =	vst v63  }
0x2a: {  	_ = 	snop  }
0x2b: {  	[tilespmem:s20], [sflag:$0x2] =	stream.indirect.gather [hbm4b:s3+s9], $0x10, s19, s9, $0xb8;
	[tilespmem:$0x4400] =	vst v63  }
0x2c: {  	_ =	swait.ge [sflag:s21], $0x800  }
0x2d: {  	[sflag:s21] =	ssyncset.done $0x0  }
0x2e: {  	[sflag:s21] =	ssyncadd.s32 $0xFFFFF800  }
0x2f: {  	_ =	swait.ge [sflag:s21], $0x800  }
0x30: {  	[sflag:s21] =	ssyncset.done $0x0  }
0x31: {  	[sflag:s21] =	ssyncadd.s32 $0xFFFFF800  }
0x32: {  	_ =	swait.ge [sflag:s21], $0x800  }
0x33: {  	[sflag:s21] =	ssyncset.done $0x0  }
0x34: {  	[sflag:s21] =	ssyncadd.s32 $0xFFFFF800  }
0x35: {  	_ =	swait.ge [sflag:s21], $0x800  }
0x36: {  	[sflag:s21] =	ssyncset.done $0x0  }
0x37: {  	[sflag:s21] =	ssyncadd.s32 $0xFFFFF800  }
0x38: {  	_ =	swait.ge [sflag:s22], $0x800  }
0x39: {  	[sflag:s22] =	ssyncset.done $0x0  }
0x3a: {  	[sflag:s22] =	ssyncadd.s32 $0xFFFFF800  }
0x3b: {  	_ =	swait.ge [sflag:s22], $0x800  }
0x3c: {  	[sflag:s22] =	ssyncset.done $0x0  }
0x3d: {  	[sflag:s22] =	ssyncadd.s32 $0xFFFFF800  }
0x3e: {  	_ =	swait.ge [sflag:s22], $0x800  }
0x3f: {  	[sflag:s22] =	ssyncset.done $0x0  }
0x40: {  	s31 =	sand.u32 $0x70, s6;
	s26 =	sand.u32 $0x7FFF0000, s5;
	[sflag:s22] =	ssyncadd.s32 $0xFFFFF800  }
0x41: {  	s25 =	sor.u32 s31, s26;
	_ =	swait.ge [sflag:s22], $0x800  }
0x42: {  	s25 =	sshrl.u32 s25, $0x3;
	s28 =	rddreg [dreg:$0x2];
	[sflag:s22] =	ssyncset.done $0x0  }
0x43: {  	[sflag:s22] =	ssyncadd.s32 $0xFFFFF800;
	s1 =	sadd.s32 s28, s25  }
0x44: {  	[hbm4b:s1+s23] =	stream.strided.scatter [tilespmem:s10], [sflag:$0x3], $0x2000, s9, s23, $0x38;
	[tilespmem:$0x4400] =	vst v63  }
0x45: {  	_ =	swait.ge [sflag:s7], $0x2000  }
0x46: {  	s31 =	rddreg [dreg:$0x3];
	[sflag:s7] =	ssyncset.done $0x0  }
0x47: {  	s29 =	simm.s32 $0x80;
	[sflag:s7] =	ssyncadd.s32 $0xFFFFE000;
	s25 =	sadd.s32 s31, s25  }
0x48: {  	[hbm4b:s25+s23] =	stream.strided.scatter [tilespmem:s14], [sflag:$0x3], $0x2000, s9, s23, $0x38;
	[tilespmem:$0x4400] =	vst v63  }
0x49: {  	s26 =	smov.u32 s6;
	s28 =	simm.s32 $0x40;
	_ =	swait.ge [sflag:s7], $0x2000  }
0x4a: {  	s25 =	smov.u32 s5;
	s30 =	rddreg [dreg:$0x5];
	[sflag:s7] =	ssyncset.done $0x0  }
.LBB2_2:
0x4b: {  	[sflag:s7] =	ssyncadd.s32 $0xFFFFE000;
	s30 =	sadd.s32 s28, s30  }
0x4c: {  	[tilespmem:s2], [sflag:$0x3] =	stream.linear.gather [hbm4b:s30+s2], $0x200, $0x38;
	[tilespmem:$0x4400] =	vst v63  }
0x4d: {  	_ =	swait.ge [sflag:s7], $0x200  }
0x4e: {  	s30 =	rddreg [dreg:$0x4];
	[sflag:s7] =	ssyncset.done $0x0  }
0x4f: {  	[sflag:s7] =	ssyncadd.s32 $0xFFFFFE00;
	s30 =	sadd.s32 s28, s30  }
0x50: {  	[tilespmem:s8], [sflag:$0x3] =	stream.linear.gather [hbm4b:s30+s2], $0x200, $0x38;
	[tilespmem:$0x4400] =	vst v63  }
0x51: {  	_ =	swait.ge [sflag:s7], $0x200  }
0x52: {  	[sflag:s7] =	ssyncset.done $0x0  }
0x53: {  	[sflag:s7] =	ssyncadd.s32 $0xFFFFFE00  }
0x54: {  	[tilespmem:s10], [sflag:$0x1] =	stream.indirect.gather [hbm4b:s3+s9], $0x10, s2, s9, $0xb8;
	[tilespmem:$0x4400] =	vst v63  }
0x55: {  	s30 =	rddreg [dreg:$0x6]  }
0x56: {  	[tilespmem:s30], [sflag:$0x1] =	stream.indirect.gather [hbm4b:s3+s9], $0x10, s9, s9, $0xb8;
	[tilespmem:$0x4400] =	vst v63  }
0x57: {  	s1 =	rddreg [dreg:$0x7]  }
0x58: {  	[tilespmem:s11], [sflag:$0x1] =	stream.indirect.gather [hbm4b:s3+s9], $0x10, s1, s9, $0xb8;
	[tilespmem:$0x4400] =	vst v63  }
0x59: {  	_ = 	snop  }
0x5a: {  	[tilespmem:s13], [sflag:$0x1] =	stream.indirect.gather [hbm4b:s3+s9], $0x10, s12, s9, $0xb8;
	[tilespmem:$0x4400] =	vst v63  }
0x5b: {  	_ = 	snop  }
0x5c: {  	[tilespmem:s14], [sflag:$0x2] =	stream.indirect.gather [hbm4b:s3+s9], $0x10, s8, s9, $0xb8;
	[tilespmem:$0x4400] =	vst v63  }
0x5d: {  	_ = 	snop  }
0x5e: {  	[tilespmem:s16], [sflag:$0x2] =	stream.indirect.gather [hbm4b:s3+s9], $0x10, s15, s9, $0xb8;
	[tilespmem:$0x4400] =	vst v63  }
0x5f: {  	_ = 	snop  }
0x60: {  	[tilespmem:s18], [sflag:$0x2] =	stream.indirect.gather [hbm4b:s3+s9], $0x10, s17, s9, $0xb8;
	[tilespmem:$0x4400] =	vst v63  }
0x61: {  	_ = 	snop  }
0x62: {  	[tilespmem:s20], [sflag:$0x2] =	stream.indirect.gather [hbm4b:s3+s9], $0x10, s19, s9, $0xb8;
	[tilespmem:$0x4400] =	vst v63  }
0x63: {  	_ =	swait.ge [sflag:s21], $0x800  }
0x64: {  	[sflag:s21] =	ssyncset.done $0x0  }
0x65: {  	[sflag:s21] =	ssyncadd.s32 $0xFFFFF800  }
0x66: {  	_ =	swait.ge [sflag:s21], $0x800  }
0x67: {  	[sflag:s21] =	ssyncset.done $0x0  }
0x68: {  	[sflag:s21] =	ssyncadd.s32 $0xFFFFF800  }
0x69: {  	_ =	swait.ge [sflag:s21], $0x800  }
0x6a: {  	[sflag:s21] =	ssyncset.done $0x0  }
0x6b: {  	[sflag:s21] =	ssyncadd.s32 $0xFFFFF800  }
0x6c: {  	_ =	swait.ge [sflag:s21], $0x800  }
0x6d: {  	[sflag:s21] =	ssyncset.done $0x0  }
0x6e: {  	[sflag:s21] =	ssyncadd.s32 $0xFFFFF800  }
0x6f: {  	_ =	swait.ge [sflag:s22], $0x800  }
0x70: {  	[sflag:s22] =	ssyncset.done $0x0  }
0x71: {  	[sflag:s22] =	ssyncadd.s32 $0xFFFFF800  }
0x72: {  	_ =	swait.ge [sflag:s22], $0x800  }
0x73: {  	[sflag:s22] =	ssyncset.done $0x0  }
0x74: {  	[sflag:s22] =	ssyncadd.s32 $0xFFFFF800  }
0x75: {  	s25 =	sadd.s32 $0x2000, s25;
	s31 =	smov.u32 s29;
	_ =	swait.ge [sflag:s22], $0x800  }
0x76: {  	s26 =	sadd.s32 $0x10, s26;
	s28 =	smov.u32 s31;
	[sflag:s22] =	ssyncset.done $0x0  }
0x77: {  	s31 =	sand.u32 $0x70, s26;
	s30 =	sand.u32 $0x7FFF0000, s25;
	[sflag:s22] =	ssyncadd.s32 $0xFFFFF800  }
0x78: {  	s30 =	sor.u32 s31, s30;
	_ =	swait.ge [sflag:s22], $0x800  }
0x79: {  	s30 =	sshrl.u32 s30, $0x3;
	s1 =	rddreg [dreg:$0x2];
	[sflag:s22] =	ssyncset.done $0x0  }
0x7a: {  	[sflag:s22] =	ssyncadd.s32 $0xFFFFF800;
	s1 =	sadd.s32 s1, s30  }
0x7b: {  	[hbm4b:s1+s23] =	stream.strided.scatter [tilespmem:s10], [sflag:$0x3], $0x2000, s9, s23, $0x38;
	[tilespmem:$0x4400] =	vst v63  }
0x7c: {  	p0 =	sne.s32 s29, $0xC40;
	_ =	swait.ge [sflag:s7], $0x2000  }
.Ltmp0:
0x7d: {  	s31 =	rddreg [dreg:$0x3];
	[sflag:s7] =	ssyncset.done $0x0;
	(pc) =	sbr.rel @p0 .LBB2_2-.Ltmp0, $4  }
0x7e: {  	[sflag:s7] =	ssyncadd.s32 $0xFFFFE000;
	s1 =	sadd.s32 s31, s30  }
0x7f: {  	[hbm4b:s1+s23] =	stream.strided.scatter [tilespmem:s14], [sflag:$0x3], $0x2000, s9, s23, $0x38;
	[tilespmem:$0x4400] =	vst v63  }
0x80: {  	_ =	swait.ge [sflag:s7], $0x2000  }
0x81: {  	s29 =	sadd.s32 $0x40, s29;
	s30 =	rddreg [dreg:$0x5];
	[sflag:s7] =	ssyncset.done $0x0  }
0x82: {  	[sflag:s7] =	ssyncadd.s32 $0xFFFFE000;
	s1 =	sadd.s32 s28, s30  }
0x83: {  	[tilespmem:s2], [sflag:$0x3] =	stream.linear.gather [hbm4b:s1+s2], $0x200, $0x38;
	[tilespmem:$0x4400] =	vst v63  }
0x84: {  	_ =	swait.ge [sflag:s7], $0x200  }
0x85: {  	s29 =	rddreg [dreg:$0x4];
	[sflag:s7] =	ssyncset.done $0x0  }
0x86: {  	[sflag:s7] =	ssyncadd.s32 $0xFFFFFE00;
	s1 =	sadd.s32 s28, s29  }
0x87: {  	[tilespmem:s8], [sflag:$0x3] =	stream.linear.gather [hbm4b:s1+s2], $0x200, $0x38;
	[tilespmem:$0x4400] =	vst v63  }
0x88: {  	_ =	swait.ge [sflag:s7], $0x200  }
0x89: {  	[sflag:s7] =	ssyncset.done $0x0  }
0x8a: {  	[sflag:s7] =	ssyncadd.s32 $0xFFFFFE00  }
0x8b: {  	[tilespmem:s10], [sflag:$0x1] =	stream.indirect.gather [hbm4b:s3+s9], $0x10, s2, s9, $0xb8;
	[tilespmem:$0x4400] =	vst v63  }
0x8c: {  	s30 =	rddreg [dreg:$0x6]  }
0x8d: {  	[tilespmem:s30], [sflag:$0x1] =	stream.indirect.gather [hbm4b:s3+s9], $0x10, s9, s9, $0xb8;
	[tilespmem:$0x4400] =	vst v63  }
0x8e: {  	s31 =	rddreg [dreg:$0x7]  }
0x8f: {  	[tilespmem:s11], [sflag:$0x1] =	stream.indirect.gather [hbm4b:s3+s9], $0x10, s31, s9, $0xb8;
	[tilespmem:$0x4400] =	vst v63  }
0x90: {  	_ = 	snop  }
0x91: {  	[tilespmem:s13], [sflag:$0x1] =	stream.indirect.gather [hbm4b:s3+s9], $0x10, s12, s9, $0xb8;
	[tilespmem:$0x4400] =	vst v63  }
0x92: {  	_ = 	snop  }
0x93: {  	[tilespmem:s14], [sflag:$0x2] =	stream.indirect.gather [hbm4b:s3+s9], $0x10, s8, s9, $0xb8;
	[tilespmem:$0x4400] =	vst v63  }
0x94: {  	_ = 	snop  }
0x95: {  	[tilespmem:s16], [sflag:$0x2] =	stream.indirect.gather [hbm4b:s3+s9], $0x10, s15, s9, $0xb8;
	[tilespmem:$0x4400] =	vst v63  }
0x96: {  	_ = 	snop  }
0x97: {  	[tilespmem:s18], [sflag:$0x2] =	stream.indirect.gather [hbm4b:s3+s9], $0x10, s17, s9, $0xb8;
	[tilespmem:$0x4400] =	vst v63  }
0x98: {  	_ = 	snop  }
0x99: {  	[tilespmem:s20], [sflag:$0x2] =	stream.indirect.gather [hbm4b:s3+s9], $0x10, s19, s9, $0xb8;
	[tilespmem:$0x4400] =	vst v63  }
0x9a: {  	_ =	swait.ge [sflag:s21], $0x800  }
0x9b: {  	[sflag:s21] =	ssyncset.done $0x0  }
0x9c: {  	[sflag:s21] =	ssyncadd.s32 $0xFFFFF800  }
0x9d: {  	_ =	swait.ge [sflag:s21], $0x800  }
0x9e: {  	[sflag:s21] =	ssyncset.done $0x0  }
0x9f: {  	[sflag:s21] =	ssyncadd.s32 $0xFFFFF800  }
0xa0: {  	_ =	swait.ge [sflag:s21], $0x800  }
0xa1: {  	[sflag:s21] =	ssyncset.done $0x0  }
0xa2: {  	[sflag:s21] =	ssyncadd.s32 $0xFFFFF800  }
0xa3: {  	_ =	swait.ge [sflag:s21], $0x800  }
0xa4: {  	[sflag:s21] =	ssyncset.done $0x0  }
0xa5: {  	[sflag:s21] =	ssyncadd.s32 $0xFFFFF800  }
0xa6: {  	_ =	swait.ge [sflag:s22], $0x800  }
0xa7: {  	[sflag:s22] =	ssyncset.done $0x0  }
0xa8: {  	[sflag:s22] =	ssyncadd.s32 $0xFFFFF800  }
0xa9: {  	_ =	swait.ge [sflag:s22], $0x800  }
0xaa: {  	[sflag:s22] =	ssyncset.done $0x0  }
0xab: {  	[sflag:s22] =	ssyncadd.s32 $0xFFFFF800  }
0xac: {  	_ =	swait.ge [sflag:s22], $0x800  }
0xad: {  	s25 =	sadd.s32 $0x2000, s25;
	s28 =	sadd.s32 $0x10, s26;
	[sflag:s22] =	ssyncset.done $0x0  }
0xae: {  	s1 =	sand.u32 $0x7FFF0000, s25;
	s25 =	sand.u32 $0x70, s28;
	[sflag:s22] =	ssyncadd.s32 $0xFFFFF800  }
0xaf: {  	s1 =	sor.u32 s25, s1;
	_ =	swait.ge [sflag:s22], $0x800  }
0xb0: {  	s1 =	sshrl.u32 s1, $0x3;
	s29 =	rddreg [dreg:$0x2];
	[sflag:s22] =	ssyncset.done $0x0  }
0xb1: {  	[sflag:s22] =	ssyncadd.s32 $0xFFFFF800;
	s30 =	sadd.s32 s29, s1  }
0xb2: {  	[hbm4b:s30+s23] =	stream.strided.scatter [tilespmem:s10], [sflag:$0x3], $0x2000, s9, s23, $0x38;
	[tilespmem:$0x4400] =	vst v63  }
0xb3: {  	s24 =	sadd.s32 $0x1, s24;
	_ =	swait.ge [sflag:s7], $0x2000  }
0xb4: {  	p0 =	sne.s32 s24, s4;
	s31 =	rddreg [dreg:$0x3];
	[sflag:s7] =	ssyncset.done $0x0  }
.Ltmp1:
0xb5: {  	[sflag:s7] =	ssyncadd.s32 $0xFFFFE000;
	s1 =	sadd.s32 s31, s1;
	(pc) =	sbr.rel @p0 .LBB2_1-.Ltmp1, $4  }
0xb6: {  	[hbm4b:s1+s23] =	stream.strided.scatter [tilespmem:s14], [sflag:$0x3], $0x2000, s9, s23, $0x38;
	[tilespmem:$0x4400] =	vst v63  }
0xb7: {  	_ =	swait.ge [sflag:s7], $0x2000  }
0xb8: {  	[sflag:s7] =	ssyncset.done $0x0  }
0xb9: {  	[sflag:s7] =	ssyncadd.s32 $0xFFFFE000  }
0xba: {  	_ =	sfence.sel $0x180000  }
0xbb: {  	[bflag:$0x0] =	sbarrier.arrive $0xFFFF  }
0xbc: {  	_ =	strace $0x90000047  }
0xbd: {  	[bflag:$0x2] =	sbarrier.arrive $0xFFFF  }
0xbe: {  	p0 =	sne.s32 s0, $0x0;
	s0 =	rddreg [dreg:$0x1]  }
0xbf: {  	s0 =	sadd.s32 @!p0 $0x100000, s0  }
0xc0: {  	[sflag:s0] =	ssyncadd.tile.s32 @!p0 $0x1;
	_ =	shalt  }
.Lfunc_end2:
_tile_overlayer_lowered:
.L_overlay_start_2:
0xc1: {  	(tag) =	ssettag $0x2  }
0xc2: {  	s0 =	rddreg [dreg:$0x0];
	s2 =	stileid.u32  }
0xc3: {  	s1 =	rddreg [dreg:$0x1];
	p0 =	sne.s32 s2, $0x0  }
0xc4: {  	s3 =	rddreg [dreg:$0x2];
	[bflag:$0x3] =	sbarrier.arrive $0xFFFF;
	s2 =	simm.s32 @!p0 $0x1C03  }
0xc5: {  	[timem:s3], [sflag:s2] =	dma.local @!p0 [hbm:s0], s1  }
0xc6: {  	s0 =	simm.s32 @!p0 $0x3  }
0xc7: {  	_ =	swait.ge @!p0 [sflag:s0], s1  }
0xc8: {  	s1 =	ssub.s32 @!p0 $0x0, s1;
	[sflag:s0] =	ssyncset.done @!p0 $0x0  }
0xc9: {  	[sflag:s0] =	ssyncadd.s32 @!p0 s1  }
0xca: {  	[bflag:$0x3] =	sbarrier.arrive $0xFFFF  }
0xcb: {  	_ =	shalt  }

// kernel: kernel.15.cloned.1.call-start
scs
__scs_entry_jumppad:
0x0: {  	(pc) =	sbr.rel $0x88, $3  }
0x1: {  	(tag) =	ssettag $0x0;
	lr =	simm.s32 $0x1  }
0x2: {  	[smem:$0x3F90] =	sst lr;
	_ =	strace $0xD0000000  }
0x3: {  	_ = 	snop  }
0x4: {  	_ = 	snop  }
0x5: {  	_ = 	snop  }
0x6: {  	_ = 	snop  }
0x7: {  	_ = 	snop  }
__scs_overlays_trampoline_lowered:
0x8: {  	[smem:$0x3F9F] =	sst s0  }
0x9: {  	[smem:$0x3FA0] =	sst s1  }
0xa: {  	[smem:$0x3FA1] =	sst s2  }
0xb: {  	[smem:$0x3FA2] =	sst s3  }
0xc: {  	[smem:$0x3FA3] =	sst s4  }
0xd: {  	[smem:$0x3FA4] =	sst s5  }
0xe: {  	[smem:$0x3FA5] =	sst s6  }
0xf: {  	[smem:$0x3FA6] =	sst s7  }
0x10: {  	[smem:$0x3FA7] =	sst s8  }
0x11: {  	[smem:$0x3FA8] =	sst s9;
	s0 =	simm.s32 @!p0 $0x0  }
0x12: {  	s1 =	sld [smem:$0x3F8E];
	s0 =	simm.s32 @p0 $0x1  }
0x13: {  	[smem:$0x3FA9] =	sst s0;
	s0 =	simm.s32 @!p1 $0x0  }
0x14: {  	s2 =	sld [smem:$0x3F8D];
	s0 =	simm.s32 @p1 $0x1  }
0x15: {  	[smem:$0x3FAA] =	sst s0;
	s0 =	simm.s32 @!p2 $0x0  }
0x16: {  	s3 =	sld [smem:$0x3FDB];
	s0 =	simm.s32 @p2 $0x1  }
0x17: {  	s4 =	simm.s32 $0x1BF5;
	[smem:$0x3FAC] =	sst s0  }
0x18: {  	s0 =	sld [smem:$0x3F8F];
	_ =	swait.ge [sflag:s4], $0x0  }
0x19: {  	s7 =	sld [smem:$0x3F90]  }
0x1a: {  	s8 =	sadd.s32 $0xFFFFE003, lr  }
0x1b: {  	s9 =	sadd.s32 $0xFFFFFEF7, lr;
	s5 =	simm.s32 $0xFFFFFFFF;
	p2 =	slt.u32 s8, $0xFFFFF086  }
0x1c: {  	p1 =	slt.u32 s9, $0xF7A;
	s5 =	simm.s32 @!p2 $0x0  }
0x1d: {  	s5 =	simm.s32 @p1 $0x1;
	p0 =	seq.s32 s7, s2  }
0x1e: {  	s7 =	smul.u32 @!p0 $0xF7A, s2;
	p2 =	seq.s32 @!p0 s5, $0x0  }
0x1f: {  	s9 =	smul.u32 $0xF7A, s1;
	s8 =	simm.s32 @!p0 $0x1BF5;
	p2 =	por !p2, p0  }
0x20: {  	[sflag:s8] =	ssyncset.s32 @!p0 $0xFFFFF086;
	s6 =	sadd.s32 @!p0 s3, s7;
	s7 =	simm.s32 @!p0 $0x108  }
0x21: {  	s3 =	sadd.s32 s3, s9;
	s6 =	sadd.s32 @!p0 $0x88, s6;
	s7 =	simm.s32 @p2 $0x1082  }
0x22: {  	[simem:s7], [sflag:s8] =	dma.local @!p0 [hbm:s6], $0xF7A  }
0x23: {  	s9 =	sor.u32 $0xD0000000, s2;
	s6 =	simm.s32 $0x108;
	_ =	swait.ge @!p0 [sflag:s8], $0x0  }
0x24: {  	s3 =	sadd.s32 $0x88, s3;
	s6 =	simm.s32 @!p1 $0x1082;
	[sflag:s4] =	ssyncset.s32 $0xFFFFF086  }
0x25: {  	[simem:s6], [sflag:s4] =	dma.local [hbm:s3], $0xF7A  }
0x26: {  	[smem:$0x3F90] =	sst s1;
	(tag) =	ssettag s2;
	_ =	strace s9  }
0x27: {  	s1 =	sld [smem:$0x3FA0]  }
0x28: {  	s2 =	sld [smem:$0x3FA1]  }
0x29: {  	s4 =	sld [smem:$0x3FA3]  }
0x2a: {  	p0 =	seq.s32 s5, $0x0;
	s5 =	sld [smem:$0x3FA4]  }
0x2b: {  	s6 =	sld [smem:$0x3FA5]  }
0x2c: {  	s7 =	sld [smem:$0x3FA6]  }
0x2d: {  	s3 =	simm.s32 $0x108;
	s8 =	sld [smem:$0x3FA7]  }
0x2e: {  	s3 =	simm.s32 @!p0 $0x1082;
	s9 =	sld [smem:$0x3FA8]  }
0x2f: {  	lr =	sadd.s32 s0, s3;
	s0 =	sld [smem:$0x3F9F]  }
0x30: {  	s3 =	sld [smem:$0x3FA2]  }
0x31: {  	[smem:$0x3FAB] =	sst s10  }
0x32: {  	s10 =	sld [smem:$0x3FA9];
	_ =	sdelay $0x3  }
0x33: {  	p0 =	seq.s32 s10, $0x1;
	s10 =	sld [smem:$0x3FAB];
	_ =	sdelay $0x3  }
0x34: {  	[smem:$0x3FAB] =	sst s10  }
0x35: {  	s10 =	sld [smem:$0x3FAA];
	_ =	sdelay $0x3  }
0x36: {  	p1 =	seq.s32 s10, $0x1;
	s10 =	sld [smem:$0x3FAB];
	_ =	sdelay $0x3  }
0x37: {  	[smem:$0x3FAB] =	sst s10  }
0x38: {  	s10 =	sld [smem:$0x3FAC]  }
0x39: {  	_ = 	snop;
	(pc) =	sbr.ind lr, $3  }
0x3a: {  	_ = 	snop  }
0x3b: {  	_ = 	snop  }
0x3c: {  	p2 =	seq.s32 s10, $0x1;
	s10 =	sld [smem:$0x3FAB]  }
0x3d: {  	_ =	shalt  }
0x3e: {  	_ =	shalt  }
0x3f: {  	_ =	shalt  }
0x40: {  	_ =	shalt  }
0x41: {  	_ =	shalt  }
0x42: {  	_ =	shalt  }
0x43: {  	_ =	shalt  }
0x44: {  	_ =	shalt  }
0x45: {  	_ =	shalt  }
0x46: {  	_ =	shalt  }
0x47: {  	_ =	shalt  }
0x48: {  	_ =	shalt  }
0x49: {  	_ =	shalt  }
0x4a: {  	_ =	shalt  }
0x4b: {  	_ =	shalt  }
0x4c: {  	_ =	shalt  }
0x4d: {  	_ =	shalt  }
0x4e: {  	_ =	shalt  }
0x4f: {  	_ =	shalt  }
0x50: {  	_ =	shalt  }
0x51: {  	_ =	shalt  }
0x52: {  	_ =	shalt  }
0x53: {  	_ =	shalt  }
0x54: {  	_ =	shalt  }
0x55: {  	_ =	shalt  }
0x56: {  	_ =	shalt  }
0x57: {  	_ =	shalt  }
0x58: {  	_ =	shalt  }
0x59: {  	_ =	shalt  }
0x5a: {  	_ =	shalt  }
0x5b: {  	_ =	shalt  }
0x5c: {  	_ =	shalt  }
0x5d: {  	_ =	shalt  }
0x5e: {  	_ =	shalt  }
0x5f: {  	_ =	shalt  }
0x60: {  	_ =	shalt  }
0x61: {  	_ =	shalt  }
0x62: {  	_ =	shalt  }
0x63: {  	_ =	shalt  }
0x64: {  	_ =	shalt  }
0x65: {  	_ =	shalt  }
0x66: {  	_ =	shalt  }
0x67: {  	_ =	shalt  }
0x68: {  	_ =	shalt  }
0x69: {  	_ =	shalt  }
0x6a: {  	_ =	shalt  }
0x6b: {  	_ =	shalt  }
0x6c: {  	_ =	shalt  }
0x6d: {  	_ =	shalt  }
0x6e: {  	_ =	shalt  }
0x6f: {  	_ =	shalt  }
0x70: {  	_ =	shalt  }
0x71: {  	_ =	shalt  }
0x72: {  	_ =	shalt  }
0x73: {  	_ =	shalt  }
0x74: {  	_ =	shalt  }
0x75: {  	_ =	shalt  }
0x76: {  	_ =	shalt  }
0x77: {  	_ =	shalt  }
0x78: {  	_ =	shalt  }
0x79: {  	_ =	shalt  }
0x7a: {  	_ =	shalt  }
0x7b: {  	_ =	shalt  }
0x7c: {  	_ =	shalt  }
0x7d: {  	_ =	shalt  }
0x7e: {  	_ =	shalt  }
0x7f: {  	_ =	shalt  }
0x80: {  	_ =	shalt  }
0x81: {  	_ =	shalt  }
0x82: {  	_ =	shalt  }
0x83: {  	_ =	shalt  }
0x84: {  	_ =	shalt  }
0x85: {  	_ =	shalt  }
0x86: {  	_ =	shalt  }
0x87: {  	_ =	shalt  }
.Lfunc_end0:
.L_simem_size_0:
called_computation.1_lowered:
.L_overlay_start_0:
0x88: {  	s2 =	sld [smem:$0x3FD9]  }
0x89: {  	s3 =	sld [smem:$0x3FFE];
	_ =	sdelay $0x1  }
0x8a: {  	s1 =	srdreg.scid  }
0x8b: {  	s0 =	sand.u32 $0x1, s1  }
0x8c: {  	s16 =	sshll.u32 s0, $0xA;
	s2 =	sadd.s32 s3, s2  }
0x8d: {  	s2 =	sadd.s32 s2, s16  }
0x8e: {  	[smem:$0x3FB7] =	sst s2  }
0x8f: {  	_ = 	snop  }
0x90: {  	(tm) =	ssettm $0x1  }
0x91: {  	s17 =	sld [smem:$0x3FFB];
	_ =	sdelay $0x3  }
0x92: {  	_ =	strace s17  }
0x93: {  	s2 =	sld [smem:$0x3FFC];
	_ =	sdelay $0x3  }
0x94: {  	_ =	strace s2  }
0x95: {  	s2 =	sld [smem:$0x3FFD];
	_ =	sdelay $0x3  }
0x96: {  	_ =	strace s2  }
0x97: {  	_ =	strace $0x8FFFFFFF  }
0x98: {  	s18 =	sld [smem:$0x3FDB];
	_ =	sdelay $0x1  }
0x99: {  	s19 =	simm.s32 $_scs_section_size  }
0x9a: {  	s4 =	simm.s32 $_size__tile_overlayer_lowered;
	s5 =	simm.s32 $_tile_overlayer_lowered  }
0x9b: {  	s22 =	simm.s32 $0x1BFF;
	s21 =	sshll.u32 s5, $0x1;
	s2 =	sadd.s32 s19, s18  }
0x9c: {  	s6 =	simm.s32 $0x0;
	s20 =	sshll.u32 s4, $0x1;
	s4 =	sadd.s32 s21, s2  }
0x9d: {  	[timem:s6], [sflag:s22] =	dma.local [hbm:s4], s20  }
0x9e: {  	_ =	swait.ge [sflag:s22], s20  }
0x9f: {  	s3 =	ssub.s32 $0x0, s20;
	[sflag:s22] =	ssyncset.done $0x0  }
0xa0: {  	[sflag:s22] =	ssyncadd.s32 s3;
	_ =	sdelay $0x1  }
0xa1: {  	s23 =	simm.s32 $0x1B8B  }
0xa2: {  	_ =	swait.ge [sflag:s23], $0x1  }
0xa3: {  	[sflag:s23] =	ssyncset.done $0x0  }
0xa4: {  	s25 =	simm.s32 $0x1B8E;
	s24 =	sld [smem:$0x3FFE];
	[sflag:s23] =	ssyncadd.s32 $0xFFFFFFFF  }
0xa5: {  	s26 =	simm.s32 $execute0_lowered;
	[smem:$0x3FD2] =	sst s25  }
0xa6: {  	s4 =	sshll.u32 s26, $0x1;
	_ =	strace $0x80000049;
	[dreg:$0x1] =	wrdreg $0xFFFFFFFF  }
0xa7: {  	s28 =	simm.s32 $_size_execute0_lowered;
	s2 =	sadd.s32 s2, s4;
	[dreg:$0x0] =	wrdreg $0x0  }
0xa8: {  	s4 =	sshll.u32 s28, $0x1;
	[dreg:$0x2] =	wrdreg s2  }
0xa9: {  	[dreg:$0x3] =	wrdreg s4  }
0xaa: {  	[dreg:$0x4] =	wrdreg $0xC0  }
0xab: {  	_ =	task [dreg:s6], $0x5FFFF  }
0xac: {  	[dreg:$0x1] =	wrdreg $0xFFFFFFFF  }
0xad: {  	[dreg:$0x0] =	wrdreg $0x60  }
0xae: {  	[dreg:$0x2] =	wrdreg s24  }
0xaf: {  	[dreg:$0x3] =	wrdreg $0x52000  }
0xb0: {  	[dreg:$0x4] =	wrdreg $0x9  }
0xb1: {  	_ =	task.clear_ibuf [dreg:s6], $0x5FFFF;
	_ =	strace $0x90000049  }
0xb2: {  	s29 =	simm.s32 $0x9;
	_ =	strace $0x8000004B  }
0xb3: {  	_ =	swait.ge [sflag:s29], $0x1  }
0xb4: {  	[sflag:s29] =	ssyncadd.s32 $0xFFFFFFFF  }
0xb5: {  	_ =	strace $0x9000004B  }
0xb6: {  	_ =	sfence  }
0xb7: {  	s30 =	sld [smem:$0x0];
	_ =	sdelay $0x2  }
0xb8: {  	s31 =	sshll.u32 s1, $0xD;
	s1 =	sshrl.u32 s1, $0x2  }
0xb9: {  	s3 =	sand.u32 $0x4000, s31;
	s1 =	sadd.s32 s1, s30  }
0xba: {  	s0 =	sor.u32 s3, s0;
	s1 =	sshll.u32 s1, $0x11  }
0xbb: {  	s0 =	sor.u32 s1, s0  }
0xbc: {  	s0 =	sadd.s32 $0x8F2B, s0  }
0xbd: {  	[sflag:s0] =	ssyncadd.remote.s32 $0x1  }
0xbe: {  	_ =	sfence.sel $0xFFFF  }
0xbf: {  	[dreg:$0x0] =	wrdreg $0xFFFFFFFF;
	(pc) =	sbr.abs _section_cstart, $3  }
0xc0: {  	[dreg:$0x1] =	wrdreg $0xFFFFFFFF  }
0xc1: {  	_ =	task.clear_ibuf [dreg:s6], $0x2FFFF;
	_ =	strace $0x9FFFFFFF  }
0xc2: {  	(tm) =	ssettm $0x7FFFFFFF  }
0xc3: {  	_ =	shalt  }
tec
execute0_lowered:
.L_overlay_start_1:
0x0: {  	(tag) =	ssettag $0x1  }
0x1: {  	s0 =	rddreg [dreg:$0x0]  }
0x2: {  	s2 =	rddreg [dreg:$0x1];
	s11 =	stileid.u32  }
0x3: {  	s1 =	srdreg.scid;
	s6 =	smul.u32 $0x30D4, s11  }
0x4: {  	s3 =	simm.s32 $0x0;
	s1 =	sand.u32 $0x1, s1;
	s9 =	smul.u32 $0x61A80, s11  }
0x5: {  	[smem:$0x7FF] =	sst s3;
	s4 =	sadd.s32 $0x52A00, s0;
	s7 =	smul.u32 $0x30D40, s1  }
0x6: {  	s5 =	sadd.s32 $0x5A3800, s0;
	s26 =	sshll.u32 s11, $0x1;
	s10 =	ssub.s32 $0x2, s1  }
0x7: {  	s9 =	sshrl.u32 s9, $0x2;
	s28 =	sshrl.u32 s10, $0x1;
	s8 =	sadd.s32 s6, s7  }
0x8: {  	s6 =	sadd.s32 $0x1EC00, s0;
	s7 =	sadd.s32 $0x5C00, s0;
	s29 =	ssub.s32 s10, s28  }
0x9: {  	s0 =	sadd.s32 s8, s0;
	s8 =	sadd.s32 s9, s2;
	s12 =	smax.u32 s29, $0x1  }
0xa: {  	_ =	strace $0x8000004A;
	s11 =	sadd.s32 $0x18000, s8;
	[dreg:$0x5] =	wrdreg s12  }
0xb: {  	s0 =	sadd.s32 $0x83800, s0;
	[dreg:$0x3] =	wrdreg s11  }
0xc: {  	s13 =	sadd.s32 $0x1000, s8;
	[dreg:$0x4] =	wrdreg s0  }
0xd: {  	s14 =	sadd.s32 $0x2000, s8;
	[dreg:$0x6] =	wrdreg s13  }
0xe: {  	s15 =	sadd.s32 $0x3000, s8;
	[dreg:$0x7] =	wrdreg s14  }
0xf: {  	s16 =	sadd.s32 $0x4000, s8;
	[dreg:$0x8] =	wrdreg s15  }
0x10: {  	s17 =	sadd.s32 $0x5000, s8;
	[dreg:$0x9] =	wrdreg s16  }
0x11: {  	s18 =	sadd.s32 $0x6000, s8;
	[dreg:$0xa] =	wrdreg s17  }
0x12: {  	s19 =	sadd.s32 $0x7000, s8;
	[dreg:$0xb] =	wrdreg s18  }
0x13: {  	s20 =	sadd.s32 $0x8000, s8;
	[dreg:$0xc] =	wrdreg s19  }
0x14: {  	s21 =	sadd.s32 $0x9000, s8;
	[dreg:$0xd] =	wrdreg s20  }
0x15: {  	s22 =	sadd.s32 $0xA000, s8;
	[dreg:$0xe] =	wrdreg s21  }
0x16: {  	s1 =	sor.u32 s1, s26;
	s23 =	sadd.s32 $0xB000, s8;
	[dreg:$0xf] =	wrdreg s22  }
0x17: {  	s10 =	smul.u32 $0x6400, s1;
	s24 =	sadd.s32 $0xC000, s8;
	[dreg:$0x10] =	wrdreg s23  }
0x18: {  	s25 =	sadd.s32 $0xD000, s8;
	s26 =	sadd.s32 $0xE000, s8;
	[dreg:$0x11] =	wrdreg s24  }
0x19: {  	s28 =	sadd.s32 $0xF000, s8;
	s29 =	sadd.s32 $0x10000, s8;
	[dreg:$0x12] =	wrdreg s25  }
0x1a: {  	s30 =	sadd.s32 $0x11000, s8;
	s31 =	sadd.s32 $0x12000, s8;
	[dreg:$0x13] =	wrdreg s26  }
0x1b: {  	s1 =	sadd.s32 $0x14000, s8;
	s9 =	sadd.s32 $0x15000, s8;
	[dreg:$0x14] =	wrdreg s28  }
0x1c: {  	s12 =	sadd.s32 $0x17000, s8;
	[dreg:$0x15] =	wrdreg s29;
	s0 =	sadd.s32 $0x13000, s8  }
0x1d: {  	s11 =	sadd.s32 $0x16000, s8;
	s13 =	simm.s32 $0x4200;
	s14 =	simm.s32 $0x2  }
0x1e: {  	s15 =	simm.s32 $0x100;
	s16 =	simm.s32 $0x80;
	s17 =	simm.s32 $0x200  }
0x1f: {  	s18 =	simm.s32 $0x1200;
	s19 =	simm.s32 $0x20;
	s20 =	simm.s32 $0x2200  }
0x20: {  	v0 =	vimm.f32 $0.0e+00;
	s21 =	simm.s32 $0x1;
	s22 =	simm.s32 $0x180;
	s23 =	simm.s32 $0x0  }
.LBB2_1:
0x21: {  	s24 =	simm.s32 $0x4280  }
0x22: {  	[tilespmem:s24+$0xFFFFFF80] =	vst v0  }
0x23: {  	[tilespmem:s24+$0x70] =	vst v0  }
0x24: {  	[tilespmem:s24+$0x60] =	vst v0  }
0x25: {  	[tilespmem:s24+$0x50] =	vst v0  }
0x26: {  	[tilespmem:s24+$0x40] =	vst v0  }
0x27: {  	[tilespmem:s24+$0x30] =	vst v0  }
0x28: {  	[tilespmem:s24+$0x20] =	vst v0  }
0x29: {  	[tilespmem:s24+$0x10] =	vst v0  }
0x2a: {  	[tilespmem:s24+$0x0] =	vst v0  }
0x2b: {  	[tilespmem:s24+$0xFFFFFFF0] =	vst v0  }
0x2c: {  	[tilespmem:s24+$0xFFFFFFE0] =	vst v0  }
0x2d: {  	[tilespmem:s24+$0xFFFFFFD0] =	vst v0  }
0x2e: {  	[tilespmem:s24+$0xFFFFFFC0] =	vst v0  }
0x2f: {  	[tilespmem:s24+$0xFFFFFFB0] =	vst v0  }
0x30: {  	s25 =	simm.s32 $0x0;
	[tilespmem:s24+$0xFFFFFFA0] =	vst v0  }
.LBB2_2:
0x31: {  	s25 =	sadd.s32 $0x8, s25;
	[tilespmem:s24+$0xFFFFFF90] =	vst v0;
	s24 =	sadd.s32 $0x100, s24  }
0x32: {  	[tilespmem:s24+$0xFFFFFF80] =	vst v0;
	p0 =	slt.u32 s25, $0x78  }
0x33: {  	[tilespmem:s24+$0x70] =	vst v0  }
0x34: {  	[tilespmem:s24+$0x60] =	vst v0  }
0x35: {  	[tilespmem:s24+$0x50] =	vst v0  }
0x36: {  	[tilespmem:s24+$0x40] =	vst v0  }
0x37: {  	[tilespmem:s24+$0x30] =	vst v0  }
0x38: {  	[tilespmem:s24+$0x20] =	vst v0  }
0x39: {  	[tilespmem:s24+$0x10] =	vst v0  }
0x3a: {  	[tilespmem:s24+$0x0] =	vst v0  }
0x3b: {  	[tilespmem:s24+$0xFFFFFFF0] =	vst v0  }
.Ltmp0:
0x3c: {  	[tilespmem:s24+$0xFFFFFFE0] =	vst v0;
	(pc) =	sbr.rel @p0 .LBB2_2-.Ltmp0, $4  }
0x3d: {  	[tilespmem:s24+$0xFFFFFFD0] =	vst v0  }
0x3e: {  	[tilespmem:s24+$0xFFFFFFC0] =	vst v0  }
0x3f: {  	[tilespmem:s24+$0xFFFFFFB0] =	vst v0  }
0x40: {  	[tilespmem:s24+$0xFFFFFFA0] =	vst v0  }
0x41: {  	[tilespmem:s24+$0xFFFFFF90] =	vst v0  }
0x42: {  	[spmem:s8] =	stream.linear.scatter [tilespmem:s13], [sflag:$0x2], $0x1000, $0x38;
	[tilespmem:$0x1D8A0] =	vst v63  }
0x43: {  	_ =	swait.ge [sflag:s14], $0x1000  }
0x44: {  	[sflag:s14] =	ssyncset.done $0x0  }
0x45: {  	s29 =	rddreg [dreg:$0x6];
	[sflag:s14] =	ssyncadd.s32 $0xFFFFF000  }
0x46: {  	[spmem:s29] =	stream.linear.scatter [tilespmem:s13], [sflag:$0x2], $0x1000, $0x38;
	[tilespmem:$0x1D8A0] =	vst v63  }
0x47: {  	_ =	swait.ge [sflag:s14], $0x1000  }
0x48: {  	[sflag:s14] =	ssyncset.done $0x0  }
0x49: {  	s25 =	rddreg [dreg:$0x7];
	[sflag:s14] =	ssyncadd.s32 $0xFFFFF000  }
0x4a: {  	[spmem:s25] =	stream.linear.scatter [tilespmem:s13], [sflag:$0x2], $0x1000, $0x38;
	[tilespmem:$0x1D8A0] =	vst v63  }
0x4b: {  	_ =	swait.ge [sflag:s14], $0x1000  }
0x4c: {  	[sflag:s14] =	ssyncset.done $0x0  }
0x4d: {  	s26 =	rddreg [dreg:$0x8];
	[sflag:s14] =	ssyncadd.s32 $0xFFFFF000  }
0x4e: {  	[spmem:s26] =	stream.linear.scatter [tilespmem:s13], [sflag:$0x2], $0x1000, $0x38;
	[tilespmem:$0x1D8A0] =	vst v63  }
0x4f: {  	_ =	swait.ge [sflag:s14], $0x1000  }
0x50: {  	[sflag:s14] =	ssyncset.done $0x0  }
0x51: {  	s28 =	rddreg [dreg:$0x9];
	[sflag:s14] =	ssyncadd.s32 $0xFFFFF000  }
0x52: {  	[spmem:s28] =	stream.linear.scatter [tilespmem:s13], [sflag:$0x2], $0x1000, $0x38;
	[tilespmem:$0x1D8A0] =	vst v63  }
0x53: {  	_ =	swait.ge [sflag:s14], $0x1000  }
0x54: {  	[sflag:s14] =	ssyncset.done $0x0  }
0x55: {  	s29 =	rddreg [dreg:$0xa];
	[sflag:s14] =	ssyncadd.s32 $0xFFFFF000  }
0x56: {  	[spmem:s29] =	stream.linear.scatter [tilespmem:s13], [sflag:$0x2], $0x1000, $0x38;
	[tilespmem:$0x1D8A0] =	vst v63  }
0x57: {  	_ =	swait.ge [sflag:s14], $0x1000  }
0x58: {  	[sflag:s14] =	ssyncset.done $0x0  }
0x59: {  	s25 =	rddreg [dreg:$0xb];
	[sflag:s14] =	ssyncadd.s32 $0xFFFFF000  }
0x5a: {  	[spmem:s25] =	stream.linear.scatter [tilespmem:s13], [sflag:$0x2], $0x1000, $0x38;
	[tilespmem:$0x1D8A0] =	vst v63  }
0x5b: {  	_ =	swait.ge [sflag:s14], $0x1000  }
0x5c: {  	[sflag:s14] =	ssyncset.done $0x0  }
0x5d: {  	s26 =	rddreg [dreg:$0xc];
	[sflag:s14] =	ssyncadd.s32 $0xFFFFF000  }
0x5e: {  	[spmem:s26] =	stream.linear.scatter [tilespmem:s13], [sflag:$0x2], $0x1000, $0x38;
	[tilespmem:$0x1D8A0] =	vst v63  }
0x5f: {  	_ =	swait.ge [sflag:s14], $0x1000  }
0x60: {  	[sflag:s14] =	ssyncset.done $0x0  }
0x61: {  	s28 =	rddreg [dreg:$0xd];
	[sflag:s14] =	ssyncadd.s32 $0xFFFFF000  }
0x62: {  	[spmem:s28] =	stream.linear.scatter [tilespmem:s13], [sflag:$0x2], $0x1000, $0x38;
	[tilespmem:$0x1D8A0] =	vst v63  }
0x63: {  	_ =	swait.ge [sflag:s14], $0x1000  }
0x64: {  	[sflag:s14] =	ssyncset.done $0x0  }
0x65: {  	s29 =	rddreg [dreg:$0xe];
	[sflag:s14] =	ssyncadd.s32 $0xFFFFF000  }
0x66: {  	[spmem:s29] =	stream.linear.scatter [tilespmem:s13], [sflag:$0x2], $0x1000, $0x38;
	[tilespmem:$0x1D8A0] =	vst v63  }
0x67: {  	_ =	swait.ge [sflag:s14], $0x1000  }
0x68: {  	[sflag:s14] =	ssyncset.done $0x0  }
0x69: {  	s25 =	rddreg [dreg:$0xf];
	[sflag:s14] =	ssyncadd.s32 $0xFFFFF000  }
0x6a: {  	[spmem:s25] =	stream.linear.scatter [tilespmem:s13], [sflag:$0x2], $0x1000, $0x38;
	[tilespmem:$0x1D8A0] =	vst v63  }
0x6b: {  	_ =	swait.ge [sflag:s14], $0x1000  }
0x6c: {  	[sflag:s14] =	ssyncset.done $0x0  }
0x6d: {  	s26 =	rddreg [dreg:$0x10];
	[sflag:s14] =	ssyncadd.s32 $0xFFFFF000  }
0x6e: {  	[spmem:s26] =	stream.linear.scatter [tilespmem:s13], [sflag:$0x2], $0x1000, $0x38;
	[tilespmem:$0x1D8A0] =	vst v63  }
0x6f: {  	_ =	swait.ge [sflag:s14], $0x1000  }
0x70: {  	[sflag:s14] =	ssyncset.done $0x0  }
0x71: {  	s28 =	rddreg [dreg:$0x11];
	[sflag:s14] =	ssyncadd.s32 $0xFFFFF000  }
0x72: {  	[spmem:s28] =	stream.linear.scatter [tilespmem:s13], [sflag:$0x2], $0x1000, $0x38;
	[tilespmem:$0x1D8A0] =	vst v63  }
0x73: {  	_ =	swait.ge [sflag:s14], $0x1000  }
0x74: {  	[sflag:s14] =	ssyncset.done $0x0  }
0x75: {  	s29 =	rddreg [dreg:$0x12];
	[sflag:s14] =	ssyncadd.s32 $0xFFFFF000  }
0x76: {  	[spmem:s29] =	stream.linear.scatter [tilespmem:s13], [sflag:$0x2], $0x1000, $0x38;
	[tilespmem:$0x1D8A0] =	vst v63  }
0x77: {  	_ =	swait.ge [sflag:s14], $0x1000  }
0x78: {  	[sflag:s14] =	ssyncset.done $0x0  }
0x79: {  	s25 =	rddreg [dreg:$0x13];
	[sflag:s14] =	ssyncadd.s32 $0xFFFFF000  }
0x7a: {  	[spmem:s25] =	stream.linear.scatter [tilespmem:s13], [sflag:$0x2], $0x1000, $0x38;
	[tilespmem:$0x1D8A0] =	vst v63  }
0x7b: {  	_ =	swait.ge [sflag:s14], $0x1000  }
0x7c: {  	[sflag:s14] =	ssyncset.done $0x0  }
0x7d: {  	s26 =	rddreg [dreg:$0x14];
	[sflag:s14] =	ssyncadd.s32 $0xFFFFF000  }
0x7e: {  	[spmem:s26] =	stream.linear.scatter [tilespmem:s13], [sflag:$0x2], $0x1000, $0x38;
	[tilespmem:$0x1D8A0] =	vst v63  }
0x7f: {  	_ =	swait.ge [sflag:s14], $0x1000  }
0x80: {  	[sflag:s14] =	ssyncset.done $0x0  }
0x81: {  	s28 =	rddreg [dreg:$0x15];
	[sflag:s14] =	ssyncadd.s32 $0xFFFFF000  }
0x82: {  	[spmem:s28] =	stream.linear.scatter [tilespmem:s13], [sflag:$0x2], $0x1000, $0x38;
	[tilespmem:$0x1D8A0] =	vst v63  }
0x83: {  	_ =	swait.ge [sflag:s14], $0x1000  }
0x84: {  	[sflag:s14] =	ssyncset.done $0x0  }
0x85: {  	[sflag:s14] =	ssyncadd.s32 $0xFFFFF000  }
0x86: {  	[spmem:s30] =	stream.linear.scatter [tilespmem:s13], [sflag:$0x2], $0x1000, $0x38;
	[tilespmem:$0x1D8A0] =	vst v63  }
0x87: {  	_ =	swait.ge [sflag:s14], $0x1000  }
0x88: {  	[sflag:s14] =	ssyncset.done $0x0  }
0x89: {  	[sflag:s14] =	ssyncadd.s32 $0xFFFFF000  }
0x8a: {  	[spmem:s31] =	stream.linear.scatter [tilespmem:s13], [sflag:$0x2], $0x1000, $0x38;
	[tilespmem:$0x1D8A0] =	vst v63  }
0x8b: {  	_ =	swait.ge [sflag:s14], $0x1000  }
0x8c: {  	[sflag:s14] =	ssyncset.done $0x0  }
0x8d: {  	[sflag:s14] =	ssyncadd.s32 $0xFFFFF000  }
0x8e: {  	[spmem:s0] =	stream.linear.scatter [tilespmem:s13], [sflag:$0x2], $0x1000, $0x38;
	[tilespmem:$0x1D8A0] =	vst v63  }
0x8f: {  	_ =	swait.ge [sflag:s14], $0x1000  }
0x90: {  	[sflag:s14] =	ssyncset.done $0x0  }
0x91: {  	[sflag:s14] =	ssyncadd.s32 $0xFFFFF000  }
0x92: {  	[spmem:s1] =	stream.linear.scatter [tilespmem:s13], [sflag:$0x2], $0x1000, $0x38;
	[tilespmem:$0x1D8A0] =	vst v63  }
0x93: {  	_ =	swait.ge [sflag:s14], $0x1000  }
0x94: {  	[sflag:s14] =	ssyncset.done $0x0  }
0x95: {  	[sflag:s14] =	ssyncadd.s32 $0xFFFFF000  }
0x96: {  	[spmem:s9] =	stream.linear.scatter [tilespmem:s13], [sflag:$0x2], $0x1000, $0x38;
	[tilespmem:$0x1D8A0] =	vst v63  }
0x97: {  	_ =	swait.ge [sflag:s14], $0x1000  }
0x98: {  	[sflag:s14] =	ssyncset.done $0x0  }
0x99: {  	[sflag:s14] =	ssyncadd.s32 $0xFFFFF000  }
0x9a: {  	[spmem:s11] =	stream.linear.scatter [tilespmem:s13], [sflag:$0x2], $0x1000, $0x38;
	[tilespmem:$0x1D8A0] =	vst v63  }
0x9b: {  	_ =	swait.ge [sflag:s14], $0x1000  }
0x9c: {  	[sflag:s14] =	ssyncset.done $0x0  }
0x9d: {  	[sflag:s14] =	ssyncadd.s32 $0xFFFFF000  }
0x9e: {  	[spmem:s12] =	stream.linear.scatter [tilespmem:s13], [sflag:$0x2], $0x1000, $0x38;
	[tilespmem:$0x1D8A0] =	vst v63  }
0x9f: {  	_ =	swait.ge [sflag:s14], $0x1000  }
0xa0: {  	[sflag:s14] =	ssyncset.done $0x0  }
0xa1: {  	s29 =	rddreg [dreg:$0x3];
	[sflag:s14] =	ssyncadd.s32 $0xFFFFF000  }
0xa2: {  	[spmem:s29] =	stream.linear.scatter [tilespmem:s13], [sflag:$0x2], $0x6A0, $0x38;
	[tilespmem:$0x1D8A0] =	vst v63  }
0xa3: {  	_ =	swait.ge [sflag:s14], $0x6A0  }
0xa4: {  	[sflag:s14] =	ssyncset.done $0x0  }
0xa5: {  	[sflag:s14] =	ssyncadd.s32 $0xFFFFF960  }
0xa6: {  	s24 =	simm.s32 $0x0;
	[bflag:$0x0] =	sbarrier.arrive $0xFFFF  }
.LBB2_4:
0xa7: {  	s25 =	sshll.u32 s24, $0x8  }
0xa8: {  	s25 =	sadd.s32 s10, s25  }
0xa9: {  	s26 =	sshrl.u32 s25, $0x3  }
0xaa: {  	s28 =	sadd.s32 s6, s26  }
0xab: {  	[tilespmem:s3], [sflag:$0x2] =	stream.linear.gather [hbm4b:s28+s3], $0x100, $0x38;
	[tilespmem:$0x1D8A0] =	vst v63  }
0xac: {  	_ =	swait.ge [sflag:s14], $0x100  }
0xad: {  	[sflag:s14] =	ssyncset.done $0x0  }
0xae: {  	s26 =	sadd.s32 s7, s26;
	s28 =	sshll.u32 s25, $0x7;
	[sflag:s14] =	ssyncadd.s32 $0xFFFFFF00  }
0xaf: {  	[tilespmem:s15], [sflag:$0x2] =	stream.linear.gather [hbm4b:s26+s3], $0x100, $0x38;
	[tilespmem:$0x1D8A0] =	vst v63  }
0xb0: {  	s28 =	sand.u32 $0x18000, s28;
	s26 =	sshll.u32 s25, $0x5  }
0xb1: {  	s25 =	sshrl.u32 s25, $0x5;
	_ =	swait.ge [sflag:s14], $0x100;
	s26 =	sand.u32 $0x7FFE0000, s26  }
0xb2: {  	s25 =	sand.u32 $0x60, s25;
	[sflag:s14] =	ssyncset.done $0x0;
	s26 =	sor.u32 s28, s26  }
0xb3: {  	[sflag:s14] =	ssyncadd.s32 $0xFFFFFF00;
	s25 =	sor.u32 s25, s26  }
0xb4: {  	[tilespmem:s17], [sflag:$0x1] =	stream.indirect.gather [hbm4b:s4+s16], $0x20, s3, s16, $0xb8;
	[tilespmem:$0x1D8A0] =	vst v63  }
0xb5: {  	s25 =	sshrl.u32 s25, $0x3  }
0xb6: {  	[tilespmem:s18], [sflag:$0x1] =	stream.indirect.gather [hbm4b:s4+s16], $0x20, s16, s16, $0xb8;
	[tilespmem:$0x1D8A0] =	vst v63  }
0xb7: {  	s25 =	sadd.s32 s5, s25  }
0xb8: {  	[tilespmem:s20], [sflag:$0x2] =	stream.strided.gather [hbm4b:s25+s19], $0x2000, s16, s19, $0x38;
	[tilespmem:$0x1D8A0] =	vst v63  }
0xb9: {  	_ =	swait.ge [sflag:s14], $0x2000  }
0xba: {  	[sflag:s14] =	ssyncset.done $0x0  }
0xbb: {  	[sflag:s14] =	ssyncadd.s32 $0xFFFFE000  }
0xbc: {  	_ =	swait.ge [sflag:s21], $0x1000  }
0xbd: {  	[sflag:s21] =	ssyncset.done $0x0  }
0xbe: {  	[sflag:s21] =	ssyncadd.s32 $0xFFFFF000  }
0xbf: {  	_ =	swait.ge [sflag:s21], $0x1000  }
0xc0: {  	[sflag:s21] =	ssyncset.done $0x0  }
0xc1: {  	s25 =	simm.s32 $0x280;
	[sflag:s21] =	ssyncadd.s32 $0xFFFFF000  }
0xc2: {  	s26 =	simm.s32 $0x2280;
	v1 =	vld [tilespmem:s25+$0xFFFFFF80]  }
0xc3: {  	v2 =	vld [tilespmem:s26+$0xFFFFFF80];
	_ =	sdelay $0x4  }
0xc4: {  	v1 =	vmul.f32 v2, v1;
	_ =	sdelay $0x1  }
0xc5: {  	[tilespmem:s25+$0xFFFFFF80] =	vst v1;
	v1 =	vld [tilespmem:s25+$0xFFFFFF90]  }
0xc6: {  	v2 =	vld [tilespmem:s26+$0xFFFFFF90];
	_ =	sdelay $0x4  }
0xc7: {  	v1 =	vmul.f32 v2, v1;
	_ =	sdelay $0x1  }
0xc8: {  	[tilespmem:s25+$0xFFFFFF90] =	vst v1;
	v1 =	vld [tilespmem:s25+$0xFFFFFFA0]  }
0xc9: {  	v2 =	vld [tilespmem:s26+$0xFFFFFFA0];
	_ =	sdelay $0x4  }
0xca: {  	v1 =	vmul.f32 v2, v1;
	_ =	sdelay $0x1  }
0xcb: {  	[tilespmem:s25+$0xFFFFFFA0] =	vst v1;
	v1 =	vld [tilespmem:s25+$0xFFFFFFB0]  }
0xcc: {  	v2 =	vld [tilespmem:s26+$0xFFFFFFB0];
	_ =	sdelay $0x4  }
0xcd: {  	v1 =	vmul.f32 v2, v1;
	_ =	sdelay $0x1  }
0xce: {  	[tilespmem:s25+$0xFFFFFFB0] =	vst v1;
	v1 =	vld [tilespmem:s25+$0xFFFFFFC0]  }
0xcf: {  	v2 =	vld [tilespmem:s26+$0xFFFFFFC0];
	_ =	sdelay $0x4  }
0xd0: {  	v1 =	vmul.f32 v2, v1;
	_ =	sdelay $0x1  }
0xd1: {  	[tilespmem:s25+$0xFFFFFFC0] =	vst v1;
	v1 =	vld [tilespmem:s25+$0xFFFFFFD0]  }
0xd2: {  	v2 =	vld [tilespmem:s26+$0xFFFFFFD0];
	_ =	sdelay $0x4  }
0xd3: {  	v1 =	vmul.f32 v2, v1;
	_ =	sdelay $0x1  }
0xd4: {  	[tilespmem:s25+$0xFFFFFFD0] =	vst v1;
	v1 =	vld [tilespmem:s25+$0xFFFFFFE0]  }
0xd5: {  	v2 =	vld [tilespmem:s26+$0xFFFFFFE0];
	_ =	sdelay $0x4  }
0xd6: {  	v1 =	vmul.f32 v2, v1;
	_ =	sdelay $0x1  }
0xd7: {  	[tilespmem:s25+$0xFFFFFFE0] =	vst v1;
	v1 =	vld [tilespmem:s25+$0xFFFFFFF0]  }
0xd8: {  	v2 =	vld [tilespmem:s26+$0xFFFFFFF0];
	_ =	sdelay $0x4  }
0xd9: {  	v1 =	vmul.f32 v2, v1;
	_ =	sdelay $0x1  }
0xda: {  	[tilespmem:s25+$0xFFFFFFF0] =	vst v1;
	v1 =	vld [tilespmem:s25+$0x0]  }
0xdb: {  	v2 =	vld [tilespmem:s26+$0x0];
	_ =	sdelay $0x4  }
0xdc: {  	v1 =	vmul.f32 v2, v1;
	_ =	sdelay $0x1  }
0xdd: {  	[tilespmem:s25+$0x0] =	vst v1;
	v1 =	vld [tilespmem:s25+$0x10]  }
0xde: {  	v2 =	vld [tilespmem:s26+$0x10];
	_ =	sdelay $0x4  }
0xdf: {  	v1 =	vmul.f32 v2, v1;
	_ =	sdelay $0x1  }
0xe0: {  	[tilespmem:s25+$0x10] =	vst v1;
	v1 =	vld [tilespmem:s25+$0x20]  }
0xe1: {  	v2 =	vld [tilespmem:s26+$0x20];
	_ =	sdelay $0x4  }
0xe2: {  	v1 =	vmul.f32 v2, v1;
	_ =	sdelay $0x1  }
0xe3: {  	[tilespmem:s25+$0x20] =	vst v1;
	v1 =	vld [tilespmem:s25+$0x30]  }
0xe4: {  	v2 =	vld [tilespmem:s26+$0x30];
	_ =	sdelay $0x4  }
0xe5: {  	v1 =	vmul.f32 v2, v1;
	_ =	sdelay $0x1  }
0xe6: {  	[tilespmem:s25+$0x30] =	vst v1;
	v1 =	vld [tilespmem:s25+$0x40]  }
0xe7: {  	v2 =	vld [tilespmem:s26+$0x40];
	_ =	sdelay $0x4  }
0xe8: {  	v1 =	vmul.f32 v2, v1;
	_ =	sdelay $0x1  }
0xe9: {  	[tilespmem:s25+$0x40] =	vst v1;
	v1 =	vld [tilespmem:s25+$0x50]  }
0xea: {  	v2 =	vld [tilespmem:s26+$0x50];
	_ =	sdelay $0x4  }
0xeb: {  	v1 =	vmul.f32 v2, v1;
	_ =	sdelay $0x1  }
0xec: {  	[tilespmem:s25+$0x50] =	vst v1;
	v1 =	vld [tilespmem:s25+$0x60]  }
0xed: {  	v2 =	vld [tilespmem:s26+$0x60];
	_ =	sdelay $0x4  }
0xee: {  	v1 =	vmul.f32 v2, v1;
	_ =	sdelay $0x1  }
0xef: {  	[tilespmem:s25+$0x60] =	vst v1;
	v1 =	vld [tilespmem:s25+$0x70]  }
0xf0: {  	v2 =	vld [tilespmem:s26+$0x70];
	_ =	sdelay $0x4  }
0xf1: {  	v1 =	vmul.f32 v2, v1  }
0xf2: {  	s29 =	simm.s32 $0x380;
	s28 =	simm.s32 $0x0  }
.LBB2_5:
0xf3: {  	v2 =	vld [tilespmem:s29+$0xFFFFFF80];
	[tilespmem:s25+$0x70] =	vst v1;
	s26 =	sadd.s32 $0x100, s26;
	s25 =	smov.u32 s29  }
0xf4: {  	s28 =	sadd.s32 $0x8, s28;
	v1 =	vld [tilespmem:s26+$0xFFFFFF80]  }
0xf5: {  	p0 =	slt.u32 s28, $0xF8;
	_ =	sdelay $0x3  }
0xf6: {  	v1 =	vmul.f32 v1, v2;
	_ =	sdelay $0x1  }
0xf7: {  	[tilespmem:s29+$0xFFFFFF80] =	vst v1;
	v1 =	vld [tilespmem:s29+$0xFFFFFF90]  }
0xf8: {  	v2 =	vld [tilespmem:s26+$0xFFFFFF90];
	_ =	sdelay $0x4  }
0xf9: {  	v1 =	vmul.f32 v2, v1;
	_ =	sdelay $0x1  }
0xfa: {  	[tilespmem:s29+$0xFFFFFF90] =	vst v1;
	v1 =	vld [tilespmem:s29+$0xFFFFFFA0]  }
0xfb: {  	v2 =	vld [tilespmem:s26+$0xFFFFFFA0];
	_ =	sdelay $0x4  }
0xfc: {  	v1 =	vmul.f32 v2, v1;
	_ =	sdelay $0x1  }
0xfd: {  	[tilespmem:s29+$0xFFFFFFA0] =	vst v1;
	v1 =	vld [tilespmem:s29+$0xFFFFFFB0]  }
0xfe: {  	v2 =	vld [tilespmem:s26+$0xFFFFFFB0];
	_ =	sdelay $0x4  }
0xff: {  	v1 =	vmul.f32 v2, v1;
	_ =	sdelay $0x1  }
0x100: {  	[tilespmem:s29+$0xFFFFFFB0] =	vst v1;
	v1 =	vld [tilespmem:s29+$0xFFFFFFC0]  }
0x101: {  	v2 =	vld [tilespmem:s26+$0xFFFFFFC0];
	_ =	sdelay $0x4  }
0x102: {  	v1 =	vmul.f32 v2, v1;
	_ =	sdelay $0x1  }
0x103: {  	[tilespmem:s29+$0xFFFFFFC0] =	vst v1;
	v1 =	vld [tilespmem:s29+$0xFFFFFFD0]  }
0x104: {  	v2 =	vld [tilespmem:s26+$0xFFFFFFD0];
	_ =	sdelay $0x4  }
0x105: {  	v1 =	vmul.f32 v2, v1;
	_ =	sdelay $0x1  }
0x106: {  	[tilespmem:s29+$0xFFFFFFD0] =	vst v1;
	v1 =	vld [tilespmem:s29+$0xFFFFFFE0]  }
0x107: {  	v2 =	vld [tilespmem:s26+$0xFFFFFFE0];
	_ =	sdelay $0x4  }
0x108: {  	v1 =	vmul.f32 v2, v1;
	_ =	sdelay $0x1  }
0x109: {  	[tilespmem:s29+$0xFFFFFFE0] =	vst v1;
	v1 =	vld [tilespmem:s29+$0xFFFFFFF0]  }
0x10a: {  	v2 =	vld [tilespmem:s26+$0xFFFFFFF0];
	_ =	sdelay $0x4  }
0x10b: {  	v1 =	vmul.f32 v2, v1;
	_ =	sdelay $0x1  }
0x10c: {  	[tilespmem:s29+$0xFFFFFFF0] =	vst v1;
	v1 =	vld [tilespmem:s29+$0x0]  }
0x10d: {  	v2 =	vld [tilespmem:s26+$0x0];
	_ =	sdelay $0x4  }
0x10e: {  	v1 =	vmul.f32 v2, v1;
	_ =	sdelay $0x1  }
0x10f: {  	[tilespmem:s29+$0x0] =	vst v1;
	v1 =	vld [tilespmem:s29+$0x10]  }
0x110: {  	v2 =	vld [tilespmem:s26+$0x10];
	_ =	sdelay $0x4  }
0x111: {  	v1 =	vmul.f32 v2, v1;
	_ =	sdelay $0x1  }
0x112: {  	[tilespmem:s29+$0x10] =	vst v1;
	v1 =	vld [tilespmem:s29+$0x20]  }
0x113: {  	v2 =	vld [tilespmem:s26+$0x20];
	_ =	sdelay $0x4  }
0x114: {  	v1 =	vmul.f32 v2, v1;
	_ =	sdelay $0x1  }
0x115: {  	[tilespmem:s29+$0x20] =	vst v1;
	v1 =	vld [tilespmem:s29+$0x30]  }
0x116: {  	v2 =	vld [tilespmem:s26+$0x30];
	_ =	sdelay $0x4  }
0x117: {  	v1 =	vmul.f32 v2, v1;
	_ =	sdelay $0x1  }
0x118: {  	[tilespmem:s29+$0x30] =	vst v1;
	v1 =	vld [tilespmem:s29+$0x40]  }
0x119: {  	v2 =	vld [tilespmem:s26+$0x40];
	_ =	sdelay $0x4  }
0x11a: {  	v1 =	vmul.f32 v2, v1;
	_ =	sdelay $0x1  }
0x11b: {  	[tilespmem:s29+$0x40] =	vst v1;
	v1 =	vld [tilespmem:s29+$0x50]  }
0x11c: {  	v2 =	vld [tilespmem:s26+$0x50];
	_ =	sdelay $0x4  }
0x11d: {  	v1 =	vmul.f32 v2, v1;
	_ =	sdelay $0x1  }
0x11e: {  	[tilespmem:s29+$0x50] =	vst v1;
	v1 =	vld [tilespmem:s29+$0x60]  }
0x11f: {  	v2 =	vld [tilespmem:s26+$0x60];
	_ =	sdelay $0x4  }
0x120: {  	v1 =	vmul.f32 v2, v1;
	_ =	sdelay $0x1  }
0x121: {  	[tilespmem:s29+$0x60] =	vst v1;
	v1 =	vld [tilespmem:s29+$0x70]  }
0x122: {  	v2 =	vld [tilespmem:s26+$0x70];
	_ =	sdelay $0x1  }
.Ltmp1:
0x123: {  	(pc) =	sbr.rel @p0 .LBB2_5-.Ltmp1, $3  }
0x124: {  	_ =	sdelay $0x1  }
0x125: {  	v1 =	vmul.f32 v2, v1  }
0x126: {  	s29 =	sadd.s32 $0x100, s29  }
0x127: {  	[tilespmem:s25+$0x70] =	vst v1  }
0x128: {  	[spmem:s2] =	stream.indirect.scatter.add.f32 [tilespmem:s17], [sflag:$0x2], $0x20, s15, s16, $0xb8;
	[tilespmem:$0x1D8A0] =	vst v63  }
0x129: {  	s24 =	sadd.s32 $0x1, s24;
	_ =	swait.ge [sflag:s14], $0x1000  }
0x12a: {  	p0 =	sne.s32 s24, $0x64;
	[sflag:s14] =	ssyncset.done $0x0  }
.Ltmp2:
0x12b: {  	[sflag:s14] =	ssyncadd.s32 $0xFFFFF000;
	(pc) =	sbr.rel @p0 .LBB2_4-.Ltmp2, $4  }
0x12c: {  	[spmem:s2] =	stream.indirect.scatter.add.f32 [tilespmem:s18], [sflag:$0x2], $0x20, s22, s16, $0xb8;
	[tilespmem:$0x1D8A0] =	vst v63  }
0x12d: {  	_ =	swait.ge [sflag:s14], $0x1000  }
0x12e: {  	[sflag:s14] =	ssyncset.done $0x0  }
0x12f: {  	[sflag:s14] =	ssyncadd.s32 $0xFFFFF000  }
0x130: {  	s24 =	stileid.u32  }
0x131: {  	[bflag:$0x0] =	sbarrier.arrive $0xFFFF;
	s24 =	sshll.u32 s24, $0x6  }
0x132: {  	s25 =	sshrl.u32 s8, $0x3;
	s26 =	rddreg [dreg:$0x4];
	s24 =	sor.u32 $0x1C02, s24  }
0x133: {  	[hbm:s26], [sflag:s24] =	dma.local [spmem:s25], $0x30D4  }
0x134: {  	_ =	swait.ge [sflag:s14], $0x30D4  }
0x135: {  	s23 =	sadd.s32 $0x1, s23;
	s29 =	rddreg [dreg:$0x5]  }
0x136: {  	p0 =	sne.s32 s23, s29  }
.Ltmp3:
0x137: {  	_ = 	snop;
	(pc) =	sbr.rel @p0 .LBB2_1-.Ltmp3, $3  }
0x138: {  	_ =	sdelay $0x1  }
0x139: {  	[sflag:s14] =	ssyncset.done $0x0  }
0x13a: {  	[sflag:s14] =	ssyncadd.s32 $0xFFFFCF2C  }
0x13b: {  	_ =	sfence.sel $0x180000  }
0x13c: {  	[bflag:$0x0] =	sbarrier.arrive $0xFFFF  }
0x13d: {  	_ =	strace $0x9000004A  }
0x13e: {  	s0 =	stileid.u32;
	[bflag:$0x2] =	sbarrier.arrive $0xFFFF  }
0x13f: {  	p0 =	sne.s32 s0, $0x0;
	s0 =	rddreg [dreg:$0x2]  }
0x140: {  	s0 =	sadd.s32 @!p0 $0x100000, s0  }
0x141: {  	[sflag:s0] =	ssyncadd.tile.s32 @!p0 $0x1;
	_ =	shalt  }
.Lfunc_end2:
_tile_overlayer_lowered:
.L_overlay_start_2:
0x142: {  	(tag) =	ssettag $0x2  }
0x143: {  	s0 =	rddreg [dreg:$0x0];
	s2 =	stileid.u32  }
0x144: {  	s1 =	rddreg [dreg:$0x1];
	p0 =	sne.s32 s2, $0x0  }
0x145: {  	s3 =	rddreg [dreg:$0x2];
	[bflag:$0x3] =	sbarrier.arrive $0xFFFF;
	s2 =	simm.s32 @!p0 $0x1C02  }
0x146: {  	[timem:s3], [sflag:s2] =	dma.local @!p0 [hbm:s0], s1  }
0x147: {  	s0 =	simm.s32 @!p0 $0x2  }
0x148: {  	_ =	swait.ge @!p0 [sflag:s0], s1  }
0x149: {  	s1 =	ssub.s32 @!p0 $0x0, s1;
	[sflag:s0] =	ssyncset.done @!p0 $0x0  }
0x14a: {  	[sflag:s0] =	ssyncadd.s32 @!p0 s1  }
0x14b: {  	[bflag:$0x3] =	sbarrier.arrive $0xFFFF  }
0x14c: {  	_ =	shalt  }

// kernel: kernel.18.cloned.1.call-start
scs
__scs_entry_jumppad:
0x0: {  	(pc) =	sbr.rel $0x88, $3  }
0x1: {  	(tag) =	ssettag $0x0;
	lr =	simm.s32 $0x1  }
0x2: {  	[smem:$0x3F90] =	sst lr;
	_ =	strace $0xD0000000  }
0x3: {  	_ = 	snop  }
0x4: {  	_ = 	snop  }
0x5: {  	_ = 	snop  }
0x6: {  	_ = 	snop  }
0x7: {  	_ = 	snop  }
__scs_overlays_trampoline_lowered:
0x8: {  	[smem:$0x3F9F] =	sst s0  }
0x9: {  	[smem:$0x3FA0] =	sst s1  }
0xa: {  	[smem:$0x3FA1] =	sst s2  }
0xb: {  	[smem:$0x3FA2] =	sst s3  }
0xc: {  	[smem:$0x3FA3] =	sst s4  }
0xd: {  	[smem:$0x3FA4] =	sst s5  }
0xe: {  	[smem:$0x3FA5] =	sst s6  }
0xf: {  	[smem:$0x3FA6] =	sst s7  }
0x10: {  	[smem:$0x3FA7] =	sst s8  }
0x11: {  	[smem:$0x3FA8] =	sst s9;
	s0 =	simm.s32 @!p0 $0x0  }
0x12: {  	s1 =	sld [smem:$0x3F8E];
	s0 =	simm.s32 @p0 $0x1  }
0x13: {  	[smem:$0x3FA9] =	sst s0;
	s0 =	simm.s32 @!p1 $0x0  }
0x14: {  	s2 =	sld [smem:$0x3F8D];
	s0 =	simm.s32 @p1 $0x1  }
0x15: {  	[smem:$0x3FAA] =	sst s0;
	s0 =	simm.s32 @!p2 $0x0  }
0x16: {  	s3 =	sld [smem:$0x3FDB];
	s0 =	simm.s32 @p2 $0x1  }
0x17: {  	s4 =	simm.s32 $0x1BF5;
	[smem:$0x3FAC] =	sst s0  }
0x18: {  	s0 =	sld [smem:$0x3F8F];
	_ =	swait.ge [sflag:s4], $0x0  }
0x19: {  	s7 =	sld [smem:$0x3F90]  }
0x1a: {  	s8 =	sadd.s32 $0xFFFFE003, lr  }
0x1b: {  	s9 =	sadd.s32 $0xFFFFFEF7, lr;
	s5 =	simm.s32 $0xFFFFFFFF;
	p2 =	slt.u32 s8, $0xFFFFF086  }
0x1c: {  	p1 =	slt.u32 s9, $0xF7A;
	s5 =	simm.s32 @!p2 $0x0  }
0x1d: {  	s5 =	simm.s32 @p1 $0x1;
	p0 =	seq.s32 s7, s2  }
0x1e: {  	s7 =	smul.u32 @!p0 $0xF7A, s2;
	p2 =	seq.s32 @!p0 s5, $0x0  }
0x1f: {  	s9 =	smul.u32 $0xF7A, s1;
	s8 =	simm.s32 @!p0 $0x1BF5;
	p2 =	por !p2, p0  }
0x20: {  	[sflag:s8] =	ssyncset.s32 @!p0 $0xFFFFF086;
	s6 =	sadd.s32 @!p0 s3, s7;
	s7 =	simm.s32 @!p0 $0x108  }
0x21: {  	s3 =	sadd.s32 s3, s9;
	s6 =	sadd.s32 @!p0 $0x88, s6;
	s7 =	simm.s32 @p2 $0x1082  }
0x22: {  	[simem:s7], [sflag:s8] =	dma.local @!p0 [hbm:s6], $0xF7A  }
0x23: {  	s9 =	sor.u32 $0xD0000000, s2;
	s6 =	simm.s32 $0x108;
	_ =	swait.ge @!p0 [sflag:s8], $0x0  }
0x24: {  	s3 =	sadd.s32 $0x88, s3;
	s6 =	simm.s32 @!p1 $0x1082;
	[sflag:s4] =	ssyncset.s32 $0xFFFFF086  }
0x25: {  	[simem:s6], [sflag:s4] =	dma.local [hbm:s3], $0xF7A  }
0x26: {  	[smem:$0x3F90] =	sst s1;
	(tag) =	ssettag s2;
	_ =	strace s9  }
0x27: {  	s1 =	sld [smem:$0x3FA0]  }
0x28: {  	s2 =	sld [smem:$0x3FA1]  }
0x29: {  	s4 =	sld [smem:$0x3FA3]  }
0x2a: {  	p0 =	seq.s32 s5, $0x0;
	s5 =	sld [smem:$0x3FA4]  }
0x2b: {  	s6 =	sld [smem:$0x3FA5]  }
0x2c: {  	s7 =	sld [smem:$0x3FA6]  }
0x2d: {  	s3 =	simm.s32 $0x108;
	s8 =	sld [smem:$0x3FA7]  }
0x2e: {  	s3 =	simm.s32 @!p0 $0x1082;
	s9 =	sld [smem:$0x3FA8]  }
0x2f: {  	lr =	sadd.s32 s0, s3;
	s0 =	sld [smem:$0x3F9F]  }
0x30: {  	s3 =	sld [smem:$0x3FA2]  }
0x31: {  	[smem:$0x3FAB] =	sst s10  }
0x32: {  	s10 =	sld [smem:$0x3FA9];
	_ =	sdelay $0x3  }
0x33: {  	p0 =	seq.s32 s10, $0x1;
	s10 =	sld [smem:$0x3FAB];
	_ =	sdelay $0x3  }
0x34: {  	[smem:$0x3FAB] =	sst s10  }
0x35: {  	s10 =	sld [smem:$0x3FAA];
	_ =	sdelay $0x3  }
0x36: {  	p1 =	seq.s32 s10, $0x1;
	s10 =	sld [smem:$0x3FAB];
	_ =	sdelay $0x3  }
0x37: {  	[smem:$0x3FAB] =	sst s10  }
0x38: {  	s10 =	sld [smem:$0x3FAC]  }
0x39: {  	_ = 	snop;
	(pc) =	sbr.ind lr, $3  }
0x3a: {  	_ = 	snop  }
0x3b: {  	_ = 	snop  }
0x3c: {  	p2 =	seq.s32 s10, $0x1;
	s10 =	sld [smem:$0x3FAB]  }
0x3d: {  	_ =	shalt  }
0x3e: {  	_ =	shalt  }
0x3f: {  	_ =	shalt  }
0x40: {  	_ =	shalt  }
0x41: {  	_ =	shalt  }
0x42: {  	_ =	shalt  }
0x43: {  	_ =	shalt  }
0x44: {  	_ =	shalt  }
0x45: {  	_ =	shalt  }
0x46: {  	_ =	shalt  }
0x47: {  	_ =	shalt  }
0x48: {  	_ =	shalt  }
0x49: {  	_ =	shalt  }
0x4a: {  	_ =	shalt  }
0x4b: {  	_ =	shalt  }
0x4c: {  	_ =	shalt  }
0x4d: {  	_ =	shalt  }
0x4e: {  	_ =	shalt  }
0x4f: {  	_ =	shalt  }
0x50: {  	_ =	shalt  }
0x51: {  	_ =	shalt  }
0x52: {  	_ =	shalt  }
0x53: {  	_ =	shalt  }
0x54: {  	_ =	shalt  }
0x55: {  	_ =	shalt  }
0x56: {  	_ =	shalt  }
0x57: {  	_ =	shalt  }
0x58: {  	_ =	shalt  }
0x59: {  	_ =	shalt  }
0x5a: {  	_ =	shalt  }
0x5b: {  	_ =	shalt  }
0x5c: {  	_ =	shalt  }
0x5d: {  	_ =	shalt  }
0x5e: {  	_ =	shalt  }
0x5f: {  	_ =	shalt  }
0x60: {  	_ =	shalt  }
0x61: {  	_ =	shalt  }
0x62: {  	_ =	shalt  }
0x63: {  	_ =	shalt  }
0x64: {  	_ =	shalt  }
0x65: {  	_ =	shalt  }
0x66: {  	_ =	shalt  }
0x67: {  	_ =	shalt  }
0x68: {  	_ =	shalt  }
0x69: {  	_ =	shalt  }
0x6a: {  	_ =	shalt  }
0x6b: {  	_ =	shalt  }
0x6c: {  	_ =	shalt  }
0x6d: {  	_ =	shalt  }
0x6e: {  	_ =	shalt  }
0x6f: {  	_ =	shalt  }
0x70: {  	_ =	shalt  }
0x71: {  	_ =	shalt  }
0x72: {  	_ =	shalt  }
0x73: {  	_ =	shalt  }
0x74: {  	_ =	shalt  }
0x75: {  	_ =	shalt  }
0x76: {  	_ =	shalt  }
0x77: {  	_ =	shalt  }
0x78: {  	_ =	shalt  }
0x79: {  	_ =	shalt  }
0x7a: {  	_ =	shalt  }
0x7b: {  	_ =	shalt  }
0x7c: {  	_ =	shalt  }
0x7d: {  	_ =	shalt  }
0x7e: {  	_ =	shalt  }
0x7f: {  	_ =	shalt  }
0x80: {  	_ =	shalt  }
0x81: {  	_ =	shalt  }
0x82: {  	_ =	shalt  }
0x83: {  	_ =	shalt  }
0x84: {  	_ =	shalt  }
0x85: {  	_ =	shalt  }
0x86: {  	_ =	shalt  }
0x87: {  	_ =	shalt  }
.Lfunc_end0:
.L_simem_size_0:
called_computation.2_lowered:
.L_overlay_start_0:
0x88: {  	s2 =	sld [smem:$0x3FD9]  }
0x89: {  	s3 =	sld [smem:$0x3FFE];
	_ =	sdelay $0x1  }
0x8a: {  	s1 =	srdreg.scid  }
0x8b: {  	s0 =	sand.u32 $0x1, s1  }
0x8c: {  	s16 =	sshll.u32 s0, $0xA;
	s2 =	sadd.s32 s3, s2  }
0x8d: {  	s2 =	sadd.s32 s2, s16  }
0x8e: {  	[smem:$0x3FB7] =	sst s2  }
0x8f: {  	_ = 	snop  }
0x90: {  	(tm) =	ssettm $0x1  }
0x91: {  	s17 =	sld [smem:$0x3FFB];
	_ =	sdelay $0x3  }
0x92: {  	_ =	strace s17  }
0x93: {  	s2 =	sld [smem:$0x3FFC];
	_ =	sdelay $0x3  }
0x94: {  	_ =	strace s2  }
0x95: {  	s2 =	sld [smem:$0x3FFD];
	_ =	sdelay $0x3  }
0x96: {  	_ =	strace s2  }
0x97: {  	_ =	strace $0x8FFFFFFF  }
0x98: {  	s18 =	sld [smem:$0x3FDB];
	_ =	sdelay $0x1  }
0x99: {  	s19 =	simm.s32 $_scs_section_size  }
0x9a: {  	s4 =	simm.s32 $_size__tile_overlayer_lowered;
	s5 =	simm.s32 $_tile_overlayer_lowered  }
0x9b: {  	s22 =	simm.s32 $0x1BFF;
	s21 =	sshll.u32 s5, $0x1;
	s2 =	sadd.s32 s19, s18  }
0x9c: {  	s6 =	simm.s32 $0x0;
	s20 =	sshll.u32 s4, $0x1;
	s4 =	sadd.s32 s21, s2  }
0x9d: {  	[timem:s6], [sflag:s22] =	dma.local [hbm:s4], s20  }
0x9e: {  	_ =	swait.ge [sflag:s22], s20  }
0x9f: {  	s3 =	ssub.s32 $0x0, s20;
	[sflag:s22] =	ssyncset.done $0x0  }
0xa0: {  	[sflag:s22] =	ssyncadd.s32 s3;
	_ =	sdelay $0x1  }
0xa1: {  	s23 =	simm.s32 $0x1B8B  }
0xa2: {  	_ =	swait.ge [sflag:s23], $0x1  }
0xa3: {  	[sflag:s23] =	ssyncset.done $0x0  }
0xa4: {  	s25 =	simm.s32 $0x1B8E;
	s24 =	sld [smem:$0x3FFE];
	[sflag:s23] =	ssyncadd.s32 $0xFFFFFFFF  }
0xa5: {  	s26 =	simm.s32 $execute0_lowered;
	[smem:$0x3FD2] =	sst s25  }
0xa6: {  	s4 =	sshll.u32 s26, $0x1;
	_ =	strace $0x8000004C;
	[dreg:$0x1] =	wrdreg $0xFFFFFFFF  }
0xa7: {  	s28 =	simm.s32 $_size_execute0_lowered;
	s2 =	sadd.s32 s2, s4;
	[dreg:$0x0] =	wrdreg $0x0  }
0xa8: {  	s4 =	sshll.u32 s28, $0x1;
	[dreg:$0x2] =	wrdreg s2  }
0xa9: {  	[dreg:$0x3] =	wrdreg s4  }
0xaa: {  	[dreg:$0x4] =	wrdreg $0xC0  }
0xab: {  	_ =	task [dreg:s6], $0x5FFFF  }
0xac: {  	[dreg:$0x1] =	wrdreg $0xFFFFFFFF  }
0xad: {  	[dreg:$0x0] =	wrdreg $0x60  }
0xae: {  	[dreg:$0x2] =	wrdreg s24  }
0xaf: {  	[dreg:$0x3] =	wrdreg $0x52000  }
0xb0: {  	[dreg:$0x4] =	wrdreg $0x9  }
0xb1: {  	_ =	task.clear_ibuf [dreg:s6], $0x5FFFF;
	_ =	strace $0x9000004C  }
0xb2: {  	s29 =	simm.s32 $0x9;
	_ =	strace $0x8000004E  }
0xb3: {  	_ =	swait.ge [sflag:s29], $0x1  }
0xb4: {  	[sflag:s29] =	ssyncadd.s32 $0xFFFFFFFF  }
0xb5: {  	_ =	strace $0x9000004E  }
0xb6: {  	_ =	sfence  }
0xb7: {  	s30 =	sld [smem:$0x0];
	_ =	sdelay $0x2  }
0xb8: {  	s31 =	sshll.u32 s1, $0xD;
	s1 =	sshrl.u32 s1, $0x2  }
0xb9: {  	s3 =	sand.u32 $0x4000, s31;
	s1 =	sadd.s32 s1, s30  }
0xba: {  	s0 =	sor.u32 s3, s0;
	s1 =	sshll.u32 s1, $0x11  }
0xbb: {  	s0 =	sor.u32 s1, s0  }
0xbc: {  	s0 =	sadd.s32 $0x8F2B, s0  }
0xbd: {  	[sflag:s0] =	ssyncadd.remote.s32 $0x1  }
0xbe: {  	_ =	sfence.sel $0xFFFF  }
0xbf: {  	[dreg:$0x0] =	wrdreg $0xFFFFFFFF;
	(pc) =	sbr.abs _section_cstart, $3  }
0xc0: {  	[dreg:$0x1] =	wrdreg $0xFFFFFFFF  }
0xc1: {  	_ =	task.clear_ibuf [dreg:s6], $0x2FFFF;
	_ =	strace $0x9FFFFFFF  }
0xc2: {  	(tm) =	ssettm $0x7FFFFFFF  }
0xc3: {  	_ =	shalt  }
tec
execute0_lowered:
.L_overlay_start_1:
0x0: {  	(tag) =	ssettag $0x1  }
0x1: {  	s0 =	rddreg [dreg:$0x0]  }
0x2: {  	s2 =	rddreg [dreg:$0x1];
	s11 =	stileid.u32  }
0x3: {  	s1 =	srdreg.scid;
	s6 =	smul.u32 $0x30D4, s11  }
0x4: {  	s3 =	simm.s32 $0x0;
	s1 =	sand.u32 $0x1, s1;
	s9 =	smul.u32 $0x61A80, s11  }
0x5: {  	[smem:$0x7FF] =	sst s3;
	s4 =	sadd.s32 $0xFD400, s0;
	s7 =	smul.u32 $0x30D40, s1  }
0x6: {  	s5 =	sadd.s32 $0x5A3800, s0;
	s26 =	sshll.u32 s11, $0x1;
	s10 =	ssub.s32 $0x2, s1  }
0x7: {  	s9 =	sshrl.u32 s9, $0x2;
	s28 =	sshrl.u32 s10, $0x1;
	s8 =	sadd.s32 s6, s7  }
0x8: {  	s6 =	sadd.s32 $0x1EC00, s0;
	s7 =	sadd.s32 $0x5C00, s0;
	s29 =	ssub.s32 s10, s28  }
0x9: {  	s0 =	sadd.s32 s8, s0;
	s8 =	sadd.s32 s9, s2;
	s12 =	smax.u32 s29, $0x1  }
0xa: {  	_ =	strace $0x8000004D;
	s11 =	sadd.s32 $0x18000, s8;
	[dreg:$0x5] =	wrdreg s12  }
0xb: {  	s0 =	sadd.s32 $0x12E200, s0;
	[dreg:$0x3] =	wrdreg s11  }
0xc: {  	s13 =	sadd.s32 $0x1000, s8;
	[dreg:$0x4] =	wrdreg s0  }
0xd: {  	s14 =	sadd.s32 $0x2000, s8;
	[dreg:$0x6] =	wrdreg s13  }
0xe: {  	s15 =	sadd.s32 $0x3000, s8;
	[dreg:$0x7] =	wrdreg s14  }
0xf: {  	s16 =	sadd.s32 $0x4000, s8;
	[dreg:$0x8] =	wrdreg s15  }
0x10: {  	s17 =	sadd.s32 $0x5000, s8;
	[dreg:$0x9] =	wrdreg s16  }
0x11: {  	s18 =	sadd.s32 $0x6000, s8;
	[dreg:$0xa] =	wrdreg s17  }
0x12: {  	s19 =	sadd.s32 $0x7000, s8;
	[dreg:$0xb] =	wrdreg s18  }
0x13: {  	s20 =	sadd.s32 $0x8000, s8;
	[dreg:$0xc] =	wrdreg s19  }
0x14: {  	s21 =	sadd.s32 $0x9000, s8;
	[dreg:$0xd] =	wrdreg s20  }
0x15: {  	s22 =	sadd.s32 $0xA000, s8;
	[dreg:$0xe] =	wrdreg s21  }
0x16: {  	s1 =	sor.u32 s1, s26;
	s23 =	sadd.s32 $0xB000, s8;
	[dreg:$0xf] =	wrdreg s22  }
0x17: {  	s10 =	smul.u32 $0x6400, s1;
	s24 =	sadd.s32 $0xC000, s8;
	[dreg:$0x10] =	wrdreg s23  }
0x18: {  	s25 =	sadd.s32 $0xD000, s8;
	s26 =	sadd.s32 $0xE000, s8;
	[dreg:$0x11] =	wrdreg s24  }
0x19: {  	s28 =	sadd.s32 $0xF000, s8;
	s29 =	sadd.s32 $0x10000, s8;
	[dreg:$0x12] =	wrdreg s25  }
0x1a: {  	s30 =	sadd.s32 $0x11000, s8;
	s31 =	sadd.s32 $0x12000, s8;
	[dreg:$0x13] =	wrdreg s26  }
0x1b: {  	s1 =	sadd.s32 $0x14000, s8;
	s9 =	sadd.s32 $0x15000, s8;
	[dreg:$0x14] =	wrdreg s28  }
0x1c: {  	s12 =	sadd.s32 $0x17000, s8;
	[dreg:$0x15] =	wrdreg s29;
	s0 =	sadd.s32 $0x13000, s8  }
0x1d: {  	s11 =	sadd.s32 $0x16000, s8;
	s13 =	simm.s32 $0x4200;
	s14 =	simm.s32 $0x2  }
0x1e: {  	s15 =	simm.s32 $0x100;
	s16 =	simm.s32 $0x80;
	s17 =	simm.s32 $0x200  }
0x1f: {  	s18 =	simm.s32 $0x1200;
	s19 =	simm.s32 $0x20;
	s20 =	simm.s32 $0x2200  }
0x20: {  	v0 =	vimm.f32 $0.0e+00;
	s21 =	simm.s32 $0x1;
	s22 =	simm.s32 $0x180;
	s23 =	simm.s32 $0x0  }
.LBB2_1:
0x21: {  	s24 =	simm.s32 $0x4280  }
0x22: {  	[tilespmem:s24+$0xFFFFFF80] =	vst v0  }
0x23: {  	[tilespmem:s24+$0x70] =	vst v0  }
0x24: {  	[tilespmem:s24+$0x60] =	vst v0  }
0x25: {  	[tilespmem:s24+$0x50] =	vst v0  }
0x26: {  	[tilespmem:s24+$0x40] =	vst v0  }
0x27: {  	[tilespmem:s24+$0x30] =	vst v0  }
0x28: {  	[tilespmem:s24+$0x20] =	vst v0  }
0x29: {  	[tilespmem:s24+$0x10] =	vst v0  }
0x2a: {  	[tilespmem:s24+$0x0] =	vst v0  }
0x2b: {  	[tilespmem:s24+$0xFFFFFFF0] =	vst v0  }
0x2c: {  	[tilespmem:s24+$0xFFFFFFE0] =	vst v0  }
0x2d: {  	[tilespmem:s24+$0xFFFFFFD0] =	vst v0  }
0x2e: {  	[tilespmem:s24+$0xFFFFFFC0] =	vst v0  }
0x2f: {  	[tilespmem:s24+$0xFFFFFFB0] =	vst v0  }
0x30: {  	s25 =	simm.s32 $0x0;
	[tilespmem:s24+$0xFFFFFFA0] =	vst v0  }
.LBB2_2:
0x31: {  	s25 =	sadd.s32 $0x8, s25;
	[tilespmem:s24+$0xFFFFFF90] =	vst v0;
	s24 =	sadd.s32 $0x100, s24  }
0x32: {  	[tilespmem:s24+$0xFFFFFF80] =	vst v0;
	p0 =	slt.u32 s25, $0x78  }
0x33: {  	[tilespmem:s24+$0x70] =	vst v0  }
0x34: {  	[tilespmem:s24+$0x60] =	vst v0  }
0x35: {  	[tilespmem:s24+$0x50] =	vst v0  }
0x36: {  	[tilespmem:s24+$0x40] =	vst v0  }
0x37: {  	[tilespmem:s24+$0x30] =	vst v0  }
0x38: {  	[tilespmem:s24+$0x20] =	vst v0  }
0x39: {  	[tilespmem:s24+$0x10] =	vst v0  }
0x3a: {  	[tilespmem:s24+$0x0] =	vst v0  }
0x3b: {  	[tilespmem:s24+$0xFFFFFFF0] =	vst v0  }
.Ltmp0:
0x3c: {  	[tilespmem:s24+$0xFFFFFFE0] =	vst v0;
	(pc) =	sbr.rel @p0 .LBB2_2-.Ltmp0, $4  }
0x3d: {  	[tilespmem:s24+$0xFFFFFFD0] =	vst v0  }
0x3e: {  	[tilespmem:s24+$0xFFFFFFC0] =	vst v0  }
0x3f: {  	[tilespmem:s24+$0xFFFFFFB0] =	vst v0  }
0x40: {  	[tilespmem:s24+$0xFFFFFFA0] =	vst v0  }
0x41: {  	[tilespmem:s24+$0xFFFFFF90] =	vst v0  }
0x42: {  	[spmem:s8] =	stream.linear.scatter [tilespmem:s13], [sflag:$0x2], $0x1000, $0x38;
	[tilespmem:$0x1D8A0] =	vst v63  }
0x43: {  	_ =	swait.ge [sflag:s14], $0x1000  }
0x44: {  	[sflag:s14] =	ssyncset.done $0x0  }
0x45: {  	s29 =	rddreg [dreg:$0x6];
	[sflag:s14] =	ssyncadd.s32 $0xFFFFF000  }
0x46: {  	[spmem:s29] =	stream.linear.scatter [tilespmem:s13], [sflag:$0x2], $0x1000, $0x38;
	[tilespmem:$0x1D8A0] =	vst v63  }
0x47: {  	_ =	swait.ge [sflag:s14], $0x1000  }
0x48: {  	[sflag:s14] =	ssyncset.done $0x0  }
0x49: {  	s25 =	rddreg [dreg:$0x7];
	[sflag:s14] =	ssyncadd.s32 $0xFFFFF000  }
0x4a: {  	[spmem:s25] =	stream.linear.scatter [tilespmem:s13], [sflag:$0x2], $0x1000, $0x38;
	[tilespmem:$0x1D8A0] =	vst v63  }
0x4b: {  	_ =	swait.ge [sflag:s14], $0x1000  }
0x4c: {  	[sflag:s14] =	ssyncset.done $0x0  }
0x4d: {  	s26 =	rddreg [dreg:$0x8];
	[sflag:s14] =	ssyncadd.s32 $0xFFFFF000  }
0x4e: {  	[spmem:s26] =	stream.linear.scatter [tilespmem:s13], [sflag:$0x2], $0x1000, $0x38;
	[tilespmem:$0x1D8A0] =	vst v63  }
0x4f: {  	_ =	swait.ge [sflag:s14], $0x1000  }
0x50: {  	[sflag:s14] =	ssyncset.done $0x0  }
0x51: {  	s28 =	rddreg [dreg:$0x9];
	[sflag:s14] =	ssyncadd.s32 $0xFFFFF000  }
0x52: {  	[spmem:s28] =	stream.linear.scatter [tilespmem:s13], [sflag:$0x2], $0x1000, $0x38;
	[tilespmem:$0x1D8A0] =	vst v63  }
0x53: {  	_ =	swait.ge [sflag:s14], $0x1000  }
0x54: {  	[sflag:s14] =	ssyncset.done $0x0  }
0x55: {  	s29 =	rddreg [dreg:$0xa];
	[sflag:s14] =	ssyncadd.s32 $0xFFFFF000  }
0x56: {  	[spmem:s29] =	stream.linear.scatter [tilespmem:s13], [sflag:$0x2], $0x1000, $0x38;
	[tilespmem:$0x1D8A0] =	vst v63  }
0x57: {  	_ =	swait.ge [sflag:s14], $0x1000  }
0x58: {  	[sflag:s14] =	ssyncset.done $0x0  }
0x59: {  	s25 =	rddreg [dreg:$0xb];
	[sflag:s14] =	ssyncadd.s32 $0xFFFFF000  }
0x5a: {  	[spmem:s25] =	stream.linear.scatter [tilespmem:s13], [sflag:$0x2], $0x1000, $0x38;
	[tilespmem:$0x1D8A0] =	vst v63  }
0x5b: {  	_ =	swait.ge [sflag:s14], $0x1000  }
0x5c: {  	[sflag:s14] =	ssyncset.done $0x0  }
0x5d: {  	s26 =	rddreg [dreg:$0xc];
	[sflag:s14] =	ssyncadd.s32 $0xFFFFF000  }
0x5e: {  	[spmem:s26] =	stream.linear.scatter [tilespmem:s13], [sflag:$0x2], $0x1000, $0x38;
	[tilespmem:$0x1D8A0] =	vst v63  }
0x5f: {  	_ =	swait.ge [sflag:s14], $0x1000  }
0x60: {  	[sflag:s14] =	ssyncset.done $0x0  }
0x61: {  	s28 =	rddreg [dreg:$0xd];
	[sflag:s14] =	ssyncadd.s32 $0xFFFFF000  }
0x62: {  	[spmem:s28] =	stream.linear.scatter [tilespmem:s13], [sflag:$0x2], $0x1000, $0x38;
	[tilespmem:$0x1D8A0] =	vst v63  }
0x63: {  	_ =	swait.ge [sflag:s14], $0x1000  }
0x64: {  	[sflag:s14] =	ssyncset.done $0x0  }
0x65: {  	s29 =	rddreg [dreg:$0xe];
	[sflag:s14] =	ssyncadd.s32 $0xFFFFF000  }
0x66: {  	[spmem:s29] =	stream.linear.scatter [tilespmem:s13], [sflag:$0x2], $0x1000, $0x38;
	[tilespmem:$0x1D8A0] =	vst v63  }
0x67: {  	_ =	swait.ge [sflag:s14], $0x1000  }
0x68: {  	[sflag:s14] =	ssyncset.done $0x0  }
0x69: {  	s25 =	rddreg [dreg:$0xf];
	[sflag:s14] =	ssyncadd.s32 $0xFFFFF000  }
0x6a: {  	[spmem:s25] =	stream.linear.scatter [tilespmem:s13], [sflag:$0x2], $0x1000, $0x38;
	[tilespmem:$0x1D8A0] =	vst v63  }
0x6b: {  	_ =	swait.ge [sflag:s14], $0x1000  }
0x6c: {  	[sflag:s14] =	ssyncset.done $0x0  }
0x6d: {  	s26 =	rddreg [dreg:$0x10];
	[sflag:s14] =	ssyncadd.s32 $0xFFFFF000  }
0x6e: {  	[spmem:s26] =	stream.linear.scatter [tilespmem:s13], [sflag:$0x2], $0x1000, $0x38;
	[tilespmem:$0x1D8A0] =	vst v63  }
0x6f: {  	_ =	swait.ge [sflag:s14], $0x1000  }
0x70: {  	[sflag:s14] =	ssyncset.done $0x0  }
0x71: {  	s28 =	rddreg [dreg:$0x11];
	[sflag:s14] =	ssyncadd.s32 $0xFFFFF000  }
0x72: {  	[spmem:s28] =	stream.linear.scatter [tilespmem:s13], [sflag:$0x2], $0x1000, $0x38;
	[tilespmem:$0x1D8A0] =	vst v63  }
0x73: {  	_ =	swait.ge [sflag:s14], $0x1000  }
0x74: {  	[sflag:s14] =	ssyncset.done $0x0  }
0x75: {  	s29 =	rddreg [dreg:$0x12];
	[sflag:s14] =	ssyncadd.s32 $0xFFFFF000  }
0x76: {  	[spmem:s29] =	stream.linear.scatter [tilespmem:s13], [sflag:$0x2], $0x1000, $0x38;
	[tilespmem:$0x1D8A0] =	vst v63  }
0x77: {  	_ =	swait.ge [sflag:s14], $0x1000  }
0x78: {  	[sflag:s14] =	ssyncset.done $0x0  }
0x79: {  	s25 =	rddreg [dreg:$0x13];
	[sflag:s14] =	ssyncadd.s32 $0xFFFFF000  }
0x7a: {  	[spmem:s25] =	stream.linear.scatter [tilespmem:s13], [sflag:$0x2], $0x1000, $0x38;
	[tilespmem:$0x1D8A0] =	vst v63  }
0x7b: {  	_ =	swait.ge [sflag:s14], $0x1000  }
0x7c: {  	[sflag:s14] =	ssyncset.done $0x0  }
0x7d: {  	s26 =	rddreg [dreg:$0x14];
	[sflag:s14] =	ssyncadd.s32 $0xFFFFF000  }
0x7e: {  	[spmem:s26] =	stream.linear.scatter [tilespmem:s13], [sflag:$0x2], $0x1000, $0x38;
	[tilespmem:$0x1D8A0] =	vst v63  }
0x7f: {  	_ =	swait.ge [sflag:s14], $0x1000  }
0x80: {  	[sflag:s14] =	ssyncset.done $0x0  }
0x81: {  	s28 =	rddreg [dreg:$0x15];
	[sflag:s14] =	ssyncadd.s32 $0xFFFFF000  }
0x82: {  	[spmem:s28] =	stream.linear.scatter [tilespmem:s13], [sflag:$0x2], $0x1000, $0x38;
	[tilespmem:$0x1D8A0] =	vst v63  }
0x83: {  	_ =	swait.ge [sflag:s14], $0x1000  }
0x84: {  	[sflag:s14] =	ssyncset.done $0x0  }
0x85: {  	[sflag:s14] =	ssyncadd.s32 $0xFFFFF000  }
0x86: {  	[spmem:s30] =	stream.linear.scatter [tilespmem:s13], [sflag:$0x2], $0x1000, $0x38;
	[tilespmem:$0x1D8A0] =	vst v63  }
0x87: {  	_ =	swait.ge [sflag:s14], $0x1000  }
0x88: {  	[sflag:s14] =	ssyncset.done $0x0  }
0x89: {  	[sflag:s14] =	ssyncadd.s32 $0xFFFFF000  }
0x8a: {  	[spmem:s31] =	stream.linear.scatter [tilespmem:s13], [sflag:$0x2], $0x1000, $0x38;
	[tilespmem:$0x1D8A0] =	vst v63  }
0x8b: {  	_ =	swait.ge [sflag:s14], $0x1000  }
0x8c: {  	[sflag:s14] =	ssyncset.done $0x0  }
0x8d: {  	[sflag:s14] =	ssyncadd.s32 $0xFFFFF000  }
0x8e: {  	[spmem:s0] =	stream.linear.scatter [tilespmem:s13], [sflag:$0x2], $0x1000, $0x38;
	[tilespmem:$0x1D8A0] =	vst v63  }
0x8f: {  	_ =	swait.ge [sflag:s14], $0x1000  }
0x90: {  	[sflag:s14] =	ssyncset.done $0x0  }
0x91: {  	[sflag:s14] =	ssyncadd.s32 $0xFFFFF000  }
0x92: {  	[spmem:s1] =	stream.linear.scatter [tilespmem:s13], [sflag:$0x2], $0x1000, $0x38;
	[tilespmem:$0x1D8A0] =	vst v63  }
0x93: {  	_ =	swait.ge [sflag:s14], $0x1000  }
0x94: {  	[sflag:s14] =	ssyncset.done $0x0  }
0x95: {  	[sflag:s14] =	ssyncadd.s32 $0xFFFFF000  }
0x96: {  	[spmem:s9] =	stream.linear.scatter [tilespmem:s13], [sflag:$0x2], $0x1000, $0x38;
	[tilespmem:$0x1D8A0] =	vst v63  }
0x97: {  	_ =	swait.ge [sflag:s14], $0x1000  }
0x98: {  	[sflag:s14] =	ssyncset.done $0x0  }
0x99: {  	[sflag:s14] =	ssyncadd.s32 $0xFFFFF000  }
0x9a: {  	[spmem:s11] =	stream.linear.scatter [tilespmem:s13], [sflag:$0x2], $0x1000, $0x38;
	[tilespmem:$0x1D8A0] =	vst v63  }
0x9b: {  	_ =	swait.ge [sflag:s14], $0x1000  }
0x9c: {  	[sflag:s14] =	ssyncset.done $0x0  }
0x9d: {  	[sflag:s14] =	ssyncadd.s32 $0xFFFFF000  }
0x9e: {  	[spmem:s12] =	stream.linear.scatter [tilespmem:s13], [sflag:$0x2], $0x1000, $0x38;
	[tilespmem:$0x1D8A0] =	vst v63  }
0x9f: {  	_ =	swait.ge [sflag:s14], $0x1000  }
0xa0: {  	[sflag:s14] =	ssyncset.done $0x0  }
0xa1: {  	s29 =	rddreg [dreg:$0x3];
	[sflag:s14] =	ssyncadd.s32 $0xFFFFF000  }
0xa2: {  	[spmem:s29] =	stream.linear.scatter [tilespmem:s13], [sflag:$0x2], $0x6A0, $0x38;
	[tilespmem:$0x1D8A0] =	vst v63  }
0xa3: {  	_ =	swait.ge [sflag:s14], $0x6A0  }
0xa4: {  	[sflag:s14] =	ssyncset.done $0x0  }
0xa5: {  	[sflag:s14] =	ssyncadd.s32 $0xFFFFF960  }
0xa6: {  	s24 =	simm.s32 $0x0;
	[bflag:$0x0] =	sbarrier.arrive $0xFFFF  }
.LBB2_4:
0xa7: {  	s25 =	sshll.u32 s24, $0x8  }
0xa8: {  	s25 =	sadd.s32 s10, s25  }
0xa9: {  	s26 =	sshrl.u32 s25, $0x3  }
0xaa: {  	s28 =	sadd.s32 s6, s26  }
0xab: {  	[tilespmem:s3], [sflag:$0x2] =	stream.linear.gather [hbm4b:s28+s3], $0x100, $0x38;
	[tilespmem:$0x1D8A0] =	vst v63  }
0xac: {  	_ =	swait.ge [sflag:s14], $0x100  }
0xad: {  	[sflag:s14] =	ssyncset.done $0x0  }
0xae: {  	s26 =	sadd.s32 s7, s26;
	s28 =	sshll.u32 s25, $0x7;
	[sflag:s14] =	ssyncadd.s32 $0xFFFFFF00  }
0xaf: {  	[tilespmem:s15], [sflag:$0x2] =	stream.linear.gather [hbm4b:s26+s3], $0x100, $0x38;
	[tilespmem:$0x1D8A0] =	vst v63  }
0xb0: {  	s28 =	sand.u32 $0x18000, s28;
	s26 =	sshll.u32 s25, $0x5  }
0xb1: {  	s25 =	sshrl.u32 s25, $0x5;
	_ =	swait.ge [sflag:s14], $0x100;
	s26 =	sand.u32 $0x7FFE0000, s26  }
0xb2: {  	s25 =	sand.u32 $0x60, s25;
	[sflag:s14] =	ssyncset.done $0x0;
	s26 =	sor.u32 s28, s26  }
0xb3: {  	[sflag:s14] =	ssyncadd.s32 $0xFFFFFF00;
	s25 =	sor.u32 s25, s26  }
0xb4: {  	[tilespmem:s17], [sflag:$0x1] =	stream.indirect.gather [hbm4b:s4+s16], $0x20, s3, s16, $0xb8;
	[tilespmem:$0x1D8A0] =	vst v63  }
0xb5: {  	s25 =	sadd.s32 $0x1900000, s25  }
0xb6: {  	s25 =	sshrl.u32 s25, $0x3  }
0xb7: {  	[tilespmem:s18], [sflag:$0x1] =	stream.indirect.gather [hbm4b:s4+s16], $0x20, s16, s16, $0xb8;
	[tilespmem:$0x1D8A0] =	vst v63  }
0xb8: {  	s25 =	sadd.s32 s5, s25  }
0xb9: {  	[tilespmem:s20], [sflag:$0x2] =	stream.strided.gather [hbm4b:s25+s19], $0x2000, s16, s19, $0x38;
	[tilespmem:$0x1D8A0] =	vst v63  }
0xba: {  	_ =	swait.ge [sflag:s14], $0x2000  }
0xbb: {  	[sflag:s14] =	ssyncset.done $0x0  }
0xbc: {  	[sflag:s14] =	ssyncadd.s32 $0xFFFFE000  }
0xbd: {  	_ =	swait.ge [sflag:s21], $0x1000  }
0xbe: {  	[sflag:s21] =	ssyncset.done $0x0  }
0xbf: {  	[sflag:s21] =	ssyncadd.s32 $0xFFFFF000  }
0xc0: {  	_ =	swait.ge [sflag:s21], $0x1000  }
0xc1: {  	[sflag:s21] =	ssyncset.done $0x0  }
0xc2: {  	s25 =	simm.s32 $0x280;
	[sflag:s21] =	ssyncadd.s32 $0xFFFFF000  }
0xc3: {  	s26 =	simm.s32 $0x2280;
	v1 =	vld [tilespmem:s25+$0xFFFFFF80]  }
0xc4: {  	v2 =	vld [tilespmem:s26+$0xFFFFFF80];
	_ =	sdelay $0x4  }
0xc5: {  	v1 =	vmul.f32 v2, v1;
	_ =	sdelay $0x1  }
0xc6: {  	[tilespmem:s25+$0xFFFFFF80] =	vst v1;
	v1 =	vld [tilespmem:s25+$0xFFFFFF90]  }
0xc7: {  	v2 =	vld [tilespmem:s26+$0xFFFFFF90];
	_ =	sdelay $0x4  }
0xc8: {  	v1 =	vmul.f32 v2, v1;
	_ =	sdelay $0x1  }
0xc9: {  	[tilespmem:s25+$0xFFFFFF90] =	vst v1;
	v1 =	vld [tilespmem:s25+$0xFFFFFFA0]  }
0xca: {  	v2 =	vld [tilespmem:s26+$0xFFFFFFA0];
	_ =	sdelay $0x4  }
0xcb: {  	v1 =	vmul.f32 v2, v1;
	_ =	sdelay $0x1  }
0xcc: {  	[tilespmem:s25+$0xFFFFFFA0] =	vst v1;
	v1 =	vld [tilespmem:s25+$0xFFFFFFB0]  }
0xcd: {  	v2 =	vld [tilespmem:s26+$0xFFFFFFB0];
	_ =	sdelay $0x4  }
0xce: {  	v1 =	vmul.f32 v2, v1;
	_ =	sdelay $0x1  }
0xcf: {  	[tilespmem:s25+$0xFFFFFFB0] =	vst v1;
	v1 =	vld [tilespmem:s25+$0xFFFFFFC0]  }
0xd0: {  	v2 =	vld [tilespmem:s26+$0xFFFFFFC0];
	_ =	sdelay $0x4  }
0xd1: {  	v1 =	vmul.f32 v2, v1;
	_ =	sdelay $0x1  }
0xd2: {  	[tilespmem:s25+$0xFFFFFFC0] =	vst v1;
	v1 =	vld [tilespmem:s25+$0xFFFFFFD0]  }
0xd3: {  	v2 =	vld [tilespmem:s26+$0xFFFFFFD0];
	_ =	sdelay $0x4  }
0xd4: {  	v1 =	vmul.f32 v2, v1;
	_ =	sdelay $0x1  }
0xd5: {  	[tilespmem:s25+$0xFFFFFFD0] =	vst v1;
	v1 =	vld [tilespmem:s25+$0xFFFFFFE0]  }
0xd6: {  	v2 =	vld [tilespmem:s26+$0xFFFFFFE0];
	_ =	sdelay $0x4  }
0xd7: {  	v1 =	vmul.f32 v2, v1;
	_ =	sdelay $0x1  }
0xd8: {  	[tilespmem:s25+$0xFFFFFFE0] =	vst v1;
	v1 =	vld [tilespmem:s25+$0xFFFFFFF0]  }
0xd9: {  	v2 =	vld [tilespmem:s26+$0xFFFFFFF0];
	_ =	sdelay $0x4  }
0xda: {  	v1 =	vmul.f32 v2, v1;
	_ =	sdelay $0x1  }
0xdb: {  	[tilespmem:s25+$0xFFFFFFF0] =	vst v1;
	v1 =	vld [tilespmem:s25+$0x0]  }
0xdc: {  	v2 =	vld [tilespmem:s26+$0x0];
	_ =	sdelay $0x4  }
0xdd: {  	v1 =	vmul.f32 v2, v1;
	_ =	sdelay $0x1  }
0xde: {  	[tilespmem:s25+$0x0] =	vst v1;
	v1 =	vld [tilespmem:s25+$0x10]  }
0xdf: {  	v2 =	vld [tilespmem:s26+$0x10];
	_ =	sdelay $0x4  }
0xe0: {  	v1 =	vmul.f32 v2, v1;
	_ =	sdelay $0x1  }
0xe1: {  	[tilespmem:s25+$0x10] =	vst v1;
	v1 =	vld [tilespmem:s25+$0x20]  }
0xe2: {  	v2 =	vld [tilespmem:s26+$0x20];
	_ =	sdelay $0x4  }
0xe3: {  	v1 =	vmul.f32 v2, v1;
	_ =	sdelay $0x1  }
0xe4: {  	[tilespmem:s25+$0x20] =	vst v1;
	v1 =	vld [tilespmem:s25+$0x30]  }
0xe5: {  	v2 =	vld [tilespmem:s26+$0x30];
	_ =	sdelay $0x4  }
0xe6: {  	v1 =	vmul.f32 v2, v1;
	_ =	sdelay $0x1  }
0xe7: {  	[tilespmem:s25+$0x30] =	vst v1;
	v1 =	vld [tilespmem:s25+$0x40]  }
0xe8: {  	v2 =	vld [tilespmem:s26+$0x40];
	_ =	sdelay $0x4  }
0xe9: {  	v1 =	vmul.f32 v2, v1;
	_ =	sdelay $0x1  }
0xea: {  	[tilespmem:s25+$0x40] =	vst v1;
	v1 =	vld [tilespmem:s25+$0x50]  }
0xeb: {  	v2 =	vld [tilespmem:s26+$0x50];
	_ =	sdelay $0x4  }
0xec: {  	v1 =	vmul.f32 v2, v1;
	_ =	sdelay $0x1  }
0xed: {  	[tilespmem:s25+$0x50] =	vst v1;
	v1 =	vld [tilespmem:s25+$0x60]  }
0xee: {  	v2 =	vld [tilespmem:s26+$0x60];
	_ =	sdelay $0x4  }
0xef: {  	v1 =	vmul.f32 v2, v1;
	_ =	sdelay $0x1  }
0xf0: {  	[tilespmem:s25+$0x60] =	vst v1;
	v1 =	vld [tilespmem:s25+$0x70]  }
0xf1: {  	v2 =	vld [tilespmem:s26+$0x70];
	_ =	sdelay $0x4  }
0xf2: {  	v1 =	vmul.f32 v2, v1  }
0xf3: {  	s29 =	simm.s32 $0x380;
	s28 =	simm.s32 $0x0  }
.LBB2_5:
0xf4: {  	v2 =	vld [tilespmem:s29+$0xFFFFFF80];
	[tilespmem:s25+$0x70] =	vst v1;
	s26 =	sadd.s32 $0x100, s26;
	s25 =	smov.u32 s29  }
0xf5: {  	s28 =	sadd.s32 $0x8, s28;
	v1 =	vld [tilespmem:s26+$0xFFFFFF80]  }
0xf6: {  	p0 =	slt.u32 s28, $0xF8;
	_ =	sdelay $0x3  }
0xf7: {  	v1 =	vmul.f32 v1, v2;
	_ =	sdelay $0x1  }
0xf8: {  	[tilespmem:s29+$0xFFFFFF80] =	vst v1;
	v1 =	vld [tilespmem:s29+$0xFFFFFF90]  }
0xf9: {  	v2 =	vld [tilespmem:s26+$0xFFFFFF90];
	_ =	sdelay $0x4  }
0xfa: {  	v1 =	vmul.f32 v2, v1;
	_ =	sdelay $0x1  }
0xfb: {  	[tilespmem:s29+$0xFFFFFF90] =	vst v1;
	v1 =	vld [tilespmem:s29+$0xFFFFFFA0]  }
0xfc: {  	v2 =	vld [tilespmem:s26+$0xFFFFFFA0];
	_ =	sdelay $0x4  }
0xfd: {  	v1 =	vmul.f32 v2, v1;
	_ =	sdelay $0x1  }
0xfe: {  	[tilespmem:s29+$0xFFFFFFA0] =	vst v1;
	v1 =	vld [tilespmem:s29+$0xFFFFFFB0]  }
0xff: {  	v2 =	vld [tilespmem:s26+$0xFFFFFFB0];
	_ =	sdelay $0x4  }
0x100: {  	v1 =	vmul.f32 v2, v1;
	_ =	sdelay $0x1  }
0x101: {  	[tilespmem:s29+$0xFFFFFFB0] =	vst v1;
	v1 =	vld [tilespmem:s29+$0xFFFFFFC0]  }
0x102: {  	v2 =	vld [tilespmem:s26+$0xFFFFFFC0];
	_ =	sdelay $0x4  }
0x103: {  	v1 =	vmul.f32 v2, v1;
	_ =	sdelay $0x1  }
0x104: {  	[tilespmem:s29+$0xFFFFFFC0] =	vst v1;
	v1 =	vld [tilespmem:s29+$0xFFFFFFD0]  }
0x105: {  	v2 =	vld [tilespmem:s26+$0xFFFFFFD0];
	_ =	sdelay $0x4  }
0x106: {  	v1 =	vmul.f32 v2, v1;
	_ =	sdelay $0x1  }
0x107: {  	[tilespmem:s29+$0xFFFFFFD0] =	vst v1;
	v1 =	vld [tilespmem:s29+$0xFFFFFFE0]  }
0x108: {  	v2 =	vld [tilespmem:s26+$0xFFFFFFE0];
	_ =	sdelay $0x4  }
0x109: {  	v1 =	vmul.f32 v2, v1;
	_ =	sdelay $0x1  }
0x10a: {  	[tilespmem:s29+$0xFFFFFFE0] =	vst v1;
	v1 =	vld [tilespmem:s29+$0xFFFFFFF0]  }
0x10b: {  	v2 =	vld [tilespmem:s26+$0xFFFFFFF0];
	_ =	sdelay $0x4  }
0x10c: {  	v1 =	vmul.f32 v2, v1;
	_ =	sdelay $0x1  }
0x10d: {  	[tilespmem:s29+$0xFFFFFFF0] =	vst v1;
	v1 =	vld [tilespmem:s29+$0x0]  }
0x10e: {  	v2 =	vld [tilespmem:s26+$0x0];
	_ =	sdelay $0x4  }
0x10f: {  	v1 =	vmul.f32 v2, v1;
	_ =	sdelay $0x1  }
0x110: {  	[tilespmem:s29+$0x0] =	vst v1;
	v1 =	vld [tilespmem:s29+$0x10]  }
0x111: {  	v2 =	vld [tilespmem:s26+$0x10];
	_ =	sdelay $0x4  }
0x112: {  	v1 =	vmul.f32 v2, v1;
	_ =	sdelay $0x1  }
0x113: {  	[tilespmem:s29+$0x10] =	vst v1;
	v1 =	vld [tilespmem:s29+$0x20]  }
0x114: {  	v2 =	vld [tilespmem:s26+$0x20];
	_ =	sdelay $0x4  }
0x115: {  	v1 =	vmul.f32 v2, v1;
	_ =	sdelay $0x1  }
0x116: {  	[tilespmem:s29+$0x20] =	vst v1;
	v1 =	vld [tilespmem:s29+$0x30]  }
0x117: {  	v2 =	vld [tilespmem:s26+$0x30];
	_ =	sdelay $0x4  }
0x118: {  	v1 =	vmul.f32 v2, v1;
	_ =	sdelay $0x1  }
0x119: {  	[tilespmem:s29+$0x30] =	vst v1;
	v1 =	vld [tilespmem:s29+$0x40]  }
0x11a: {  	v2 =	vld [tilespmem:s26+$0x40];
	_ =	sdelay $0x4  }
0x11b: {  	v1 =	vmul.f32 v2, v1;
	_ =	sdelay $0x1  }
0x11c: {  	[tilespmem:s29+$0x40] =	vst v1;
	v1 =	vld [tilespmem:s29+$0x50]  }
0x11d: {  	v2 =	vld [tilespmem:s26+$0x50];
	_ =	sdelay $0x4  }
0x11e: {  	v1 =	vmul.f32 v2, v1;
	_ =	sdelay $0x1  }
0x11f: {  	[tilespmem:s29+$0x50] =	vst v1;
	v1 =	vld [tilespmem:s29+$0x60]  }
0x120: {  	v2 =	vld [tilespmem:s26+$0x60];
	_ =	sdelay $0x4  }
0x121: {  	v1 =	vmul.f32 v2, v1;
	_ =	sdelay $0x1  }
0x122: {  	[tilespmem:s29+$0x60] =	vst v1;
	v1 =	vld [tilespmem:s29+$0x70]  }
0x123: {  	v2 =	vld [tilespmem:s26+$0x70];
	_ =	sdelay $0x1  }
.Ltmp1:
0x124: {  	(pc) =	sbr.rel @p0 .LBB2_5-.Ltmp1, $3  }
0x125: {  	_ =	sdelay $0x1  }
0x126: {  	v1 =	vmul.f32 v2, v1  }
0x127: {  	s29 =	sadd.s32 $0x100, s29  }
0x128: {  	[tilespmem:s25+$0x70] =	vst v1  }
0x129: {  	[spmem:s2] =	stream.indirect.scatter.add.f32 [tilespmem:s17], [sflag:$0x2], $0x20, s15, s16, $0xb8;
	[tilespmem:$0x1D8A0] =	vst v63  }
0x12a: {  	s24 =	sadd.s32 $0x1, s24;
	_ =	swait.ge [sflag:s14], $0x1000  }
0x12b: {  	p0 =	sne.s32 s24, $0x64;
	[sflag:s14] =	ssyncset.done $0x0  }
.Ltmp2:
0x12c: {  	[sflag:s14] =	ssyncadd.s32 $0xFFFFF000;
	(pc) =	sbr.rel @p0 .LBB2_4-.Ltmp2, $4  }
0x12d: {  	[spmem:s2] =	stream.indirect.scatter.add.f32 [tilespmem:s18], [sflag:$0x2], $0x20, s22, s16, $0xb8;
	[tilespmem:$0x1D8A0] =	vst v63  }
0x12e: {  	_ =	swait.ge [sflag:s14], $0x1000  }
0x12f: {  	[sflag:s14] =	ssyncset.done $0x0  }
0x130: {  	[sflag:s14] =	ssyncadd.s32 $0xFFFFF000  }
0x131: {  	s24 =	stileid.u32  }
0x132: {  	[bflag:$0x0] =	sbarrier.arrive $0xFFFF;
	s24 =	sshll.u32 s24, $0x6  }
0x133: {  	s25 =	sshrl.u32 s8, $0x3;
	s26 =	rddreg [dreg:$0x4];
	s24 =	sor.u32 $0x1C02, s24  }
0x134: {  	[hbm:s26], [sflag:s24] =	dma.local [spmem:s25], $0x30D4  }
0x135: {  	_ =	swait.ge [sflag:s14], $0x30D4  }
0x136: {  	s23 =	sadd.s32 $0x1, s23;
	s29 =	rddreg [dreg:$0x5]  }
0x137: {  	p0 =	sne.s32 s23, s29  }
.Ltmp3:
0x138: {  	_ = 	snop;
	(pc) =	sbr.rel @p0 .LBB2_1-.Ltmp3, $3  }
0x139: {  	_ =	sdelay $0x1  }
0x13a: {  	[sflag:s14] =	ssyncset.done $0x0  }
0x13b: {  	[sflag:s14] =	ssyncadd.s32 $0xFFFFCF2C  }
0x13c: {  	_ =	sfence.sel $0x180000  }
0x13d: {  	[bflag:$0x0] =	sbarrier.arrive $0xFFFF  }
0x13e: {  	_ =	strace $0x9000004D  }
0x13f: {  	s0 =	stileid.u32;
	[bflag:$0x2] =	sbarrier.arrive $0xFFFF  }
0x140: {  	p0 =	sne.s32 s0, $0x0;
	s0 =	rddreg [dreg:$0x2]  }
0x141: {  	s0 =	sadd.s32 @!p0 $0x100000, s0  }
0x142: {  	[sflag:s0] =	ssyncadd.tile.s32 @!p0 $0x1;
	_ =	shalt  }
.Lfunc_end2:
_tile_overlayer_lowered:
.L_overlay_start_2:
0x143: {  	(tag) =	ssettag $0x2  }
0x144: {  	s0 =	rddreg [dreg:$0x0];
	s2 =	stileid.u32  }
0x145: {  	s1 =	rddreg [dreg:$0x1];
	p0 =	sne.s32 s2, $0x0  }
0x146: {  	s3 =	rddreg [dreg:$0x2];
	[bflag:$0x3] =	sbarrier.arrive $0xFFFF;
	s2 =	simm.s32 @!p0 $0x1C02  }
0x147: {  	[timem:s3], [sflag:s2] =	dma.local @!p0 [hbm:s0], s1  }
0x148: {  	s0 =	simm.s32 @!p0 $0x2  }
0x149: {  	_ =	swait.ge @!p0 [sflag:s0], s1  }
0x14a: {  	s1 =	ssub.s32 @!p0 $0x0, s1;
	[sflag:s0] =	ssyncset.done @!p0 $0x0  }
0x14b: {  	[sflag:s0] =	ssyncadd.s32 @!p0 s1  }
0x14c: {  	[bflag:$0x3] =	sbarrier.arrive $0xFFFF  }
0x14d: {  	_ =	shalt  }

// kernel: kernel.21.cloned.1.call-start
scs
__scs_entry_jumppad:
0x0: {  	(pc) =	sbr.rel $0x88, $3  }
0x1: {  	(tag) =	ssettag $0x0;
	lr =	simm.s32 $0x1  }
0x2: {  	[smem:$0x3F90] =	sst lr;
	_ =	strace $0xD0000000  }
0x3: {  	_ = 	snop  }
0x4: {  	_ = 	snop  }
0x5: {  	_ = 	snop  }
0x6: {  	_ = 	snop  }
0x7: {  	_ = 	snop  }
__scs_overlays_trampoline_lowered:
0x8: {  	[smem:$0x3F9F] =	sst s0  }
0x9: {  	[smem:$0x3FA0] =	sst s1  }
0xa: {  	[smem:$0x3FA1] =	sst s2  }
0xb: {  	[smem:$0x3FA2] =	sst s3  }
0xc: {  	[smem:$0x3FA3] =	sst s4  }
0xd: {  	[smem:$0x3FA4] =	sst s5  }
0xe: {  	[smem:$0x3FA5] =	sst s6  }
0xf: {  	[smem:$0x3FA6] =	sst s7  }
0x10: {  	[smem:$0x3FA7] =	sst s8  }
0x11: {  	[smem:$0x3FA8] =	sst s9;
	s0 =	simm.s32 @!p0 $0x0  }
0x12: {  	s1 =	sld [smem:$0x3F8E];
	s0 =	simm.s32 @p0 $0x1  }
0x13: {  	[smem:$0x3FA9] =	sst s0;
	s0 =	simm.s32 @!p1 $0x0  }
0x14: {  	s2 =	sld [smem:$0x3F8D];
	s0 =	simm.s32 @p1 $0x1  }
0x15: {  	[smem:$0x3FAA] =	sst s0;
	s0 =	simm.s32 @!p2 $0x0  }
0x16: {  	s3 =	sld [smem:$0x3FDB];
	s0 =	simm.s32 @p2 $0x1  }
0x17: {  	s4 =	simm.s32 $0x1BF5;
	[smem:$0x3FAC] =	sst s0  }
0x18: {  	s0 =	sld [smem:$0x3F8F];
	_ =	swait.ge [sflag:s4], $0x0  }
0x19: {  	s7 =	sld [smem:$0x3F90]  }
0x1a: {  	s8 =	sadd.s32 $0xFFFFE003, lr  }
0x1b: {  	s9 =	sadd.s32 $0xFFFFFEF7, lr;
	s5 =	simm.s32 $0xFFFFFFFF;
	p2 =	slt.u32 s8, $0xFFFFF086  }
0x1c: {  	p1 =	slt.u32 s9, $0xF7A;
	s5 =	simm.s32 @!p2 $0x0  }
0x1d: {  	s5 =	simm.s32 @p1 $0x1;
	p0 =	seq.s32 s7, s2  }
0x1e: {  	s7 =	smul.u32 @!p0 $0xF7A, s2;
	p2 =	seq.s32 @!p0 s5, $0x0  }
0x1f: {  	s9 =	smul.u32 $0xF7A, s1;
	s8 =	simm.s32 @!p0 $0x1BF5;
	p2 =	por !p2, p0  }
0x20: {  	[sflag:s8] =	ssyncset.s32 @!p0 $0xFFFFF086;
	s6 =	sadd.s32 @!p0 s3, s7;
	s7 =	simm.s32 @!p0 $0x108  }
0x21: {  	s3 =	sadd.s32 s3, s9;
	s6 =	sadd.s32 @!p0 $0x88, s6;
	s7 =	simm.s32 @p2 $0x1082  }
0x22: {  	[simem:s7], [sflag:s8] =	dma.local @!p0 [hbm:s6], $0xF7A  }
0x23: {  	s9 =	sor.u32 $0xD0000000, s2;
	s6 =	simm.s32 $0x108;
	_ =	swait.ge @!p0 [sflag:s8], $0x0  }
0x24: {  	s3 =	sadd.s32 $0x88, s3;
	s6 =	simm.s32 @!p1 $0x1082;
	[sflag:s4] =	ssyncset.s32 $0xFFFFF086  }
0x25: {  	[simem:s6], [sflag:s4] =	dma.local [hbm:s3], $0xF7A  }
0x26: {  	[smem:$0x3F90] =	sst s1;
	(tag) =	ssettag s2;
	_ =	strace s9  }
0x27: {  	s1 =	sld [smem:$0x3FA0]  }
0x28: {  	s2 =	sld [smem:$0x3FA1]  }
0x29: {  	s4 =	sld [smem:$0x3FA3]  }
0x2a: {  	p0 =	seq.s32 s5, $0x0;
	s5 =	sld [smem:$0x3FA4]  }
0x2b: {  	s6 =	sld [smem:$0x3FA5]  }
0x2c: {  	s7 =	sld [smem:$0x3FA6]  }
0x2d: {  	s3 =	simm.s32 $0x108;
	s8 =	sld [smem:$0x3FA7]  }
0x2e: {  	s3 =	simm.s32 @!p0 $0x1082;
	s9 =	sld [smem:$0x3FA8]  }
0x2f: {  	lr =	sadd.s32 s0, s3;
	s0 =	sld [smem:$0x3F9F]  }
0x30: {  	s3 =	sld [smem:$0x3FA2]  }
0x31: {  	[smem:$0x3FAB] =	sst s10  }
0x32: {  	s10 =	sld [smem:$0x3FA9];
	_ =	sdelay $0x3  }
0x33: {  	p0 =	seq.s32 s10, $0x1;
	s10 =	sld [smem:$0x3FAB];
	_ =	sdelay $0x3  }
0x34: {  	[smem:$0x3FAB] =	sst s10  }
0x35: {  	s10 =	sld [smem:$0x3FAA];
	_ =	sdelay $0x3  }
0x36: {  	p1 =	seq.s32 s10, $0x1;
	s10 =	sld [smem:$0x3FAB];
	_ =	sdelay $0x3  }
0x37: {  	[smem:$0x3FAB] =	sst s10  }
0x38: {  	s10 =	sld [smem:$0x3FAC]  }
0x39: {  	_ = 	snop;
	(pc) =	sbr.ind lr, $3  }
0x3a: {  	_ = 	snop  }
0x3b: {  	_ = 	snop  }
0x3c: {  	p2 =	seq.s32 s10, $0x1;
	s10 =	sld [smem:$0x3FAB]  }
0x3d: {  	_ =	shalt  }
0x3e: {  	_ =	shalt  }
0x3f: {  	_ =	shalt  }
0x40: {  	_ =	shalt  }
0x41: {  	_ =	shalt  }
0x42: {  	_ =	shalt  }
0x43: {  	_ =	shalt  }
0x44: {  	_ =	shalt  }
0x45: {  	_ =	shalt  }
0x46: {  	_ =	shalt  }
0x47: {  	_ =	shalt  }
0x48: {  	_ =	shalt  }
0x49: {  	_ =	shalt  }
0x4a: {  	_ =	shalt  }
0x4b: {  	_ =	shalt  }
0x4c: {  	_ =	shalt  }
0x4d: {  	_ =	shalt  }
0x4e: {  	_ =	shalt  }
0x4f: {  	_ =	shalt  }
0x50: {  	_ =	shalt  }
0x51: {  	_ =	shalt  }
0x52: {  	_ =	shalt  }
0x53: {  	_ =	shalt  }
0x54: {  	_ =	shalt  }
0x55: {  	_ =	shalt  }
0x56: {  	_ =	shalt  }
0x57: {  	_ =	shalt  }
0x58: {  	_ =	shalt  }
0x59: {  	_ =	shalt  }
0x5a: {  	_ =	shalt  }
0x5b: {  	_ =	shalt  }
0x5c: {  	_ =	shalt  }
0x5d: {  	_ =	shalt  }
0x5e: {  	_ =	shalt  }
0x5f: {  	_ =	shalt  }
0x60: {  	_ =	shalt  }
0x61: {  	_ =	shalt  }
0x62: {  	_ =	shalt  }
0x63: {  	_ =	shalt  }
0x64: {  	_ =	shalt  }
0x65: {  	_ =	shalt  }
0x66: {  	_ =	shalt  }
0x67: {  	_ =	shalt  }
0x68: {  	_ =	shalt  }
0x69: {  	_ =	shalt  }
0x6a: {  	_ =	shalt  }
0x6b: {  	_ =	shalt  }
0x6c: {  	_ =	shalt  }
0x6d: {  	_ =	shalt  }
0x6e: {  	_ =	shalt  }
0x6f: {  	_ =	shalt  }
0x70: {  	_ =	shalt  }
0x71: {  	_ =	shalt  }
0x72: {  	_ =	shalt  }
0x73: {  	_ =	shalt  }
0x74: {  	_ =	shalt  }
0x75: {  	_ =	shalt  }
0x76: {  	_ =	shalt  }
0x77: {  	_ =	shalt  }
0x78: {  	_ =	shalt  }
0x79: {  	_ =	shalt  }
0x7a: {  	_ =	shalt  }
0x7b: {  	_ =	shalt  }
0x7c: {  	_ =	shalt  }
0x7d: {  	_ =	shalt  }
0x7e: {  	_ =	shalt  }
0x7f: {  	_ =	shalt  }
0x80: {  	_ =	shalt  }
0x81: {  	_ =	shalt  }
0x82: {  	_ =	shalt  }
0x83: {  	_ =	shalt  }
0x84: {  	_ =	shalt  }
0x85: {  	_ =	shalt  }
0x86: {  	_ =	shalt  }
0x87: {  	_ =	shalt  }
.Lfunc_end0:
.L_simem_size_0:
called_computation.3_lowered:
.L_overlay_start_0:
0x88: {  	s2 =	sld [smem:$0x3FD9]  }
0x89: {  	s3 =	sld [smem:$0x3FFE];
	_ =	sdelay $0x1  }
0x8a: {  	s1 =	srdreg.scid  }
0x8b: {  	s0 =	sand.u32 $0x1, s1  }
0x8c: {  	s16 =	sshll.u32 s0, $0xA;
	s2 =	sadd.s32 s3, s2  }
0x8d: {  	s2 =	sadd.s32 s2, s16  }
0x8e: {  	[smem:$0x3FB7] =	sst s2  }
0x8f: {  	_ = 	snop  }
0x90: {  	(tm) =	ssettm $0x1  }
0x91: {  	s17 =	sld [smem:$0x3FFB];
	_ =	sdelay $0x3  }
0x92: {  	_ =	strace s17  }
0x93: {  	s2 =	sld [smem:$0x3FFC];
	_ =	sdelay $0x3  }
0x94: {  	_ =	strace s2  }
0x95: {  	s2 =	sld [smem:$0x3FFD];
	_ =	sdelay $0x3  }
0x96: {  	_ =	strace s2  }
0x97: {  	_ =	strace $0x8FFFFFFF  }
0x98: {  	s18 =	sld [smem:$0x3FDB];
	_ =	sdelay $0x1  }
0x99: {  	s19 =	simm.s32 $_scs_section_size  }
0x9a: {  	s4 =	simm.s32 $_size__tile_overlayer_lowered;
	s5 =	simm.s32 $_tile_overlayer_lowered  }
0x9b: {  	s22 =	simm.s32 $0x1BFF;
	s21 =	sshll.u32 s5, $0x1;
	s2 =	sadd.s32 s19, s18  }
0x9c: {  	s6 =	simm.s32 $0x0;
	s20 =	sshll.u32 s4, $0x1;
	s4 =	sadd.s32 s21, s2  }
0x9d: {  	[timem:s6], [sflag:s22] =	dma.local [hbm:s4], s20  }
0x9e: {  	_ =	swait.ge [sflag:s22], s20  }
0x9f: {  	s3 =	ssub.s32 $0x0, s20;
	[sflag:s22] =	ssyncset.done $0x0  }
0xa0: {  	[sflag:s22] =	ssyncadd.s32 s3;
	_ =	sdelay $0x1  }
0xa1: {  	s23 =	simm.s32 $0x1B8B  }
0xa2: {  	_ =	swait.ge [sflag:s23], $0x1  }
0xa3: {  	[sflag:s23] =	ssyncset.done $0x0  }
0xa4: {  	s25 =	simm.s32 $0x1B8E;
	s24 =	sld [smem:$0x3FFE];
	[sflag:s23] =	ssyncadd.s32 $0xFFFFFFFF  }
0xa5: {  	s26 =	simm.s32 $execute0_lowered;
	[smem:$0x3FD2] =	sst s25  }
0xa6: {  	s4 =	sshll.u32 s26, $0x1;
	_ =	strace $0x8000004F;
	[dreg:$0x1] =	wrdreg $0xFFFFFFFF  }
0xa7: {  	s28 =	simm.s32 $_size_execute0_lowered;
	s2 =	sadd.s32 s2, s4;
	[dreg:$0x0] =	wrdreg $0x0  }
0xa8: {  	s4 =	sshll.u32 s28, $0x1;
	[dreg:$0x2] =	wrdreg s2  }
0xa9: {  	[dreg:$0x3] =	wrdreg s4  }
0xaa: {  	[dreg:$0x4] =	wrdreg $0xC0  }
0xab: {  	_ =	task [dreg:s6], $0x5FFFF  }
0xac: {  	[dreg:$0x1] =	wrdreg $0xFFFFFFFF  }
0xad: {  	[dreg:$0x0] =	wrdreg $0x60  }
0xae: {  	[dreg:$0x2] =	wrdreg s24  }
0xaf: {  	[dreg:$0x3] =	wrdreg $0x52000  }
0xb0: {  	[dreg:$0x4] =	wrdreg $0x9  }
0xb1: {  	_ =	task.clear_ibuf [dreg:s6], $0x5FFFF;
	_ =	strace $0x9000004F  }
0xb2: {  	s29 =	simm.s32 $0x9;
	_ =	strace $0x80000051  }
0xb3: {  	_ =	swait.ge [sflag:s29], $0x1  }
0xb4: {  	[sflag:s29] =	ssyncadd.s32 $0xFFFFFFFF  }
0xb5: {  	_ =	strace $0x90000051  }
0xb6: {  	_ =	sfence  }
0xb7: {  	s30 =	sld [smem:$0x0];
	_ =	sdelay $0x2  }
0xb8: {  	s31 =	sshll.u32 s1, $0xD;
	s1 =	sshrl.u32 s1, $0x2  }
0xb9: {  	s3 =	sand.u32 $0x4000, s31;
	s1 =	sadd.s32 s1, s30  }
0xba: {  	s0 =	sor.u32 s3, s0;
	s1 =	sshll.u32 s1, $0x11  }
0xbb: {  	s0 =	sor.u32 s1, s0  }
0xbc: {  	s0 =	sadd.s32 $0x8F2B, s0  }
0xbd: {  	[sflag:s0] =	ssyncadd.remote.s32 $0x1  }
0xbe: {  	_ =	sfence.sel $0xFFFF  }
0xbf: {  	[dreg:$0x0] =	wrdreg $0xFFFFFFFF;
	(pc) =	sbr.abs _section_cstart, $3  }
0xc0: {  	[dreg:$0x1] =	wrdreg $0xFFFFFFFF  }
0xc1: {  	_ =	task.clear_ibuf [dreg:s6], $0x2FFFF;
	_ =	strace $0x9FFFFFFF  }
0xc2: {  	(tm) =	ssettm $0x7FFFFFFF  }
0xc3: {  	_ =	shalt  }
tec
execute0_lowered:
.L_overlay_start_1:
0x0: {  	(tag) =	ssettag $0x1  }
0x1: {  	s0 =	rddreg [dreg:$0x0]  }
0x2: {  	s2 =	rddreg [dreg:$0x1];
	s11 =	stileid.u32  }
0x3: {  	s1 =	srdreg.scid;
	s6 =	smul.u32 $0x30D4, s11  }
0x4: {  	s3 =	simm.s32 $0x0;
	s1 =	sand.u32 $0x1, s1;
	s9 =	smul.u32 $0x61A80, s11  }
0x5: {  	[smem:$0x7FF] =	sst s3;
	s4 =	sadd.s32 $0x3D9E00, s0;
	s7 =	smul.u32 $0x30D40, s1  }
0x6: {  	s5 =	sadd.s32 $0x5A3800, s0;
	s26 =	sshll.u32 s11, $0x1;
	s10 =	ssub.s32 $0x2, s1  }
0x7: {  	s9 =	sshrl.u32 s9, $0x2;
	s28 =	sshrl.u32 s10, $0x1;
	s8 =	sadd.s32 s6, s7  }
0x8: {  	s6 =	sadd.s32 $0x1EC00, s0;
	s7 =	sadd.s32 $0x5C00, s0;
	s29 =	ssub.s32 s10, s28  }
0x9: {  	s0 =	sadd.s32 s8, s0;
	s8 =	sadd.s32 s9, s2;
	s12 =	smax.u32 s29, $0x1  }
0xa: {  	_ =	strace $0x80000050;
	s11 =	sadd.s32 $0x18000, s8;
	[dreg:$0x5] =	wrdreg s12  }
0xb: {  	s0 =	sadd.s32 $0x40AC00, s0;
	[dreg:$0x3] =	wrdreg s11  }
0xc: {  	s13 =	sadd.s32 $0x1000, s8;
	[dreg:$0x4] =	wrdreg s0  }
0xd: {  	s14 =	sadd.s32 $0x2000, s8;
	[dreg:$0x6] =	wrdreg s13  }
0xe: {  	s15 =	sadd.s32 $0x3000, s8;
	[dreg:$0x7] =	wrdreg s14  }
0xf: {  	s16 =	sadd.s32 $0x4000, s8;
	[dreg:$0x8] =	wrdreg s15  }
0x10: {  	s17 =	sadd.s32 $0x5000, s8;
	[dreg:$0x9] =	wrdreg s16  }
0x11: {  	s18 =	sadd.s32 $0x6000, s8;
	[dreg:$0xa] =	wrdreg s17  }
0x12: {  	s19 =	sadd.s32 $0x7000, s8;
	[dreg:$0xb] =	wrdreg s18  }
0x13: {  	s20 =	sadd.s32 $0x8000, s8;
	[dreg:$0xc] =	wrdreg s19  }
0x14: {  	s21 =	sadd.s32 $0x9000, s8;
	[dreg:$0xd] =	wrdreg s20  }
0x15: {  	s22 =	sadd.s32 $0xA000, s8;
	[dreg:$0xe] =	wrdreg s21  }
0x16: {  	s1 =	sor.u32 s1, s26;
	s23 =	sadd.s32 $0xB000, s8;
	[dreg:$0xf] =	wrdreg s22  }
0x17: {  	s10 =	smul.u32 $0x6400, s1;
	s24 =	sadd.s32 $0xC000, s8;
	[dreg:$0x10] =	wrdreg s23  }
0x18: {  	s25 =	sadd.s32 $0xD000, s8;
	s26 =	sadd.s32 $0xE000, s8;
	[dreg:$0x11] =	wrdreg s24  }
0x19: {  	s28 =	sadd.s32 $0xF000, s8;
	s29 =	sadd.s32 $0x10000, s8;
	[dreg:$0x12] =	wrdreg s25  }
0x1a: {  	s30 =	sadd.s32 $0x11000, s8;
	s31 =	sadd.s32 $0x12000, s8;
	[dreg:$0x13] =	wrdreg s26  }
0x1b: {  	s1 =	sadd.s32 $0x14000, s8;
	s9 =	sadd.s32 $0x15000, s8;
	[dreg:$0x14] =	wrdreg s28  }
0x1c: {  	s12 =	sadd.s32 $0x17000, s8;
	[dreg:$0x15] =	wrdreg s29;
	s0 =	sadd.s32 $0x13000, s8  }
0x1d: {  	s11 =	sadd.s32 $0x16000, s8;
	s13 =	simm.s32 $0x4200;
	s14 =	simm.s32 $0x2  }
0x1e: {  	s15 =	simm.s32 $0x100;
	s16 =	simm.s32 $0x80;
	s17 =	simm.s32 $0x200  }
0x1f: {  	s18 =	simm.s32 $0x1200;
	s19 =	simm.s32 $0x20;
	s20 =	simm.s32 $0x2200  }
0x20: {  	v0 =	vimm.f32 $0.0e+00;
	s21 =	simm.s32 $0x1;
	s22 =	simm.s32 $0x180;
	s23 =	simm.s32 $0x0  }
.LBB2_1:
0x21: {  	s24 =	simm.s32 $0x4280  }
0x22: {  	[tilespmem:s24+$0xFFFFFF80] =	vst v0  }
0x23: {  	[tilespmem:s24+$0x70] =	vst v0  }
0x24: {  	[tilespmem:s24+$0x60] =	vst v0  }
0x25: {  	[tilespmem:s24+$0x50] =	vst v0  }
0x26: {  	[tilespmem:s24+$0x40] =	vst v0  }
0x27: {  	[tilespmem:s24+$0x30] =	vst v0  }
0x28: {  	[tilespmem:s24+$0x20] =	vst v0  }
0x29: {  	[tilespmem:s24+$0x10] =	vst v0  }
0x2a: {  	[tilespmem:s24+$0x0] =	vst v0  }
0x2b: {  	[tilespmem:s24+$0xFFFFFFF0] =	vst v0  }
0x2c: {  	[tilespmem:s24+$0xFFFFFFE0] =	vst v0  }
0x2d: {  	[tilespmem:s24+$0xFFFFFFD0] =	vst v0  }
0x2e: {  	[tilespmem:s24+$0xFFFFFFC0] =	vst v0  }
0x2f: {  	[tilespmem:s24+$0xFFFFFFB0] =	vst v0  }
0x30: {  	s25 =	simm.s32 $0x0;
	[tilespmem:s24+$0xFFFFFFA0] =	vst v0  }
.LBB2_2:
0x31: {  	s25 =	sadd.s32 $0x8, s25;
	[tilespmem:s24+$0xFFFFFF90] =	vst v0;
	s24 =	sadd.s32 $0x100, s24  }
0x32: {  	[tilespmem:s24+$0xFFFFFF80] =	vst v0;
	p0 =	slt.u32 s25, $0x78  }
0x33: {  	[tilespmem:s24+$0x70] =	vst v0  }
0x34: {  	[tilespmem:s24+$0x60] =	vst v0  }
0x35: {  	[tilespmem:s24+$0x50] =	vst v0  }
0x36: {  	[tilespmem:s24+$0x40] =	vst v0  }
0x37: {  	[tilespmem:s24+$0x30] =	vst v0  }
0x38: {  	[tilespmem:s24+$0x20] =	vst v0  }
0x39: {  	[tilespmem:s24+$0x10] =	vst v0  }
0x3a: {  	[tilespmem:s24+$0x0] =	vst v0  }
0x3b: {  	[tilespmem:s24+$0xFFFFFFF0] =	vst v0  }
.Ltmp0:
0x3c: {  	[tilespmem:s24+$0xFFFFFFE0] =	vst v0;
	(pc) =	sbr.rel @p0 .LBB2_2-.Ltmp0, $4  }
0x3d: {  	[tilespmem:s24+$0xFFFFFFD0] =	vst v0  }
0x3e: {  	[tilespmem:s24+$0xFFFFFFC0] =	vst v0  }
0x3f: {  	[tilespmem:s24+$0xFFFFFFB0] =	vst v0  }
0x40: {  	[tilespmem:s24+$0xFFFFFFA0] =	vst v0  }
0x41: {  	[tilespmem:s24+$0xFFFFFF90] =	vst v0  }
0x42: {  	[spmem:s8] =	stream.linear.scatter [tilespmem:s13], [sflag:$0x2], $0x1000, $0x38;
	[tilespmem:$0x1D8A0] =	vst v63  }
0x43: {  	_ =	swait.ge [sflag:s14], $0x1000  }
0x44: {  	[sflag:s14] =	ssyncset.done $0x0  }
0x45: {  	s29 =	rddreg [dreg:$0x6];
	[sflag:s14] =	ssyncadd.s32 $0xFFFFF000  }
0x46: {  	[spmem:s29] =	stream.linear.scatter [tilespmem:s13], [sflag:$0x2], $0x1000, $0x38;
	[tilespmem:$0x1D8A0] =	vst v63  }
0x47: {  	_ =	swait.ge [sflag:s14], $0x1000  }
0x48: {  	[sflag:s14] =	ssyncset.done $0x0  }
0x49: {  	s25 =	rddreg [dreg:$0x7];
	[sflag:s14] =	ssyncadd.s32 $0xFFFFF000  }
0x4a: {  	[spmem:s25] =	stream.linear.scatter [tilespmem:s13], [sflag:$0x2], $0x1000, $0x38;
	[tilespmem:$0x1D8A0] =	vst v63  }
0x4b: {  	_ =	swait.ge [sflag:s14], $0x1000  }
0x4c: {  	[sflag:s14] =	ssyncset.done $0x0  }
0x4d: {  	s26 =	rddreg [dreg:$0x8];
	[sflag:s14] =	ssyncadd.s32 $0xFFFFF000  }
0x4e: {  	[spmem:s26] =	stream.linear.scatter [tilespmem:s13], [sflag:$0x2], $0x1000, $0x38;
	[tilespmem:$0x1D8A0] =	vst v63  }
0x4f: {  	_ =	swait.ge [sflag:s14], $0x1000  }
0x50: {  	[sflag:s14] =	ssyncset.done $0x0  }
0x51: {  	s28 =	rddreg [dreg:$0x9];
	[sflag:s14] =	ssyncadd.s32 $0xFFFFF000  }
0x52: {  	[spmem:s28] =	stream.linear.scatter [tilespmem:s13], [sflag:$0x2], $0x1000, $0x38;
	[tilespmem:$0x1D8A0] =	vst v63  }
0x53: {  	_ =	swait.ge [sflag:s14], $0x1000  }
0x54: {  	[sflag:s14] =	ssyncset.done $0x0  }
0x55: {  	s29 =	rddreg [dreg:$0xa];
	[sflag:s14] =	ssyncadd.s32 $0xFFFFF000  }
0x56: {  	[spmem:s29] =	stream.linear.scatter [tilespmem:s13], [sflag:$0x2], $0x1000, $0x38;
	[tilespmem:$0x1D8A0] =	vst v63  }
0x57: {  	_ =	swait.ge [sflag:s14], $0x1000  }
0x58: {  	[sflag:s14] =	ssyncset.done $0x0  }
0x59: {  	s25 =	rddreg [dreg:$0xb];
	[sflag:s14] =	ssyncadd.s32 $0xFFFFF000  }
0x5a: {  	[spmem:s25] =	stream.linear.scatter [tilespmem:s13], [sflag:$0x2], $0x1000, $0x38;
	[tilespmem:$0x1D8A0] =	vst v63  }
0x5b: {  	_ =	swait.ge [sflag:s14], $0x1000  }
0x5c: {  	[sflag:s14] =	ssyncset.done $0x0  }
0x5d: {  	s26 =	rddreg [dreg:$0xc];
	[sflag:s14] =	ssyncadd.s32 $0xFFFFF000  }
0x5e: {  	[spmem:s26] =	stream.linear.scatter [tilespmem:s13], [sflag:$0x2], $0x1000, $0x38;
	[tilespmem:$0x1D8A0] =	vst v63  }
0x5f: {  	_ =	swait.ge [sflag:s14], $0x1000  }
0x60: {  	[sflag:s14] =	ssyncset.done $0x0  }
0x61: {  	s28 =	rddreg [dreg:$0xd];
	[sflag:s14] =	ssyncadd.s32 $0xFFFFF000  }
0x62: {  	[spmem:s28] =	stream.linear.scatter [tilespmem:s13], [sflag:$0x2], $0x1000, $0x38;
	[tilespmem:$0x1D8A0] =	vst v63  }
0x63: {  	_ =	swait.ge [sflag:s14], $0x1000  }
0x64: {  	[sflag:s14] =	ssyncset.done $0x0  }
0x65: {  	s29 =	rddreg [dreg:$0xe];
	[sflag:s14] =	ssyncadd.s32 $0xFFFFF000  }
0x66: {  	[spmem:s29] =	stream.linear.scatter [tilespmem:s13], [sflag:$0x2], $0x1000, $0x38;
	[tilespmem:$0x1D8A0] =	vst v63  }
0x67: {  	_ =	swait.ge [sflag:s14], $0x1000  }
0x68: {  	[sflag:s14] =	ssyncset.done $0x0  }
0x69: {  	s25 =	rddreg [dreg:$0xf];
	[sflag:s14] =	ssyncadd.s32 $0xFFFFF000  }
0x6a: {  	[spmem:s25] =	stream.linear.scatter [tilespmem:s13], [sflag:$0x2], $0x1000, $0x38;
	[tilespmem:$0x1D8A0] =	vst v63  }
0x6b: {  	_ =	swait.ge [sflag:s14], $0x1000  }
0x6c: {  	[sflag:s14] =	ssyncset.done $0x0  }
0x6d: {  	s26 =	rddreg [dreg:$0x10];
	[sflag:s14] =	ssyncadd.s32 $0xFFFFF000  }
0x6e: {  	[spmem:s26] =	stream.linear.scatter [tilespmem:s13], [sflag:$0x2], $0x1000, $0x38;
	[tilespmem:$0x1D8A0] =	vst v63  }
0x6f: {  	_ =	swait.ge [sflag:s14], $0x1000  }
0x70: {  	[sflag:s14] =	ssyncset.done $0x0  }
0x71: {  	s28 =	rddreg [dreg:$0x11];
	[sflag:s14] =	ssyncadd.s32 $0xFFFFF000  }
0x72: {  	[spmem:s28] =	stream.linear.scatter [tilespmem:s13], [sflag:$0x2], $0x1000, $0x38;
	[tilespmem:$0x1D8A0] =	vst v63  }
0x73: {  	_ =	swait.ge [sflag:s14], $0x1000  }
0x74: {  	[sflag:s14] =	ssyncset.done $0x0  }
0x75: {  	s29 =	rddreg [dreg:$0x12];
	[sflag:s14] =	ssyncadd.s32 $0xFFFFF000  }
0x76: {  	[spmem:s29] =	stream.linear.scatter [tilespmem:s13], [sflag:$0x2], $0x1000, $0x38;
	[tilespmem:$0x1D8A0] =	vst v63  }
0x77: {  	_ =	swait.ge [sflag:s14], $0x1000  }
0x78: {  	[sflag:s14] =	ssyncset.done $0x0  }
0x79: {  	s25 =	rddreg [dreg:$0x13];
	[sflag:s14] =	ssyncadd.s32 $0xFFFFF000  }
0x7a: {  	[spmem:s25] =	stream.linear.scatter [tilespmem:s13], [sflag:$0x2], $0x1000, $0x38;
	[tilespmem:$0x1D8A0] =	vst v63  }
0x7b: {  	_ =	swait.ge [sflag:s14], $0x1000  }
0x7c: {  	[sflag:s14] =	ssyncset.done $0x0  }
0x7d: {  	s26 =	rddreg [dreg:$0x14];
	[sflag:s14] =	ssyncadd.s32 $0xFFFFF000  }
0x7e: {  	[spmem:s26] =	stream.linear.scatter [tilespmem:s13], [sflag:$0x2], $0x1000, $0x38;
	[tilespmem:$0x1D8A0] =	vst v63  }
0x7f: {  	_ =	swait.ge [sflag:s14], $0x1000  }
0x80: {  	[sflag:s14] =	ssyncset.done $0x0  }
0x81: {  	s28 =	rddreg [dreg:$0x15];
	[sflag:s14] =	ssyncadd.s32 $0xFFFFF000  }
0x82: {  	[spmem:s28] =	stream.linear.scatter [tilespmem:s13], [sflag:$0x2], $0x1000, $0x38;
	[tilespmem:$0x1D8A0] =	vst v63  }
0x83: {  	_ =	swait.ge [sflag:s14], $0x1000  }
0x84: {  	[sflag:s14] =	ssyncset.done $0x0  }
0x85: {  	[sflag:s14] =	ssyncadd.s32 $0xFFFFF000  }
0x86: {  	[spmem:s30] =	stream.linear.scatter [tilespmem:s13], [sflag:$0x2], $0x1000, $0x38;
	[tilespmem:$0x1D8A0] =	vst v63  }
0x87: {  	_ =	swait.ge [sflag:s14], $0x1000  }
0x88: {  	[sflag:s14] =	ssyncset.done $0x0  }
0x89: {  	[sflag:s14] =	ssyncadd.s32 $0xFFFFF000  }
0x8a: {  	[spmem:s31] =	stream.linear.scatter [tilespmem:s13], [sflag:$0x2], $0x1000, $0x38;
	[tilespmem:$0x1D8A0] =	vst v63  }
0x8b: {  	_ =	swait.ge [sflag:s14], $0x1000  }
0x8c: {  	[sflag:s14] =	ssyncset.done $0x0  }
0x8d: {  	[sflag:s14] =	ssyncadd.s32 $0xFFFFF000  }
0x8e: {  	[spmem:s0] =	stream.linear.scatter [tilespmem:s13], [sflag:$0x2], $0x1000, $0x38;
	[tilespmem:$0x1D8A0] =	vst v63  }
0x8f: {  	_ =	swait.ge [sflag:s14], $0x1000  }
0x90: {  	[sflag:s14] =	ssyncset.done $0x0  }
0x91: {  	[sflag:s14] =	ssyncadd.s32 $0xFFFFF000  }
0x92: {  	[spmem:s1] =	stream.linear.scatter [tilespmem:s13], [sflag:$0x2], $0x1000, $0x38;
	[tilespmem:$0x1D8A0] =	vst v63  }
0x93: {  	_ =	swait.ge [sflag:s14], $0x1000  }
0x94: {  	[sflag:s14] =	ssyncset.done $0x0  }
0x95: {  	[sflag:s14] =	ssyncadd.s32 $0xFFFFF000  }
0x96: {  	[spmem:s9] =	stream.linear.scatter [tilespmem:s13], [sflag:$0x2], $0x1000, $0x38;
	[tilespmem:$0x1D8A0] =	vst v63  }
0x97: {  	_ =	swait.ge [sflag:s14], $0x1000  }
0x98: {  	[sflag:s14] =	ssyncset.done $0x0  }
0x99: {  	[sflag:s14] =	ssyncadd.s32 $0xFFFFF000  }
0x9a: {  	[spmem:s11] =	stream.linear.scatter [tilespmem:s13], [sflag:$0x2], $0x1000, $0x38;
	[tilespmem:$0x1D8A0] =	vst v63  }
0x9b: {  	_ =	swait.ge [sflag:s14], $0x1000  }
0x9c: {  	[sflag:s14] =	ssyncset.done $0x0  }
0x9d: {  	[sflag:s14] =	ssyncadd.s32 $0xFFFFF000  }
0x9e: {  	[spmem:s12] =	stream.linear.scatter [tilespmem:s13], [sflag:$0x2], $0x1000, $0x38;
	[tilespmem:$0x1D8A0] =	vst v63  }
0x9f: {  	_ =	swait.ge [sflag:s14], $0x1000  }
0xa0: {  	[sflag:s14] =	ssyncset.done $0x0  }
0xa1: {  	s29 =	rddreg [dreg:$0x3];
	[sflag:s14] =	ssyncadd.s32 $0xFFFFF000  }
0xa2: {  	[spmem:s29] =	stream.linear.scatter [tilespmem:s13], [sflag:$0x2], $0x6A0, $0x38;
	[tilespmem:$0x1D8A0] =	vst v63  }
0xa3: {  	_ =	swait.ge [sflag:s14], $0x6A0  }
0xa4: {  	[sflag:s14] =	ssyncset.done $0x0  }
0xa5: {  	[sflag:s14] =	ssyncadd.s32 $0xFFFFF960  }
0xa6: {  	s24 =	simm.s32 $0x0;
	[bflag:$0x0] =	sbarrier.arrive $0xFFFF  }
.LBB2_4:
0xa7: {  	s25 =	sshll.u32 s24, $0x8  }
0xa8: {  	s25 =	sadd.s32 s10, s25  }
0xa9: {  	s26 =	sshrl.u32 s25, $0x3  }
0xaa: {  	s28 =	sadd.s32 s6, s26  }
0xab: {  	[tilespmem:s3], [sflag:$0x2] =	stream.linear.gather [hbm4b:s28+s3], $0x100, $0x38;
	[tilespmem:$0x1D8A0] =	vst v63  }
0xac: {  	_ =	swait.ge [sflag:s14], $0x100  }
0xad: {  	[sflag:s14] =	ssyncset.done $0x0  }
0xae: {  	s26 =	sadd.s32 s7, s26;
	s28 =	sshll.u32 s25, $0x7;
	[sflag:s14] =	ssyncadd.s32 $0xFFFFFF00  }
0xaf: {  	[tilespmem:s15], [sflag:$0x2] =	stream.linear.gather [hbm4b:s26+s3], $0x100, $0x38;
	[tilespmem:$0x1D8A0] =	vst v63  }
0xb0: {  	s28 =	sand.u32 $0x18000, s28;
	s26 =	sshll.u32 s25, $0x5  }
0xb1: {  	s25 =	sshrl.u32 s25, $0x5;
	_ =	swait.ge [sflag:s14], $0x100;
	s26 =	sand.u32 $0x7FFE0000, s26  }
0xb2: {  	s25 =	sand.u32 $0x60, s25;
	[sflag:s14] =	ssyncset.done $0x0;
	s26 =	sor.u32 s28, s26  }
0xb3: {  	[sflag:s14] =	ssyncadd.s32 $0xFFFFFF00;
	s25 =	sor.u32 s25, s26  }
0xb4: {  	[tilespmem:s17], [sflag:$0x1] =	stream.indirect.gather [hbm4b:s4+s16], $0x20, s3, s16, $0xb8;
	[tilespmem:$0x1D8A0] =	vst v63  }
0xb5: {  	s25 =	sadd.s32 $0x3200000, s25  }
0xb6: {  	s25 =	sshrl.u32 s25, $0x3  }
0xb7: {  	[tilespmem:s18], [sflag:$0x1] =	stream.indirect.gather [hbm4b:s4+s16], $0x20, s16, s16, $0xb8;
	[tilespmem:$0x1D8A0] =	vst v63  }
0xb8: {  	s25 =	sadd.s32 s5, s25  }
0xb9: {  	[tilespmem:s20], [sflag:$0x2] =	stream.strided.gather [hbm4b:s25+s19], $0x2000, s16, s19, $0x38;
	[tilespmem:$0x1D8A0] =	vst v63  }
0xba: {  	_ =	swait.ge [sflag:s14], $0x2000  }
0xbb: {  	[sflag:s14] =	ssyncset.done $0x0  }
0xbc: {  	[sflag:s14] =	ssyncadd.s32 $0xFFFFE000  }
0xbd: {  	_ =	swait.ge [sflag:s21], $0x1000  }
0xbe: {  	[sflag:s21] =	ssyncset.done $0x0  }
0xbf: {  	[sflag:s21] =	ssyncadd.s32 $0xFFFFF000  }
0xc0: {  	_ =	swait.ge [sflag:s21], $0x1000  }
0xc1: {  	[sflag:s21] =	ssyncset.done $0x0  }
0xc2: {  	s25 =	simm.s32 $0x280;
	[sflag:s21] =	ssyncadd.s32 $0xFFFFF000  }
0xc3: {  	s26 =	simm.s32 $0x2280;
	v1 =	vld [tilespmem:s25+$0xFFFFFF80]  }
0xc4: {  	v2 =	vld [tilespmem:s26+$0xFFFFFF80];
	_ =	sdelay $0x4  }
0xc5: {  	v1 =	vmul.f32 v2, v1;
	_ =	sdelay $0x1  }
0xc6: {  	[tilespmem:s25+$0xFFFFFF80] =	vst v1;
	v1 =	vld [tilespmem:s25+$0xFFFFFF90]  }
0xc7: {  	v2 =	vld [tilespmem:s26+$0xFFFFFF90];
	_ =	sdelay $0x4  }
0xc8: {  	v1 =	vmul.f32 v2, v1;
	_ =	sdelay $0x1  }
0xc9: {  	[tilespmem:s25+$0xFFFFFF90] =	vst v1;
	v1 =	vld [tilespmem:s25+$0xFFFFFFA0]  }
0xca: {  	v2 =	vld [tilespmem:s26+$0xFFFFFFA0];
	_ =	sdelay $0x4  }
0xcb: {  	v1 =	vmul.f32 v2, v1;
	_ =	sdelay $0x1  }
0xcc: {  	[tilespmem:s25+$0xFFFFFFA0] =	vst v1;
	v1 =	vld [tilespmem:s25+$0xFFFFFFB0]  }
0xcd: {  	v2 =	vld [tilespmem:s26+$0xFFFFFFB0];
	_ =	sdelay $0x4  }
0xce: {  	v1 =	vmul.f32 v2, v1;
	_ =	sdelay $0x1  }
0xcf: {  	[tilespmem:s25+$0xFFFFFFB0] =	vst v1;
	v1 =	vld [tilespmem:s25+$0xFFFFFFC0]  }
0xd0: {  	v2 =	vld [tilespmem:s26+$0xFFFFFFC0];
	_ =	sdelay $0x4  }
0xd1: {  	v1 =	vmul.f32 v2, v1;
	_ =	sdelay $0x1  }
0xd2: {  	[tilespmem:s25+$0xFFFFFFC0] =	vst v1;
	v1 =	vld [tilespmem:s25+$0xFFFFFFD0]  }
0xd3: {  	v2 =	vld [tilespmem:s26+$0xFFFFFFD0];
	_ =	sdelay $0x4  }
0xd4: {  	v1 =	vmul.f32 v2, v1;
	_ =	sdelay $0x1  }
0xd5: {  	[tilespmem:s25+$0xFFFFFFD0] =	vst v1;
	v1 =	vld [tilespmem:s25+$0xFFFFFFE0]  }
0xd6: {  	v2 =	vld [tilespmem:s26+$0xFFFFFFE0];
	_ =	sdelay $0x4  }
0xd7: {  	v1 =	vmul.f32 v2, v1;
	_ =	sdelay $0x1  }
0xd8: {  	[tilespmem:s25+$0xFFFFFFE0] =	vst v1;
	v1 =	vld [tilespmem:s25+$0xFFFFFFF0]  }
0xd9: {  	v2 =	vld [tilespmem:s26+$0xFFFFFFF0];
	_ =	sdelay $0x4  }
0xda: {  	v1 =	vmul.f32 v2, v1;
	_ =	sdelay $0x1  }
0xdb: {  	[tilespmem:s25+$0xFFFFFFF0] =	vst v1;
	v1 =	vld [tilespmem:s25+$0x0]  }
0xdc: {  	v2 =	vld [tilespmem:s26+$0x0];
	_ =	sdelay $0x4  }
0xdd: {  	v1 =	vmul.f32 v2, v1;
	_ =	sdelay $0x1  }
0xde: {  	[tilespmem:s25+$0x0] =	vst v1;
	v1 =	vld [tilespmem:s25+$0x10]  }
0xdf: {  	v2 =	vld [tilespmem:s26+$0x10];
	_ =	sdelay $0x4  }
0xe0: {  	v1 =	vmul.f32 v2, v1;
	_ =	sdelay $0x1  }
0xe1: {  	[tilespmem:s25+$0x10] =	vst v1;
	v1 =	vld [tilespmem:s25+$0x20]  }
0xe2: {  	v2 =	vld [tilespmem:s26+$0x20];
	_ =	sdelay $0x4  }
0xe3: {  	v1 =	vmul.f32 v2, v1;
	_ =	sdelay $0x1  }
0xe4: {  	[tilespmem:s25+$0x20] =	vst v1;
	v1 =	vld [tilespmem:s25+$0x30]  }
0xe5: {  	v2 =	vld [tilespmem:s26+$0x30];
	_ =	sdelay $0x4  }
0xe6: {  	v1 =	vmul.f32 v2, v1;
	_ =	sdelay $0x1  }
0xe7: {  	[tilespmem:s25+$0x30] =	vst v1;
	v1 =	vld [tilespmem:s25+$0x40]  }
0xe8: {  	v2 =	vld [tilespmem:s26+$0x40];
	_ =	sdelay $0x4  }
0xe9: {  	v1 =	vmul.f32 v2, v1;
	_ =	sdelay $0x1  }
0xea: {  	[tilespmem:s25+$0x40] =	vst v1;
	v1 =	vld [tilespmem:s25+$0x50]  }
0xeb: {  	v2 =	vld [tilespmem:s26+$0x50];
	_ =	sdelay $0x4  }
0xec: {  	v1 =	vmul.f32 v2, v1;
	_ =	sdelay $0x1  }
0xed: {  	[tilespmem:s25+$0x50] =	vst v1;
	v1 =	vld [tilespmem:s25+$0x60]  }
0xee: {  	v2 =	vld [tilespmem:s26+$0x60];
	_ =	sdelay $0x4  }
0xef: {  	v1 =	vmul.f32 v2, v1;
	_ =	sdelay $0x1  }
0xf0: {  	[tilespmem:s25+$0x60] =	vst v1;
	v1 =	vld [tilespmem:s25+$0x70]  }
0xf1: {  	v2 =	vld [tilespmem:s26+$0x70];
	_ =	sdelay $0x4  }
0xf2: {  	v1 =	vmul.f32 v2, v1  }
0xf3: {  	s29 =	simm.s32 $0x380;
	s28 =	simm.s32 $0x0  }
.LBB2_5:
0xf4: {  	v2 =	vld [tilespmem:s29+$0xFFFFFF80];
	[tilespmem:s25+$0x70] =	vst v1;
	s26 =	sadd.s32 $0x100, s26;
	s25 =	smov.u32 s29  }
0xf5: {  	s28 =	sadd.s32 $0x8, s28;
	v1 =	vld [tilespmem:s26+$0xFFFFFF80]  }
0xf6: {  	p0 =	slt.u32 s28, $0xF8;
	_ =	sdelay $0x3  }
0xf7: {  	v1 =	vmul.f32 v1, v2;
	_ =	sdelay $0x1  }
0xf8: {  	[tilespmem:s29+$0xFFFFFF80] =	vst v1;
	v1 =	vld [tilespmem:s29+$0xFFFFFF90]  }
0xf9: {  	v2 =	vld [tilespmem:s26+$0xFFFFFF90];
	_ =	sdelay $0x4  }
0xfa: {  	v1 =	vmul.f32 v2, v1;
	_ =	sdelay $0x1  }
0xfb: {  	[tilespmem:s29+$0xFFFFFF90] =	vst v1;
	v1 =	vld [tilespmem:s29+$0xFFFFFFA0]  }
0xfc: {  	v2 =	vld [tilespmem:s26+$0xFFFFFFA0];
	_ =	sdelay $0x4  }
0xfd: {  	v1 =	vmul.f32 v2, v1;
	_ =	sdelay $0x1  }
0xfe: {  	[tilespmem:s29+$0xFFFFFFA0] =	vst v1;
	v1 =	vld [tilespmem:s29+$0xFFFFFFB0]  }
0xff: {  	v2 =	vld [tilespmem:s26+$0xFFFFFFB0];
	_ =	sdelay $0x4  }
0x100: {  	v1 =	vmul.f32 v2, v1;
	_ =	sdelay $0x1  }
0x101: {  	[tilespmem:s29+$0xFFFFFFB0] =	vst v1;
	v1 =	vld [tilespmem:s29+$0xFFFFFFC0]  }
0x102: {  	v2 =	vld [tilespmem:s26+$0xFFFFFFC0];
	_ =	sdelay $0x4  }
0x103: {  	v1 =	vmul.f32 v2, v1;
	_ =	sdelay $0x1  }
0x104: {  	[tilespmem:s29+$0xFFFFFFC0] =	vst v1;
	v1 =	vld [tilespmem:s29+$0xFFFFFFD0]  }
0x105: {  	v2 =	vld [tilespmem:s26+$0xFFFFFFD0];
	_ =	sdelay $0x4  }
0x106: {  	v1 =	vmul.f32 v2, v1;
	_ =	sdelay $0x1  }
0x107: {  	[tilespmem:s29+$0xFFFFFFD0] =	vst v1;
	v1 =	vld [tilespmem:s29+$0xFFFFFFE0]  }
0x108: {  	v2 =	vld [tilespmem:s26+$0xFFFFFFE0];
	_ =	sdelay $0x4  }
0x109: {  	v1 =	vmul.f32 v2, v1;
	_ =	sdelay $0x1  }
0x10a: {  	[tilespmem:s29+$0xFFFFFFE0] =	vst v1;
	v1 =	vld [tilespmem:s29+$0xFFFFFFF0]  }
0x10b: {  	v2 =	vld [tilespmem:s26+$0xFFFFFFF0];
	_ =	sdelay $0x4  }
0x10c: {  	v1 =	vmul.f32 v2, v1;
	_ =	sdelay $0x1  }
0x10d: {  	[tilespmem:s29+$0xFFFFFFF0] =	vst v1;
	v1 =	vld [tilespmem:s29+$0x0]  }
0x10e: {  	v2 =	vld [tilespmem:s26+$0x0];
	_ =	sdelay $0x4  }
0x10f: {  	v1 =	vmul.f32 v2, v1;
	_ =	sdelay $0x1  }
0x110: {  	[tilespmem:s29+$0x0] =	vst v1;
	v1 =	vld [tilespmem:s29+$0x10]  }
0x111: {  	v2 =	vld [tilespmem:s26+$0x10];
	_ =	sdelay $0x4  }
0x112: {  	v1 =	vmul.f32 v2, v1;
	_ =	sdelay $0x1  }
0x113: {  	[tilespmem:s29+$0x10] =	vst v1;
	v1 =	vld [tilespmem:s29+$0x20]  }
0x114: {  	v2 =	vld [tilespmem:s26+$0x20];
	_ =	sdelay $0x4  }
0x115: {  	v1 =	vmul.f32 v2, v1;
	_ =	sdelay $0x1  }
0x116: {  	[tilespmem:s29+$0x20] =	vst v1;
	v1 =	vld [tilespmem:s29+$0x30]  }
0x117: {  	v2 =	vld [tilespmem:s26+$0x30];
	_ =	sdelay $0x4  }
0x118: {  	v1 =	vmul.f32 v2, v1;
	_ =	sdelay $0x1  }
0x119: {  	[tilespmem:s29+$0x30] =	vst v1;
	v1 =	vld [tilespmem:s29+$0x40]  }
0x11a: {  	v2 =	vld [tilespmem:s26+$0x40];
	_ =	sdelay $0x4  }
0x11b: {  	v1 =	vmul.f32 v2, v1;
	_ =	sdelay $0x1  }
0x11c: {  	[tilespmem:s29+$0x40] =	vst v1;
	v1 =	vld [tilespmem:s29+$0x50]  }
0x11d: {  	v2 =	vld [tilespmem:s26+$0x50];
	_ =	sdelay $0x4  }
0x11e: {  	v1 =	vmul.f32 v2, v1;
	_ =	sdelay $0x1  }
0x11f: {  	[tilespmem:s29+$0x50] =	vst v1;
	v1 =	vld [tilespmem:s29+$0x60]  }
0x120: {  	v2 =	vld [tilespmem:s26+$0x60];
	_ =	sdelay $0x4  }
0x121: {  	v1 =	vmul.f32 v2, v1;
	_ =	sdelay $0x1  }
0x122: {  	[tilespmem:s29+$0x60] =	vst v1;
	v1 =	vld [tilespmem:s29+$0x70]  }
0x123: {  	v2 =	vld [tilespmem:s26+$0x70];
	_ =	sdelay $0x1  }
.Ltmp1:
0x124: {  	(pc) =	sbr.rel @p0 .LBB2_5-.Ltmp1, $3  }
0x125: {  	_ =	sdelay $0x1  }
0x126: {  	v1 =	vmul.f32 v2, v1  }
0x127: {  	s29 =	sadd.s32 $0x100, s29  }
0x128: {  	[tilespmem:s25+$0x70] =	vst v1  }
0x129: {  	[spmem:s2] =	stream.indirect.scatter.add.f32 [tilespmem:s17], [sflag:$0x2], $0x20, s15, s16, $0xb8;
	[tilespmem:$0x1D8A0] =	vst v63  }
0x12a: {  	s24 =	sadd.s32 $0x1, s24;
	_ =	swait.ge [sflag:s14], $0x1000  }
0x12b: {  	p0 =	sne.s32 s24, $0x64;
	[sflag:s14] =	ssyncset.done $0x0  }
.Ltmp2:
0x12c: {  	[sflag:s14] =	ssyncadd.s32 $0xFFFFF000;
	(pc) =	sbr.rel @p0 .LBB2_4-.Ltmp2, $4  }
0x12d: {  	[spmem:s2] =	stream.indirect.scatter.add.f32 [tilespmem:s18], [sflag:$0x2], $0x20, s22, s16, $0xb8;
	[tilespmem:$0x1D8A0] =	vst v63  }
0x12e: {  	_ =	swait.ge [sflag:s14], $0x1000  }
0x12f: {  	[sflag:s14] =	ssyncset.done $0x0  }
0x130: {  	[sflag:s14] =	ssyncadd.s32 $0xFFFFF000  }
0x131: {  	s24 =	stileid.u32  }
0x132: {  	[bflag:$0x0] =	sbarrier.arrive $0xFFFF;
	s24 =	sshll.u32 s24, $0x6  }
0x133: {  	s25 =	sshrl.u32 s8, $0x3;
	s26 =	rddreg [dreg:$0x4];
	s24 =	sor.u32 $0x1C02, s24  }
0x134: {  	[hbm:s26], [sflag:s24] =	dma.local [spmem:s25], $0x30D4  }
0x135: {  	_ =	swait.ge [sflag:s14], $0x30D4  }
0x136: {  	s23 =	sadd.s32 $0x1, s23;
	s29 =	rddreg [dreg:$0x5]  }
0x137: {  	p0 =	sne.s32 s23, s29  }
.Ltmp3:
0x138: {  	_ = 	snop;
	(pc) =	sbr.rel @p0 .LBB2_1-.Ltmp3, $3  }
0x139: {  	_ =	sdelay $0x1  }
0x13a: {  	[sflag:s14] =	ssyncset.done $0x0  }
0x13b: {  	[sflag:s14] =	ssyncadd.s32 $0xFFFFCF2C  }
0x13c: {  	_ =	sfence.sel $0x180000  }
0x13d: {  	[bflag:$0x0] =	sbarrier.arrive $0xFFFF  }
0x13e: {  	_ =	strace $0x90000050  }
0x13f: {  	s0 =	stileid.u32;
	[bflag:$0x2] =	sbarrier.arrive $0xFFFF  }
0x140: {  	p0 =	sne.s32 s0, $0x0;
	s0 =	rddreg [dreg:$0x2]  }
0x141: {  	s0 =	sadd.s32 @!p0 $0x100000, s0  }
0x142: {  	[sflag:s0] =	ssyncadd.tile.s32 @!p0 $0x1;
	_ =	shalt  }
.Lfunc_end2:
_tile_overlayer_lowered:
.L_overlay_start_2:
0x143: {  	(tag) =	ssettag $0x2  }
0x144: {  	s0 =	rddreg [dreg:$0x0];
	s2 =	stileid.u32  }
0x145: {  	s1 =	rddreg [dreg:$0x1];
	p0 =	sne.s32 s2, $0x0  }
0x146: {  	s3 =	rddreg [dreg:$0x2];
	[bflag:$0x3] =	sbarrier.arrive $0xFFFF;
	s2 =	simm.s32 @!p0 $0x1C02  }
0x147: {  	[timem:s3], [sflag:s2] =	dma.local @!p0 [hbm:s0], s1  }
0x148: {  	s0 =	simm.s32 @!p0 $0x2  }
0x149: {  	_ =	swait.ge @!p0 [sflag:s0], s1  }
0x14a: {  	s1 =	ssub.s32 @!p0 $0x0, s1;
	[sflag:s0] =	ssyncset.done @!p0 $0x0  }
0x14b: {  	[sflag:s0] =	ssyncadd.s32 @!p0 s1  }
0x14c: {  	[bflag:$0x3] =	sbarrier.arrive $0xFFFF  }
0x14d: {  	_ =	shalt  }

</sc_bundles>
